<compile_context>
chip_gen: v7x
topology: tpu7x:2x2x1
jax: 0.10.2.dev20260603
libtpu: 0.0.44.dev20260713+nightly
codegen_flags: <defaults>
</compile_context>

<pallas_src>
import functools

import jax
import jax.numpy as jnp
from jax import lax
from jax.experimental import pallas as pl
from jax.experimental.pallas import tpu as pltpu
from jax.experimental.pallas import tpu_sc as plsc

_INFO = plsc.get_sparse_core_info()
_NC = _INFO.num_cores
_NS = _INFO.num_subcores
_NW = _NC * _NS
_L = 16
_NWB = 16
_NWH = 2


@functools.partial(jax.jit, static_argnums=(2, 3, 4))
def _emb_lookup(words_t, table, b, h, d):
    bw = b // _NWB
    hw = h // _NWH
    nblk = bw // 128
    plane = (d // 8) * (b // 128) * 8 * 128
    dh_pitch = (b // 128) * 8 * 128
    hsz = nblk * 8 * 128
    mesh = plsc.VectorSubcoreMesh(core_axis_name="c", subcore_axis_name="s")

    @functools.partial(
        pl.kernel,
        out_type=jax.ShapeDtypeStruct((h, plane), jnp.float32),
        mesh=mesh,
        scratch_types=[
            pltpu.VMEM((2, bw), jnp.int32),
            pltpu.VMEM((2, bw, d), jnp.float32),
            pltpu.VMEM((2, 2 * hsz), jnp.float32),
            pltpu.SemaphoreType.DMA((2,)),
            pltpu.SemaphoreType.DMA((2,)),
            pltpu.SemaphoreType.DMA((2,)),
        ],
        compiler_params=pltpu.CompilerParams(
            use_tc_tiling_on_sc=False, needs_layout_passes=False),
    )
    def k(words_hbm, table_hbm, out_hbm, idx_v, rows_v, tile_v,
          sem_i, sem_g, sem_o):
        wid = lax.axis_index("s") * _NC + lax.axis_index("c")
        wh = wid // _NWB
        wb = wid - wh * _NWB
        b0 = wb * bw
        h0 = wh * hw
        blk0 = wb * nblk

        def start_idx(hh, s):
            pltpu.async_copy(
                words_hbm.at[h0 + hh, pl.ds(b0, bw)], idx_v.at[s],
                sem_i.at[s])

        def wait_idx(s):
            pltpu.make_async_copy(
                words_hbm.at[0, pl.ds(b0, bw)], idx_v.at[s],
                sem_i.at[s]).wait()

        def start_gather(s):
            pltpu.async_copy(
                table_hbm.at[idx_v.at[s]], rows_v.at[s], sem_g.at[s])

        def wait_gather(s):
            pltpu.make_async_copy(
                table_hbm.at[idx_v.at[s]], rows_v.at[s], sem_g.at[s]).wait()

        def start_out(hh, half):
            for dhp in range(2):
                pltpu.async_copy(
                    tile_v.at[half, pl.ds(dhp * hsz, hsz)],
                    out_hbm.at[h0 + hh,
                               pl.ds((half * 2 + dhp) * dh_pitch
                                     + blk0 * 8 * 128, hsz)],
                    sem_o.at[half])

        def wait_out(half):
            for dhp in range(2):
                pltpu.make_async_copy(
                    tile_v.at[half, pl.ds(dhp * hsz, hsz)],
                    out_hbm.at[0, pl.ds(dhp * dh_pitch, hsz)],
                    sem_o.at[half]).wait()

        iota = lax.iota(jnp.int32, _L)

        col_pat = {}
        woff_pat = {}
        for kk in range(_L):
            dd = (iota + kk) % _L
            woff_pat[kk] = (dd // 8) * hsz + (dd % 8) * 128 + iota
            for half in range(2):
                col_pat[half, kk] = dd + half * _L

        def transpose_half(r, half):
            def step_body(st, carry):
                row_idx = iota + st * _L
                wbase = (st // 8) * 1024 + (st - (st // 8) * 8) * _L
                for kg in range(0, _L, 8):
                    vecs = [
                        plsc.load_gather(
                            rows_v.at[r],
                            [row_idx, col_pat[half, kg + j]])
                        for j in range(8)
                    ]
                    for j in range(8):
                        plsc.store_scatter(
                            tile_v.at[half],
                            [woff_pat[kg + j] + wbase], vecs[j])
                return carry
            lax.fori_loop(0, bw // _L, step_body, 0)

        start_idx(0, 0)
        start_idx(1, 1)
        wait_idx(0)
        start_gather(0)

        def body(i, carry):
            for u in range(2):
                hh = 2 * i + u
                o = 1 - u

                @pl.when(hh + 1 < hw)
                def _():
                    wait_idx(o)
                    start_gather(o)

                wait_gather(u)

                @pl.when(hh + 2 < hw)
                def _():
                    start_idx(hh + 2, u)

                for half in range(2):
                    @pl.when(hh >= 1)
                    def _():
                        wait_out(half)

                    transpose_half(u, half)
                    start_out(hh, half)
            return carry

        lax.fori_loop(0, hw // 2, body, 0)
        wait_out(0)
        wait_out(1)

    return k(words_t, table)


def kernel(words, table):
    b, h = words.shape
    v, d = table.shape
    words_t = words.T
    out3 = _emb_lookup(words_t, table, b, h, d)
    out5 = out3.reshape(h, d // 8, b // 128, 8, 128)
    return out5.transpose(2, 4, 0, 1, 3).reshape(b, h, d)

# --- scband reference (transcript-rebuilt; emitter-appended) ---
"""Pipeline reference for scband-word-emb-24781961298230 (READ-ONLY COPY).

The authoritative reference and input builder live on the scoring server;
editing this copy changes nothing except your own understanding.
"""

import jax, jax.numpy as jnp
import numpy as np

VOCAB = 1000000
EMB_DIM = 32
BATCH = 16384
HIST = 200
PADDING_IDX = 0


def setup_inputs(seed: int = 0) -> dict:
    key = jax.random.key(seed)
    k1, k2 = jax.random.split(key)
    words = jax.random.randint(k1, (BATCH, HIST), 0, VOCAB)
    table = jax.random.normal(k2, (VOCAB, EMB_DIM), dtype=jnp.float32)
    # nn.Embedding with padding_idx=0 initializes that row to zeros
    table = table.at[PADDING_IDX].set(0.0)
    return {"words": words, "table": table}


def reference(words, table):
    # WordEmb.forward: embedding lookup of word ids
    # (the vocab.encode line in the original source is dead/broken code; the
    # effective computation is self.embs(word_ids) == table[words])
    embs = jnp.take(table, words, axis=0)
    return embs

if __name__ == "__main__":
    import jax
    _d = setup_inputs()
    print(jax.jit(kernel)(*tuple(_d.values())))

</pallas_src>

<mosaic_0001>
#map = affine_map<(d0, d1) -> (0, 0)>
module attributes {stable_mosaic.version = 14 : i64} {
  func.func @k(%arg0: i32, %arg1: i32, %arg2: memref<200x16384xi32, #tpu.memory_space<hbm>>, %arg3: memref<1000000x32xf32, #tpu.memory_space<hbm>>, %arg4: memref<200x524288xf32, #tpu.memory_space<hbm>>, %arg5: memref<2x1024xi32, #tpu.memory_space<vmem>>, %arg6: memref<2x1024x32xf32, #tpu.memory_space<vmem>>, %arg7: memref<2x16384xf32, #tpu.memory_space<vmem>>, %arg8: memref<2x!tpu.dma_semaphore, #tpu.memory_space<semaphore_mem>>, %arg9: memref<2x!tpu.dma_semaphore, #tpu.memory_space<semaphore_mem>>, %arg10: memref<2x!tpu.dma_semaphore, #tpu.memory_space<semaphore_mem>>) attributes {dimension_semantics = [#tpu.dimension_semantics<core_parallel>, #tpu.dimension_semantics<subcore_parallel>], iteration_bounds = array<i64: 2, 16>, scalar_prefetch = 0 : i64, scratch_operands = 6 : i64, tpu.core_type = #tpu.core_type<sc_vector_subcore>, window_params = [{transform_indices = #map}, {transform_indices = #map}, {transform_indices = #map}]} {
    %mul3A = arith.constant 2 : i32
    %mul3A_0 = arith.muli %arg1, %mul3A : i32
    %add3A = arith.addi %mul3A_0, %arg0 : i32
    %jit3A = arith.constant 16 : i32
    %div3A = arith.divsi %add3A, %jit3A : i32
    %sign3A = arith.constant 0 : i32
    %sign3A_1 = arith.cmpi sgt, %add3A, %sign3A : i32
    %sign3A_2 = arith.extui %sign3A_1 : i1 to i32
    %sign3A_3 = arith.constant 0 : i32
    %sign3A_4 = arith.cmpi slt, %add3A, %sign3A_3 : i32
    %sign3A_5 = arith.extui %sign3A_4 : i1 to i32
    %sign3A_6 = arith.subi %sign3A_2, %sign3A_5 : i32
    %sign3A_7 = arith.constant 0 : i32
    %sign3A_8 = arith.cmpi sgt, %jit3A, %sign3A_7 : i32
    %sign3A_9 = arith.extui %sign3A_8 : i1 to i32
    %sign3A_10 = arith.constant 0 : i32
    %sign3A_11 = arith.cmpi slt, %jit3A, %sign3A_10 : i32
    %sign3A_12 = arith.extui %sign3A_11 : i1 to i32
    %sign3A_13 = arith.subi %sign3A_9, %sign3A_12 : i32
    %ne3A = arith.cmpi ne, %sign3A_6, %sign3A_13 : i32
    %rem3A = arith.remsi %add3A, %jit3A : i32
    %ne3A_14 = arith.constant 0 : i32
    %ne3A_15 = arith.cmpi ne, %rem3A, %ne3A_14 : i32
    %and3A = arith.andi %ne3A, %ne3A_15 : i1
    %sub3A = arith.constant 1 : i32
    %sub3A_16 = arith.subi %div3A, %sub3A : i32
    %select_n3A = arith.select %and3A, %sub3A_16, %div3A : i32
    %mul3A_17 = arith.constant 16 : i32
    %mul3A_18 = arith.muli %select_n3A, %mul3A_17 : i32
    %sub3A_19 = arith.subi %add3A, %mul3A_18 : i32
    %mul3A_20 = arith.constant 1024 : i32
    %mul3A_21 = arith.muli %sub3A_19, %mul3A_20 : i32
    %mul3A_22 = arith.constant 100 : i32
    %mul3A_23 = arith.muli %select_n3A, %mul3A_22 : i32
    %mul3A_24 = arith.constant 8 : i32
    %mul3A_25 = arith.muli %sub3A_19, %mul3A_24 : i32
    %iota3A = tpu.iota {dimensions = array<i32: 0>} : vector<16xi32>
    %add3A_26 = arith.constant 0 : i32
    %add3A_27 = vector.broadcast %add3A_26 : i32 to vector<16xi32>
    %add3A_28 = arith.addi %iota3A, %add3A_27 : vector<16xi32>
    %jit3A_29 = arith.constant 16 : i32
    %eq3A = arith.constant 0 : i32
    %eq3A_30 = arith.cmpi eq, %jit3A_29, %eq3A : i32
    %jit3A_31 = arith.constant 1 : i32
    %select_n3A_32 = arith.select %eq3A_30, %jit3A_31, %jit3A_29 : i32
    %rem3A_33 = vector.broadcast %select_n3A_32 : i32 to vector<16xi32>
    %rem3A_34 = arith.remsi %add3A_28, %rem3A_33 : vector<16xi32>
    %ne3A_35 = arith.constant 0 : i32
    %ne3A_36 = vector.broadcast %ne3A_35 : i32 to vector<16xi32>
    %ne3A_37 = arith.cmpi ne, %rem3A_34, %ne3A_36 : vector<16xi32>
    %lt3A = arith.constant 0 : i32
    %lt3A_38 = vector.broadcast %lt3A : i32 to vector<16xi32>
    %lt3A_39 = arith.cmpi slt, %rem3A_34, %lt3A_38 : vector<16xi32>
    %lt3A_40 = arith.constant 0 : i32
    %lt3A_41 = arith.cmpi slt, %select_n3A_32, %lt3A_40 : i32
    %ne3A_42 = vector.broadcast %lt3A_41 : i1 to vector<16xi1>
    %ne3A_43 = vector.broadcast %ne3A_42 : vector<16xi1> to vector<16xi1>
    %ne3A_44 = arith.xori %lt3A_39, %ne3A_43 : vector<16xi1>
    %and3A_45 = arith.andi %ne3A_44, %ne3A_37 : vector<16xi1>
    %add3A_46 = vector.broadcast %select_n3A_32 : i32 to vector<16xi32>
    %add3A_47 = arith.addi %rem3A_34, %add3A_46 : vector<16xi32>
    %select_n3A_48 = arith.select %and3A_45, %add3A_47, %rem3A_34 : vector<16xi1>, vector<16xi32>
    %jit3A_49 = arith.constant 8 : i32
    %div3A_50 = vector.broadcast %jit3A_49 : i32 to vector<16xi32>
    %div3A_51 = arith.divsi %select_n3A_48, %div3A_50 : vector<16xi32>
    %sign3A_52 = arith.constant 0 : i32
    %sign3A_53 = vector.broadcast %sign3A_52 : i32 to vector<16xi32>
    %sign3A_54 = arith.cmpi sgt, %select_n3A_48, %sign3A_53 : vector<16xi32>
    %sign3A_55 = arith.extui %sign3A_54 : vector<16xi1> to vector<16xi32>
    %sign3A_56 = arith.constant 0 : i32
    %sign3A_57 = vector.broadcast %sign3A_56 : i32 to vector<16xi32>
    %sign3A_58 = arith.cmpi slt, %select_n3A_48, %sign3A_57 : vector<16xi32>
    %sign3A_59 = arith.extui %sign3A_58 : vector<16xi1> to vector<16xi32>
    %sign3A_60 = arith.subi %sign3A_55, %sign3A_59 : vector<16xi32>
    %sign3A_61 = arith.constant 0 : i32
    %sign3A_62 = arith.cmpi sgt, %jit3A_49, %sign3A_61 : i32
    %sign3A_63 = arith.extui %sign3A_62 : i1 to i32
    %sign3A_64 = arith.constant 0 : i32
    %sign3A_65 = arith.cmpi slt, %jit3A_49, %sign3A_64 : i32
    %sign3A_66 = arith.extui %sign3A_65 : i1 to i32
    %sign3A_67 = arith.subi %sign3A_63, %sign3A_66 : i32
    %ne3A_68 = vector.broadcast %sign3A_67 : i32 to vector<16xi32>
    %ne3A_69 = arith.cmpi ne, %sign3A_60, %ne3A_68 : vector<16xi32>
    %rem3A_70 = vector.broadcast %jit3A_49 : i32 to vector<16xi32>
    %rem3A_71 = arith.remsi %select_n3A_48, %rem3A_70 : vector<16xi32>
    %ne3A_72 = arith.constant 0 : i32
    %ne3A_73 = vector.broadcast %ne3A_72 : i32 to vector<16xi32>
    %ne3A_74 = arith.cmpi ne, %rem3A_71, %ne3A_73 : vector<16xi32>
    %and3A_75 = arith.andi %ne3A_69, %ne3A_74 : vector<16xi1>
    %sub3A_76 = arith.constant 1 : i32
    %sub3A_77 = vector.broadcast %sub3A_76 : i32 to vector<16xi32>
    %sub3A_78 = arith.subi %div3A_51, %sub3A_77 : vector<16xi32>
    %select_n3A_79 = arith.select %and3A_75, %sub3A_78, %div3A_51 : vector<16xi1>, vector<16xi32>
    %mul3A_80 = arith.constant 8192 : i32
    %mul3A_81 = vector.broadcast %mul3A_80 : i32 to vector<16xi32>
    %mul3A_82 = arith.muli %select_n3A_79, %mul3A_81 : vector<16xi32>
    %jit3A_83 = arith.constant 8 : i32
    %eq3A_84 = arith.constant 0 : i32
    %eq3A_85 = arith.cmpi eq, %jit3A_83, %eq3A_84 : i32
    %jit3A_86 = arith.constant 1 : i32
    %select_n3A_87 = arith.select %eq3A_85, %jit3A_86, %jit3A_83 : i32
    %rem3A_88 = vector.broadcast %select_n3A_87 : i32 to vector<16xi32>
    %rem3A_89 = arith.remsi %select_n3A_48, %rem3A_88 : vector<16xi32>
    %ne3A_90 = arith.constant 0 : i32
    %ne3A_91 = vector.broadcast %ne3A_90 : i32 to vector<16xi32>
    %ne3A_92 = arith.cmpi ne, %rem3A_89, %ne3A_91 : vector<16xi32>
    %lt3A_93 = arith.constant 0 : i32
    %lt3A_94 = vector.broadcast %lt3A_93 : i32 to vector<16xi32>
    %lt3A_95 = arith.cmpi slt, %rem3A_89, %lt3A_94 : vector<16xi32>
    %lt3A_96 = arith.constant 0 : i32
    %lt3A_97 = arith.cmpi slt, %select_n3A_87, %lt3A_96 : i32
    %ne3A_98 = vector.broadcast %lt3A_97 : i1 to vector<16xi1>
    %ne3A_99 = vector.broadcast %ne3A_98 : vector<16xi1> to vector<16xi1>
    %ne3A_100 = arith.xori %lt3A_95, %ne3A_99 : vector<16xi1>
    %and3A_101 = arith.andi %ne3A_100, %ne3A_92 : vector<16xi1>
    %add3A_102 = vector.broadcast %select_n3A_87 : i32 to vector<16xi32>
    %add3A_103 = arith.addi %rem3A_89, %add3A_102 : vector<16xi32>
    %select_n3A_104 = arith.select %and3A_101, %add3A_103, %rem3A_89 : vector<16xi1>, vector<16xi32>
    %mul3A_105 = arith.constant 128 : i32
    %mul3A_106 = vector.broadcast %mul3A_105 : i32 to vector<16xi32>
    %mul3A_107 = arith.muli %select_n3A_104, %mul3A_106 : vector<16xi32>
    %add3A_108 = arith.addi %mul3A_82, %mul3A_107 : vector<16xi32>
    %add3A_109 = arith.addi %add3A_108, %iota3A : vector<16xi32>
    %add3A_110 = arith.constant 0 : i32
    %add3A_111 = vector.broadcast %add3A_110 : i32 to vector<16xi32>
    %add3A_112 = arith.addi %select_n3A_48, %add3A_111 : vector<16xi32>
    %add3A_113 = arith.constant 16 : i32
    %add3A_114 = vector.broadcast %add3A_113 : i32 to vector<16xi32>
    %add3A_115 = arith.addi %select_n3A_48, %add3A_114 : vector<16xi32>
    %add3A_116 = arith.constant 1 : i32
    %add3A_117 = vector.broadcast %add3A_116 : i32 to vector<16xi32>
    %add3A_118 = arith.addi %iota3A, %add3A_117 : vector<16xi32>
    %jit3A_119 = arith.constant 16 : i32
    %eq3A_120 = arith.constant 0 : i32
    %eq3A_121 = arith.cmpi eq, %jit3A_119, %eq3A_120 : i32
    %jit3A_122 = arith.constant 1 : i32
    %select_n3A_123 = arith.select %eq3A_121, %jit3A_122, %jit3A_119 : i32
    %rem3A_124 = vector.broadcast %select_n3A_123 : i32 to vector<16xi32>
    %rem3A_125 = arith.remsi %add3A_118, %rem3A_124 : vector<16xi32>
    %ne3A_126 = arith.constant 0 : i32
    %ne3A_127 = vector.broadcast %ne3A_126 : i32 to vector<16xi32>
    %ne3A_128 = arith.cmpi ne, %rem3A_125, %ne3A_127 : vector<16xi32>
    %lt3A_129 = arith.constant 0 : i32
    %lt3A_130 = vector.broadcast %lt3A_129 : i32 to vector<16xi32>
    %lt3A_131 = arith.cmpi slt, %rem3A_125, %lt3A_130 : vector<16xi32>
    %lt3A_132 = arith.constant 0 : i32
    %lt3A_133 = arith.cmpi slt, %select_n3A_123, %lt3A_132 : i32
    %ne3A_134 = vector.broadcast %lt3A_133 : i1 to vector<16xi1>
    %ne3A_135 = vector.broadcast %ne3A_134 : vector<16xi1> to vector<16xi1>
    %ne3A_136 = arith.xori %lt3A_131, %ne3A_135 : vector<16xi1>
    %and3A_137 = arith.andi %ne3A_136, %ne3A_128 : vector<16xi1>
    %add3A_138 = vector.broadcast %select_n3A_123 : i32 to vector<16xi32>
    %add3A_139 = arith.addi %rem3A_125, %add3A_138 : vector<16xi32>
    %select_n3A_140 = arith.select %and3A_137, %add3A_139, %rem3A_125 : vector<16xi1>, vector<16xi32>
    %jit3A_141 = arith.constant 8 : i32
    %div3A_142 = vector.broadcast %jit3A_141 : i32 to vector<16xi32>
    %div3A_143 = arith.divsi %select_n3A_140, %div3A_142 : vector<16xi32>
    %sign3A_144 = arith.constant 0 : i32
    %sign3A_145 = vector.broadcast %sign3A_144 : i32 to vector<16xi32>
    %sign3A_146 = arith.cmpi sgt, %select_n3A_140, %sign3A_145 : vector<16xi32>
    %sign3A_147 = arith.extui %sign3A_146 : vector<16xi1> to vector<16xi32>
    %sign3A_148 = arith.constant 0 : i32
    %sign3A_149 = vector.broadcast %sign3A_148 : i32 to vector<16xi32>
    %sign3A_150 = arith.cmpi slt, %select_n3A_140, %sign3A_149 : vector<16xi32>
    %sign3A_151 = arith.extui %sign3A_150 : vector<16xi1> to vector<16xi32>
    %sign3A_152 = arith.subi %sign3A_147, %sign3A_151 : vector<16xi32>
    %sign3A_153 = arith.constant 0 : i32
    %sign3A_154 = arith.cmpi sgt, %jit3A_141, %sign3A_153 : i32
    %sign3A_155 = arith.extui %sign3A_154 : i1 to i32
    %sign3A_156 = arith.constant 0 : i32
    %sign3A_157 = arith.cmpi slt, %jit3A_141, %sign3A_156 : i32
    %sign3A_158 = arith.extui %sign3A_157 : i1 to i32
    %sign3A_159 = arith.subi %sign3A_155, %sign3A_158 : i32
    %ne3A_160 = vector.broadcast %sign3A_159 : i32 to vector<16xi32>
    %ne3A_161 = arith.cmpi ne, %sign3A_152, %ne3A_160 : vector<16xi32>
    %rem3A_162 = vector.broadcast %jit3A_141 : i32 to vector<16xi32>
    %rem3A_163 = arith.remsi %select_n3A_140, %rem3A_162 : vector<16xi32>
    %ne3A_164 = arith.constant 0 : i32
    %ne3A_165 = vector.broadcast %ne3A_164 : i32 to vector<16xi32>
    %ne3A_166 = arith.cmpi ne, %rem3A_163, %ne3A_165 : vector<16xi32>
    %and3A_167 = arith.andi %ne3A_161, %ne3A_166 : vector<16xi1>
    %sub3A_168 = arith.constant 1 : i32
    %sub3A_169 = vector.broadcast %sub3A_168 : i32 to vector<16xi32>
    %sub3A_170 = arith.subi %div3A_143, %sub3A_169 : vector<16xi32>
    %select_n3A_171 = arith.select %and3A_167, %sub3A_170, %div3A_143 : vector<16xi1>, vector<16xi32>
    %mul3A_172 = arith.constant 8192 : i32
    %mul3A_173 = vector.broadcast %mul3A_172 : i32 to vector<16xi32>
    %mul3A_174 = arith.muli %select_n3A_171, %mul3A_173 : vector<16xi32>
    %jit3A_175 = arith.constant 8 : i32
    %eq3A_176 = arith.constant 0 : i32
    %eq3A_177 = arith.cmpi eq, %jit3A_175, %eq3A_176 : i32
    %jit3A_178 = arith.constant 1 : i32
    %select_n3A_179 = arith.select %eq3A_177, %jit3A_178, %jit3A_175 : i32
    %rem3A_180 = vector.broadcast %select_n3A_179 : i32 to vector<16xi32>
    %rem3A_181 = arith.remsi %select_n3A_140, %rem3A_180 : vector<16xi32>
    %ne3A_182 = arith.constant 0 : i32
    %ne3A_183 = vector.broadcast %ne3A_182 : i32 to vector<16xi32>
    %ne3A_184 = arith.cmpi ne, %rem3A_181, %ne3A_183 : vector<16xi32>
    %lt3A_185 = arith.constant 0 : i32
    %lt3A_186 = vector.broadcast %lt3A_185 : i32 to vector<16xi32>
    %lt3A_187 = arith.cmpi slt, %rem3A_181, %lt3A_186 : vector<16xi32>
    %lt3A_188 = arith.constant 0 : i32
    %lt3A_189 = arith.cmpi slt, %select_n3A_179, %lt3A_188 : i32
    %ne3A_190 = vector.broadcast %lt3A_189 : i1 to vector<16xi1>
    %ne3A_191 = vector.broadcast %ne3A_190 : vector<16xi1> to vector<16xi1>
    %ne3A_192 = arith.xori %lt3A_187, %ne3A_191 : vector<16xi1>
    %and3A_193 = arith.andi %ne3A_192, %ne3A_184 : vector<16xi1>
    %add3A_194 = vector.broadcast %select_n3A_179 : i32 to vector<16xi32>
    %add3A_195 = arith.addi %rem3A_181, %add3A_194 : vector<16xi32>
    %select_n3A_196 = arith.select %and3A_193, %add3A_195, %rem3A_181 : vector<16xi1>, vector<16xi32>
    %mul3A_197 = arith.constant 128 : i32
    %mul3A_198 = vector.broadcast %mul3A_197 : i32 to vector<16xi32>
    %mul3A_199 = arith.muli %select_n3A_196, %mul3A_198 : vector<16xi32>
    %add3A_200 = arith.addi %mul3A_174, %mul3A_199 : vector<16xi32>
    %add3A_201 = arith.addi %add3A_200, %iota3A : vector<16xi32>
    %add3A_202 = arith.constant 0 : i32
    %add3A_203 = vector.broadcast %add3A_202 : i32 to vector<16xi32>
    %add3A_204 = arith.addi %select_n3A_140, %add3A_203 : vector<16xi32>
    %add3A_205 = arith.constant 16 : i32
    %add3A_206 = vector.broadcast %add3A_205 : i32 to vector<16xi32>
    %add3A_207 = arith.addi %select_n3A_140, %add3A_206 : vector<16xi32>
    %add3A_208 = arith.constant 2 : i32
    %add3A_209 = vector.broadcast %add3A_208 : i32 to vector<16xi32>
    %add3A_210 = arith.addi %iota3A, %add3A_209 : vector<16xi32>
    %jit3A_211 = arith.constant 16 : i32
    %eq3A_212 = arith.constant 0 : i32
    %eq3A_213 = arith.cmpi eq, %jit3A_211, %eq3A_212 : i32
    %jit3A_214 = arith.constant 1 : i32
    %select_n3A_215 = arith.select %eq3A_213, %jit3A_214, %jit3A_211 : i32
    %rem3A_216 = vector.broadcast %select_n3A_215 : i32 to vector<16xi32>
    %rem3A_217 = arith.remsi %add3A_210, %rem3A_216 : vector<16xi32>
    %ne3A_218 = arith.constant 0 : i32
    %ne3A_219 = vector.broadcast %ne3A_218 : i32 to vector<16xi32>
    %ne3A_220 = arith.cmpi ne, %rem3A_217, %ne3A_219 : vector<16xi32>
    %lt3A_221 = arith.constant 0 : i32
    %lt3A_222 = vector.broadcast %lt3A_221 : i32 to vector<16xi32>
    %lt3A_223 = arith.cmpi slt, %rem3A_217, %lt3A_222 : vector<16xi32>
    %lt3A_224 = arith.constant 0 : i32
    %lt3A_225 = arith.cmpi slt, %select_n3A_215, %lt3A_224 : i32
    %ne3A_226 = vector.broadcast %lt3A_225 : i1 to vector<16xi1>
    %ne3A_227 = vector.broadcast %ne3A_226 : vector<16xi1> to vector<16xi1>
    %ne3A_228 = arith.xori %lt3A_223, %ne3A_227 : vector<16xi1>
    %and3A_229 = arith.andi %ne3A_228, %ne3A_220 : vector<16xi1>
    %add3A_230 = vector.broadcast %select_n3A_215 : i32 to vector<16xi32>
    %add3A_231 = arith.addi %rem3A_217, %add3A_230 : vector<16xi32>
    %select_n3A_232 = arith.select %and3A_229, %add3A_231, %rem3A_217 : vector<16xi1>, vector<16xi32>
    %jit3A_233 = arith.constant 8 : i32
    %div3A_234 = vector.broadcast %jit3A_233 : i32 to vector<16xi32>
    %div3A_235 = arith.divsi %select_n3A_232, %div3A_234 : vector<16xi32>
    %sign3A_236 = arith.constant 0 : i32
    %sign3A_237 = vector.broadcast %sign3A_236 : i32 to vector<16xi32>
    %sign3A_238 = arith.cmpi sgt, %select_n3A_232, %sign3A_237 : vector<16xi32>
    %sign3A_239 = arith.extui %sign3A_238 : vector<16xi1> to vector<16xi32>
    %sign3A_240 = arith.constant 0 : i32
    %sign3A_241 = vector.broadcast %sign3A_240 : i32 to vector<16xi32>
    %sign3A_242 = arith.cmpi slt, %select_n3A_232, %sign3A_241 : vector<16xi32>
    %sign3A_243 = arith.extui %sign3A_242 : vector<16xi1> to vector<16xi32>
    %sign3A_244 = arith.subi %sign3A_239, %sign3A_243 : vector<16xi32>
    %sign3A_245 = arith.constant 0 : i32
    %sign3A_246 = arith.cmpi sgt, %jit3A_233, %sign3A_245 : i32
    %sign3A_247 = arith.extui %sign3A_246 : i1 to i32
    %sign3A_248 = arith.constant 0 : i32
    %sign3A_249 = arith.cmpi slt, %jit3A_233, %sign3A_248 : i32
    %sign3A_250 = arith.extui %sign3A_249 : i1 to i32
    %sign3A_251 = arith.subi %sign3A_247, %sign3A_250 : i32
    %ne3A_252 = vector.broadcast %sign3A_251 : i32 to vector<16xi32>
    %ne3A_253 = arith.cmpi ne, %sign3A_244, %ne3A_252 : vector<16xi32>
    %rem3A_254 = vector.broadcast %jit3A_233 : i32 to vector<16xi32>
    %rem3A_255 = arith.remsi %select_n3A_232, %rem3A_254 : vector<16xi32>
    %ne3A_256 = arith.constant 0 : i32
    %ne3A_257 = vector.broadcast %ne3A_256 : i32 to vector<16xi32>
    %ne3A_258 = arith.cmpi ne, %rem3A_255, %ne3A_257 : vector<16xi32>
    %and3A_259 = arith.andi %ne3A_253, %ne3A_258 : vector<16xi1>
    %sub3A_260 = arith.constant 1 : i32
    %sub3A_261 = vector.broadcast %sub3A_260 : i32 to vector<16xi32>
    %sub3A_262 = arith.subi %div3A_235, %sub3A_261 : vector<16xi32>
    %select_n3A_263 = arith.select %and3A_259, %sub3A_262, %div3A_235 : vector<16xi1>, vector<16xi32>
    %mul3A_264 = arith.constant 8192 : i32
    %mul3A_265 = vector.broadcast %mul3A_264 : i32 to vector<16xi32>
    %mul3A_266 = arith.muli %select_n3A_263, %mul3A_265 : vector<16xi32>
    %jit3A_267 = arith.constant 8 : i32
    %eq3A_268 = arith.constant 0 : i32
    %eq3A_269 = arith.cmpi eq, %jit3A_267, %eq3A_268 : i32
    %jit3A_270 = arith.constant 1 : i32
    %select_n3A_271 = arith.select %eq3A_269, %jit3A_270, %jit3A_267 : i32
    %rem3A_272 = vector.broadcast %select_n3A_271 : i32 to vector<16xi32>
    %rem3A_273 = arith.remsi %select_n3A_232, %rem3A_272 : vector<16xi32>
    %ne3A_274 = arith.constant 0 : i32
    %ne3A_275 = vector.broadcast %ne3A_274 : i32 to vector<16xi32>
    %ne3A_276 = arith.cmpi ne, %rem3A_273, %ne3A_275 : vector<16xi32>
    %lt3A_277 = arith.constant 0 : i32
    %lt3A_278 = vector.broadcast %lt3A_277 : i32 to vector<16xi32>
    %lt3A_279 = arith.cmpi slt, %rem3A_273, %lt3A_278 : vector<16xi32>
    %lt3A_280 = arith.constant 0 : i32
    %lt3A_281 = arith.cmpi slt, %select_n3A_271, %lt3A_280 : i32
    %ne3A_282 = vector.broadcast %lt3A_281 : i1 to vector<16xi1>
    %ne3A_283 = vector.broadcast %ne3A_282 : vector<16xi1> to vector<16xi1>
    %ne3A_284 = arith.xori %lt3A_279, %ne3A_283 : vector<16xi1>
    %and3A_285 = arith.andi %ne3A_284, %ne3A_276 : vector<16xi1>
    %add3A_286 = vector.broadcast %select_n3A_271 : i32 to vector<16xi32>
    %add3A_287 = arith.addi %rem3A_273, %add3A_286 : vector<16xi32>
    %select_n3A_288 = arith.select %and3A_285, %add3A_287, %rem3A_273 : vector<16xi1>, vector<16xi32>
    %mul3A_289 = arith.constant 128 : i32
    %mul3A_290 = vector.broadcast %mul3A_289 : i32 to vector<16xi32>
    %mul3A_291 = arith.muli %select_n3A_288, %mul3A_290 : vector<16xi32>
    %add3A_292 = arith.addi %mul3A_266, %mul3A_291 : vector<16xi32>
    %add3A_293 = arith.addi %add3A_292, %iota3A : vector<16xi32>
    %add3A_294 = arith.constant 0 : i32
    %add3A_295 = vector.broadcast %add3A_294 : i32 to vector<16xi32>
    %add3A_296 = arith.addi %select_n3A_232, %add3A_295 : vector<16xi32>
    %add3A_297 = arith.constant 16 : i32
    %add3A_298 = vector.broadcast %add3A_297 : i32 to vector<16xi32>
    %add3A_299 = arith.addi %select_n3A_232, %add3A_298 : vector<16xi32>
    %add3A_300 = arith.constant 3 : i32
    %add3A_301 = vector.broadcast %add3A_300 : i32 to vector<16xi32>
    %add3A_302 = arith.addi %iota3A, %add3A_301 : vector<16xi32>
    %jit3A_303 = arith.constant 16 : i32
    %eq3A_304 = arith.constant 0 : i32
    %eq3A_305 = arith.cmpi eq, %jit3A_303, %eq3A_304 : i32
    %jit3A_306 = arith.constant 1 : i32
    %select_n3A_307 = arith.select %eq3A_305, %jit3A_306, %jit3A_303 : i32
    %rem3A_308 = vector.broadcast %select_n3A_307 : i32 to vector<16xi32>
    %rem3A_309 = arith.remsi %add3A_302, %rem3A_308 : vector<16xi32>
    %ne3A_310 = arith.constant 0 : i32
    %ne3A_311 = vector.broadcast %ne3A_310 : i32 to vector<16xi32>
    %ne3A_312 = arith.cmpi ne, %rem3A_309, %ne3A_311 : vector<16xi32>
    %lt3A_313 = arith.constant 0 : i32
    %lt3A_314 = vector.broadcast %lt3A_313 : i32 to vector<16xi32>
    %lt3A_315 = arith.cmpi slt, %rem3A_309, %lt3A_314 : vector<16xi32>
    %lt3A_316 = arith.constant 0 : i32
    %lt3A_317 = arith.cmpi slt, %select_n3A_307, %lt3A_316 : i32
    %ne3A_318 = vector.broadcast %lt3A_317 : i1 to vector<16xi1>
    %ne3A_319 = vector.broadcast %ne3A_318 : vector<16xi1> to vector<16xi1>
    %ne3A_320 = arith.xori %lt3A_315, %ne3A_319 : vector<16xi1>
    %and3A_321 = arith.andi %ne3A_320, %ne3A_312 : vector<16xi1>
    %add3A_322 = vector.broadcast %select_n3A_307 : i32 to vector<16xi32>
    %add3A_323 = arith.addi %rem3A_309, %add3A_322 : vector<16xi32>
    %select_n3A_324 = arith.select %and3A_321, %add3A_323, %rem3A_309 : vector<16xi1>, vector<16xi32>
    %jit3A_325 = arith.constant 8 : i32
    %div3A_326 = vector.broadcast %jit3A_325 : i32 to vector<16xi32>
    %div3A_327 = arith.divsi %select_n3A_324, %div3A_326 : vector<16xi32>
    %sign3A_328 = arith.constant 0 : i32
    %sign3A_329 = vector.broadcast %sign3A_328 : i32 to vector<16xi32>
    %sign3A_330 = arith.cmpi sgt, %select_n3A_324, %sign3A_329 : vector<16xi32>
    %sign3A_331 = arith.extui %sign3A_330 : vector<16xi1> to vector<16xi32>
    %sign3A_332 = arith.constant 0 : i32
    %sign3A_333 = vector.broadcast %sign3A_332 : i32 to vector<16xi32>
    %sign3A_334 = arith.cmpi slt, %select_n3A_324, %sign3A_333 : vector<16xi32>
    %sign3A_335 = arith.extui %sign3A_334 : vector<16xi1> to vector<16xi32>
    %sign3A_336 = arith.subi %sign3A_331, %sign3A_335 : vector<16xi32>
    %sign3A_337 = arith.constant 0 : i32
    %sign3A_338 = arith.cmpi sgt, %jit3A_325, %sign3A_337 : i32
    %sign3A_339 = arith.extui %sign3A_338 : i1 to i32
    %sign3A_340 = arith.constant 0 : i32
    %sign3A_341 = arith.cmpi slt, %jit3A_325, %sign3A_340 : i32
    %sign3A_342 = arith.extui %sign3A_341 : i1 to i32
    %sign3A_343 = arith.subi %sign3A_339, %sign3A_342 : i32
    %ne3A_344 = vector.broadcast %sign3A_343 : i32 to vector<16xi32>
    %ne3A_345 = arith.cmpi ne, %sign3A_336, %ne3A_344 : vector<16xi32>
    %rem3A_346 = vector.broadcast %jit3A_325 : i32 to vector<16xi32>
    %rem3A_347 = arith.remsi %select_n3A_324, %rem3A_346 : vector<16xi32>
    %ne3A_348 = arith.constant 0 : i32
    %ne3A_349 = vector.broadcast %ne3A_348 : i32 to vector<16xi32>
    %ne3A_350 = arith.cmpi ne, %rem3A_347, %ne3A_349 : vector<16xi32>
    %and3A_351 = arith.andi %ne3A_345, %ne3A_350 : vector<16xi1>
    %sub3A_352 = arith.constant 1 : i32
    %sub3A_353 = vector.broadcast %sub3A_352 : i32 to vector<16xi32>
    %sub3A_354 = arith.subi %div3A_327, %sub3A_353 : vector<16xi32>
    %select_n3A_355 = arith.select %and3A_351, %sub3A_354, %div3A_327 : vector<16xi1>, vector<16xi32>
    %mul3A_356 = arith.constant 8192 : i32
    %mul3A_357 = vector.broadcast %mul3A_356 : i32 to vector<16xi32>
    %mul3A_358 = arith.muli %select_n3A_355, %mul3A_357 : vector<16xi32>
    %jit3A_359 = arith.constant 8 : i32
    %eq3A_360 = arith.constant 0 : i32
    %eq3A_361 = arith.cmpi eq, %jit3A_359, %eq3A_360 : i32
    %jit3A_362 = arith.constant 1 : i32
    %select_n3A_363 = arith.select %eq3A_361, %jit3A_362, %jit3A_359 : i32
    %rem3A_364 = vector.broadcast %select_n3A_363 : i32 to vector<16xi32>
    %rem3A_365 = arith.remsi %select_n3A_324, %rem3A_364 : vector<16xi32>
    %ne3A_366 = arith.constant 0 : i32
    %ne3A_367 = vector.broadcast %ne3A_366 : i32 to vector<16xi32>
    %ne3A_368 = arith.cmpi ne, %rem3A_365, %ne3A_367 : vector<16xi32>
    %lt3A_369 = arith.constant 0 : i32
    %lt3A_370 = vector.broadcast %lt3A_369 : i32 to vector<16xi32>
    %lt3A_371 = arith.cmpi slt, %rem3A_365, %lt3A_370 : vector<16xi32>
    %lt3A_372 = arith.constant 0 : i32
    %lt3A_373 = arith.cmpi slt, %select_n3A_363, %lt3A_372 : i32
    %ne3A_374 = vector.broadcast %lt3A_373 : i1 to vector<16xi1>
    %ne3A_375 = vector.broadcast %ne3A_374 : vector<16xi1> to vector<16xi1>
    %ne3A_376 = arith.xori %lt3A_371, %ne3A_375 : vector<16xi1>
    %and3A_377 = arith.andi %ne3A_376, %ne3A_368 : vector<16xi1>
    %add3A_378 = vector.broadcast %select_n3A_363 : i32 to vector<16xi32>
    %add3A_379 = arith.addi %rem3A_365, %add3A_378 : vector<16xi32>
    %select_n3A_380 = arith.select %and3A_377, %add3A_379, %rem3A_365 : vector<16xi1>, vector<16xi32>
    %mul3A_381 = arith.constant 128 : i32
    %mul3A_382 = vector.broadcast %mul3A_381 : i32 to vector<16xi32>
    %mul3A_383 = arith.muli %select_n3A_380, %mul3A_382 : vector<16xi32>
    %add3A_384 = arith.addi %mul3A_358, %mul3A_383 : vector<16xi32>
    %add3A_385 = arith.addi %add3A_384, %iota3A : vector<16xi32>
    %add3A_386 = arith.constant 0 : i32
    %add3A_387 = vector.broadcast %add3A_386 : i32 to vector<16xi32>
    %add3A_388 = arith.addi %select_n3A_324, %add3A_387 : vector<16xi32>
    %add3A_389 = arith.constant 16 : i32
    %add3A_390 = vector.broadcast %add3A_389 : i32 to vector<16xi32>
    %add3A_391 = arith.addi %select_n3A_324, %add3A_390 : vector<16xi32>
    %add3A_392 = arith.constant 4 : i32
    %add3A_393 = vector.broadcast %add3A_392 : i32 to vector<16xi32>
    %add3A_394 = arith.addi %iota3A, %add3A_393 : vector<16xi32>
    %jit3A_395 = arith.constant 16 : i32
    %eq3A_396 = arith.constant 0 : i32
    %eq3A_397 = arith.cmpi eq, %jit3A_395, %eq3A_396 : i32
    %jit3A_398 = arith.constant 1 : i32
    %select_n3A_399 = arith.select %eq3A_397, %jit3A_398, %jit3A_395 : i32
    %rem3A_400 = vector.broadcast %select_n3A_399 : i32 to vector<16xi32>
    %rem3A_401 = arith.remsi %add3A_394, %rem3A_400 : vector<16xi32>
    %ne3A_402 = arith.constant 0 : i32
    %ne3A_403 = vector.broadcast %ne3A_402 : i32 to vector<16xi32>
    %ne3A_404 = arith.cmpi ne, %rem3A_401, %ne3A_403 : vector<16xi32>
    %lt3A_405 = arith.constant 0 : i32
    %lt3A_406 = vector.broadcast %lt3A_405 : i32 to vector<16xi32>
    %lt3A_407 = arith.cmpi slt, %rem3A_401, %lt3A_406 : vector<16xi32>
    %lt3A_408 = arith.constant 0 : i32
    %lt3A_409 = arith.cmpi slt, %select_n3A_399, %lt3A_408 : i32
    %ne3A_410 = vector.broadcast %lt3A_409 : i1 to vector<16xi1>
    %ne3A_411 = vector.broadcast %ne3A_410 : vector<16xi1> to vector<16xi1>
    %ne3A_412 = arith.xori %lt3A_407, %ne3A_411 : vector<16xi1>
    %and3A_413 = arith.andi %ne3A_412, %ne3A_404 : vector<16xi1>
    %add3A_414 = vector.broadcast %select_n3A_399 : i32 to vector<16xi32>
    %add3A_415 = arith.addi %rem3A_401, %add3A_414 : vector<16xi32>
    %select_n3A_416 = arith.select %and3A_413, %add3A_415, %rem3A_401 : vector<16xi1>, vector<16xi32>
    %jit3A_417 = arith.constant 8 : i32
    %div3A_418 = vector.broadcast %jit3A_417 : i32 to vector<16xi32>
    %div3A_419 = arith.divsi %select_n3A_416, %div3A_418 : vector<16xi32>
    %sign3A_420 = arith.constant 0 : i32
    %sign3A_421 = vector.broadcast %sign3A_420 : i32 to vector<16xi32>
    %sign3A_422 = arith.cmpi sgt, %select_n3A_416, %sign3A_421 : vector<16xi32>
    %sign3A_423 = arith.extui %sign3A_422 : vector<16xi1> to vector<16xi32>
    %sign3A_424 = arith.constant 0 : i32
    %sign3A_425 = vector.broadcast %sign3A_424 : i32 to vector<16xi32>
    %sign3A_426 = arith.cmpi slt, %select_n3A_416, %sign3A_425 : vector<16xi32>
    %sign3A_427 = arith.extui %sign3A_426 : vector<16xi1> to vector<16xi32>
    %sign3A_428 = arith.subi %sign3A_423, %sign3A_427 : vector<16xi32>
    %sign3A_429 = arith.constant 0 : i32
    %sign3A_430 = arith.cmpi sgt, %jit3A_417, %sign3A_429 : i32
    %sign3A_431 = arith.extui %sign3A_430 : i1 to i32
    %sign3A_432 = arith.constant 0 : i32
    %sign3A_433 = arith.cmpi slt, %jit3A_417, %sign3A_432 : i32
    %sign3A_434 = arith.extui %sign3A_433 : i1 to i32
    %sign3A_435 = arith.subi %sign3A_431, %sign3A_434 : i32
    %ne3A_436 = vector.broadcast %sign3A_435 : i32 to vector<16xi32>
    %ne3A_437 = arith.cmpi ne, %sign3A_428, %ne3A_436 : vector<16xi32>
    %rem3A_438 = vector.broadcast %jit3A_417 : i32 to vector<16xi32>
    %rem3A_439 = arith.remsi %select_n3A_416, %rem3A_438 : vector<16xi32>
    %ne3A_440 = arith.constant 0 : i32
    %ne3A_441 = vector.broadcast %ne3A_440 : i32 to vector<16xi32>
    %ne3A_442 = arith.cmpi ne, %rem3A_439, %ne3A_441 : vector<16xi32>
    %and3A_443 = arith.andi %ne3A_437, %ne3A_442 : vector<16xi1>
    %sub3A_444 = arith.constant 1 : i32
    %sub3A_445 = vector.broadcast %sub3A_444 : i32 to vector<16xi32>
    %sub3A_446 = arith.subi %div3A_419, %sub3A_445 : vector<16xi32>
    %select_n3A_447 = arith.select %and3A_443, %sub3A_446, %div3A_419 : vector<16xi1>, vector<16xi32>
    %mul3A_448 = arith.constant 8192 : i32
    %mul3A_449 = vector.broadcast %mul3A_448 : i32 to vector<16xi32>
    %mul3A_450 = arith.muli %select_n3A_447, %mul3A_449 : vector<16xi32>
    %jit3A_451 = arith.constant 8 : i32
    %eq3A_452 = arith.constant 0 : i32
    %eq3A_453 = arith.cmpi eq, %jit3A_451, %eq3A_452 : i32
    %jit3A_454 = arith.constant 1 : i32
    %select_n3A_455 = arith.select %eq3A_453, %jit3A_454, %jit3A_451 : i32
    %rem3A_456 = vector.broadcast %select_n3A_455 : i32 to vector<16xi32>
    %rem3A_457 = arith.remsi %select_n3A_416, %rem3A_456 : vector<16xi32>
    %ne3A_458 = arith.constant 0 : i32
    %ne3A_459 = vector.broadcast %ne3A_458 : i32 to vector<16xi32>
    %ne3A_460 = arith.cmpi ne, %rem3A_457, %ne3A_459 : vector<16xi32>
    %lt3A_461 = arith.constant 0 : i32
    %lt3A_462 = vector.broadcast %lt3A_461 : i32 to vector<16xi32>
    %lt3A_463 = arith.cmpi slt, %rem3A_457, %lt3A_462 : vector<16xi32>
    %lt3A_464 = arith.constant 0 : i32
    %lt3A_465 = arith.cmpi slt, %select_n3A_455, %lt3A_464 : i32
    %ne3A_466 = vector.broadcast %lt3A_465 : i1 to vector<16xi1>
    %ne3A_467 = vector.broadcast %ne3A_466 : vector<16xi1> to vector<16xi1>
    %ne3A_468 = arith.xori %lt3A_463, %ne3A_467 : vector<16xi1>
    %and3A_469 = arith.andi %ne3A_468, %ne3A_460 : vector<16xi1>
    %add3A_470 = vector.broadcast %select_n3A_455 : i32 to vector<16xi32>
    %add3A_471 = arith.addi %rem3A_457, %add3A_470 : vector<16xi32>
    %select_n3A_472 = arith.select %and3A_469, %add3A_471, %rem3A_457 : vector<16xi1>, vector<16xi32>
    %mul3A_473 = arith.constant 128 : i32
    %mul3A_474 = vector.broadcast %mul3A_473 : i32 to vector<16xi32>
    %mul3A_475 = arith.muli %select_n3A_472, %mul3A_474 : vector<16xi32>
    %add3A_476 = arith.addi %mul3A_450, %mul3A_475 : vector<16xi32>
    %add3A_477 = arith.addi %add3A_476, %iota3A : vector<16xi32>
    %add3A_478 = arith.constant 0 : i32
    %add3A_479 = vector.broadcast %add3A_478 : i32 to vector<16xi32>
    %add3A_480 = arith.addi %select_n3A_416, %add3A_479 : vector<16xi32>
    %add3A_481 = arith.constant 16 : i32
    %add3A_482 = vector.broadcast %add3A_481 : i32 to vector<16xi32>
    %add3A_483 = arith.addi %select_n3A_416, %add3A_482 : vector<16xi32>
    %add3A_484 = arith.constant 5 : i32
    %add3A_485 = vector.broadcast %add3A_484 : i32 to vector<16xi32>
    %add3A_486 = arith.addi %iota3A, %add3A_485 : vector<16xi32>
    %jit3A_487 = arith.constant 16 : i32
    %eq3A_488 = arith.constant 0 : i32
    %eq3A_489 = arith.cmpi eq, %jit3A_487, %eq3A_488 : i32
    %jit3A_490 = arith.constant 1 : i32
    %select_n3A_491 = arith.select %eq3A_489, %jit3A_490, %jit3A_487 : i32
    %rem3A_492 = vector.broadcast %select_n3A_491 : i32 to vector<16xi32>
    %rem3A_493 = arith.remsi %add3A_486, %rem3A_492 : vector<16xi32>
    %ne3A_494 = arith.constant 0 : i32
    %ne3A_495 = vector.broadcast %ne3A_494 : i32 to vector<16xi32>
    %ne3A_496 = arith.cmpi ne, %rem3A_493, %ne3A_495 : vector<16xi32>
    %lt3A_497 = arith.constant 0 : i32
    %lt3A_498 = vector.broadcast %lt3A_497 : i32 to vector<16xi32>
    %lt3A_499 = arith.cmpi slt, %rem3A_493, %lt3A_498 : vector<16xi32>
    %lt3A_500 = arith.constant 0 : i32
    %lt3A_501 = arith.cmpi slt, %select_n3A_491, %lt3A_500 : i32
    %ne3A_502 = vector.broadcast %lt3A_501 : i1 to vector<16xi1>
    %ne3A_503 = vector.broadcast %ne3A_502 : vector<16xi1> to vector<16xi1>
    %ne3A_504 = arith.xori %lt3A_499, %ne3A_503 : vector<16xi1>
    %and3A_505 = arith.andi %ne3A_504, %ne3A_496 : vector<16xi1>
    %add3A_506 = vector.broadcast %select_n3A_491 : i32 to vector<16xi32>
    %add3A_507 = arith.addi %rem3A_493, %add3A_506 : vector<16xi32>
    %select_n3A_508 = arith.select %and3A_505, %add3A_507, %rem3A_493 : vector<16xi1>, vector<16xi32>
    %jit3A_509 = arith.constant 8 : i32
    %div3A_510 = vector.broadcast %jit3A_509 : i32 to vector<16xi32>
    %div3A_511 = arith.divsi %select_n3A_508, %div3A_510 : vector<16xi32>
    %sign3A_512 = arith.constant 0 : i32
    %sign3A_513 = vector.broadcast %sign3A_512 : i32 to vector<16xi32>
    %sign3A_514 = arith.cmpi sgt, %select_n3A_508, %sign3A_513 : vector<16xi32>
    %sign3A_515 = arith.extui %sign3A_514 : vector<16xi1> to vector<16xi32>
    %sign3A_516 = arith.constant 0 : i32
    %sign3A_517 = vector.broadcast %sign3A_516 : i32 to vector<16xi32>
    %sign3A_518 = arith.cmpi slt, %select_n3A_508, %sign3A_517 : vector<16xi32>
    %sign3A_519 = arith.extui %sign3A_518 : vector<16xi1> to vector<16xi32>
    %sign3A_520 = arith.subi %sign3A_515, %sign3A_519 : vector<16xi32>
    %sign3A_521 = arith.constant 0 : i32
    %sign3A_522 = arith.cmpi sgt, %jit3A_509, %sign3A_521 : i32
    %sign3A_523 = arith.extui %sign3A_522 : i1 to i32
    %sign3A_524 = arith.constant 0 : i32
    %sign3A_525 = arith.cmpi slt, %jit3A_509, %sign3A_524 : i32
    %sign3A_526 = arith.extui %sign3A_525 : i1 to i32
    %sign3A_527 = arith.subi %sign3A_523, %sign3A_526 : i32
    %ne3A_528 = vector.broadcast %sign3A_527 : i32 to vector<16xi32>
    %ne3A_529 = arith.cmpi ne, %sign3A_520, %ne3A_528 : vector<16xi32>
    %rem3A_530 = vector.broadcast %jit3A_509 : i32 to vector<16xi32>
    %rem3A_531 = arith.remsi %select_n3A_508, %rem3A_530 : vector<16xi32>
    %ne3A_532 = arith.constant 0 : i32
    %ne3A_533 = vector.broadcast %ne3A_532 : i32 to vector<16xi32>
    %ne3A_534 = arith.cmpi ne, %rem3A_531, %ne3A_533 : vector<16xi32>
    %and3A_535 = arith.andi %ne3A_529, %ne3A_534 : vector<16xi1>
    %sub3A_536 = arith.constant 1 : i32
    %sub3A_537 = vector.broadcast %sub3A_536 : i32 to vector<16xi32>
    %sub3A_538 = arith.subi %div3A_511, %sub3A_537 : vector<16xi32>
    %select_n3A_539 = arith.select %and3A_535, %sub3A_538, %div3A_511 : vector<16xi1>, vector<16xi32>
    %mul3A_540 = arith.constant 8192 : i32
    %mul3A_541 = vector.broadcast %mul3A_540 : i32 to vector<16xi32>
    %mul3A_542 = arith.muli %select_n3A_539, %mul3A_541 : vector<16xi32>
    %jit3A_543 = arith.constant 8 : i32
    %eq3A_544 = arith.constant 0 : i32
    %eq3A_545 = arith.cmpi eq, %jit3A_543, %eq3A_544 : i32
    %jit3A_546 = arith.constant 1 : i32
    %select_n3A_547 = arith.select %eq3A_545, %jit3A_546, %jit3A_543 : i32
    %rem3A_548 = vector.broadcast %select_n3A_547 : i32 to vector<16xi32>
    %rem3A_549 = arith.remsi %select_n3A_508, %rem3A_548 : vector<16xi32>
    %ne3A_550 = arith.constant 0 : i32
    %ne3A_551 = vector.broadcast %ne3A_550 : i32 to vector<16xi32>
    %ne3A_552 = arith.cmpi ne, %rem3A_549, %ne3A_551 : vector<16xi32>
    %lt3A_553 = arith.constant 0 : i32
    %lt3A_554 = vector.broadcast %lt3A_553 : i32 to vector<16xi32>
    %lt3A_555 = arith.cmpi slt, %rem3A_549, %lt3A_554 : vector<16xi32>
    %lt3A_556 = arith.constant 0 : i32
    %lt3A_557 = arith.cmpi slt, %select_n3A_547, %lt3A_556 : i32
    %ne3A_558 = vector.broadcast %lt3A_557 : i1 to vector<16xi1>
    %ne3A_559 = vector.broadcast %ne3A_558 : vector<16xi1> to vector<16xi1>
    %ne3A_560 = arith.xori %lt3A_555, %ne3A_559 : vector<16xi1>
    %and3A_561 = arith.andi %ne3A_560, %ne3A_552 : vector<16xi1>
    %add3A_562 = vector.broadcast %select_n3A_547 : i32 to vector<16xi32>
    %add3A_563 = arith.addi %rem3A_549, %add3A_562 : vector<16xi32>
    %select_n3A_564 = arith.select %and3A_561, %add3A_563, %rem3A_549 : vector<16xi1>, vector<16xi32>
    %mul3A_565 = arith.constant 128 : i32
    %mul3A_566 = vector.broadcast %mul3A_565 : i32 to vector<16xi32>
    %mul3A_567 = arith.muli %select_n3A_564, %mul3A_566 : vector<16xi32>
    %add3A_568 = arith.addi %mul3A_542, %mul3A_567 : vector<16xi32>
    %add3A_569 = arith.addi %add3A_568, %iota3A : vector<16xi32>
    %add3A_570 = arith.constant 0 : i32
    %add3A_571 = vector.broadcast %add3A_570 : i32 to vector<16xi32>
    %add3A_572 = arith.addi %select_n3A_508, %add3A_571 : vector<16xi32>
    %add3A_573 = arith.constant 16 : i32
    %add3A_574 = vector.broadcast %add3A_573 : i32 to vector<16xi32>
    %add3A_575 = arith.addi %select_n3A_508, %add3A_574 : vector<16xi32>
    %add3A_576 = arith.constant 6 : i32
    %add3A_577 = vector.broadcast %add3A_576 : i32 to vector<16xi32>
    %add3A_578 = arith.addi %iota3A, %add3A_577 : vector<16xi32>
    %jit3A_579 = arith.constant 16 : i32
    %eq3A_580 = arith.constant 0 : i32
    %eq3A_581 = arith.cmpi eq, %jit3A_579, %eq3A_580 : i32
    %jit3A_582 = arith.constant 1 : i32
    %select_n3A_583 = arith.select %eq3A_581, %jit3A_582, %jit3A_579 : i32
    %rem3A_584 = vector.broadcast %select_n3A_583 : i32 to vector<16xi32>
    %rem3A_585 = arith.remsi %add3A_578, %rem3A_584 : vector<16xi32>
    %ne3A_586 = arith.constant 0 : i32
    %ne3A_587 = vector.broadcast %ne3A_586 : i32 to vector<16xi32>
    %ne3A_588 = arith.cmpi ne, %rem3A_585, %ne3A_587 : vector<16xi32>
    %lt3A_589 = arith.constant 0 : i32
    %lt3A_590 = vector.broadcast %lt3A_589 : i32 to vector<16xi32>
    %lt3A_591 = arith.cmpi slt, %rem3A_585, %lt3A_590 : vector<16xi32>
    %lt3A_592 = arith.constant 0 : i32
    %lt3A_593 = arith.cmpi slt, %select_n3A_583, %lt3A_592 : i32
    %ne3A_594 = vector.broadcast %lt3A_593 : i1 to vector<16xi1>
    %ne3A_595 = vector.broadcast %ne3A_594 : vector<16xi1> to vector<16xi1>
    %ne3A_596 = arith.xori %lt3A_591, %ne3A_595 : vector<16xi1>
    %and3A_597 = arith.andi %ne3A_596, %ne3A_588 : vector<16xi1>
    %add3A_598 = vector.broadcast %select_n3A_583 : i32 to vector<16xi32>
    %add3A_599 = arith.addi %rem3A_585, %add3A_598 : vector<16xi32>
    %select_n3A_600 = arith.select %and3A_597, %add3A_599, %rem3A_585 : vector<16xi1>, vector<16xi32>
    %jit3A_601 = arith.constant 8 : i32
    %div3A_602 = vector.broadcast %jit3A_601 : i32 to vector<16xi32>
    %div3A_603 = arith.divsi %select_n3A_600, %div3A_602 : vector<16xi32>
    %sign3A_604 = arith.constant 0 : i32
    %sign3A_605 = vector.broadcast %sign3A_604 : i32 to vector<16xi32>
    %sign3A_606 = arith.cmpi sgt, %select_n3A_600, %sign3A_605 : vector<16xi32>
    %sign3A_607 = arith.extui %sign3A_606 : vector<16xi1> to vector<16xi32>
    %sign3A_608 = arith.constant 0 : i32
    %sign3A_609 = vector.broadcast %sign3A_608 : i32 to vector<16xi32>
    %sign3A_610 = arith.cmpi slt, %select_n3A_600, %sign3A_609 : vector<16xi32>
    %sign3A_611 = arith.extui %sign3A_610 : vector<16xi1> to vector<16xi32>
    %sign3A_612 = arith.subi %sign3A_607, %sign3A_611 : vector<16xi32>
    %sign3A_613 = arith.constant 0 : i32
    %sign3A_614 = arith.cmpi sgt, %jit3A_601, %sign3A_613 : i32
    %sign3A_615 = arith.extui %sign3A_614 : i1 to i32
    %sign3A_616 = arith.constant 0 : i32
    %sign3A_617 = arith.cmpi slt, %jit3A_601, %sign3A_616 : i32
    %sign3A_618 = arith.extui %sign3A_617 : i1 to i32
    %sign3A_619 = arith.subi %sign3A_615, %sign3A_618 : i32
    %ne3A_620 = vector.broadcast %sign3A_619 : i32 to vector<16xi32>
    %ne3A_621 = arith.cmpi ne, %sign3A_612, %ne3A_620 : vector<16xi32>
    %rem3A_622 = vector.broadcast %jit3A_601 : i32 to vector<16xi32>
    %rem3A_623 = arith.remsi %select_n3A_600, %rem3A_622 : vector<16xi32>
    %ne3A_624 = arith.constant 0 : i32
    %ne3A_625 = vector.broadcast %ne3A_624 : i32 to vector<16xi32>
    %ne3A_626 = arith.cmpi ne, %rem3A_623, %ne3A_625 : vector<16xi32>
    %and3A_627 = arith.andi %ne3A_621, %ne3A_626 : vector<16xi1>
    %sub3A_628 = arith.constant 1 : i32
    %sub3A_629 = vector.broadcast %sub3A_628 : i32 to vector<16xi32>
    %sub3A_630 = arith.subi %div3A_603, %sub3A_629 : vector<16xi32>
    %select_n3A_631 = arith.select %and3A_627, %sub3A_630, %div3A_603 : vector<16xi1>, vector<16xi32>
    %mul3A_632 = arith.constant 8192 : i32
    %mul3A_633 = vector.broadcast %mul3A_632 : i32 to vector<16xi32>
    %mul3A_634 = arith.muli %select_n3A_631, %mul3A_633 : vector<16xi32>
    %jit3A_635 = arith.constant 8 : i32
    %eq3A_636 = arith.constant 0 : i32
    %eq3A_637 = arith.cmpi eq, %jit3A_635, %eq3A_636 : i32
    %jit3A_638 = arith.constant 1 : i32
    %select_n3A_639 = arith.select %eq3A_637, %jit3A_638, %jit3A_635 : i32
    %rem3A_640 = vector.broadcast %select_n3A_639 : i32 to vector<16xi32>
    %rem3A_641 = arith.remsi %select_n3A_600, %rem3A_640 : vector<16xi32>
    %ne3A_642 = arith.constant 0 : i32
    %ne3A_643 = vector.broadcast %ne3A_642 : i32 to vector<16xi32>
    %ne3A_644 = arith.cmpi ne, %rem3A_641, %ne3A_643 : vector<16xi32>
    %lt3A_645 = arith.constant 0 : i32
    %lt3A_646 = vector.broadcast %lt3A_645 : i32 to vector<16xi32>
    %lt3A_647 = arith.cmpi slt, %rem3A_641, %lt3A_646 : vector<16xi32>
    %lt3A_648 = arith.constant 0 : i32
    %lt3A_649 = arith.cmpi slt, %select_n3A_639, %lt3A_648 : i32
    %ne3A_650 = vector.broadcast %lt3A_649 : i1 to vector<16xi1>
    %ne3A_651 = vector.broadcast %ne3A_650 : vector<16xi1> to vector<16xi1>
    %ne3A_652 = arith.xori %lt3A_647, %ne3A_651 : vector<16xi1>
    %and3A_653 = arith.andi %ne3A_652, %ne3A_644 : vector<16xi1>
    %add3A_654 = vector.broadcast %select_n3A_639 : i32 to vector<16xi32>
    %add3A_655 = arith.addi %rem3A_641, %add3A_654 : vector<16xi32>
    %select_n3A_656 = arith.select %and3A_653, %add3A_655, %rem3A_641 : vector<16xi1>, vector<16xi32>
    %mul3A_657 = arith.constant 128 : i32
    %mul3A_658 = vector.broadcast %mul3A_657 : i32 to vector<16xi32>
    %mul3A_659 = arith.muli %select_n3A_656, %mul3A_658 : vector<16xi32>
    %add3A_660 = arith.addi %mul3A_634, %mul3A_659 : vector<16xi32>
    %add3A_661 = arith.addi %add3A_660, %iota3A : vector<16xi32>
    %add3A_662 = arith.constant 0 : i32
    %add3A_663 = vector.broadcast %add3A_662 : i32 to vector<16xi32>
    %add3A_664 = arith.addi %select_n3A_600, %add3A_663 : vector<16xi32>
    %add3A_665 = arith.constant 16 : i32
    %add3A_666 = vector.broadcast %add3A_665 : i32 to vector<16xi32>
    %add3A_667 = arith.addi %select_n3A_600, %add3A_666 : vector<16xi32>
    %add3A_668 = arith.constant 7 : i32
    %add3A_669 = vector.broadcast %add3A_668 : i32 to vector<16xi32>
    %add3A_670 = arith.addi %iota3A, %add3A_669 : vector<16xi32>
    %jit3A_671 = arith.constant 16 : i32
    %eq3A_672 = arith.constant 0 : i32
    %eq3A_673 = arith.cmpi eq, %jit3A_671, %eq3A_672 : i32
    %jit3A_674 = arith.constant 1 : i32
    %select_n3A_675 = arith.select %eq3A_673, %jit3A_674, %jit3A_671 : i32
    %rem3A_676 = vector.broadcast %select_n3A_675 : i32 to vector<16xi32>
    %rem3A_677 = arith.remsi %add3A_670, %rem3A_676 : vector<16xi32>
    %ne3A_678 = arith.constant 0 : i32
    %ne3A_679 = vector.broadcast %ne3A_678 : i32 to vector<16xi32>
    %ne3A_680 = arith.cmpi ne, %rem3A_677, %ne3A_679 : vector<16xi32>
    %lt3A_681 = arith.constant 0 : i32
    %lt3A_682 = vector.broadcast %lt3A_681 : i32 to vector<16xi32>
    %lt3A_683 = arith.cmpi slt, %rem3A_677, %lt3A_682 : vector<16xi32>
    %lt3A_684 = arith.constant 0 : i32
    %lt3A_685 = arith.cmpi slt, %select_n3A_675, %lt3A_684 : i32
    %ne3A_686 = vector.broadcast %lt3A_685 : i1 to vector<16xi1>
    %ne3A_687 = vector.broadcast %ne3A_686 : vector<16xi1> to vector<16xi1>
    %ne3A_688 = arith.xori %lt3A_683, %ne3A_687 : vector<16xi1>
    %and3A_689 = arith.andi %ne3A_688, %ne3A_680 : vector<16xi1>
    %add3A_690 = vector.broadcast %select_n3A_675 : i32 to vector<16xi32>
    %add3A_691 = arith.addi %rem3A_677, %add3A_690 : vector<16xi32>
    %select_n3A_692 = arith.select %and3A_689, %add3A_691, %rem3A_677 : vector<16xi1>, vector<16xi32>
    %jit3A_693 = arith.constant 8 : i32
    %div3A_694 = vector.broadcast %jit3A_693 : i32 to vector<16xi32>
    %div3A_695 = arith.divsi %select_n3A_692, %div3A_694 : vector<16xi32>
    %sign3A_696 = arith.constant 0 : i32
    %sign3A_697 = vector.broadcast %sign3A_696 : i32 to vector<16xi32>
    %sign3A_698 = arith.cmpi sgt, %select_n3A_692, %sign3A_697 : vector<16xi32>
    %sign3A_699 = arith.extui %sign3A_698 : vector<16xi1> to vector<16xi32>
    %sign3A_700 = arith.constant 0 : i32
    %sign3A_701 = vector.broadcast %sign3A_700 : i32 to vector<16xi32>
    %sign3A_702 = arith.cmpi slt, %select_n3A_692, %sign3A_701 : vector<16xi32>
    %sign3A_703 = arith.extui %sign3A_702 : vector<16xi1> to vector<16xi32>
    %sign3A_704 = arith.subi %sign3A_699, %sign3A_703 : vector<16xi32>
    %sign3A_705 = arith.constant 0 : i32
    %sign3A_706 = arith.cmpi sgt, %jit3A_693, %sign3A_705 : i32
    %sign3A_707 = arith.extui %sign3A_706 : i1 to i32
    %sign3A_708 = arith.constant 0 : i32
    %sign3A_709 = arith.cmpi slt, %jit3A_693, %sign3A_708 : i32
    %sign3A_710 = arith.extui %sign3A_709 : i1 to i32
    %sign3A_711 = arith.subi %sign3A_707, %sign3A_710 : i32
    %ne3A_712 = vector.broadcast %sign3A_711 : i32 to vector<16xi32>
    %ne3A_713 = arith.cmpi ne, %sign3A_704, %ne3A_712 : vector<16xi32>
    %rem3A_714 = vector.broadcast %jit3A_693 : i32 to vector<16xi32>
    %rem3A_715 = arith.remsi %select_n3A_692, %rem3A_714 : vector<16xi32>
    %ne3A_716 = arith.constant 0 : i32
    %ne3A_717 = vector.broadcast %ne3A_716 : i32 to vector<16xi32>
    %ne3A_718 = arith.cmpi ne, %rem3A_715, %ne3A_717 : vector<16xi32>
    %and3A_719 = arith.andi %ne3A_713, %ne3A_718 : vector<16xi1>
    %sub3A_720 = arith.constant 1 : i32
    %sub3A_721 = vector.broadcast %sub3A_720 : i32 to vector<16xi32>
    %sub3A_722 = arith.subi %div3A_695, %sub3A_721 : vector<16xi32>
    %select_n3A_723 = arith.select %and3A_719, %sub3A_722, %div3A_695 : vector<16xi1>, vector<16xi32>
    %mul3A_724 = arith.constant 8192 : i32
    %mul3A_725 = vector.broadcast %mul3A_724 : i32 to vector<16xi32>
    %mul3A_726 = arith.muli %select_n3A_723, %mul3A_725 : vector<16xi32>
    %jit3A_727 = arith.constant 8 : i32
    %eq3A_728 = arith.constant 0 : i32
    %eq3A_729 = arith.cmpi eq, %jit3A_727, %eq3A_728 : i32
    %jit3A_730 = arith.constant 1 : i32
    %select_n3A_731 = arith.select %eq3A_729, %jit3A_730, %jit3A_727 : i32
    %rem3A_732 = vector.broadcast %select_n3A_731 : i32 to vector<16xi32>
    %rem3A_733 = arith.remsi %select_n3A_692, %rem3A_732 : vector<16xi32>
    %ne3A_734 = arith.constant 0 : i32
    %ne3A_735 = vector.broadcast %ne3A_734 : i32 to vector<16xi32>
    %ne3A_736 = arith.cmpi ne, %rem3A_733, %ne3A_735 : vector<16xi32>
    %lt3A_737 = arith.constant 0 : i32
    %lt3A_738 = vector.broadcast %lt3A_737 : i32 to vector<16xi32>
    %lt3A_739 = arith.cmpi slt, %rem3A_733, %lt3A_738 : vector<16xi32>
    %lt3A_740 = arith.constant 0 : i32
    %lt3A_741 = arith.cmpi slt, %select_n3A_731, %lt3A_740 : i32
    %ne3A_742 = vector.broadcast %lt3A_741 : i1 to vector<16xi1>
    %ne3A_743 = vector.broadcast %ne3A_742 : vector<16xi1> to vector<16xi1>
    %ne3A_744 = arith.xori %lt3A_739, %ne3A_743 : vector<16xi1>
    %and3A_745 = arith.andi %ne3A_744, %ne3A_736 : vector<16xi1>
    %add3A_746 = vector.broadcast %select_n3A_731 : i32 to vector<16xi32>
    %add3A_747 = arith.addi %rem3A_733, %add3A_746 : vector<16xi32>
    %select_n3A_748 = arith.select %and3A_745, %add3A_747, %rem3A_733 : vector<16xi1>, vector<16xi32>
    %mul3A_749 = arith.constant 128 : i32
    %mul3A_750 = vector.broadcast %mul3A_749 : i32 to vector<16xi32>
    %mul3A_751 = arith.muli %select_n3A_748, %mul3A_750 : vector<16xi32>
    %add3A_752 = arith.addi %mul3A_726, %mul3A_751 : vector<16xi32>
    %add3A_753 = arith.addi %add3A_752, %iota3A : vector<16xi32>
    %add3A_754 = arith.constant 0 : i32
    %add3A_755 = vector.broadcast %add3A_754 : i32 to vector<16xi32>
    %add3A_756 = arith.addi %select_n3A_692, %add3A_755 : vector<16xi32>
    %add3A_757 = arith.constant 16 : i32
    %add3A_758 = vector.broadcast %add3A_757 : i32 to vector<16xi32>
    %add3A_759 = arith.addi %select_n3A_692, %add3A_758 : vector<16xi32>
    %add3A_760 = arith.constant 8 : i32
    %add3A_761 = vector.broadcast %add3A_760 : i32 to vector<16xi32>
    %add3A_762 = arith.addi %iota3A, %add3A_761 : vector<16xi32>
    %jit3A_763 = arith.constant 16 : i32
    %eq3A_764 = arith.constant 0 : i32
    %eq3A_765 = arith.cmpi eq, %jit3A_763, %eq3A_764 : i32
    %jit3A_766 = arith.constant 1 : i32
    %select_n3A_767 = arith.select %eq3A_765, %jit3A_766, %jit3A_763 : i32
    %rem3A_768 = vector.broadcast %select_n3A_767 : i32 to vector<16xi32>
    %rem3A_769 = arith.remsi %add3A_762, %rem3A_768 : vector<16xi32>
    %ne3A_770 = arith.constant 0 : i32
    %ne3A_771 = vector.broadcast %ne3A_770 : i32 to vector<16xi32>
    %ne3A_772 = arith.cmpi ne, %rem3A_769, %ne3A_771 : vector<16xi32>
    %lt3A_773 = arith.constant 0 : i32
    %lt3A_774 = vector.broadcast %lt3A_773 : i32 to vector<16xi32>
    %lt3A_775 = arith.cmpi slt, %rem3A_769, %lt3A_774 : vector<16xi32>
    %lt3A_776 = arith.constant 0 : i32
    %lt3A_777 = arith.cmpi slt, %select_n3A_767, %lt3A_776 : i32
    %ne3A_778 = vector.broadcast %lt3A_777 : i1 to vector<16xi1>
    %ne3A_779 = vector.broadcast %ne3A_778 : vector<16xi1> to vector<16xi1>
    %ne3A_780 = arith.xori %lt3A_775, %ne3A_779 : vector<16xi1>
    %and3A_781 = arith.andi %ne3A_780, %ne3A_772 : vector<16xi1>
    %add3A_782 = vector.broadcast %select_n3A_767 : i32 to vector<16xi32>
    %add3A_783 = arith.addi %rem3A_769, %add3A_782 : vector<16xi32>
    %select_n3A_784 = arith.select %and3A_781, %add3A_783, %rem3A_769 : vector<16xi1>, vector<16xi32>
    %jit3A_785 = arith.constant 8 : i32
    %div3A_786 = vector.broadcast %jit3A_785 : i32 to vector<16xi32>
    %div3A_787 = arith.divsi %select_n3A_784, %div3A_786 : vector<16xi32>
    %sign3A_788 = arith.constant 0 : i32
    %sign3A_789 = vector.broadcast %sign3A_788 : i32 to vector<16xi32>
    %sign3A_790 = arith.cmpi sgt, %select_n3A_784, %sign3A_789 : vector<16xi32>
    %sign3A_791 = arith.extui %sign3A_790 : vector<16xi1> to vector<16xi32>
    %sign3A_792 = arith.constant 0 : i32
    %sign3A_793 = vector.broadcast %sign3A_792 : i32 to vector<16xi32>
    %sign3A_794 = arith.cmpi slt, %select_n3A_784, %sign3A_793 : vector<16xi32>
    %sign3A_795 = arith.extui %sign3A_794 : vector<16xi1> to vector<16xi32>
    %sign3A_796 = arith.subi %sign3A_791, %sign3A_795 : vector<16xi32>
    %sign3A_797 = arith.constant 0 : i32
    %sign3A_798 = arith.cmpi sgt, %jit3A_785, %sign3A_797 : i32
    %sign3A_799 = arith.extui %sign3A_798 : i1 to i32
    %sign3A_800 = arith.constant 0 : i32
    %sign3A_801 = arith.cmpi slt, %jit3A_785, %sign3A_800 : i32
    %sign3A_802 = arith.extui %sign3A_801 : i1 to i32
    %sign3A_803 = arith.subi %sign3A_799, %sign3A_802 : i32
    %ne3A_804 = vector.broadcast %sign3A_803 : i32 to vector<16xi32>
    %ne3A_805 = arith.cmpi ne, %sign3A_796, %ne3A_804 : vector<16xi32>
    %rem3A_806 = vector.broadcast %jit3A_785 : i32 to vector<16xi32>
    %rem3A_807 = arith.remsi %select_n3A_784, %rem3A_806 : vector<16xi32>
    %ne3A_808 = arith.constant 0 : i32
    %ne3A_809 = vector.broadcast %ne3A_808 : i32 to vector<16xi32>
    %ne3A_810 = arith.cmpi ne, %rem3A_807, %ne3A_809 : vector<16xi32>
    %and3A_811 = arith.andi %ne3A_805, %ne3A_810 : vector<16xi1>
    %sub3A_812 = arith.constant 1 : i32
    %sub3A_813 = vector.broadcast %sub3A_812 : i32 to vector<16xi32>
    %sub3A_814 = arith.subi %div3A_787, %sub3A_813 : vector<16xi32>
    %select_n3A_815 = arith.select %and3A_811, %sub3A_814, %div3A_787 : vector<16xi1>, vector<16xi32>
    %mul3A_816 = arith.constant 8192 : i32
    %mul3A_817 = vector.broadcast %mul3A_816 : i32 to vector<16xi32>
    %mul3A_818 = arith.muli %select_n3A_815, %mul3A_817 : vector<16xi32>
    %jit3A_819 = arith.constant 8 : i32
    %eq3A_820 = arith.constant 0 : i32
    %eq3A_821 = arith.cmpi eq, %jit3A_819, %eq3A_820 : i32
    %jit3A_822 = arith.constant 1 : i32
    %select_n3A_823 = arith.select %eq3A_821, %jit3A_822, %jit3A_819 : i32
    %rem3A_824 = vector.broadcast %select_n3A_823 : i32 to vector<16xi32>
    %rem3A_825 = arith.remsi %select_n3A_784, %rem3A_824 : vector<16xi32>
    %ne3A_826 = arith.constant 0 : i32
    %ne3A_827 = vector.broadcast %ne3A_826 : i32 to vector<16xi32>
    %ne3A_828 = arith.cmpi ne, %rem3A_825, %ne3A_827 : vector<16xi32>
    %lt3A_829 = arith.constant 0 : i32
    %lt3A_830 = vector.broadcast %lt3A_829 : i32 to vector<16xi32>
    %lt3A_831 = arith.cmpi slt, %rem3A_825, %lt3A_830 : vector<16xi32>
    %lt3A_832 = arith.constant 0 : i32
    %lt3A_833 = arith.cmpi slt, %select_n3A_823, %lt3A_832 : i32
    %ne3A_834 = vector.broadcast %lt3A_833 : i1 to vector<16xi1>
    %ne3A_835 = vector.broadcast %ne3A_834 : vector<16xi1> to vector<16xi1>
    %ne3A_836 = arith.xori %lt3A_831, %ne3A_835 : vector<16xi1>
    %and3A_837 = arith.andi %ne3A_836, %ne3A_828 : vector<16xi1>
    %add3A_838 = vector.broadcast %select_n3A_823 : i32 to vector<16xi32>
    %add3A_839 = arith.addi %rem3A_825, %add3A_838 : vector<16xi32>
    %select_n3A_840 = arith.select %and3A_837, %add3A_839, %rem3A_825 : vector<16xi1>, vector<16xi32>
    %mul3A_841 = arith.constant 128 : i32
    %mul3A_842 = vector.broadcast %mul3A_841 : i32 to vector<16xi32>
    %mul3A_843 = arith.muli %select_n3A_840, %mul3A_842 : vector<16xi32>
    %add3A_844 = arith.addi %mul3A_818, %mul3A_843 : vector<16xi32>
    %add3A_845 = arith.addi %add3A_844, %iota3A : vector<16xi32>
    %add3A_846 = arith.constant 0 : i32
    %add3A_847 = vector.broadcast %add3A_846 : i32 to vector<16xi32>
    %add3A_848 = arith.addi %select_n3A_784, %add3A_847 : vector<16xi32>
    %add3A_849 = arith.constant 16 : i32
    %add3A_850 = vector.broadcast %add3A_849 : i32 to vector<16xi32>
    %add3A_851 = arith.addi %select_n3A_784, %add3A_850 : vector<16xi32>
    %add3A_852 = arith.constant 9 : i32
    %add3A_853 = vector.broadcast %add3A_852 : i32 to vector<16xi32>
    %add3A_854 = arith.addi %iota3A, %add3A_853 : vector<16xi32>
    %jit3A_855 = arith.constant 16 : i32
    %eq3A_856 = arith.constant 0 : i32
    %eq3A_857 = arith.cmpi eq, %jit3A_855, %eq3A_856 : i32
    %jit3A_858 = arith.constant 1 : i32
    %select_n3A_859 = arith.select %eq3A_857, %jit3A_858, %jit3A_855 : i32
    %rem3A_860 = vector.broadcast %select_n3A_859 : i32 to vector<16xi32>
    %rem3A_861 = arith.remsi %add3A_854, %rem3A_860 : vector<16xi32>
    %ne3A_862 = arith.constant 0 : i32
    %ne3A_863 = vector.broadcast %ne3A_862 : i32 to vector<16xi32>
    %ne3A_864 = arith.cmpi ne, %rem3A_861, %ne3A_863 : vector<16xi32>
    %lt3A_865 = arith.constant 0 : i32
    %lt3A_866 = vector.broadcast %lt3A_865 : i32 to vector<16xi32>
    %lt3A_867 = arith.cmpi slt, %rem3A_861, %lt3A_866 : vector<16xi32>
    %lt3A_868 = arith.constant 0 : i32
    %lt3A_869 = arith.cmpi slt, %select_n3A_859, %lt3A_868 : i32
    %ne3A_870 = vector.broadcast %lt3A_869 : i1 to vector<16xi1>
    %ne3A_871 = vector.broadcast %ne3A_870 : vector<16xi1> to vector<16xi1>
    %ne3A_872 = arith.xori %lt3A_867, %ne3A_871 : vector<16xi1>
    %and3A_873 = arith.andi %ne3A_872, %ne3A_864 : vector<16xi1>
    %add3A_874 = vector.broadcast %select_n3A_859 : i32 to vector<16xi32>
    %add3A_875 = arith.addi %rem3A_861, %add3A_874 : vector<16xi32>
    %select_n3A_876 = arith.select %and3A_873, %add3A_875, %rem3A_861 : vector<16xi1>, vector<16xi32>
    %jit3A_877 = arith.constant 8 : i32
    %div3A_878 = vector.broadcast %jit3A_877 : i32 to vector<16xi32>
    %div3A_879 = arith.divsi %select_n3A_876, %div3A_878 : vector<16xi32>
    %sign3A_880 = arith.constant 0 : i32
    %sign3A_881 = vector.broadcast %sign3A_880 : i32 to vector<16xi32>
    %sign3A_882 = arith.cmpi sgt, %select_n3A_876, %sign3A_881 : vector<16xi32>
    %sign3A_883 = arith.extui %sign3A_882 : vector<16xi1> to vector<16xi32>
    %sign3A_884 = arith.constant 0 : i32
    %sign3A_885 = vector.broadcast %sign3A_884 : i32 to vector<16xi32>
    %sign3A_886 = arith.cmpi slt, %select_n3A_876, %sign3A_885 : vector<16xi32>
    %sign3A_887 = arith.extui %sign3A_886 : vector<16xi1> to vector<16xi32>
    %sign3A_888 = arith.subi %sign3A_883, %sign3A_887 : vector<16xi32>
    %sign3A_889 = arith.constant 0 : i32
    %sign3A_890 = arith.cmpi sgt, %jit3A_877, %sign3A_889 : i32
    %sign3A_891 = arith.extui %sign3A_890 : i1 to i32
    %sign3A_892 = arith.constant 0 : i32
    %sign3A_893 = arith.cmpi slt, %jit3A_877, %sign3A_892 : i32
    %sign3A_894 = arith.extui %sign3A_893 : i1 to i32
    %sign3A_895 = arith.subi %sign3A_891, %sign3A_894 : i32
    %ne3A_896 = vector.broadcast %sign3A_895 : i32 to vector<16xi32>
    %ne3A_897 = arith.cmpi ne, %sign3A_888, %ne3A_896 : vector<16xi32>
    %rem3A_898 = vector.broadcast %jit3A_877 : i32 to vector<16xi32>
    %rem3A_899 = arith.remsi %select_n3A_876, %rem3A_898 : vector<16xi32>
    %ne3A_900 = arith.constant 0 : i32
    %ne3A_901 = vector.broadcast %ne3A_900 : i32 to vector<16xi32>
    %ne3A_902 = arith.cmpi ne, %rem3A_899, %ne3A_901 : vector<16xi32>
    %and3A_903 = arith.andi %ne3A_897, %ne3A_902 : vector<16xi1>
    %sub3A_904 = arith.constant 1 : i32
    %sub3A_905 = vector.broadcast %sub3A_904 : i32 to vector<16xi32>
    %sub3A_906 = arith.subi %div3A_879, %sub3A_905 : vector<16xi32>
    %select_n3A_907 = arith.select %and3A_903, %sub3A_906, %div3A_879 : vector<16xi1>, vector<16xi32>
    %mul3A_908 = arith.constant 8192 : i32
    %mul3A_909 = vector.broadcast %mul3A_908 : i32 to vector<16xi32>
    %mul3A_910 = arith.muli %select_n3A_907, %mul3A_909 : vector<16xi32>
    %jit3A_911 = arith.constant 8 : i32
    %eq3A_912 = arith.constant 0 : i32
    %eq3A_913 = arith.cmpi eq, %jit3A_911, %eq3A_912 : i32
    %jit3A_914 = arith.constant 1 : i32
    %select_n3A_915 = arith.select %eq3A_913, %jit3A_914, %jit3A_911 : i32
    %rem3A_916 = vector.broadcast %select_n3A_915 : i32 to vector<16xi32>
    %rem3A_917 = arith.remsi %select_n3A_876, %rem3A_916 : vector<16xi32>
    %ne3A_918 = arith.constant 0 : i32
    %ne3A_919 = vector.broadcast %ne3A_918 : i32 to vector<16xi32>
    %ne3A_920 = arith.cmpi ne, %rem3A_917, %ne3A_919 : vector<16xi32>
    %lt3A_921 = arith.constant 0 : i32
    %lt3A_922 = vector.broadcast %lt3A_921 : i32 to vector<16xi32>
    %lt3A_923 = arith.cmpi slt, %rem3A_917, %lt3A_922 : vector<16xi32>
    %lt3A_924 = arith.constant 0 : i32
    %lt3A_925 = arith.cmpi slt, %select_n3A_915, %lt3A_924 : i32
    %ne3A_926 = vector.broadcast %lt3A_925 : i1 to vector<16xi1>
    %ne3A_927 = vector.broadcast %ne3A_926 : vector<16xi1> to vector<16xi1>
    %ne3A_928 = arith.xori %lt3A_923, %ne3A_927 : vector<16xi1>
    %and3A_929 = arith.andi %ne3A_928, %ne3A_920 : vector<16xi1>
    %add3A_930 = vector.broadcast %select_n3A_915 : i32 to vector<16xi32>
    %add3A_931 = arith.addi %rem3A_917, %add3A_930 : vector<16xi32>
    %select_n3A_932 = arith.select %and3A_929, %add3A_931, %rem3A_917 : vector<16xi1>, vector<16xi32>
    %mul3A_933 = arith.constant 128 : i32
    %mul3A_934 = vector.broadcast %mul3A_933 : i32 to vector<16xi32>
    %mul3A_935 = arith.muli %select_n3A_932, %mul3A_934 : vector<16xi32>
    %add3A_936 = arith.addi %mul3A_910, %mul3A_935 : vector<16xi32>
    %add3A_937 = arith.addi %add3A_936, %iota3A : vector<16xi32>
    %add3A_938 = arith.constant 0 : i32
    %add3A_939 = vector.broadcast %add3A_938 : i32 to vector<16xi32>
    %add3A_940 = arith.addi %select_n3A_876, %add3A_939 : vector<16xi32>
    %add3A_941 = arith.constant 16 : i32
    %add3A_942 = vector.broadcast %add3A_941 : i32 to vector<16xi32>
    %add3A_943 = arith.addi %select_n3A_876, %add3A_942 : vector<16xi32>
    %add3A_944 = arith.constant 10 : i32
    %add3A_945 = vector.broadcast %add3A_944 : i32 to vector<16xi32>
    %add3A_946 = arith.addi %iota3A, %add3A_945 : vector<16xi32>
    %jit3A_947 = arith.constant 16 : i32
    %eq3A_948 = arith.constant 0 : i32
    %eq3A_949 = arith.cmpi eq, %jit3A_947, %eq3A_948 : i32
    %jit3A_950 = arith.constant 1 : i32
    %select_n3A_951 = arith.select %eq3A_949, %jit3A_950, %jit3A_947 : i32
    %rem3A_952 = vector.broadcast %select_n3A_951 : i32 to vector<16xi32>
    %rem3A_953 = arith.remsi %add3A_946, %rem3A_952 : vector<16xi32>
    %ne3A_954 = arith.constant 0 : i32
    %ne3A_955 = vector.broadcast %ne3A_954 : i32 to vector<16xi32>
    %ne3A_956 = arith.cmpi ne, %rem3A_953, %ne3A_955 : vector<16xi32>
    %lt3A_957 = arith.constant 0 : i32
    %lt3A_958 = vector.broadcast %lt3A_957 : i32 to vector<16xi32>
    %lt3A_959 = arith.cmpi slt, %rem3A_953, %lt3A_958 : vector<16xi32>
    %lt3A_960 = arith.constant 0 : i32
    %lt3A_961 = arith.cmpi slt, %select_n3A_951, %lt3A_960 : i32
    %ne3A_962 = vector.broadcast %lt3A_961 : i1 to vector<16xi1>
    %ne3A_963 = vector.broadcast %ne3A_962 : vector<16xi1> to vector<16xi1>
    %ne3A_964 = arith.xori %lt3A_959, %ne3A_963 : vector<16xi1>
    %and3A_965 = arith.andi %ne3A_964, %ne3A_956 : vector<16xi1>
    %add3A_966 = vector.broadcast %select_n3A_951 : i32 to vector<16xi32>
    %add3A_967 = arith.addi %rem3A_953, %add3A_966 : vector<16xi32>
    %select_n3A_968 = arith.select %and3A_965, %add3A_967, %rem3A_953 : vector<16xi1>, vector<16xi32>
    %jit3A_969 = arith.constant 8 : i32
    %div3A_970 = vector.broadcast %jit3A_969 : i32 to vector<16xi32>
    %div3A_971 = arith.divsi %select_n3A_968, %div3A_970 : vector<16xi32>
    %sign3A_972 = arith.constant 0 : i32
    %sign3A_973 = vector.broadcast %sign3A_972 : i32 to vector<16xi32>
    %sign3A_974 = arith.cmpi sgt, %select_n3A_968, %sign3A_973 : vector<16xi32>
    %sign3A_975 = arith.extui %sign3A_974 : vector<16xi1> to vector<16xi32>
    %sign3A_976 = arith.constant 0 : i32
    %sign3A_977 = vector.broadcast %sign3A_976 : i32 to vector<16xi32>
    %sign3A_978 = arith.cmpi slt, %select_n3A_968, %sign3A_977 : vector<16xi32>
    %sign3A_979 = arith.extui %sign3A_978 : vector<16xi1> to vector<16xi32>
    %sign3A_980 = arith.subi %sign3A_975, %sign3A_979 : vector<16xi32>
    %sign3A_981 = arith.constant 0 : i32
    %sign3A_982 = arith.cmpi sgt, %jit3A_969, %sign3A_981 : i32
    %sign3A_983 = arith.extui %sign3A_982 : i1 to i32
    %sign3A_984 = arith.constant 0 : i32
    %sign3A_985 = arith.cmpi slt, %jit3A_969, %sign3A_984 : i32
    %sign3A_986 = arith.extui %sign3A_985 : i1 to i32
    %sign3A_987 = arith.subi %sign3A_983, %sign3A_986 : i32
    %ne3A_988 = vector.broadcast %sign3A_987 : i32 to vector<16xi32>
    %ne3A_989 = arith.cmpi ne, %sign3A_980, %ne3A_988 : vector<16xi32>
    %rem3A_990 = vector.broadcast %jit3A_969 : i32 to vector<16xi32>
    %rem3A_991 = arith.remsi %select_n3A_968, %rem3A_990 : vector<16xi32>
    %ne3A_992 = arith.constant 0 : i32
    %ne3A_993 = vector.broadcast %ne3A_992 : i32 to vector<16xi32>
    %ne3A_994 = arith.cmpi ne, %rem3A_991, %ne3A_993 : vector<16xi32>
    %and3A_995 = arith.andi %ne3A_989, %ne3A_994 : vector<16xi1>
    %sub3A_996 = arith.constant 1 : i32
    %sub3A_997 = vector.broadcast %sub3A_996 : i32 to vector<16xi32>
    %sub3A_998 = arith.subi %div3A_971, %sub3A_997 : vector<16xi32>
    %select_n3A_999 = arith.select %and3A_995, %sub3A_998, %div3A_971 : vector<16xi1>, vector<16xi32>
    %mul3A_1000 = arith.constant 8192 : i32
    %mul3A_1001 = vector.broadcast %mul3A_1000 : i32 to vector<16xi32>
    %mul3A_1002 = arith.muli %select_n3A_999, %mul3A_1001 : vector<16xi32>
    %jit3A_1003 = arith.constant 8 : i32
    %eq3A_1004 = arith.constant 0 : i32
    %eq3A_1005 = arith.cmpi eq, %jit3A_1003, %eq3A_1004 : i32
    %jit3A_1006 = arith.constant 1 : i32
    %select_n3A_1007 = arith.select %eq3A_1005, %jit3A_1006, %jit3A_1003 : i32
    %rem3A_1008 = vector.broadcast %select_n3A_1007 : i32 to vector<16xi32>
    %rem3A_1009 = arith.remsi %select_n3A_968, %rem3A_1008 : vector<16xi32>
    %ne3A_1010 = arith.constant 0 : i32
    %ne3A_1011 = vector.broadcast %ne3A_1010 : i32 to vector<16xi32>
    %ne3A_1012 = arith.cmpi ne, %rem3A_1009, %ne3A_1011 : vector<16xi32>
    %lt3A_1013 = arith.constant 0 : i32
    %lt3A_1014 = vector.broadcast %lt3A_1013 : i32 to vector<16xi32>
    %lt3A_1015 = arith.cmpi slt, %rem3A_1009, %lt3A_1014 : vector<16xi32>
    %lt3A_1016 = arith.constant 0 : i32
    %lt3A_1017 = arith.cmpi slt, %select_n3A_1007, %lt3A_1016 : i32
    %ne3A_1018 = vector.broadcast %lt3A_1017 : i1 to vector<16xi1>
    %ne3A_1019 = vector.broadcast %ne3A_1018 : vector<16xi1> to vector<16xi1>
    %ne3A_1020 = arith.xori %lt3A_1015, %ne3A_1019 : vector<16xi1>
    %and3A_1021 = arith.andi %ne3A_1020, %ne3A_1012 : vector<16xi1>
    %add3A_1022 = vector.broadcast %select_n3A_1007 : i32 to vector<16xi32>
    %add3A_1023 = arith.addi %rem3A_1009, %add3A_1022 : vector<16xi32>
    %select_n3A_1024 = arith.select %and3A_1021, %add3A_1023, %rem3A_1009 : vector<16xi1>, vector<16xi32>
    %mul3A_1025 = arith.constant 128 : i32
    %mul3A_1026 = vector.broadcast %mul3A_1025 : i32 to vector<16xi32>
    %mul3A_1027 = arith.muli %select_n3A_1024, %mul3A_1026 : vector<16xi32>
    %add3A_1028 = arith.addi %mul3A_1002, %mul3A_1027 : vector<16xi32>
    %add3A_1029 = arith.addi %add3A_1028, %iota3A : vector<16xi32>
    %add3A_1030 = arith.constant 0 : i32
    %add3A_1031 = vector.broadcast %add3A_1030 : i32 to vector<16xi32>
    %add3A_1032 = arith.addi %select_n3A_968, %add3A_1031 : vector<16xi32>
    %add3A_1033 = arith.constant 16 : i32
    %add3A_1034 = vector.broadcast %add3A_1033 : i32 to vector<16xi32>
    %add3A_1035 = arith.addi %select_n3A_968, %add3A_1034 : vector<16xi32>
    %add3A_1036 = arith.constant 11 : i32
    %add3A_1037 = vector.broadcast %add3A_1036 : i32 to vector<16xi32>
    %add3A_1038 = arith.addi %iota3A, %add3A_1037 : vector<16xi32>
    %jit3A_1039 = arith.constant 16 : i32
    %eq3A_1040 = arith.constant 0 : i32
    %eq3A_1041 = arith.cmpi eq, %jit3A_1039, %eq3A_1040 : i32
    %jit3A_1042 = arith.constant 1 : i32
    %select_n3A_1043 = arith.select %eq3A_1041, %jit3A_1042, %jit3A_1039 : i32
    %rem3A_1044 = vector.broadcast %select_n3A_1043 : i32 to vector<16xi32>
    %rem3A_1045 = arith.remsi %add3A_1038, %rem3A_1044 : vector<16xi32>
    %ne3A_1046 = arith.constant 0 : i32
    %ne3A_1047 = vector.broadcast %ne3A_1046 : i32 to vector<16xi32>
    %ne3A_1048 = arith.cmpi ne, %rem3A_1045, %ne3A_1047 : vector<16xi32>
    %lt3A_1049 = arith.constant 0 : i32
    %lt3A_1050 = vector.broadcast %lt3A_1049 : i32 to vector<16xi32>
    %lt3A_1051 = arith.cmpi slt, %rem3A_1045, %lt3A_1050 : vector<16xi32>
    %lt3A_1052 = arith.constant 0 : i32
    %lt3A_1053 = arith.cmpi slt, %select_n3A_1043, %lt3A_1052 : i32
    %ne3A_1054 = vector.broadcast %lt3A_1053 : i1 to vector<16xi1>
    %ne3A_1055 = vector.broadcast %ne3A_1054 : vector<16xi1> to vector<16xi1>
    %ne3A_1056 = arith.xori %lt3A_1051, %ne3A_1055 : vector<16xi1>
    %and3A_1057 = arith.andi %ne3A_1056, %ne3A_1048 : vector<16xi1>
    %add3A_1058 = vector.broadcast %select_n3A_1043 : i32 to vector<16xi32>
    %add3A_1059 = arith.addi %rem3A_1045, %add3A_1058 : vector<16xi32>
    %select_n3A_1060 = arith.select %and3A_1057, %add3A_1059, %rem3A_1045 : vector<16xi1>, vector<16xi32>
    %jit3A_1061 = arith.constant 8 : i32
    %div3A_1062 = vector.broadcast %jit3A_1061 : i32 to vector<16xi32>
    %div3A_1063 = arith.divsi %select_n3A_1060, %div3A_1062 : vector<16xi32>
    %sign3A_1064 = arith.constant 0 : i32
    %sign3A_1065 = vector.broadcast %sign3A_1064 : i32 to vector<16xi32>
    %sign3A_1066 = arith.cmpi sgt, %select_n3A_1060, %sign3A_1065 : vector<16xi32>
    %sign3A_1067 = arith.extui %sign3A_1066 : vector<16xi1> to vector<16xi32>
    %sign3A_1068 = arith.constant 0 : i32
    %sign3A_1069 = vector.broadcast %sign3A_1068 : i32 to vector<16xi32>
    %sign3A_1070 = arith.cmpi slt, %select_n3A_1060, %sign3A_1069 : vector<16xi32>
    %sign3A_1071 = arith.extui %sign3A_1070 : vector<16xi1> to vector<16xi32>
    %sign3A_1072 = arith.subi %sign3A_1067, %sign3A_1071 : vector<16xi32>
    %sign3A_1073 = arith.constant 0 : i32
    %sign3A_1074 = arith.cmpi sgt, %jit3A_1061, %sign3A_1073 : i32
    %sign3A_1075 = arith.extui %sign3A_1074 : i1 to i32
    %sign3A_1076 = arith.constant 0 : i32
    %sign3A_1077 = arith.cmpi slt, %jit3A_1061, %sign3A_1076 : i32
    %sign3A_1078 = arith.extui %sign3A_1077 : i1 to i32
    %sign3A_1079 = arith.subi %sign3A_1075, %sign3A_1078 : i32
    %ne3A_1080 = vector.broadcast %sign3A_1079 : i32 to vector<16xi32>
    %ne3A_1081 = arith.cmpi ne, %sign3A_1072, %ne3A_1080 : vector<16xi32>
    %rem3A_1082 = vector.broadcast %jit3A_1061 : i32 to vector<16xi32>
    %rem3A_1083 = arith.remsi %select_n3A_1060, %rem3A_1082 : vector<16xi32>
    %ne3A_1084 = arith.constant 0 : i32
    %ne3A_1085 = vector.broadcast %ne3A_1084 : i32 to vector<16xi32>
    %ne3A_1086 = arith.cmpi ne, %rem3A_1083, %ne3A_1085 : vector<16xi32>
    %and3A_1087 = arith.andi %ne3A_1081, %ne3A_1086 : vector<16xi1>
    %sub3A_1088 = arith.constant 1 : i32
    %sub3A_1089 = vector.broadcast %sub3A_1088 : i32 to vector<16xi32>
    %sub3A_1090 = arith.subi %div3A_1063, %sub3A_1089 : vector<16xi32>
    %select_n3A_1091 = arith.select %and3A_1087, %sub3A_1090, %div3A_1063 : vector<16xi1>, vector<16xi32>
    %mul3A_1092 = arith.constant 8192 : i32
    %mul3A_1093 = vector.broadcast %mul3A_1092 : i32 to vector<16xi32>
    %mul3A_1094 = arith.muli %select_n3A_1091, %mul3A_1093 : vector<16xi32>
    %jit3A_1095 = arith.constant 8 : i32
    %eq3A_1096 = arith.constant 0 : i32
    %eq3A_1097 = arith.cmpi eq, %jit3A_1095, %eq3A_1096 : i32
    %jit3A_1098 = arith.constant 1 : i32
    %select_n3A_1099 = arith.select %eq3A_1097, %jit3A_1098, %jit3A_1095 : i32
    %rem3A_1100 = vector.broadcast %select_n3A_1099 : i32 to vector<16xi32>
    %rem3A_1101 = arith.remsi %select_n3A_1060, %rem3A_1100 : vector<16xi32>
    %ne3A_1102 = arith.constant 0 : i32
    %ne3A_1103 = vector.broadcast %ne3A_1102 : i32 to vector<16xi32>
    %ne3A_1104 = arith.cmpi ne, %rem3A_1101, %ne3A_1103 : vector<16xi32>
    %lt3A_1105 = arith.constant 0 : i32
    %lt3A_1106 = vector.broadcast %lt3A_1105 : i32 to vector<16xi32>
    %lt3A_1107 = arith.cmpi slt, %rem3A_1101, %lt3A_1106 : vector<16xi32>
    %lt3A_1108 = arith.constant 0 : i32
    %lt3A_1109 = arith.cmpi slt, %select_n3A_1099, %lt3A_1108 : i32
    %ne3A_1110 = vector.broadcast %lt3A_1109 : i1 to vector<16xi1>
    %ne3A_1111 = vector.broadcast %ne3A_1110 : vector<16xi1> to vector<16xi1>
    %ne3A_1112 = arith.xori %lt3A_1107, %ne3A_1111 : vector<16xi1>
    %and3A_1113 = arith.andi %ne3A_1112, %ne3A_1104 : vector<16xi1>
    %add3A_1114 = vector.broadcast %select_n3A_1099 : i32 to vector<16xi32>
    %add3A_1115 = arith.addi %rem3A_1101, %add3A_1114 : vector<16xi32>
    %select_n3A_1116 = arith.select %and3A_1113, %add3A_1115, %rem3A_1101 : vector<16xi1>, vector<16xi32>
    %mul3A_1117 = arith.constant 128 : i32
    %mul3A_1118 = vector.broadcast %mul3A_1117 : i32 to vector<16xi32>
    %mul3A_1119 = arith.muli %select_n3A_1116, %mul3A_1118 : vector<16xi32>
    %add3A_1120 = arith.addi %mul3A_1094, %mul3A_1119 : vector<16xi32>
    %add3A_1121 = arith.addi %add3A_1120, %iota3A : vector<16xi32>
    %add3A_1122 = arith.constant 0 : i32
    %add3A_1123 = vector.broadcast %add3A_1122 : i32 to vector<16xi32>
    %add3A_1124 = arith.addi %select_n3A_1060, %add3A_1123 : vector<16xi32>
    %add3A_1125 = arith.constant 16 : i32
    %add3A_1126 = vector.broadcast %add3A_1125 : i32 to vector<16xi32>
    %add3A_1127 = arith.addi %select_n3A_1060, %add3A_1126 : vector<16xi32>
    %add3A_1128 = arith.constant 12 : i32
    %add3A_1129 = vector.broadcast %add3A_1128 : i32 to vector<16xi32>
    %add3A_1130 = arith.addi %iota3A, %add3A_1129 : vector<16xi32>
    %jit3A_1131 = arith.constant 16 : i32
    %eq3A_1132 = arith.constant 0 : i32
    %eq3A_1133 = arith.cmpi eq, %jit3A_1131, %eq3A_1132 : i32
    %jit3A_1134 = arith.constant 1 : i32
    %select_n3A_1135 = arith.select %eq3A_1133, %jit3A_1134, %jit3A_1131 : i32
    %rem3A_1136 = vector.broadcast %select_n3A_1135 : i32 to vector<16xi32>
    %rem3A_1137 = arith.remsi %add3A_1130, %rem3A_1136 : vector<16xi32>
    %ne3A_1138 = arith.constant 0 : i32
    %ne3A_1139 = vector.broadcast %ne3A_1138 : i32 to vector<16xi32>
    %ne3A_1140 = arith.cmpi ne, %rem3A_1137, %ne3A_1139 : vector<16xi32>
    %lt3A_1141 = arith.constant 0 : i32
    %lt3A_1142 = vector.broadcast %lt3A_1141 : i32 to vector<16xi32>
    %lt3A_1143 = arith.cmpi slt, %rem3A_1137, %lt3A_1142 : vector<16xi32>
    %lt3A_1144 = arith.constant 0 : i32
    %lt3A_1145 = arith.cmpi slt, %select_n3A_1135, %lt3A_1144 : i32
    %ne3A_1146 = vector.broadcast %lt3A_1145 : i1 to vector<16xi1>
    %ne3A_1147 = vector.broadcast %ne3A_1146 : vector<16xi1> to vector<16xi1>
    %ne3A_1148 = arith.xori %lt3A_1143, %ne3A_1147 : vector<16xi1>
    %and3A_1149 = arith.andi %ne3A_1148, %ne3A_1140 : vector<16xi1>
    %add3A_1150 = vector.broadcast %select_n3A_1135 : i32 to vector<16xi32>
    %add3A_1151 = arith.addi %rem3A_1137, %add3A_1150 : vector<16xi32>
    %select_n3A_1152 = arith.select %and3A_1149, %add3A_1151, %rem3A_1137 : vector<16xi1>, vector<16xi32>
    %jit3A_1153 = arith.constant 8 : i32
    %div3A_1154 = vector.broadcast %jit3A_1153 : i32 to vector<16xi32>
    %div3A_1155 = arith.divsi %select_n3A_1152, %div3A_1154 : vector<16xi32>
    %sign3A_1156 = arith.constant 0 : i32
    %sign3A_1157 = vector.broadcast %sign3A_1156 : i32 to vector<16xi32>
    %sign3A_1158 = arith.cmpi sgt, %select_n3A_1152, %sign3A_1157 : vector<16xi32>
    %sign3A_1159 = arith.extui %sign3A_1158 : vector<16xi1> to vector<16xi32>
    %sign3A_1160 = arith.constant 0 : i32
    %sign3A_1161 = vector.broadcast %sign3A_1160 : i32 to vector<16xi32>
    %sign3A_1162 = arith.cmpi slt, %select_n3A_1152, %sign3A_1161 : vector<16xi32>
    %sign3A_1163 = arith.extui %sign3A_1162 : vector<16xi1> to vector<16xi32>
    %sign3A_1164 = arith.subi %sign3A_1159, %sign3A_1163 : vector<16xi32>
    %sign3A_1165 = arith.constant 0 : i32
    %sign3A_1166 = arith.cmpi sgt, %jit3A_1153, %sign3A_1165 : i32
    %sign3A_1167 = arith.extui %sign3A_1166 : i1 to i32
    %sign3A_1168 = arith.constant 0 : i32
    %sign3A_1169 = arith.cmpi slt, %jit3A_1153, %sign3A_1168 : i32
    %sign3A_1170 = arith.extui %sign3A_1169 : i1 to i32
    %sign3A_1171 = arith.subi %sign3A_1167, %sign3A_1170 : i32
    %ne3A_1172 = vector.broadcast %sign3A_1171 : i32 to vector<16xi32>
    %ne3A_1173 = arith.cmpi ne, %sign3A_1164, %ne3A_1172 : vector<16xi32>
    %rem3A_1174 = vector.broadcast %jit3A_1153 : i32 to vector<16xi32>
    %rem3A_1175 = arith.remsi %select_n3A_1152, %rem3A_1174 : vector<16xi32>
    %ne3A_1176 = arith.constant 0 : i32
    %ne3A_1177 = vector.broadcast %ne3A_1176 : i32 to vector<16xi32>
    %ne3A_1178 = arith.cmpi ne, %rem3A_1175, %ne3A_1177 : vector<16xi32>
    %and3A_1179 = arith.andi %ne3A_1173, %ne3A_1178 : vector<16xi1>
    %sub3A_1180 = arith.constant 1 : i32
    %sub3A_1181 = vector.broadcast %sub3A_1180 : i32 to vector<16xi32>
    %sub3A_1182 = arith.subi %div3A_1155, %sub3A_1181 : vector<16xi32>
    %select_n3A_1183 = arith.select %and3A_1179, %sub3A_1182, %div3A_1155 : vector<16xi1>, vector<16xi32>
    %mul3A_1184 = arith.constant 8192 : i32
    %mul3A_1185 = vector.broadcast %mul3A_1184 : i32 to vector<16xi32>
    %mul3A_1186 = arith.muli %select_n3A_1183, %mul3A_1185 : vector<16xi32>
    %jit3A_1187 = arith.constant 8 : i32
    %eq3A_1188 = arith.constant 0 : i32
    %eq3A_1189 = arith.cmpi eq, %jit3A_1187, %eq3A_1188 : i32
    %jit3A_1190 = arith.constant 1 : i32
    %select_n3A_1191 = arith.select %eq3A_1189, %jit3A_1190, %jit3A_1187 : i32
    %rem3A_1192 = vector.broadcast %select_n3A_1191 : i32 to vector<16xi32>
    %rem3A_1193 = arith.remsi %select_n3A_1152, %rem3A_1192 : vector<16xi32>
    %ne3A_1194 = arith.constant 0 : i32
    %ne3A_1195 = vector.broadcast %ne3A_1194 : i32 to vector<16xi32>
    %ne3A_1196 = arith.cmpi ne, %rem3A_1193, %ne3A_1195 : vector<16xi32>
    %lt3A_1197 = arith.constant 0 : i32
    %lt3A_1198 = vector.broadcast %lt3A_1197 : i32 to vector<16xi32>
    %lt3A_1199 = arith.cmpi slt, %rem3A_1193, %lt3A_1198 : vector<16xi32>
    %lt3A_1200 = arith.constant 0 : i32
    %lt3A_1201 = arith.cmpi slt, %select_n3A_1191, %lt3A_1200 : i32
    %ne3A_1202 = vector.broadcast %lt3A_1201 : i1 to vector<16xi1>
    %ne3A_1203 = vector.broadcast %ne3A_1202 : vector<16xi1> to vector<16xi1>
    %ne3A_1204 = arith.xori %lt3A_1199, %ne3A_1203 : vector<16xi1>
    %and3A_1205 = arith.andi %ne3A_1204, %ne3A_1196 : vector<16xi1>
    %add3A_1206 = vector.broadcast %select_n3A_1191 : i32 to vector<16xi32>
    %add3A_1207 = arith.addi %rem3A_1193, %add3A_1206 : vector<16xi32>
    %select_n3A_1208 = arith.select %and3A_1205, %add3A_1207, %rem3A_1193 : vector<16xi1>, vector<16xi32>
    %mul3A_1209 = arith.constant 128 : i32
    %mul3A_1210 = vector.broadcast %mul3A_1209 : i32 to vector<16xi32>
    %mul3A_1211 = arith.muli %select_n3A_1208, %mul3A_1210 : vector<16xi32>
    %add3A_1212 = arith.addi %mul3A_1186, %mul3A_1211 : vector<16xi32>
    %add3A_1213 = arith.addi %add3A_1212, %iota3A : vector<16xi32>
    %add3A_1214 = arith.constant 0 : i32
    %add3A_1215 = vector.broadcast %add3A_1214 : i32 to vector<16xi32>
    %add3A_1216 = arith.addi %select_n3A_1152, %add3A_1215 : vector<16xi32>
    %add3A_1217 = arith.constant 16 : i32
    %add3A_1218 = vector.broadcast %add3A_1217 : i32 to vector<16xi32>
    %add3A_1219 = arith.addi %select_n3A_1152, %add3A_1218 : vector<16xi32>
    %add3A_1220 = arith.constant 13 : i32
    %add3A_1221 = vector.broadcast %add3A_1220 : i32 to vector<16xi32>
    %add3A_1222 = arith.addi %iota3A, %add3A_1221 : vector<16xi32>
    %jit3A_1223 = arith.constant 16 : i32
    %eq3A_1224 = arith.constant 0 : i32
    %eq3A_1225 = arith.cmpi eq, %jit3A_1223, %eq3A_1224 : i32
    %jit3A_1226 = arith.constant 1 : i32
    %select_n3A_1227 = arith.select %eq3A_1225, %jit3A_1226, %jit3A_1223 : i32
    %rem3A_1228 = vector.broadcast %select_n3A_1227 : i32 to vector<16xi32>
    %rem3A_1229 = arith.remsi %add3A_1222, %rem3A_1228 : vector<16xi32>
    %ne3A_1230 = arith.constant 0 : i32
    %ne3A_1231 = vector.broadcast %ne3A_1230 : i32 to vector<16xi32>
    %ne3A_1232 = arith.cmpi ne, %rem3A_1229, %ne3A_1231 : vector<16xi32>
    %lt3A_1233 = arith.constant 0 : i32
    %lt3A_1234 = vector.broadcast %lt3A_1233 : i32 to vector<16xi32>
    %lt3A_1235 = arith.cmpi slt, %rem3A_1229, %lt3A_1234 : vector<16xi32>
    %lt3A_1236 = arith.constant 0 : i32
    %lt3A_1237 = arith.cmpi slt, %select_n3A_1227, %lt3A_1236 : i32
    %ne3A_1238 = vector.broadcast %lt3A_1237 : i1 to vector<16xi1>
    %ne3A_1239 = vector.broadcast %ne3A_1238 : vector<16xi1> to vector<16xi1>
    %ne3A_1240 = arith.xori %lt3A_1235, %ne3A_1239 : vector<16xi1>
    %and3A_1241 = arith.andi %ne3A_1240, %ne3A_1232 : vector<16xi1>
    %add3A_1242 = vector.broadcast %select_n3A_1227 : i32 to vector<16xi32>
    %add3A_1243 = arith.addi %rem3A_1229, %add3A_1242 : vector<16xi32>
    %select_n3A_1244 = arith.select %and3A_1241, %add3A_1243, %rem3A_1229 : vector<16xi1>, vector<16xi32>
    %jit3A_1245 = arith.constant 8 : i32
    %div3A_1246 = vector.broadcast %jit3A_1245 : i32 to vector<16xi32>
    %div3A_1247 = arith.divsi %select_n3A_1244, %div3A_1246 : vector<16xi32>
    %sign3A_1248 = arith.constant 0 : i32
    %sign3A_1249 = vector.broadcast %sign3A_1248 : i32 to vector<16xi32>
    %sign3A_1250 = arith.cmpi sgt, %select_n3A_1244, %sign3A_1249 : vector<16xi32>
    %sign3A_1251 = arith.extui %sign3A_1250 : vector<16xi1> to vector<16xi32>
    %sign3A_1252 = arith.constant 0 : i32
    %sign3A_1253 = vector.broadcast %sign3A_1252 : i32 to vector<16xi32>
    %sign3A_1254 = arith.cmpi slt, %select_n3A_1244, %sign3A_1253 : vector<16xi32>
    %sign3A_1255 = arith.extui %sign3A_1254 : vector<16xi1> to vector<16xi32>
    %sign3A_1256 = arith.subi %sign3A_1251, %sign3A_1255 : vector<16xi32>
    %sign3A_1257 = arith.constant 0 : i32
    %sign3A_1258 = arith.cmpi sgt, %jit3A_1245, %sign3A_1257 : i32
    %sign3A_1259 = arith.extui %sign3A_1258 : i1 to i32
    %sign3A_1260 = arith.constant 0 : i32
    %sign3A_1261 = arith.cmpi slt, %jit3A_1245, %sign3A_1260 : i32
    %sign3A_1262 = arith.extui %sign3A_1261 : i1 to i32
    %sign3A_1263 = arith.subi %sign3A_1259, %sign3A_1262 : i32
    %ne3A_1264 = vector.broadcast %sign3A_1263 : i32 to vector<16xi32>
    %ne3A_1265 = arith.cmpi ne, %sign3A_1256, %ne3A_1264 : vector<16xi32>
    %rem3A_1266 = vector.broadcast %jit3A_1245 : i32 to vector<16xi32>
    %rem3A_1267 = arith.remsi %select_n3A_1244, %rem3A_1266 : vector<16xi32>
    %ne3A_1268 = arith.constant 0 : i32
    %ne3A_1269 = vector.broadcast %ne3A_1268 : i32 to vector<16xi32>
    %ne3A_1270 = arith.cmpi ne, %rem3A_1267, %ne3A_1269 : vector<16xi32>
    %and3A_1271 = arith.andi %ne3A_1265, %ne3A_1270 : vector<16xi1>
    %sub3A_1272 = arith.constant 1 : i32
    %sub3A_1273 = vector.broadcast %sub3A_1272 : i32 to vector<16xi32>
    %sub3A_1274 = arith.subi %div3A_1247, %sub3A_1273 : vector<16xi32>
    %select_n3A_1275 = arith.select %and3A_1271, %sub3A_1274, %div3A_1247 : vector<16xi1>, vector<16xi32>
    %mul3A_1276 = arith.constant 8192 : i32
    %mul3A_1277 = vector.broadcast %mul3A_1276 : i32 to vector<16xi32>
    %mul3A_1278 = arith.muli %select_n3A_1275, %mul3A_1277 : vector<16xi32>
    %jit3A_1279 = arith.constant 8 : i32
    %eq3A_1280 = arith.constant 0 : i32
    %eq3A_1281 = arith.cmpi eq, %jit3A_1279, %eq3A_1280 : i32
    %jit3A_1282 = arith.constant 1 : i32
    %select_n3A_1283 = arith.select %eq3A_1281, %jit3A_1282, %jit3A_1279 : i32
    %rem3A_1284 = vector.broadcast %select_n3A_1283 : i32 to vector<16xi32>
    %rem3A_1285 = arith.remsi %select_n3A_1244, %rem3A_1284 : vector<16xi32>
    %ne3A_1286 = arith.constant 0 : i32
    %ne3A_1287 = vector.broadcast %ne3A_1286 : i32 to vector<16xi32>
    %ne3A_1288 = arith.cmpi ne, %rem3A_1285, %ne3A_1287 : vector<16xi32>
    %lt3A_1289 = arith.constant 0 : i32
    %lt3A_1290 = vector.broadcast %lt3A_1289 : i32 to vector<16xi32>
    %lt3A_1291 = arith.cmpi slt, %rem3A_1285, %lt3A_1290 : vector<16xi32>
    %lt3A_1292 = arith.constant 0 : i32
    %lt3A_1293 = arith.cmpi slt, %select_n3A_1283, %lt3A_1292 : i32
    %ne3A_1294 = vector.broadcast %lt3A_1293 : i1 to vector<16xi1>
    %ne3A_1295 = vector.broadcast %ne3A_1294 : vector<16xi1> to vector<16xi1>
    %ne3A_1296 = arith.xori %lt3A_1291, %ne3A_1295 : vector<16xi1>
    %and3A_1297 = arith.andi %ne3A_1296, %ne3A_1288 : vector<16xi1>
    %add3A_1298 = vector.broadcast %select_n3A_1283 : i32 to vector<16xi32>
    %add3A_1299 = arith.addi %rem3A_1285, %add3A_1298 : vector<16xi32>
    %select_n3A_1300 = arith.select %and3A_1297, %add3A_1299, %rem3A_1285 : vector<16xi1>, vector<16xi32>
    %mul3A_1301 = arith.constant 128 : i32
    %mul3A_1302 = vector.broadcast %mul3A_1301 : i32 to vector<16xi32>
    %mul3A_1303 = arith.muli %select_n3A_1300, %mul3A_1302 : vector<16xi32>
    %add3A_1304 = arith.addi %mul3A_1278, %mul3A_1303 : vector<16xi32>
    %add3A_1305 = arith.addi %add3A_1304, %iota3A : vector<16xi32>
    %add3A_1306 = arith.constant 0 : i32
    %add3A_1307 = vector.broadcast %add3A_1306 : i32 to vector<16xi32>
    %add3A_1308 = arith.addi %select_n3A_1244, %add3A_1307 : vector<16xi32>
    %add3A_1309 = arith.constant 16 : i32
    %add3A_1310 = vector.broadcast %add3A_1309 : i32 to vector<16xi32>
    %add3A_1311 = arith.addi %select_n3A_1244, %add3A_1310 : vector<16xi32>
    %add3A_1312 = arith.constant 14 : i32
    %add3A_1313 = vector.broadcast %add3A_1312 : i32 to vector<16xi32>
    %add3A_1314 = arith.addi %iota3A, %add3A_1313 : vector<16xi32>
    %jit3A_1315 = arith.constant 16 : i32
    %eq3A_1316 = arith.constant 0 : i32
    %eq3A_1317 = arith.cmpi eq, %jit3A_1315, %eq3A_1316 : i32
    %jit3A_1318 = arith.constant 1 : i32
    %select_n3A_1319 = arith.select %eq3A_1317, %jit3A_1318, %jit3A_1315 : i32
    %rem3A_1320 = vector.broadcast %select_n3A_1319 : i32 to vector<16xi32>
    %rem3A_1321 = arith.remsi %add3A_1314, %rem3A_1320 : vector<16xi32>
    %ne3A_1322 = arith.constant 0 : i32
    %ne3A_1323 = vector.broadcast %ne3A_1322 : i32 to vector<16xi32>
    %ne3A_1324 = arith.cmpi ne, %rem3A_1321, %ne3A_1323 : vector<16xi32>
    %lt3A_1325 = arith.constant 0 : i32
    %lt3A_1326 = vector.broadcast %lt3A_1325 : i32 to vector<16xi32>
    %lt3A_1327 = arith.cmpi slt, %rem3A_1321, %lt3A_1326 : vector<16xi32>
    %lt3A_1328 = arith.constant 0 : i32
    %lt3A_1329 = arith.cmpi slt, %select_n3A_1319, %lt3A_1328 : i32
    %ne3A_1330 = vector.broadcast %lt3A_1329 : i1 to vector<16xi1>
    %ne3A_1331 = vector.broadcast %ne3A_1330 : vector<16xi1> to vector<16xi1>
    %ne3A_1332 = arith.xori %lt3A_1327, %ne3A_1331 : vector<16xi1>
    %and3A_1333 = arith.andi %ne3A_1332, %ne3A_1324 : vector<16xi1>
    %add3A_1334 = vector.broadcast %select_n3A_1319 : i32 to vector<16xi32>
    %add3A_1335 = arith.addi %rem3A_1321, %add3A_1334 : vector<16xi32>
    %select_n3A_1336 = arith.select %and3A_1333, %add3A_1335, %rem3A_1321 : vector<16xi1>, vector<16xi32>
    %jit3A_1337 = arith.constant 8 : i32
    %div3A_1338 = vector.broadcast %jit3A_1337 : i32 to vector<16xi32>
    %div3A_1339 = arith.divsi %select_n3A_1336, %div3A_1338 : vector<16xi32>
    %sign3A_1340 = arith.constant 0 : i32
    %sign3A_1341 = vector.broadcast %sign3A_1340 : i32 to vector<16xi32>
    %sign3A_1342 = arith.cmpi sgt, %select_n3A_1336, %sign3A_1341 : vector<16xi32>
    %sign3A_1343 = arith.extui %sign3A_1342 : vector<16xi1> to vector<16xi32>
    %sign3A_1344 = arith.constant 0 : i32
    %sign3A_1345 = vector.broadcast %sign3A_1344 : i32 to vector<16xi32>
    %sign3A_1346 = arith.cmpi slt, %select_n3A_1336, %sign3A_1345 : vector<16xi32>
    %sign3A_1347 = arith.extui %sign3A_1346 : vector<16xi1> to vector<16xi32>
    %sign3A_1348 = arith.subi %sign3A_1343, %sign3A_1347 : vector<16xi32>
    %sign3A_1349 = arith.constant 0 : i32
    %sign3A_1350 = arith.cmpi sgt, %jit3A_1337, %sign3A_1349 : i32
    %sign3A_1351 = arith.extui %sign3A_1350 : i1 to i32
    %sign3A_1352 = arith.constant 0 : i32
    %sign3A_1353 = arith.cmpi slt, %jit3A_1337, %sign3A_1352 : i32
    %sign3A_1354 = arith.extui %sign3A_1353 : i1 to i32
    %sign3A_1355 = arith.subi %sign3A_1351, %sign3A_1354 : i32
    %ne3A_1356 = vector.broadcast %sign3A_1355 : i32 to vector<16xi32>
    %ne3A_1357 = arith.cmpi ne, %sign3A_1348, %ne3A_1356 : vector<16xi32>
    %rem3A_1358 = vector.broadcast %jit3A_1337 : i32 to vector<16xi32>
    %rem3A_1359 = arith.remsi %select_n3A_1336, %rem3A_1358 : vector<16xi32>
    %ne3A_1360 = arith.constant 0 : i32
    %ne3A_1361 = vector.broadcast %ne3A_1360 : i32 to vector<16xi32>
    %ne3A_1362 = arith.cmpi ne, %rem3A_1359, %ne3A_1361 : vector<16xi32>
    %and3A_1363 = arith.andi %ne3A_1357, %ne3A_1362 : vector<16xi1>
    %sub3A_1364 = arith.constant 1 : i32
    %sub3A_1365 = vector.broadcast %sub3A_1364 : i32 to vector<16xi32>
    %sub3A_1366 = arith.subi %div3A_1339, %sub3A_1365 : vector<16xi32>
    %select_n3A_1367 = arith.select %and3A_1363, %sub3A_1366, %div3A_1339 : vector<16xi1>, vector<16xi32>
    %mul3A_1368 = arith.constant 8192 : i32
    %mul3A_1369 = vector.broadcast %mul3A_1368 : i32 to vector<16xi32>
    %mul3A_1370 = arith.muli %select_n3A_1367, %mul3A_1369 : vector<16xi32>
    %jit3A_1371 = arith.constant 8 : i32
    %eq3A_1372 = arith.constant 0 : i32
    %eq3A_1373 = arith.cmpi eq, %jit3A_1371, %eq3A_1372 : i32
    %jit3A_1374 = arith.constant 1 : i32
    %select_n3A_1375 = arith.select %eq3A_1373, %jit3A_1374, %jit3A_1371 : i32
    %rem3A_1376 = vector.broadcast %select_n3A_1375 : i32 to vector<16xi32>
    %rem3A_1377 = arith.remsi %select_n3A_1336, %rem3A_1376 : vector<16xi32>
    %ne3A_1378 = arith.constant 0 : i32
    %ne3A_1379 = vector.broadcast %ne3A_1378 : i32 to vector<16xi32>
    %ne3A_1380 = arith.cmpi ne, %rem3A_1377, %ne3A_1379 : vector<16xi32>
    %lt3A_1381 = arith.constant 0 : i32
    %lt3A_1382 = vector.broadcast %lt3A_1381 : i32 to vector<16xi32>
    %lt3A_1383 = arith.cmpi slt, %rem3A_1377, %lt3A_1382 : vector<16xi32>
    %lt3A_1384 = arith.constant 0 : i32
    %lt3A_1385 = arith.cmpi slt, %select_n3A_1375, %lt3A_1384 : i32
    %ne3A_1386 = vector.broadcast %lt3A_1385 : i1 to vector<16xi1>
    %ne3A_1387 = vector.broadcast %ne3A_1386 : vector<16xi1> to vector<16xi1>
    %ne3A_1388 = arith.xori %lt3A_1383, %ne3A_1387 : vector<16xi1>
    %and3A_1389 = arith.andi %ne3A_1388, %ne3A_1380 : vector<16xi1>
    %add3A_1390 = vector.broadcast %select_n3A_1375 : i32 to vector<16xi32>
    %add3A_1391 = arith.addi %rem3A_1377, %add3A_1390 : vector<16xi32>
    %select_n3A_1392 = arith.select %and3A_1389, %add3A_1391, %rem3A_1377 : vector<16xi1>, vector<16xi32>
    %mul3A_1393 = arith.constant 128 : i32
    %mul3A_1394 = vector.broadcast %mul3A_1393 : i32 to vector<16xi32>
    %mul3A_1395 = arith.muli %select_n3A_1392, %mul3A_1394 : vector<16xi32>
    %add3A_1396 = arith.addi %mul3A_1370, %mul3A_1395 : vector<16xi32>
    %add3A_1397 = arith.addi %add3A_1396, %iota3A : vector<16xi32>
    %add3A_1398 = arith.constant 0 : i32
    %add3A_1399 = vector.broadcast %add3A_1398 : i32 to vector<16xi32>
    %add3A_1400 = arith.addi %select_n3A_1336, %add3A_1399 : vector<16xi32>
    %add3A_1401 = arith.constant 16 : i32
    %add3A_1402 = vector.broadcast %add3A_1401 : i32 to vector<16xi32>
    %add3A_1403 = arith.addi %select_n3A_1336, %add3A_1402 : vector<16xi32>
    %add3A_1404 = arith.constant 15 : i32
    %add3A_1405 = vector.broadcast %add3A_1404 : i32 to vector<16xi32>
    %add3A_1406 = arith.addi %iota3A, %add3A_1405 : vector<16xi32>
    %jit3A_1407 = arith.constant 16 : i32
    %eq3A_1408 = arith.constant 0 : i32
    %eq3A_1409 = arith.cmpi eq, %jit3A_1407, %eq3A_1408 : i32
    %jit3A_1410 = arith.constant 1 : i32
    %select_n3A_1411 = arith.select %eq3A_1409, %jit3A_1410, %jit3A_1407 : i32
    %rem3A_1412 = vector.broadcast %select_n3A_1411 : i32 to vector<16xi32>
    %rem3A_1413 = arith.remsi %add3A_1406, %rem3A_1412 : vector<16xi32>
    %ne3A_1414 = arith.constant 0 : i32
    %ne3A_1415 = vector.broadcast %ne3A_1414 : i32 to vector<16xi32>
    %ne3A_1416 = arith.cmpi ne, %rem3A_1413, %ne3A_1415 : vector<16xi32>
    %lt3A_1417 = arith.constant 0 : i32
    %lt3A_1418 = vector.broadcast %lt3A_1417 : i32 to vector<16xi32>
    %lt3A_1419 = arith.cmpi slt, %rem3A_1413, %lt3A_1418 : vector<16xi32>
    %lt3A_1420 = arith.constant 0 : i32
    %lt3A_1421 = arith.cmpi slt, %select_n3A_1411, %lt3A_1420 : i32
    %ne3A_1422 = vector.broadcast %lt3A_1421 : i1 to vector<16xi1>
    %ne3A_1423 = vector.broadcast %ne3A_1422 : vector<16xi1> to vector<16xi1>
    %ne3A_1424 = arith.xori %lt3A_1419, %ne3A_1423 : vector<16xi1>
    %and3A_1425 = arith.andi %ne3A_1424, %ne3A_1416 : vector<16xi1>
    %add3A_1426 = vector.broadcast %select_n3A_1411 : i32 to vector<16xi32>
    %add3A_1427 = arith.addi %rem3A_1413, %add3A_1426 : vector<16xi32>
    %select_n3A_1428 = arith.select %and3A_1425, %add3A_1427, %rem3A_1413 : vector<16xi1>, vector<16xi32>
    %jit3A_1429 = arith.constant 8 : i32
    %div3A_1430 = vector.broadcast %jit3A_1429 : i32 to vector<16xi32>
    %div3A_1431 = arith.divsi %select_n3A_1428, %div3A_1430 : vector<16xi32>
    %sign3A_1432 = arith.constant 0 : i32
    %sign3A_1433 = vector.broadcast %sign3A_1432 : i32 to vector<16xi32>
    %sign3A_1434 = arith.cmpi sgt, %select_n3A_1428, %sign3A_1433 : vector<16xi32>
    %sign3A_1435 = arith.extui %sign3A_1434 : vector<16xi1> to vector<16xi32>
    %sign3A_1436 = arith.constant 0 : i32
    %sign3A_1437 = vector.broadcast %sign3A_1436 : i32 to vector<16xi32>
    %sign3A_1438 = arith.cmpi slt, %select_n3A_1428, %sign3A_1437 : vector<16xi32>
    %sign3A_1439 = arith.extui %sign3A_1438 : vector<16xi1> to vector<16xi32>
    %sign3A_1440 = arith.subi %sign3A_1435, %sign3A_1439 : vector<16xi32>
    %sign3A_1441 = arith.constant 0 : i32
    %sign3A_1442 = arith.cmpi sgt, %jit3A_1429, %sign3A_1441 : i32
    %sign3A_1443 = arith.extui %sign3A_1442 : i1 to i32
    %sign3A_1444 = arith.constant 0 : i32
    %sign3A_1445 = arith.cmpi slt, %jit3A_1429, %sign3A_1444 : i32
    %sign3A_1446 = arith.extui %sign3A_1445 : i1 to i32
    %sign3A_1447 = arith.subi %sign3A_1443, %sign3A_1446 : i32
    %ne3A_1448 = vector.broadcast %sign3A_1447 : i32 to vector<16xi32>
    %ne3A_1449 = arith.cmpi ne, %sign3A_1440, %ne3A_1448 : vector<16xi32>
    %rem3A_1450 = vector.broadcast %jit3A_1429 : i32 to vector<16xi32>
    %rem3A_1451 = arith.remsi %select_n3A_1428, %rem3A_1450 : vector<16xi32>
    %ne3A_1452 = arith.constant 0 : i32
    %ne3A_1453 = vector.broadcast %ne3A_1452 : i32 to vector<16xi32>
    %ne3A_1454 = arith.cmpi ne, %rem3A_1451, %ne3A_1453 : vector<16xi32>
    %and3A_1455 = arith.andi %ne3A_1449, %ne3A_1454 : vector<16xi1>
    %sub3A_1456 = arith.constant 1 : i32
    %sub3A_1457 = vector.broadcast %sub3A_1456 : i32 to vector<16xi32>
    %sub3A_1458 = arith.subi %div3A_1431, %sub3A_1457 : vector<16xi32>
    %select_n3A_1459 = arith.select %and3A_1455, %sub3A_1458, %div3A_1431 : vector<16xi1>, vector<16xi32>
    %mul3A_1460 = arith.constant 8192 : i32
    %mul3A_1461 = vector.broadcast %mul3A_1460 : i32 to vector<16xi32>
    %mul3A_1462 = arith.muli %select_n3A_1459, %mul3A_1461 : vector<16xi32>
    %jit3A_1463 = arith.constant 8 : i32
    %eq3A_1464 = arith.constant 0 : i32
    %eq3A_1465 = arith.cmpi eq, %jit3A_1463, %eq3A_1464 : i32
    %jit3A_1466 = arith.constant 1 : i32
    %select_n3A_1467 = arith.select %eq3A_1465, %jit3A_1466, %jit3A_1463 : i32
    %rem3A_1468 = vector.broadcast %select_n3A_1467 : i32 to vector<16xi32>
    %rem3A_1469 = arith.remsi %select_n3A_1428, %rem3A_1468 : vector<16xi32>
    %ne3A_1470 = arith.constant 0 : i32
    %ne3A_1471 = vector.broadcast %ne3A_1470 : i32 to vector<16xi32>
    %ne3A_1472 = arith.cmpi ne, %rem3A_1469, %ne3A_1471 : vector<16xi32>
    %lt3A_1473 = arith.constant 0 : i32
    %lt3A_1474 = vector.broadcast %lt3A_1473 : i32 to vector<16xi32>
    %lt3A_1475 = arith.cmpi slt, %rem3A_1469, %lt3A_1474 : vector<16xi32>
    %lt3A_1476 = arith.constant 0 : i32
    %lt3A_1477 = arith.cmpi slt, %select_n3A_1467, %lt3A_1476 : i32
    %ne3A_1478 = vector.broadcast %lt3A_1477 : i1 to vector<16xi1>
    %ne3A_1479 = vector.broadcast %ne3A_1478 : vector<16xi1> to vector<16xi1>
    %ne3A_1480 = arith.xori %lt3A_1475, %ne3A_1479 : vector<16xi1>
    %and3A_1481 = arith.andi %ne3A_1480, %ne3A_1472 : vector<16xi1>
    %add3A_1482 = vector.broadcast %select_n3A_1467 : i32 to vector<16xi32>
    %add3A_1483 = arith.addi %rem3A_1469, %add3A_1482 : vector<16xi32>
    %select_n3A_1484 = arith.select %and3A_1481, %add3A_1483, %rem3A_1469 : vector<16xi1>, vector<16xi32>
    %mul3A_1485 = arith.constant 128 : i32
    %mul3A_1486 = vector.broadcast %mul3A_1485 : i32 to vector<16xi32>
    %mul3A_1487 = arith.muli %select_n3A_1484, %mul3A_1486 : vector<16xi32>
    %add3A_1488 = arith.addi %mul3A_1462, %mul3A_1487 : vector<16xi32>
    %add3A_1489 = arith.addi %add3A_1488, %iota3A : vector<16xi32>
    %add3A_1490 = arith.constant 0 : i32
    %add3A_1491 = vector.broadcast %add3A_1490 : i32 to vector<16xi32>
    %add3A_1492 = arith.addi %select_n3A_1428, %add3A_1491 : vector<16xi32>
    %add3A_1493 = arith.constant 16 : i32
    %add3A_1494 = vector.broadcast %add3A_1493 : i32 to vector<16xi32>
    %add3A_1495 = arith.addi %select_n3A_1428, %add3A_1494 : vector<16xi32>
    %add3A_1496 = arith.constant 0 : i32
    %add3A_1497 = arith.addi %mul3A_23, %add3A_1496 : i32
    %dma_start3A = arith.constant 0 : i32
    %dma_start3A_1498 = arith.constant 0 : i32
    %dma_start3A_1499 = arith.constant 0 : i32
    %dma_start3A_1500 = tpu.memref_slice %arg5[%dma_start3A, %dma_start3A_1499] : memref<2x1024xi32, #tpu.memory_space<vmem>> -> memref<1x1024xi32, #tpu.memory_space<vmem>>
    %dma_start3A_1501 = tpu.memref_squeeze %dma_start3A_1500 : memref<1x1024xi32, #tpu.memory_space<vmem>> -> memref<1024xi32, #tpu.memory_space<vmem>>
    %dma_start3A_1502 = tpu.memref_slice %arg2[%add3A_1497, %mul3A_21] : memref<200x16384xi32, #tpu.memory_space<hbm>> -> memref<1x1024xi32, #tpu.memory_space<hbm>>
    %dma_start3A_1503 = tpu.memref_squeeze %dma_start3A_1502 : memref<1x1024xi32, #tpu.memory_space<hbm>> -> memref<1024xi32, #tpu.memory_space<hbm>>
    %dma_start3A_1504 = tpu.memref_slice %arg8[%dma_start3A_1498] : memref<2x!tpu.dma_semaphore, #tpu.memory_space<semaphore_mem>> -> memref<1x!tpu.dma_semaphore, #tpu.memory_space<semaphore_mem>>
    %dma_start3A_1505 = tpu.memref_squeeze %dma_start3A_1504 : memref<1x!tpu.dma_semaphore, #tpu.memory_space<semaphore_mem>> -> memref<!tpu.dma_semaphore, #tpu.memory_space<semaphore_mem>>
    %dma_start3A_1506 = arith.constant 0 : i32
    %dma_start3A_1507 = tpu.memref_slice %arg5[%dma_start3A, %dma_start3A_1506] : memref<2x1024xi32, #tpu.memory_space<vmem>> -> memref<1x1024xi32, #tpu.memory_space<vmem>>
    %dma_start3A_1508 = tpu.memref_squeeze %dma_start3A_1507 : memref<1x1024xi32, #tpu.memory_space<vmem>> -> memref<1024xi32, #tpu.memory_space<vmem>>
    %dma_start3A_1509 = tpu.memref_slice %arg2[%add3A_1497, %mul3A_21] : memref<200x16384xi32, #tpu.memory_space<hbm>> -> memref<1x1024xi32, #tpu.memory_space<hbm>>
    %dma_start3A_1510 = tpu.memref_squeeze %dma_start3A_1509 : memref<1x1024xi32, #tpu.memory_space<hbm>> -> memref<1024xi32, #tpu.memory_space<hbm>>
    tpu.enqueue_dma source(%dma_start3A_1510 : memref<1024xi32, #tpu.memory_space<hbm>>) target(%dma_start3A_1508 : memref<1024xi32, #tpu.memory_space<vmem>>) target_semaphore(%dma_start3A_1505 : memref<!tpu.dma_semaphore, #tpu.memory_space<semaphore_mem>>)
    %add3A_1511 = arith.constant 1 : i32
    %add3A_1512 = arith.addi %mul3A_23, %add3A_1511 : i32
    %dma_start3A_1513 = arith.constant 1 : i32
    %dma_start3A_1514 = arith.constant 1 : i32
    %dma_start3A_1515 = arith.constant 0 : i32
    %dma_start3A_1516 = tpu.memref_slice %arg5[%dma_start3A_1513, %dma_start3A_1515] : memref<2x1024xi32, #tpu.memory_space<vmem>> -> memref<1x1024xi32, #tpu.memory_space<vmem>>
    %dma_start3A_1517 = tpu.memref_squeeze %dma_start3A_1516 : memref<1x1024xi32, #tpu.memory_space<vmem>> -> memref<1024xi32, #tpu.memory_space<vmem>>
    %dma_start3A_1518 = tpu.memref_slice %arg2[%add3A_1512, %mul3A_21] : memref<200x16384xi32, #tpu.memory_space<hbm>> -> memref<1x1024xi32, #tpu.memory_space<hbm>>
    %dma_start3A_1519 = tpu.memref_squeeze %dma_start3A_1518 : memref<1x1024xi32, #tpu.memory_space<hbm>> -> memref<1024xi32, #tpu.memory_space<hbm>>
    %dma_start3A_1520 = tpu.memref_slice %arg8[%dma_start3A_1514] : memref<2x!tpu.dma_semaphore, #tpu.memory_space<semaphore_mem>> -> memref<1x!tpu.dma_semaphore, #tpu.memory_space<semaphore_mem>>
    %dma_start3A_1521 = tpu.memref_squeeze %dma_start3A_1520 : memref<1x!tpu.dma_semaphore, #tpu.memory_space<semaphore_mem>> -> memref<!tpu.dma_semaphore, #tpu.memory_space<semaphore_mem>>
    %dma_start3A_1522 = arith.constant 0 : i32
    %dma_start3A_1523 = tpu.memref_slice %arg5[%dma_start3A_1513, %dma_start3A_1522] : memref<2x1024xi32, #tpu.memory_space<vmem>> -> memref<1x1024xi32, #tpu.memory_space<vmem>>
    %dma_start3A_1524 = tpu.memref_squeeze %dma_start3A_1523 : memref<1x1024xi32, #tpu.memory_space<vmem>> -> memref<1024xi32, #tpu.memory_space<vmem>>
    %dma_start3A_1525 = tpu.memref_slice %arg2[%add3A_1512, %mul3A_21] : memref<200x16384xi32, #tpu.memory_space<hbm>> -> memref<1x1024xi32, #tpu.memory_space<hbm>>
    %dma_start3A_1526 = tpu.memref_squeeze %dma_start3A_1525 : memref<1x1024xi32, #tpu.memory_space<hbm>> -> memref<1024xi32, #tpu.memory_space<hbm>>
    tpu.enqueue_dma source(%dma_start3A_1526 : memref<1024xi32, #tpu.memory_space<hbm>>) target(%dma_start3A_1524 : memref<1024xi32, #tpu.memory_space<vmem>>) target_semaphore(%dma_start3A_1521 : memref<!tpu.dma_semaphore, #tpu.memory_space<semaphore_mem>>)
    %dma_wait3A = arith.constant 0 : i32
    %dma_wait3A_1527 = arith.constant 0 : i32
    %dma_wait3A_1528 = arith.constant 0 : i32
    %dma_wait3A_1529 = arith.constant 0 : i32
    %dma_wait3A_1530 = tpu.memref_slice %arg5[%dma_wait3A_1527, %dma_wait3A_1529] : memref<2x1024xi32, #tpu.memory_space<vmem>> -> memref<1x1024xi32, #tpu.memory_space<vmem>>
    %dma_wait3A_1531 = tpu.memref_squeeze %dma_wait3A_1530 : memref<1x1024xi32, #tpu.memory_space<vmem>> -> memref<1024xi32, #tpu.memory_space<vmem>>
    %dma_wait3A_1532 = tpu.memref_slice %arg2[%dma_wait3A, %mul3A_21] : memref<200x16384xi32, #tpu.memory_space<hbm>> -> memref<1x1024xi32, #tpu.memory_space<hbm>>
    %dma_wait3A_1533 = tpu.memref_squeeze %dma_wait3A_1532 : memref<1x1024xi32, #tpu.memory_space<hbm>> -> memref<1024xi32, #tpu.memory_space<hbm>>
    %dma_wait3A_1534 = tpu.memref_slice %arg8[%dma_wait3A_1528] : memref<2x!tpu.dma_semaphore, #tpu.memory_space<semaphore_mem>> -> memref<1x!tpu.dma_semaphore, #tpu.memory_space<semaphore_mem>>
    %dma_wait3A_1535 = tpu.memref_squeeze %dma_wait3A_1534 : memref<1x!tpu.dma_semaphore, #tpu.memory_space<semaphore_mem>> -> memref<!tpu.dma_semaphore, #tpu.memory_space<semaphore_mem>>
    %dma_wait3A_1536 = arith.constant 0 : i32
    %dma_wait3A_1537 = tpu.memref_slice %arg5[%dma_wait3A_1527, %dma_wait3A_1536] : memref<2x1024xi32, #tpu.memory_space<vmem>> -> memref<1x1024xi32, #tpu.memory_space<vmem>>
    %dma_wait3A_1538 = tpu.memref_squeeze %dma_wait3A_1537 : memref<1x1024xi32, #tpu.memory_space<vmem>> -> memref<1024xi32, #tpu.memory_space<vmem>>
    %dma_wait3A_1539 = tpu.memref_slice %arg2[%dma_wait3A, %mul3A_21] : memref<200x16384xi32, #tpu.memory_space<hbm>> -> memref<1x1024xi32, #tpu.memory_space<hbm>>
    %dma_wait3A_1540 = tpu.memref_squeeze %dma_wait3A_1539 : memref<1x1024xi32, #tpu.memory_space<hbm>> -> memref<1024xi32, #tpu.memory_space<hbm>>
    tpu.wait_dma2 semaphore(%dma_wait3A_1535 : memref<!tpu.dma_semaphore, #tpu.memory_space<semaphore_mem>>) src(%dma_wait3A_1540 : memref<1024xi32, #tpu.memory_space<hbm>>) dst(%dma_wait3A_1538 : memref<1024xi32, #tpu.memory_space<vmem>>)
    %dma_start3A_1541 = arith.constant 0 : i32
    %dma_start3A_1542 = arith.constant 0 : i32
    %dma_start3A_1543 = arith.constant 0 : i32
    %dma_start3A_1544 = arith.constant 0 : i32
    %dma_start3A_1545 = arith.constant 0 : i32
    %dma_start3A_1546 = tpu.memref_slice %arg6[%dma_start3A_1542, %dma_start3A_1544, %dma_start3A_1545] : memref<2x1024x32xf32, #tpu.memory_space<vmem>> -> memref<1x1024x32xf32, #tpu.memory_space<vmem>>
    %dma_start3A_1547 = tpu.memref_squeeze %dma_start3A_1546 : memref<1x1024x32xf32, #tpu.memory_space<vmem>> -> memref<1024x32xf32, #tpu.memory_space<vmem>>
    %dma_start3A_1548 = arith.constant 0 : i32
    %dma_start3A_1549 = tpu.memref_slice %arg5[%dma_start3A_1541, %dma_start3A_1548] : memref<2x1024xi32, #tpu.memory_space<vmem>> -> memref<1x1024xi32, #tpu.memory_space<vmem>>
    %dma_start3A_1550 = tpu.memref_squeeze %dma_start3A_1549 : memref<1x1024xi32, #tpu.memory_space<vmem>> -> memref<1024xi32, #tpu.memory_space<vmem>>
    %dma_start3A_1551 = arith.constant 0 : i32
    %dma_start3A_1552 = arith.constant 0 : i32
    %dma_start3A_1553 = tpu.memref_slice %arg3[%dma_start3A_1551, %dma_start3A_1552] : memref<1000000x32xf32, #tpu.memory_space<hbm>> -> memref<1000000x32xf32, #tpu.memory_space<hbm>>
    %dma_start3A_1554 = tpu.memref_slice %arg9[%dma_start3A_1543] : memref<2x!tpu.dma_semaphore, #tpu.memory_space<semaphore_mem>> -> memref<1x!tpu.dma_semaphore, #tpu.memory_space<semaphore_mem>>
    %dma_start3A_1555 = tpu.memref_squeeze %dma_start3A_1554 : memref<1x!tpu.dma_semaphore, #tpu.memory_space<semaphore_mem>> -> memref<!tpu.dma_semaphore, #tpu.memory_space<semaphore_mem>>
    tpu.enqueue_indirect_dma source(%dma_start3A_1553 : memref<1000000x32xf32, #tpu.memory_space<hbm>>) target(%dma_start3A_1547 : memref<1024x32xf32, #tpu.memory_space<vmem>>) offsets(%dma_start3A_1550 : memref<1024xi32, #tpu.memory_space<vmem>>) semaphore(%dma_start3A_1555 : memref<!tpu.dma_semaphore, #tpu.memory_space<semaphore_mem>>)
    %scan3A = arith.constant 0 : i32
    %scan3A_1556 = arith.constant 0 : i32
    %scan3A_1557 = arith.constant 50 : i32
    %scan3A_1558 = arith.addi %scan3A_1556, %scan3A_1557 : i32
    %scan3A_1559 = arith.constant 1 : i32
    scf.for %scan3A_1629 = %scan3A_1556 to %scan3A_1558 step %scan3A_1559  : i32 {
      %mul3A_1630 = arith.constant 2 : i32
      %mul3A_1631 = arith.muli %mul3A_1630, %scan3A_1629 : i32
      %add3A_1632 = arith.constant 0 : i32
      %add3A_1633 = arith.addi %mul3A_1631, %add3A_1632 : i32
      %add3A_1634 = arith.constant 1 : i32
      %add3A_1635 = arith.addi %add3A_1633, %add3A_1634 : i32
      %lt3A_1636 = arith.constant 100 : i32
      %lt3A_1637 = arith.cmpi slt, %add3A_1635, %lt3A_1636 : i32
      %convert_element_type3A = arith.extui %lt3A_1637 : i1 to i32
      %cond3A = arith.constant 0 : i32
      %cond3A_1638 = arith.cmpi ne, %convert_element_type3A, %cond3A : i32
      scf.if %cond3A_1638 {
        %dma_wait3A_1905 = arith.constant 0 : i32
        %dma_wait3A_1906 = arith.constant 1 : i32
        %dma_wait3A_1907 = arith.constant 1 : i32
        %dma_wait3A_1908 = arith.constant 0 : i32
        %dma_wait3A_1909 = tpu.memref_slice %arg5[%dma_wait3A_1906, %dma_wait3A_1908] : memref<2x1024xi32, #tpu.memory_space<vmem>> -> memref<1x1024xi32, #tpu.memory_space<vmem>>
        %dma_wait3A_1910 = tpu.memref_squeeze %dma_wait3A_1909 : memref<1x1024xi32, #tpu.memory_space<vmem>> -> memref<1024xi32, #tpu.memory_space<vmem>>
        %dma_wait3A_1911 = tpu.memref_slice %arg2[%dma_wait3A_1905, %mul3A_21] : memref<200x16384xi32, #tpu.memory_space<hbm>> -> memref<1x1024xi32, #tpu.memory_space<hbm>>
        %dma_wait3A_1912 = tpu.memref_squeeze %dma_wait3A_1911 : memref<1x1024xi32, #tpu.memory_space<hbm>> -> memref<1024xi32, #tpu.memory_space<hbm>>
        %dma_wait3A_1913 = tpu.memref_slice %arg8[%dma_wait3A_1907] : memref<2x!tpu.dma_semaphore, #tpu.memory_space<semaphore_mem>> -> memref<1x!tpu.dma_semaphore, #tpu.memory_space<semaphore_mem>>
        %dma_wait3A_1914 = tpu.memref_squeeze %dma_wait3A_1913 : memref<1x!tpu.dma_semaphore, #tpu.memory_space<semaphore_mem>> -> memref<!tpu.dma_semaphore, #tpu.memory_space<semaphore_mem>>
        %dma_wait3A_1915 = arith.constant 0 : i32
        %dma_wait3A_1916 = tpu.memref_slice %arg5[%dma_wait3A_1906, %dma_wait3A_1915] : memref<2x1024xi32, #tpu.memory_space<vmem>> -> memref<1x1024xi32, #tpu.memory_space<vmem>>
        %dma_wait3A_1917 = tpu.memref_squeeze %dma_wait3A_1916 : memref<1x1024xi32, #tpu.memory_space<vmem>> -> memref<1024xi32, #tpu.memory_space<vmem>>
        %dma_wait3A_1918 = tpu.memref_slice %arg2[%dma_wait3A_1905, %mul3A_21] : memref<200x16384xi32, #tpu.memory_space<hbm>> -> memref<1x1024xi32, #tpu.memory_space<hbm>>
        %dma_wait3A_1919 = tpu.memref_squeeze %dma_wait3A_1918 : memref<1x1024xi32, #tpu.memory_space<hbm>> -> memref<1024xi32, #tpu.memory_space<hbm>>
        tpu.wait_dma2 semaphore(%dma_wait3A_1914 : memref<!tpu.dma_semaphore, #tpu.memory_space<semaphore_mem>>) src(%dma_wait3A_1919 : memref<1024xi32, #tpu.memory_space<hbm>>) dst(%dma_wait3A_1917 : memref<1024xi32, #tpu.memory_space<vmem>>)
        %dma_start3A_1920 = arith.constant 1 : i32
        %dma_start3A_1921 = arith.constant 1 : i32
        %dma_start3A_1922 = arith.constant 1 : i32
        %dma_start3A_1923 = arith.constant 0 : i32
        %dma_start3A_1924 = arith.constant 0 : i32
        %dma_start3A_1925 = tpu.memref_slice %arg6[%dma_start3A_1921, %dma_start3A_1923, %dma_start3A_1924] : memref<2x1024x32xf32, #tpu.memory_space<vmem>> -> memref<1x1024x32xf32, #tpu.memory_space<vmem>>
        %dma_start3A_1926 = tpu.memref_squeeze %dma_start3A_1925 : memref<1x1024x32xf32, #tpu.memory_space<vmem>> -> memref<1024x32xf32, #tpu.memory_space<vmem>>
        %dma_start3A_1927 = arith.constant 0 : i32
        %dma_start3A_1928 = tpu.memref_slice %arg5[%dma_start3A_1920, %dma_start3A_1927] : memref<2x1024xi32, #tpu.memory_space<vmem>> -> memref<1x1024xi32, #tpu.memory_space<vmem>>
        %dma_start3A_1929 = tpu.memref_squeeze %dma_start3A_1928 : memref<1x1024xi32, #tpu.memory_space<vmem>> -> memref<1024xi32, #tpu.memory_space<vmem>>
        %dma_start3A_1930 = arith.constant 0 : i32
        %dma_start3A_1931 = arith.constant 0 : i32
        %dma_start3A_1932 = tpu.memref_slice %arg3[%dma_start3A_1930, %dma_start3A_1931] : memref<1000000x32xf32, #tpu.memory_space<hbm>> -> memref<1000000x32xf32, #tpu.memory_space<hbm>>
        %dma_start3A_1933 = tpu.memref_slice %arg9[%dma_start3A_1922] : memref<2x!tpu.dma_semaphore, #tpu.memory_space<semaphore_mem>> -> memref<1x!tpu.dma_semaphore, #tpu.memory_space<semaphore_mem>>
        %dma_start3A_1934 = tpu.memref_squeeze %dma_start3A_1933 : memref<1x!tpu.dma_semaphore, #tpu.memory_space<semaphore_mem>> -> memref<!tpu.dma_semaphore, #tpu.memory_space<semaphore_mem>>
        tpu.enqueue_indirect_dma source(%dma_start3A_1932 : memref<1000000x32xf32, #tpu.memory_space<hbm>>) target(%dma_start3A_1926 : memref<1024x32xf32, #tpu.memory_space<vmem>>) offsets(%dma_start3A_1929 : memref<1024xi32, #tpu.memory_space<vmem>>) semaphore(%dma_start3A_1934 : memref<!tpu.dma_semaphore, #tpu.memory_space<semaphore_mem>>)
      } else {
      }
      %dma_wait3A_1639 = arith.constant 0 : i32
      %dma_wait3A_1640 = arith.constant 0 : i32
      %dma_wait3A_1641 = arith.constant 0 : i32
      %dma_wait3A_1642 = arith.constant 0 : i32
      %dma_wait3A_1643 = arith.constant 0 : i32
      %dma_wait3A_1644 = tpu.memref_slice %arg6[%dma_wait3A_1640, %dma_wait3A_1642, %dma_wait3A_1643] : memref<2x1024x32xf32, #tpu.memory_space<vmem>> -> memref<1x1024x32xf32, #tpu.memory_space<vmem>>
      %dma_wait3A_1645 = tpu.memref_squeeze %dma_wait3A_1644 : memref<1x1024x32xf32, #tpu.memory_space<vmem>> -> memref<1024x32xf32, #tpu.memory_space<vmem>>
      %dma_wait3A_1646 = arith.constant 0 : i32
      %dma_wait3A_1647 = tpu.memref_slice %arg5[%dma_wait3A_1639, %dma_wait3A_1646] : memref<2x1024xi32, #tpu.memory_space<vmem>> -> memref<1x1024xi32, #tpu.memory_space<vmem>>
      %dma_wait3A_1648 = tpu.memref_squeeze %dma_wait3A_1647 : memref<1x1024xi32, #tpu.memory_space<vmem>> -> memref<1024xi32, #tpu.memory_space<vmem>>
      %dma_wait3A_1649 = arith.constant 0 : i32
      %dma_wait3A_1650 = arith.constant 0 : i32
      %dma_wait3A_1651 = tpu.memref_slice %arg3[%dma_wait3A_1649, %dma_wait3A_1650] : memref<1000000x32xf32, #tpu.memory_space<hbm>> -> memref<1000000x32xf32, #tpu.memory_space<hbm>>
      %dma_wait3A_1652 = tpu.memref_slice %arg9[%dma_wait3A_1641] : memref<2x!tpu.dma_semaphore, #tpu.memory_space<semaphore_mem>> -> memref<1x!tpu.dma_semaphore, #tpu.memory_space<semaphore_mem>>
      %dma_wait3A_1653 = tpu.memref_squeeze %dma_wait3A_1652 : memref<1x!tpu.dma_semaphore, #tpu.memory_space<semaphore_mem>> -> memref<!tpu.dma_semaphore, #tpu.memory_space<semaphore_mem>>
      tpu.wait_indirect_dma semaphore(%dma_wait3A_1653 : memref<!tpu.dma_semaphore, #tpu.memory_space<semaphore_mem>>) src(%dma_wait3A_1651 : memref<1000000x32xf32, #tpu.memory_space<hbm>>) dst(%dma_wait3A_1645 : memref<1024x32xf32, #tpu.memory_space<vmem>>)
      %add3A_1654 = arith.constant 2 : i32
      %add3A_1655 = arith.addi %add3A_1633, %add3A_1654 : i32
      %lt3A_1656 = arith.constant 100 : i32
      %lt3A_1657 = arith.cmpi slt, %add3A_1655, %lt3A_1656 : i32
      %convert_element_type3A_1658 = arith.extui %lt3A_1657 : i1 to i32
      %cond3A_1659 = arith.constant 0 : i32
      %cond3A_1660 = arith.cmpi ne, %convert_element_type3A_1658, %cond3A_1659 : i32
      scf.if %cond3A_1660 {
        %add3A_1905 = arith.constant 2 : i32
        %add3A_1906 = arith.addi %add3A_1633, %add3A_1905 : i32
        %add3A_1907 = arith.addi %mul3A_23, %add3A_1906 : i32
        %dma_start3A_1908 = arith.constant 0 : i32
        %dma_start3A_1909 = arith.constant 0 : i32
        %dma_start3A_1910 = arith.constant 0 : i32
        %dma_start3A_1911 = tpu.memref_slice %arg5[%dma_start3A_1908, %dma_start3A_1910] : memref<2x1024xi32, #tpu.memory_space<vmem>> -> memref<1x1024xi32, #tpu.memory_space<vmem>>
        %dma_start3A_1912 = tpu.memref_squeeze %dma_start3A_1911 : memref<1x1024xi32, #tpu.memory_space<vmem>> -> memref<1024xi32, #tpu.memory_space<vmem>>
        %dma_start3A_1913 = tpu.memref_slice %arg2[%add3A_1907, %mul3A_21] : memref<200x16384xi32, #tpu.memory_space<hbm>> -> memref<1x1024xi32, #tpu.memory_space<hbm>>
        %dma_start3A_1914 = tpu.memref_squeeze %dma_start3A_1913 : memref<1x1024xi32, #tpu.memory_space<hbm>> -> memref<1024xi32, #tpu.memory_space<hbm>>
        %dma_start3A_1915 = tpu.memref_slice %arg8[%dma_start3A_1909] : memref<2x!tpu.dma_semaphore, #tpu.memory_space<semaphore_mem>> -> memref<1x!tpu.dma_semaphore, #tpu.memory_space<semaphore_mem>>
        %dma_start3A_1916 = tpu.memref_squeeze %dma_start3A_1915 : memref<1x!tpu.dma_semaphore, #tpu.memory_space<semaphore_mem>> -> memref<!tpu.dma_semaphore, #tpu.memory_space<semaphore_mem>>
        %dma_start3A_1917 = arith.constant 0 : i32
        %dma_start3A_1918 = tpu.memref_slice %arg5[%dma_start3A_1908, %dma_start3A_1917] : memref<2x1024xi32, #tpu.memory_space<vmem>> -> memref<1x1024xi32, #tpu.memory_space<vmem>>
        %dma_start3A_1919 = tpu.memref_squeeze %dma_start3A_1918 : memref<1x1024xi32, #tpu.memory_space<vmem>> -> memref<1024xi32, #tpu.memory_space<vmem>>
        %dma_start3A_1920 = tpu.memref_slice %arg2[%add3A_1907, %mul3A_21] : memref<200x16384xi32, #tpu.memory_space<hbm>> -> memref<1x1024xi32, #tpu.memory_space<hbm>>
        %dma_start3A_1921 = tpu.memref_squeeze %dma_start3A_1920 : memref<1x1024xi32, #tpu.memory_space<hbm>> -> memref<1024xi32, #tpu.memory_space<hbm>>
        tpu.enqueue_dma source(%dma_start3A_1921 : memref<1024xi32, #tpu.memory_space<hbm>>) target(%dma_start3A_1919 : memref<1024xi32, #tpu.memory_space<vmem>>) target_semaphore(%dma_start3A_1916 : memref<!tpu.dma_semaphore, #tpu.memory_space<semaphore_mem>>)
      } else {
      }
      %ge3A = arith.constant 1 : i32
      %ge3A_1661 = arith.cmpi sge, %add3A_1633, %ge3A : i32
      %convert_element_type3A_1662 = arith.extui %ge3A_1661 : i1 to i32
      %cond3A_1663 = arith.constant 0 : i32
      %cond3A_1664 = arith.cmpi ne, %convert_element_type3A_1662, %cond3A_1663 : i32
      scf.if %cond3A_1664 {
        %dma_wait3A_1905 = arith.constant 0 : i32
        %dma_wait3A_1906 = arith.constant 0 : i32
        %dma_wait3A_1907 = arith.constant 0 : i32
        %dma_wait3A_1908 = arith.constant 0 : i32
        %dma_wait3A_1909 = tpu.memref_slice %arg7[%dma_wait3A_1905, %dma_wait3A_1908] : memref<2x16384xf32, #tpu.memory_space<vmem>> -> memref<1x8192xf32, #tpu.memory_space<vmem>>
        %dma_wait3A_1910 = tpu.memref_squeeze %dma_wait3A_1909 : memref<1x8192xf32, #tpu.memory_space<vmem>> -> memref<8192xf32, #tpu.memory_space<vmem>>
        %dma_wait3A_1911 = arith.constant 0 : i32
        %dma_wait3A_1912 = tpu.memref_slice %arg4[%dma_wait3A_1906, %dma_wait3A_1911] : memref<200x524288xf32, #tpu.memory_space<hbm>> -> memref<1x8192xf32, #tpu.memory_space<hbm>>
        %dma_wait3A_1913 = tpu.memref_squeeze %dma_wait3A_1912 : memref<1x8192xf32, #tpu.memory_space<hbm>> -> memref<8192xf32, #tpu.memory_space<hbm>>
        %dma_wait3A_1914 = tpu.memref_slice %arg10[%dma_wait3A_1907] : memref<2x!tpu.dma_semaphore, #tpu.memory_space<semaphore_mem>> -> memref<1x!tpu.dma_semaphore, #tpu.memory_space<semaphore_mem>>
        %dma_wait3A_1915 = tpu.memref_squeeze %dma_wait3A_1914 : memref<1x!tpu.dma_semaphore, #tpu.memory_space<semaphore_mem>> -> memref<!tpu.dma_semaphore, #tpu.memory_space<semaphore_mem>>
        %dma_wait3A_1916 = arith.constant 0 : i32
        %dma_wait3A_1917 = tpu.memref_slice %arg4[%dma_wait3A_1906, %dma_wait3A_1916] : memref<200x524288xf32, #tpu.memory_space<hbm>> -> memref<1x8192xf32, #tpu.memory_space<hbm>>
        %dma_wait3A_1918 = tpu.memref_squeeze %dma_wait3A_1917 : memref<1x8192xf32, #tpu.memory_space<hbm>> -> memref<8192xf32, #tpu.memory_space<hbm>>
        %dma_wait3A_1919 = arith.constant 0 : i32
        %dma_wait3A_1920 = tpu.memref_slice %arg7[%dma_wait3A_1905, %dma_wait3A_1919] : memref<2x16384xf32, #tpu.memory_space<vmem>> -> memref<1x8192xf32, #tpu.memory_space<vmem>>
        %dma_wait3A_1921 = tpu.memref_squeeze %dma_wait3A_1920 : memref<1x8192xf32, #tpu.memory_space<vmem>> -> memref<8192xf32, #tpu.memory_space<vmem>>
        tpu.wait_dma2 semaphore(%dma_wait3A_1915 : memref<!tpu.dma_semaphore, #tpu.memory_space<semaphore_mem>>) src(%dma_wait3A_1921 : memref<8192xf32, #tpu.memory_space<vmem>>) dst(%dma_wait3A_1918 : memref<8192xf32, #tpu.memory_space<hbm>>)
        %dma_wait3A_1922 = arith.constant 0 : i32
        %dma_wait3A_1923 = arith.constant 0 : i32
        %dma_wait3A_1924 = arith.constant 0 : i32
        %dma_wait3A_1925 = arith.constant 8192 : i32
        %dma_wait3A_1926 = tpu.memref_slice %arg7[%dma_wait3A_1922, %dma_wait3A_1925] : memref<2x16384xf32, #tpu.memory_space<vmem>> -> memref<1x8192xf32, #tpu.memory_space<vmem>>
        %dma_wait3A_1927 = tpu.memref_squeeze %dma_wait3A_1926 : memref<1x8192xf32, #tpu.memory_space<vmem>> -> memref<8192xf32, #tpu.memory_space<vmem>>
        %dma_wait3A_1928 = arith.constant 131072 : i32
        %dma_wait3A_1929 = tpu.memref_slice %arg4[%dma_wait3A_1923, %dma_wait3A_1928] : memref<200x524288xf32, #tpu.memory_space<hbm>> -> memref<1x8192xf32, #tpu.memory_space<hbm>>
        %dma_wait3A_1930 = tpu.memref_squeeze %dma_wait3A_1929 : memref<1x8192xf32, #tpu.memory_space<hbm>> -> memref<8192xf32, #tpu.memory_space<hbm>>
        %dma_wait3A_1931 = tpu.memref_slice %arg10[%dma_wait3A_1924] : memref<2x!tpu.dma_semaphore, #tpu.memory_space<semaphore_mem>> -> memref<1x!tpu.dma_semaphore, #tpu.memory_space<semaphore_mem>>
        %dma_wait3A_1932 = tpu.memref_squeeze %dma_wait3A_1931 : memref<1x!tpu.dma_semaphore, #tpu.memory_space<semaphore_mem>> -> memref<!tpu.dma_semaphore, #tpu.memory_space<semaphore_mem>>
        %dma_wait3A_1933 = arith.constant 131072 : i32
        %dma_wait3A_1934 = tpu.memref_slice %arg4[%dma_wait3A_1923, %dma_wait3A_1933] : memref<200x524288xf32, #tpu.memory_space<hbm>> -> memref<1x8192xf32, #tpu.memory_space<hbm>>
        %dma_wait3A_1935 = tpu.memref_squeeze %dma_wait3A_1934 : memref<1x8192xf32, #tpu.memory_space<hbm>> -> memref<8192xf32, #tpu.memory_space<hbm>>
        %dma_wait3A_1936 = arith.constant 8192 : i32
        %dma_wait3A_1937 = tpu.memref_slice %arg7[%dma_wait3A_1922, %dma_wait3A_1936] : memref<2x16384xf32, #tpu.memory_space<vmem>> -> memref<1x8192xf32, #tpu.memory_space<vmem>>
        %dma_wait3A_1938 = tpu.memref_squeeze %dma_wait3A_1937 : memref<1x8192xf32, #tpu.memory_space<vmem>> -> memref<8192xf32, #tpu.memory_space<vmem>>
        tpu.wait_dma2 semaphore(%dma_wait3A_1932 : memref<!tpu.dma_semaphore, #tpu.memory_space<semaphore_mem>>) src(%dma_wait3A_1938 : memref<8192xf32, #tpu.memory_space<vmem>>) dst(%dma_wait3A_1935 : memref<8192xf32, #tpu.memory_space<hbm>>)
      } else {
      }
      %scan3A_1665 = arith.constant 0 : i32
      %scan3A_1666 = arith.constant 0 : i32
      %scan3A_1667 = arith.constant 64 : i32
      %scan3A_1668 = arith.addi %scan3A_1666, %scan3A_1667 : i32
      %scan3A_1669 = arith.constant 1 : i32
      scf.for %scan3A_1905 = %scan3A_1666 to %scan3A_1668 step %scan3A_1669  : i32 {
        %mul3A_1906 = arith.constant 16 : i32
        %mul3A_1907 = arith.muli %scan3A_1905, %mul3A_1906 : i32
        %add3A_1908 = vector.broadcast %mul3A_1907 : i32 to vector<16xi32>
        %add3A_1909 = arith.addi %iota3A, %add3A_1908 : vector<16xi32>
        %jit3A_1910 = arith.constant 8 : i32
        %div3A_1911 = arith.divsi %scan3A_1905, %jit3A_1910 : i32
        %sign3A_1912 = arith.constant 0 : i32
        %sign3A_1913 = arith.cmpi sgt, %scan3A_1905, %sign3A_1912 : i32
        %sign3A_1914 = arith.extui %sign3A_1913 : i1 to i32
        %sign3A_1915 = arith.constant 0 : i32
        %sign3A_1916 = arith.cmpi slt, %scan3A_1905, %sign3A_1915 : i32
        %sign3A_1917 = arith.extui %sign3A_1916 : i1 to i32
        %sign3A_1918 = arith.subi %sign3A_1914, %sign3A_1917 : i32
        %sign3A_1919 = arith.constant 0 : i32
        %sign3A_1920 = arith.cmpi sgt, %jit3A_1910, %sign3A_1919 : i32
        %sign3A_1921 = arith.extui %sign3A_1920 : i1 to i32
        %sign3A_1922 = arith.constant 0 : i32
        %sign3A_1923 = arith.cmpi slt, %jit3A_1910, %sign3A_1922 : i32
        %sign3A_1924 = arith.extui %sign3A_1923 : i1 to i32
        %sign3A_1925 = arith.subi %sign3A_1921, %sign3A_1924 : i32
        %ne3A_1926 = arith.cmpi ne, %sign3A_1918, %sign3A_1925 : i32
        %rem3A_1927 = arith.remsi %scan3A_1905, %jit3A_1910 : i32
        %ne3A_1928 = arith.constant 0 : i32
        %ne3A_1929 = arith.cmpi ne, %rem3A_1927, %ne3A_1928 : i32
        %and3A_1930 = arith.andi %ne3A_1926, %ne3A_1929 : i1
        %sub3A_1931 = arith.constant 1 : i32
        %sub3A_1932 = arith.subi %div3A_1911, %sub3A_1931 : i32
        %select_n3A_1933 = arith.select %and3A_1930, %sub3A_1932, %div3A_1911 : i32
        %mul3A_1934 = arith.constant 1024 : i32
        %mul3A_1935 = arith.muli %select_n3A_1933, %mul3A_1934 : i32
        %jit3A_1936 = arith.constant 8 : i32
        %div3A_1937 = arith.divsi %scan3A_1905, %jit3A_1936 : i32
        %sign3A_1938 = arith.constant 0 : i32
        %sign3A_1939 = arith.cmpi sgt, %scan3A_1905, %sign3A_1938 : i32
        %sign3A_1940 = arith.extui %sign3A_1939 : i1 to i32
        %sign3A_1941 = arith.constant 0 : i32
        %sign3A_1942 = arith.cmpi slt, %scan3A_1905, %sign3A_1941 : i32
        %sign3A_1943 = arith.extui %sign3A_1942 : i1 to i32
        %sign3A_1944 = arith.subi %sign3A_1940, %sign3A_1943 : i32
        %sign3A_1945 = arith.constant 0 : i32
        %sign3A_1946 = arith.cmpi sgt, %jit3A_1936, %sign3A_1945 : i32
        %sign3A_1947 = arith.extui %sign3A_1946 : i1 to i32
        %sign3A_1948 = arith.constant 0 : i32
        %sign3A_1949 = arith.cmpi slt, %jit3A_1936, %sign3A_1948 : i32
        %sign3A_1950 = arith.extui %sign3A_1949 : i1 to i32
        %sign3A_1951 = arith.subi %sign3A_1947, %sign3A_1950 : i32
        %ne3A_1952 = arith.cmpi ne, %sign3A_1944, %sign3A_1951 : i32
        %rem3A_1953 = arith.remsi %scan3A_1905, %jit3A_1936 : i32
        %ne3A_1954 = arith.constant 0 : i32
        %ne3A_1955 = arith.cmpi ne, %rem3A_1953, %ne3A_1954 : i32
        %and3A_1956 = arith.andi %ne3A_1952, %ne3A_1955 : i1
        %sub3A_1957 = arith.constant 1 : i32
        %sub3A_1958 = arith.subi %div3A_1937, %sub3A_1957 : i32
        %select_n3A_1959 = arith.select %and3A_1956, %sub3A_1958, %div3A_1937 : i32
        %mul3A_1960 = arith.constant 8 : i32
        %mul3A_1961 = arith.muli %select_n3A_1959, %mul3A_1960 : i32
        %sub3A_1962 = arith.subi %scan3A_1905, %mul3A_1961 : i32
        %mul3A_1963 = arith.constant 16 : i32
        %mul3A_1964 = arith.muli %sub3A_1962, %mul3A_1963 : i32
        %add3A_1965 = arith.addi %mul3A_1935, %mul3A_1964 : i32
        %gather3A = arith.constant 0 : i32
        %gather3A_1966 = arith.constant 0 : i32
        %gather3A_1967 = arith.constant 0 : i32
        %gather3A_1968 = tpu.memref_slice %arg6[%gather3A, %gather3A_1966, %gather3A_1967] : memref<2x1024x32xf32, #tpu.memory_space<vmem>> -> memref<1x1024x32xf32, #tpu.memory_space<vmem>>
        %gather3A_1969 = tpu.memref_squeeze %gather3A_1968 : memref<1x1024x32xf32, #tpu.memory_space<vmem>> -> memref<1024x32xf32, #tpu.memory_space<vmem>>
        %gather3A_1970 = tpu.vector_load_idx %gather3A_1969[%add3A_1909, %add3A_112] : memref<1024x32xf32, #tpu.memory_space<vmem>>[vector<16xi32>, vector<16xi32>], vector<16xf32>,
        %gather3A_1971 = arith.constant 0 : i32
        %gather3A_1972 = arith.constant 0 : i32
        %gather3A_1973 = arith.constant 0 : i32
        %gather3A_1974 = tpu.memref_slice %arg6[%gather3A_1971, %gather3A_1972, %gather3A_1973] : memref<2x1024x32xf32, #tpu.memory_space<vmem>> -> memref<1x1024x32xf32, #tpu.memory_space<vmem>>
        %gather3A_1975 = tpu.memref_squeeze %gather3A_1974 : memref<1x1024x32xf32, #tpu.memory_space<vmem>> -> memref<1024x32xf32, #tpu.memory_space<vmem>>
        %gather3A_1976 = tpu.vector_load_idx %gather3A_1975[%add3A_1909, %add3A_204] : memref<1024x32xf32, #tpu.memory_space<vmem>>[vector<16xi32>, vector<16xi32>], vector<16xf32>,
        %gather3A_1977 = arith.constant 0 : i32
        %gather3A_1978 = arith.constant 0 : i32
        %gather3A_1979 = arith.constant 0 : i32
        %gather3A_1980 = tpu.memref_slice %arg6[%gather3A_1977, %gather3A_1978, %gather3A_1979] : memref<2x1024x32xf32, #tpu.memory_space<vmem>> -> memref<1x1024x32xf32, #tpu.memory_space<vmem>>
        %gather3A_1981 = tpu.memref_squeeze %gather3A_1980 : memref<1x1024x32xf32, #tpu.memory_space<vmem>> -> memref<1024x32xf32, #tpu.memory_space<vmem>>
        %gather3A_1982 = tpu.vector_load_idx %gather3A_1981[%add3A_1909, %add3A_296] : memref<1024x32xf32, #tpu.memory_space<vmem>>[vector<16xi32>, vector<16xi32>], vector<16xf32>,
        %gather3A_1983 = arith.constant 0 : i32
        %gather3A_1984 = arith.constant 0 : i32
        %gather3A_1985 = arith.constant 0 : i32
        %gather3A_1986 = tpu.memref_slice %arg6[%gather3A_1983, %gather3A_1984, %gather3A_1985] : memref<2x1024x32xf32, #tpu.memory_space<vmem>> -> memref<1x1024x32xf32, #tpu.memory_space<vmem>>
        %gather3A_1987 = tpu.memref_squeeze %gather3A_1986 : memref<1x1024x32xf32, #tpu.memory_space<vmem>> -> memref<1024x32xf32, #tpu.memory_space<vmem>>
        %gather3A_1988 = tpu.vector_load_idx %gather3A_1987[%add3A_1909, %add3A_388] : memref<1024x32xf32, #tpu.memory_space<vmem>>[vector<16xi32>, vector<16xi32>], vector<16xf32>,
        %gather3A_1989 = arith.constant 0 : i32
        %gather3A_1990 = arith.constant 0 : i32
        %gather3A_1991 = arith.constant 0 : i32
        %gather3A_1992 = tpu.memref_slice %arg6[%gather3A_1989, %gather3A_1990, %gather3A_1991] : memref<2x1024x32xf32, #tpu.memory_space<vmem>> -> memref<1x1024x32xf32, #tpu.memory_space<vmem>>
        %gather3A_1993 = tpu.memref_squeeze %gather3A_1992 : memref<1x1024x32xf32, #tpu.memory_space<vmem>> -> memref<1024x32xf32, #tpu.memory_space<vmem>>
        %gather3A_1994 = tpu.vector_load_idx %gather3A_1993[%add3A_1909, %add3A_480] : memref<1024x32xf32, #tpu.memory_space<vmem>>[vector<16xi32>, vector<16xi32>], vector<16xf32>,
        %gather3A_1995 = arith.constant 0 : i32
        %gather3A_1996 = arith.constant 0 : i32
        %gather3A_1997 = arith.constant 0 : i32
        %gather3A_1998 = tpu.memref_slice %arg6[%gather3A_1995, %gather3A_1996, %gather3A_1997] : memref<2x1024x32xf32, #tpu.memory_space<vmem>> -> memref<1x1024x32xf32, #tpu.memory_space<vmem>>
        %gather3A_1999 = tpu.memref_squeeze %gather3A_1998 : memref<1x1024x32xf32, #tpu.memory_space<vmem>> -> memref<1024x32xf32, #tpu.memory_space<vmem>>
        %gather3A_2000 = tpu.vector_load_idx %gather3A_1999[%add3A_1909, %add3A_572] : memref<1024x32xf32, #tpu.memory_space<vmem>>[vector<16xi32>, vector<16xi32>], vector<16xf32>,
        %gather3A_2001 = arith.constant 0 : i32
        %gather3A_2002 = arith.constant 0 : i32
        %gather3A_2003 = arith.constant 0 : i32
        %gather3A_2004 = tpu.memref_slice %arg6[%gather3A_2001, %gather3A_2002, %gather3A_2003] : memref<2x1024x32xf32, #tpu.memory_space<vmem>> -> memref<1x1024x32xf32, #tpu.memory_space<vmem>>
        %gather3A_2005 = tpu.memref_squeeze %gather3A_2004 : memref<1x1024x32xf32, #tpu.memory_space<vmem>> -> memref<1024x32xf32, #tpu.memory_space<vmem>>
        %gather3A_2006 = tpu.vector_load_idx %gather3A_2005[%add3A_1909, %add3A_664] : memref<1024x32xf32, #tpu.memory_space<vmem>>[vector<16xi32>, vector<16xi32>], vector<16xf32>,
        %gather3A_2007 = arith.constant 0 : i32
        %gather3A_2008 = arith.constant 0 : i32
        %gather3A_2009 = arith.constant 0 : i32
        %gather3A_2010 = tpu.memref_slice %arg6[%gather3A_2007, %gather3A_2008, %gather3A_2009] : memref<2x1024x32xf32, #tpu.memory_space<vmem>> -> memref<1x1024x32xf32, #tpu.memory_space<vmem>>
        %gather3A_2011 = tpu.memref_squeeze %gather3A_2010 : memref<1x1024x32xf32, #tpu.memory_space<vmem>> -> memref<1024x32xf32, #tpu.memory_space<vmem>>
        %gather3A_2012 = tpu.vector_load_idx %gather3A_2011[%add3A_1909, %add3A_756] : memref<1024x32xf32, #tpu.memory_space<vmem>>[vector<16xi32>, vector<16xi32>], vector<16xf32>,
        %add3A_2013 = vector.broadcast %add3A_1965 : i32 to vector<16xi32>
        %add3A_2014 = arith.addi %add3A_109, %add3A_2013 : vector<16xi32>
        %scatter3A = arith.constant 0 : i32
        %scatter3A_2015 = arith.constant 0 : i32
        %scatter3A_2016 = tpu.memref_slice %arg7[%scatter3A, %scatter3A_2015] : memref<2x16384xf32, #tpu.memory_space<vmem>> -> memref<1x16384xf32, #tpu.memory_space<vmem>>
        %scatter3A_2017 = tpu.memref_squeeze %scatter3A_2016 : memref<1x16384xf32, #tpu.memory_space<vmem>> -> memref<16384xf32, #tpu.memory_space<vmem>>
        tpu.vector_store_idx %scatter3A_2017[%add3A_2014], %gather3A_1970 : memref<16384xf32, #tpu.memory_space<vmem>>[vector<16xi32>], vector<16xf32>,
        %add3A_2018 = vector.broadcast %add3A_1965 : i32 to vector<16xi32>
        %add3A_2019 = arith.addi %add3A_201, %add3A_2018 : vector<16xi32>
        %scatter3A_2020 = arith.constant 0 : i32
        %scatter3A_2021 = arith.constant 0 : i32
        %scatter3A_2022 = tpu.memref_slice %arg7[%scatter3A_2020, %scatter3A_2021] : memref<2x16384xf32, #tpu.memory_space<vmem>> -> memref<1x16384xf32, #tpu.memory_space<vmem>>
        %scatter3A_2023 = tpu.memref_squeeze %scatter3A_2022 : memref<1x16384xf32, #tpu.memory_space<vmem>> -> memref<16384xf32, #tpu.memory_space<vmem>>
        tpu.vector_store_idx %scatter3A_2023[%add3A_2019], %gather3A_1976 : memref<16384xf32, #tpu.memory_space<vmem>>[vector<16xi32>], vector<16xf32>,
        %add3A_2024 = vector.broadcast %add3A_1965 : i32 to vector<16xi32>
        %add3A_2025 = arith.addi %add3A_293, %add3A_2024 : vector<16xi32>
        %scatter3A_2026 = arith.constant 0 : i32
        %scatter3A_2027 = arith.constant 0 : i32
        %scatter3A_2028 = tpu.memref_slice %arg7[%scatter3A_2026, %scatter3A_2027] : memref<2x16384xf32, #tpu.memory_space<vmem>> -> memref<1x16384xf32, #tpu.memory_space<vmem>>
        %scatter3A_2029 = tpu.memref_squeeze %scatter3A_2028 : memref<1x16384xf32, #tpu.memory_space<vmem>> -> memref<16384xf32, #tpu.memory_space<vmem>>
        tpu.vector_store_idx %scatter3A_2029[%add3A_2025], %gather3A_1982 : memref<16384xf32, #tpu.memory_space<vmem>>[vector<16xi32>], vector<16xf32>,
        %add3A_2030 = vector.broadcast %add3A_1965 : i32 to vector<16xi32>
        %add3A_2031 = arith.addi %add3A_385, %add3A_2030 : vector<16xi32>
        %scatter3A_2032 = arith.constant 0 : i32
        %scatter3A_2033 = arith.constant 0 : i32
        %scatter3A_2034 = tpu.memref_slice %arg7[%scatter3A_2032, %scatter3A_2033] : memref<2x16384xf32, #tpu.memory_space<vmem>> -> memref<1x16384xf32, #tpu.memory_space<vmem>>
        %scatter3A_2035 = tpu.memref_squeeze %scatter3A_2034 : memref<1x16384xf32, #tpu.memory_space<vmem>> -> memref<16384xf32, #tpu.memory_space<vmem>>
        tpu.vector_store_idx %scatter3A_2035[%add3A_2031], %gather3A_1988 : memref<16384xf32, #tpu.memory_space<vmem>>[vector<16xi32>], vector<16xf32>,
        %add3A_2036 = vector.broadcast %add3A_1965 : i32 to vector<16xi32>
        %add3A_2037 = arith.addi %add3A_477, %add3A_2036 : vector<16xi32>
        %scatter3A_2038 = arith.constant 0 : i32
        %scatter3A_2039 = arith.constant 0 : i32
        %scatter3A_2040 = tpu.memref_slice %arg7[%scatter3A_2038, %scatter3A_2039] : memref<2x16384xf32, #tpu.memory_space<vmem>> -> memref<1x16384xf32, #tpu.memory_space<vmem>>
        %scatter3A_2041 = tpu.memref_squeeze %scatter3A_2040 : memref<1x16384xf32, #tpu.memory_space<vmem>> -> memref<16384xf32, #tpu.memory_space<vmem>>
        tpu.vector_store_idx %scatter3A_2041[%add3A_2037], %gather3A_1994 : memref<16384xf32, #tpu.memory_space<vmem>>[vector<16xi32>], vector<16xf32>,
        %add3A_2042 = vector.broadcast %add3A_1965 : i32 to vector<16xi32>
        %add3A_2043 = arith.addi %add3A_569, %add3A_2042 : vector<16xi32>
        %scatter3A_2044 = arith.constant 0 : i32
        %scatter3A_2045 = arith.constant 0 : i32
        %scatter3A_2046 = tpu.memref_slice %arg7[%scatter3A_2044, %scatter3A_2045] : memref<2x16384xf32, #tpu.memory_space<vmem>> -> memref<1x16384xf32, #tpu.memory_space<vmem>>
        %scatter3A_2047 = tpu.memref_squeeze %scatter3A_2046 : memref<1x16384xf32, #tpu.memory_space<vmem>> -> memref<16384xf32, #tpu.memory_space<vmem>>
        tpu.vector_store_idx %scatter3A_2047[%add3A_2043], %gather3A_2000 : memref<16384xf32, #tpu.memory_space<vmem>>[vector<16xi32>], vector<16xf32>,
        %add3A_2048 = vector.broadcast %add3A_1965 : i32 to vector<16xi32>
        %add3A_2049 = arith.addi %add3A_661, %add3A_2048 : vector<16xi32>
        %scatter3A_2050 = arith.constant 0 : i32
        %scatter3A_2051 = arith.constant 0 : i32
        %scatter3A_2052 = tpu.memref_slice %arg7[%scatter3A_2050, %scatter3A_2051] : memref<2x16384xf32, #tpu.memory_space<vmem>> -> memref<1x16384xf32, #tpu.memory_space<vmem>>
        %scatter3A_2053 = tpu.memref_squeeze %scatter3A_2052 : memref<1x16384xf32, #tpu.memory_space<vmem>> -> memref<16384xf32, #tpu.memory_space<vmem>>
        tpu.vector_store_idx %scatter3A_2053[%add3A_2049], %gather3A_2006 : memref<16384xf32, #tpu.memory_space<vmem>>[vector<16xi32>], vector<16xf32>,
        %add3A_2054 = vector.broadcast %add3A_1965 : i32 to vector<16xi32>
        %add3A_2055 = arith.addi %add3A_753, %add3A_2054 : vector<16xi32>
        %scatter3A_2056 = arith.constant 0 : i32
        %scatter3A_2057 = arith.constant 0 : i32
        %scatter3A_2058 = tpu.memref_slice %arg7[%scatter3A_2056, %scatter3A_2057] : memref<2x16384xf32, #tpu.memory_space<vmem>> -> memref<1x16384xf32, #tpu.memory_space<vmem>>
        %scatter3A_2059 = tpu.memref_squeeze %scatter3A_2058 : memref<1x16384xf32, #tpu.memory_space<vmem>> -> memref<16384xf32, #tpu.memory_space<vmem>>
        tpu.vector_store_idx %scatter3A_2059[%add3A_2055], %gather3A_2012 : memref<16384xf32, #tpu.memory_space<vmem>>[vector<16xi32>], vector<16xf32>,
        %gather3A_2060 = arith.constant 0 : i32
        %gather3A_2061 = arith.constant 0 : i32
        %gather3A_2062 = arith.constant 0 : i32
        %gather3A_2063 = tpu.memref_slice %arg6[%gather3A_2060, %gather3A_2061, %gather3A_2062] : memref<2x1024x32xf32, #tpu.memory_space<vmem>> -> memref<1x1024x32xf32, #tpu.memory_space<vmem>>
        %gather3A_2064 = tpu.memref_squeeze %gather3A_2063 : memref<1x1024x32xf32, #tpu.memory_space<vmem>> -> memref<1024x32xf32, #tpu.memory_space<vmem>>
        %gather3A_2065 = tpu.vector_load_idx %gather3A_2064[%add3A_1909, %add3A_848] : memref<1024x32xf32, #tpu.memory_space<vmem>>[vector<16xi32>, vector<16xi32>], vector<16xf32>,
        %gather3A_2066 = arith.constant 0 : i32
        %gather3A_2067 = arith.constant 0 : i32
        %gather3A_2068 = arith.constant 0 : i32
        %gather3A_2069 = tpu.memref_slice %arg6[%gather3A_2066, %gather3A_2067, %gather3A_2068] : memref<2x1024x32xf32, #tpu.memory_space<vmem>> -> memref<1x1024x32xf32, #tpu.memory_space<vmem>>
        %gather3A_2070 = tpu.memref_squeeze %gather3A_2069 : memref<1x1024x32xf32, #tpu.memory_space<vmem>> -> memref<1024x32xf32, #tpu.memory_space<vmem>>
        %gather3A_2071 = tpu.vector_load_idx %gather3A_2070[%add3A_1909, %add3A_940] : memref<1024x32xf32, #tpu.memory_space<vmem>>[vector<16xi32>, vector<16xi32>], vector<16xf32>,
        %gather3A_2072 = arith.constant 0 : i32
        %gather3A_2073 = arith.constant 0 : i32
        %gather3A_2074 = arith.constant 0 : i32
        %gather3A_2075 = tpu.memref_slice %arg6[%gather3A_2072, %gather3A_2073, %gather3A_2074] : memref<2x1024x32xf32, #tpu.memory_space<vmem>> -> memref<1x1024x32xf32, #tpu.memory_space<vmem>>
        %gather3A_2076 = tpu.memref_squeeze %gather3A_2075 : memref<1x1024x32xf32, #tpu.memory_space<vmem>> -> memref<1024x32xf32, #tpu.memory_space<vmem>>
        %gather3A_2077 = tpu.vector_load_idx %gather3A_2076[%add3A_1909, %add3A_1032] : memref<1024x32xf32, #tpu.memory_space<vmem>>[vector<16xi32>, vector<16xi32>], vector<16xf32>,
        %gather3A_2078 = arith.constant 0 : i32
        %gather3A_2079 = arith.constant 0 : i32
        %gather3A_2080 = arith.constant 0 : i32
        %gather3A_2081 = tpu.memref_slice %arg6[%gather3A_2078, %gather3A_2079, %gather3A_2080] : memref<2x1024x32xf32, #tpu.memory_space<vmem>> -> memref<1x1024x32xf32, #tpu.memory_space<vmem>>
        %gather3A_2082 = tpu.memref_squeeze %gather3A_2081 : memref<1x1024x32xf32, #tpu.memory_space<vmem>> -> memref<1024x32xf32, #tpu.memory_space<vmem>>
        %gather3A_2083 = tpu.vector_load_idx %gather3A_2082[%add3A_1909, %add3A_1124] : memref<1024x32xf32, #tpu.memory_space<vmem>>[vector<16xi32>, vector<16xi32>], vector<16xf32>,
        %gather3A_2084 = arith.constant 0 : i32
        %gather3A_2085 = arith.constant 0 : i32
        %gather3A_2086 = arith.constant 0 : i32
        %gather3A_2087 = tpu.memref_slice %arg6[%gather3A_2084, %gather3A_2085, %gather3A_2086] : memref<2x1024x32xf32, #tpu.memory_space<vmem>> -> memref<1x1024x32xf32, #tpu.memory_space<vmem>>
        %gather3A_2088 = tpu.memref_squeeze %gather3A_2087 : memref<1x1024x32xf32, #tpu.memory_space<vmem>> -> memref<1024x32xf32, #tpu.memory_space<vmem>>
        %gather3A_2089 = tpu.vector_load_idx %gather3A_2088[%add3A_1909, %add3A_1216] : memref<1024x32xf32, #tpu.memory_space<vmem>>[vector<16xi32>, vector<16xi32>], vector<16xf32>,
        %gather3A_2090 = arith.constant 0 : i32
        %gather3A_2091 = arith.constant 0 : i32
        %gather3A_2092 = arith.constant 0 : i32
        %gather3A_2093 = tpu.memref_slice %arg6[%gather3A_2090, %gather3A_2091, %gather3A_2092] : memref<2x1024x32xf32, #tpu.memory_space<vmem>> -> memref<1x1024x32xf32, #tpu.memory_space<vmem>>
        %gather3A_2094 = tpu.memref_squeeze %gather3A_2093 : memref<1x1024x32xf32, #tpu.memory_space<vmem>> -> memref<1024x32xf32, #tpu.memory_space<vmem>>
        %gather3A_2095 = tpu.vector_load_idx %gather3A_2094[%add3A_1909, %add3A_1308] : memref<1024x32xf32, #tpu.memory_space<vmem>>[vector<16xi32>, vector<16xi32>], vector<16xf32>,
        %gather3A_2096 = arith.constant 0 : i32
        %gather3A_2097 = arith.constant 0 : i32
        %gather3A_2098 = arith.constant 0 : i32
        %gather3A_2099 = tpu.memref_slice %arg6[%gather3A_2096, %gather3A_2097, %gather3A_2098] : memref<2x1024x32xf32, #tpu.memory_space<vmem>> -> memref<1x1024x32xf32, #tpu.memory_space<vmem>>
        %gather3A_2100 = tpu.memref_squeeze %gather3A_2099 : memref<1x1024x32xf32, #tpu.memory_space<vmem>> -> memref<1024x32xf32, #tpu.memory_space<vmem>>
        %gather3A_2101 = tpu.vector_load_idx %gather3A_2100[%add3A_1909, %add3A_1400] : memref<1024x32xf32, #tpu.memory_space<vmem>>[vector<16xi32>, vector<16xi32>], vector<16xf32>,
        %gather3A_2102 = arith.constant 0 : i32
        %gather3A_2103 = arith.constant 0 : i32
        %gather3A_2104 = arith.constant 0 : i32
        %gather3A_2105 = tpu.memref_slice %arg6[%gather3A_2102, %gather3A_2103, %gather3A_2104] : memref<2x1024x32xf32, #tpu.memory_space<vmem>> -> memref<1x1024x32xf32, #tpu.memory_space<vmem>>
        %gather3A_2106 = tpu.memref_squeeze %gather3A_2105 : memref<1x1024x32xf32, #tpu.memory_space<vmem>> -> memref<1024x32xf32, #tpu.memory_space<vmem>>
        %gather3A_2107 = tpu.vector_load_idx %gather3A_2106[%add3A_1909, %add3A_1492] : memref<1024x32xf32, #tpu.memory_space<vmem>>[vector<16xi32>, vector<16xi32>], vector<16xf32>,
        %add3A_2108 = vector.broadcast %add3A_1965 : i32 to vector<16xi32>
        %add3A_2109 = arith.addi %add3A_845, %add3A_2108 : vector<16xi32>
        %scatter3A_2110 = arith.constant 0 : i32
        %scatter3A_2111 = arith.constant 0 : i32
        %scatter3A_2112 = tpu.memref_slice %arg7[%scatter3A_2110, %scatter3A_2111] : memref<2x16384xf32, #tpu.memory_space<vmem>> -> memref<1x16384xf32, #tpu.memory_space<vmem>>
        %scatter3A_2113 = tpu.memref_squeeze %scatter3A_2112 : memref<1x16384xf32, #tpu.memory_space<vmem>> -> memref<16384xf32, #tpu.memory_space<vmem>>
        tpu.vector_store_idx %scatter3A_2113[%add3A_2109], %gather3A_2065 : memref<16384xf32, #tpu.memory_space<vmem>>[vector<16xi32>], vector<16xf32>,
        %add3A_2114 = vector.broadcast %add3A_1965 : i32 to vector<16xi32>
        %add3A_2115 = arith.addi %add3A_937, %add3A_2114 : vector<16xi32>
        %scatter3A_2116 = arith.constant 0 : i32
        %scatter3A_2117 = arith.constant 0 : i32
        %scatter3A_2118 = tpu.memref_slice %arg7[%scatter3A_2116, %scatter3A_2117] : memref<2x16384xf32, #tpu.memory_space<vmem>> -> memref<1x16384xf32, #tpu.memory_space<vmem>>
        %scatter3A_2119 = tpu.memref_squeeze %scatter3A_2118 : memref<1x16384xf32, #tpu.memory_space<vmem>> -> memref<16384xf32, #tpu.memory_space<vmem>>
        tpu.vector_store_idx %scatter3A_2119[%add3A_2115], %gather3A_2071 : memref<16384xf32, #tpu.memory_space<vmem>>[vector<16xi32>], vector<16xf32>,
        %add3A_2120 = vector.broadcast %add3A_1965 : i32 to vector<16xi32>
        %add3A_2121 = arith.addi %add3A_1029, %add3A_2120 : vector<16xi32>
        %scatter3A_2122 = arith.constant 0 : i32
        %scatter3A_2123 = arith.constant 0 : i32
        %scatter3A_2124 = tpu.memref_slice %arg7[%scatter3A_2122, %scatter3A_2123] : memref<2x16384xf32, #tpu.memory_space<vmem>> -> memref<1x16384xf32, #tpu.memory_space<vmem>>
        %scatter3A_2125 = tpu.memref_squeeze %scatter3A_2124 : memref<1x16384xf32, #tpu.memory_space<vmem>> -> memref<16384xf32, #tpu.memory_space<vmem>>
        tpu.vector_store_idx %scatter3A_2125[%add3A_2121], %gather3A_2077 : memref<16384xf32, #tpu.memory_space<vmem>>[vector<16xi32>], vector<16xf32>,
        %add3A_2126 = vector.broadcast %add3A_1965 : i32 to vector<16xi32>
        %add3A_2127 = arith.addi %add3A_1121, %add3A_2126 : vector<16xi32>
        %scatter3A_2128 = arith.constant 0 : i32
        %scatter3A_2129 = arith.constant 0 : i32
        %scatter3A_2130 = tpu.memref_slice %arg7[%scatter3A_2128, %scatter3A_2129] : memref<2x16384xf32, #tpu.memory_space<vmem>> -> memref<1x16384xf32, #tpu.memory_space<vmem>>
        %scatter3A_2131 = tpu.memref_squeeze %scatter3A_2130 : memref<1x16384xf32, #tpu.memory_space<vmem>> -> memref<16384xf32, #tpu.memory_space<vmem>>
        tpu.vector_store_idx %scatter3A_2131[%add3A_2127], %gather3A_2083 : memref<16384xf32, #tpu.memory_space<vmem>>[vector<16xi32>], vector<16xf32>,
        %add3A_2132 = vector.broadcast %add3A_1965 : i32 to vector<16xi32>
        %add3A_2133 = arith.addi %add3A_1213, %add3A_2132 : vector<16xi32>
        %scatter3A_2134 = arith.constant 0 : i32
        %scatter3A_2135 = arith.constant 0 : i32
        %scatter3A_2136 = tpu.memref_slice %arg7[%scatter3A_2134, %scatter3A_2135] : memref<2x16384xf32, #tpu.memory_space<vmem>> -> memref<1x16384xf32, #tpu.memory_space<vmem>>
        %scatter3A_2137 = tpu.memref_squeeze %scatter3A_2136 : memref<1x16384xf32, #tpu.memory_space<vmem>> -> memref<16384xf32, #tpu.memory_space<vmem>>
        tpu.vector_store_idx %scatter3A_2137[%add3A_2133], %gather3A_2089 : memref<16384xf32, #tpu.memory_space<vmem>>[vector<16xi32>], vector<16xf32>,
        %add3A_2138 = vector.broadcast %add3A_1965 : i32 to vector<16xi32>
        %add3A_2139 = arith.addi %add3A_1305, %add3A_2138 : vector<16xi32>
        %scatter3A_2140 = arith.constant 0 : i32
        %scatter3A_2141 = arith.constant 0 : i32
        %scatter3A_2142 = tpu.memref_slice %arg7[%scatter3A_2140, %scatter3A_2141] : memref<2x16384xf32, #tpu.memory_space<vmem>> -> memref<1x16384xf32, #tpu.memory_space<vmem>>
        %scatter3A_2143 = tpu.memref_squeeze %scatter3A_2142 : memref<1x16384xf32, #tpu.memory_space<vmem>> -> memref<16384xf32, #tpu.memory_space<vmem>>
        tpu.vector_store_idx %scatter3A_2143[%add3A_2139], %gather3A_2095 : memref<16384xf32, #tpu.memory_space<vmem>>[vector<16xi32>], vector<16xf32>,
        %add3A_2144 = vector.broadcast %add3A_1965 : i32 to vector<16xi32>
        %add3A_2145 = arith.addi %add3A_1397, %add3A_2144 : vector<16xi32>
        %scatter3A_2146 = arith.constant 0 : i32
        %scatter3A_2147 = arith.constant 0 : i32
        %scatter3A_2148 = tpu.memref_slice %arg7[%scatter3A_2146, %scatter3A_2147] : memref<2x16384xf32, #tpu.memory_space<vmem>> -> memref<1x16384xf32, #tpu.memory_space<vmem>>
        %scatter3A_2149 = tpu.memref_squeeze %scatter3A_2148 : memref<1x16384xf32, #tpu.memory_space<vmem>> -> memref<16384xf32, #tpu.memory_space<vmem>>
        tpu.vector_store_idx %scatter3A_2149[%add3A_2145], %gather3A_2101 : memref<16384xf32, #tpu.memory_space<vmem>>[vector<16xi32>], vector<16xf32>,
        %add3A_2150 = vector.broadcast %add3A_1965 : i32 to vector<16xi32>
        %add3A_2151 = arith.addi %add3A_1489, %add3A_2150 : vector<16xi32>
        %scatter3A_2152 = arith.constant 0 : i32
        %scatter3A_2153 = arith.constant 0 : i32
        %scatter3A_2154 = tpu.memref_slice %arg7[%scatter3A_2152, %scatter3A_2153] : memref<2x16384xf32, #tpu.memory_space<vmem>> -> memref<1x16384xf32, #tpu.memory_space<vmem>>
        %scatter3A_2155 = tpu.memref_squeeze %scatter3A_2154 : memref<1x16384xf32, #tpu.memory_space<vmem>> -> memref<16384xf32, #tpu.memory_space<vmem>>
        tpu.vector_store_idx %scatter3A_2155[%add3A_2151], %gather3A_2107 : memref<16384xf32, #tpu.memory_space<vmem>>[vector<16xi32>], vector<16xf32>,
      }
      %scan3A_1670 = arith.constant 64 : i32
      %add3A_1671 = arith.addi %mul3A_23, %add3A_1633 : i32
      %mul3A_1672 = arith.constant 8 : i32
      %mul3A_1673 = arith.muli %mul3A_25, %mul3A_1672 : i32
      %mul3A_1674 = arith.constant 128 : i32
      %mul3A_1675 = arith.muli %mul3A_1673, %mul3A_1674 : i32
      %add3A_1676 = arith.constant 0 : i32
      %add3A_1677 = arith.addi %add3A_1676, %mul3A_1675 : i32
      %dma_start3A_1678 = arith.constant 0 : i32
      %dma_start3A_1679 = arith.constant 0 : i32
      %dma_start3A_1680 = arith.constant 0 : i32
      %dma_start3A_1681 = tpu.memref_slice %arg7[%dma_start3A_1678, %dma_start3A_1680] : memref<2x16384xf32, #tpu.memory_space<vmem>> -> memref<1x8192xf32, #tpu.memory_space<vmem>>
      %dma_start3A_1682 = tpu.memref_squeeze %dma_start3A_1681 : memref<1x8192xf32, #tpu.memory_space<vmem>> -> memref<8192xf32, #tpu.memory_space<vmem>>
      %dma_start3A_1683 = tpu.memref_slice %arg4[%add3A_1671, %add3A_1677] : memref<200x524288xf32, #tpu.memory_space<hbm>> -> memref<1x8192xf32, #tpu.memory_space<hbm>>
      %dma_start3A_1684 = tpu.memref_squeeze %dma_start3A_1683 : memref<1x8192xf32, #tpu.memory_space<hbm>> -> memref<8192xf32, #tpu.memory_space<hbm>>
      %dma_start3A_1685 = tpu.memref_slice %arg10[%dma_start3A_1679] : memref<2x!tpu.dma_semaphore, #tpu.memory_space<semaphore_mem>> -> memref<1x!tpu.dma_semaphore, #tpu.memory_space<semaphore_mem>>
      %dma_start3A_1686 = tpu.memref_squeeze %dma_start3A_1685 : memref<1x!tpu.dma_semaphore, #tpu.memory_space<semaphore_mem>> -> memref<!tpu.dma_semaphore, #tpu.memory_space<semaphore_mem>>
      %dma_start3A_1687 = tpu.memref_slice %arg4[%add3A_1671, %add3A_1677] : memref<200x524288xf32, #tpu.memory_space<hbm>> -> memref<1x8192xf32, #tpu.memory_space<hbm>>
      %dma_start3A_1688 = tpu.memref_squeeze %dma_start3A_1687 : memref<1x8192xf32, #tpu.memory_space<hbm>> -> memref<8192xf32, #tpu.memory_space<hbm>>
      %dma_start3A_1689 = arith.constant 0 : i32
      %dma_start3A_1690 = tpu.memref_slice %arg7[%dma_start3A_1678, %dma_start3A_1689] : memref<2x16384xf32, #tpu.memory_space<vmem>> -> memref<1x8192xf32, #tpu.memory_space<vmem>>
      %dma_start3A_1691 = tpu.memref_squeeze %dma_start3A_1690 : memref<1x8192xf32, #tpu.memory_space<vmem>> -> memref<8192xf32, #tpu.memory_space<vmem>>
      tpu.enqueue_dma source(%dma_start3A_1691 : memref<8192xf32, #tpu.memory_space<vmem>>) target(%dma_start3A_1688 : memref<8192xf32, #tpu.memory_space<hbm>>) target_semaphore(%dma_start3A_1686 : memref<!tpu.dma_semaphore, #tpu.memory_space<semaphore_mem>>)
      %add3A_1692 = arith.addi %mul3A_23, %add3A_1633 : i32
      %mul3A_1693 = arith.constant 8 : i32
      %mul3A_1694 = arith.muli %mul3A_25, %mul3A_1693 : i32
      %mul3A_1695 = arith.constant 128 : i32
      %mul3A_1696 = arith.muli %mul3A_1694, %mul3A_1695 : i32
      %add3A_1697 = arith.constant 131072 : i32
      %add3A_1698 = arith.addi %add3A_1697, %mul3A_1696 : i32
      %dma_start3A_1699 = arith.constant 0 : i32
      %dma_start3A_1700 = arith.constant 0 : i32
      %dma_start3A_1701 = arith.constant 8192 : i32
      %dma_start3A_1702 = tpu.memref_slice %arg7[%dma_start3A_1699, %dma_start3A_1701] : memref<2x16384xf32, #tpu.memory_space<vmem>> -> memref<1x8192xf32, #tpu.memory_space<vmem>>
      %dma_start3A_1703 = tpu.memref_squeeze %dma_start3A_1702 : memref<1x8192xf32, #tpu.memory_space<vmem>> -> memref<8192xf32, #tpu.memory_space<vmem>>
      %dma_start3A_1704 = tpu.memref_slice %arg4[%add3A_1692, %add3A_1698] : memref<200x524288xf32, #tpu.memory_space<hbm>> -> memref<1x8192xf32, #tpu.memory_space<hbm>>
      %dma_start3A_1705 = tpu.memref_squeeze %dma_start3A_1704 : memref<1x8192xf32, #tpu.memory_space<hbm>> -> memref<8192xf32, #tpu.memory_space<hbm>>
      %dma_start3A_1706 = tpu.memref_slice %arg10[%dma_start3A_1700] : memref<2x!tpu.dma_semaphore, #tpu.memory_space<semaphore_mem>> -> memref<1x!tpu.dma_semaphore, #tpu.memory_space<semaphore_mem>>
      %dma_start3A_1707 = tpu.memref_squeeze %dma_start3A_1706 : memref<1x!tpu.dma_semaphore, #tpu.memory_space<semaphore_mem>> -> memref<!tpu.dma_semaphore, #tpu.memory_space<semaphore_mem>>
      %dma_start3A_1708 = tpu.memref_slice %arg4[%add3A_1692, %add3A_1698] : memref<200x524288xf32, #tpu.memory_space<hbm>> -> memref<1x8192xf32, #tpu.memory_space<hbm>>
      %dma_start3A_1709 = tpu.memref_squeeze %dma_start3A_1708 : memref<1x8192xf32, #tpu.memory_space<hbm>> -> memref<8192xf32, #tpu.memory_space<hbm>>
      %dma_start3A_1710 = arith.constant 8192 : i32
      %dma_start3A_1711 = tpu.memref_slice %arg7[%dma_start3A_1699, %dma_start3A_1710] : memref<2x16384xf32, #tpu.memory_space<vmem>> -> memref<1x8192xf32, #tpu.memory_space<vmem>>
      %dma_start3A_1712 = tpu.memref_squeeze %dma_start3A_1711 : memref<1x8192xf32, #tpu.memory_space<vmem>> -> memref<8192xf32, #tpu.memory_space<vmem>>
      tpu.enqueue_dma source(%dma_start3A_1712 : memref<8192xf32, #tpu.memory_space<vmem>>) target(%dma_start3A_1709 : memref<8192xf32, #tpu.memory_space<hbm>>) target_semaphore(%dma_start3A_1707 : memref<!tpu.dma_semaphore, #tpu.memory_space<semaphore_mem>>)
      %ge3A_1713 = arith.constant 1 : i32
      %ge3A_1714 = arith.cmpi sge, %add3A_1633, %ge3A_1713 : i32
      %convert_element_type3A_1715 = arith.extui %ge3A_1714 : i1 to i32
      %cond3A_1716 = arith.constant 0 : i32
      %cond3A_1717 = arith.cmpi ne, %convert_element_type3A_1715, %cond3A_1716 : i32
      scf.if %cond3A_1717 {
        %dma_wait3A_1905 = arith.constant 1 : i32
        %dma_wait3A_1906 = arith.constant 0 : i32
        %dma_wait3A_1907 = arith.constant 1 : i32
        %dma_wait3A_1908 = arith.constant 0 : i32
        %dma_wait3A_1909 = tpu.memref_slice %arg7[%dma_wait3A_1905, %dma_wait3A_1908] : memref<2x16384xf32, #tpu.memory_space<vmem>> -> memref<1x8192xf32, #tpu.memory_space<vmem>>
        %dma_wait3A_1910 = tpu.memref_squeeze %dma_wait3A_1909 : memref<1x8192xf32, #tpu.memory_space<vmem>> -> memref<8192xf32, #tpu.memory_space<vmem>>
        %dma_wait3A_1911 = arith.constant 0 : i32
        %dma_wait3A_1912 = tpu.memref_slice %arg4[%dma_wait3A_1906, %dma_wait3A_1911] : memref<200x524288xf32, #tpu.memory_space<hbm>> -> memref<1x8192xf32, #tpu.memory_space<hbm>>
        %dma_wait3A_1913 = tpu.memref_squeeze %dma_wait3A_1912 : memref<1x8192xf32, #tpu.memory_space<hbm>> -> memref<8192xf32, #tpu.memory_space<hbm>>
        %dma_wait3A_1914 = tpu.memref_slice %arg10[%dma_wait3A_1907] : memref<2x!tpu.dma_semaphore, #tpu.memory_space<semaphore_mem>> -> memref<1x!tpu.dma_semaphore, #tpu.memory_space<semaphore_mem>>
        %dma_wait3A_1915 = tpu.memref_squeeze %dma_wait3A_1914 : memref<1x!tpu.dma_semaphore, #tpu.memory_space<semaphore_mem>> -> memref<!tpu.dma_semaphore, #tpu.memory_space<semaphore_mem>>
        %dma_wait3A_1916 = arith.constant 0 : i32
        %dma_wait3A_1917 = tpu.memref_slice %arg4[%dma_wait3A_1906, %dma_wait3A_1916] : memref<200x524288xf32, #tpu.memory_space<hbm>> -> memref<1x8192xf32, #tpu.memory_space<hbm>>
        %dma_wait3A_1918 = tpu.memref_squeeze %dma_wait3A_1917 : memref<1x8192xf32, #tpu.memory_space<hbm>> -> memref<8192xf32, #tpu.memory_space<hbm>>
        %dma_wait3A_1919 = arith.constant 0 : i32
        %dma_wait3A_1920 = tpu.memref_slice %arg7[%dma_wait3A_1905, %dma_wait3A_1919] : memref<2x16384xf32, #tpu.memory_space<vmem>> -> memref<1x8192xf32, #tpu.memory_space<vmem>>
        %dma_wait3A_1921 = tpu.memref_squeeze %dma_wait3A_1920 : memref<1x8192xf32, #tpu.memory_space<vmem>> -> memref<8192xf32, #tpu.memory_space<vmem>>
        tpu.wait_dma2 semaphore(%dma_wait3A_1915 : memref<!tpu.dma_semaphore, #tpu.memory_space<semaphore_mem>>) src(%dma_wait3A_1921 : memref<8192xf32, #tpu.memory_space<vmem>>) dst(%dma_wait3A_1918 : memref<8192xf32, #tpu.memory_space<hbm>>)
        %dma_wait3A_1922 = arith.constant 1 : i32
        %dma_wait3A_1923 = arith.constant 0 : i32
        %dma_wait3A_1924 = arith.constant 1 : i32
        %dma_wait3A_1925 = arith.constant 8192 : i32
        %dma_wait3A_1926 = tpu.memref_slice %arg7[%dma_wait3A_1922, %dma_wait3A_1925] : memref<2x16384xf32, #tpu.memory_space<vmem>> -> memref<1x8192xf32, #tpu.memory_space<vmem>>
        %dma_wait3A_1927 = tpu.memref_squeeze %dma_wait3A_1926 : memref<1x8192xf32, #tpu.memory_space<vmem>> -> memref<8192xf32, #tpu.memory_space<vmem>>
        %dma_wait3A_1928 = arith.constant 131072 : i32
        %dma_wait3A_1929 = tpu.memref_slice %arg4[%dma_wait3A_1923, %dma_wait3A_1928] : memref<200x524288xf32, #tpu.memory_space<hbm>> -> memref<1x8192xf32, #tpu.memory_space<hbm>>
        %dma_wait3A_1930 = tpu.memref_squeeze %dma_wait3A_1929 : memref<1x8192xf32, #tpu.memory_space<hbm>> -> memref<8192xf32, #tpu.memory_space<hbm>>
        %dma_wait3A_1931 = tpu.memref_slice %arg10[%dma_wait3A_1924] : memref<2x!tpu.dma_semaphore, #tpu.memory_space<semaphore_mem>> -> memref<1x!tpu.dma_semaphore, #tpu.memory_space<semaphore_mem>>
        %dma_wait3A_1932 = tpu.memref_squeeze %dma_wait3A_1931 : memref<1x!tpu.dma_semaphore, #tpu.memory_space<semaphore_mem>> -> memref<!tpu.dma_semaphore, #tpu.memory_space<semaphore_mem>>
        %dma_wait3A_1933 = arith.constant 131072 : i32
        %dma_wait3A_1934 = tpu.memref_slice %arg4[%dma_wait3A_1923, %dma_wait3A_1933] : memref<200x524288xf32, #tpu.memory_space<hbm>> -> memref<1x8192xf32, #tpu.memory_space<hbm>>
        %dma_wait3A_1935 = tpu.memref_squeeze %dma_wait3A_1934 : memref<1x8192xf32, #tpu.memory_space<hbm>> -> memref<8192xf32, #tpu.memory_space<hbm>>
        %dma_wait3A_1936 = arith.constant 8192 : i32
        %dma_wait3A_1937 = tpu.memref_slice %arg7[%dma_wait3A_1922, %dma_wait3A_1936] : memref<2x16384xf32, #tpu.memory_space<vmem>> -> memref<1x8192xf32, #tpu.memory_space<vmem>>
        %dma_wait3A_1938 = tpu.memref_squeeze %dma_wait3A_1937 : memref<1x8192xf32, #tpu.memory_space<vmem>> -> memref<8192xf32, #tpu.memory_space<vmem>>
        tpu.wait_dma2 semaphore(%dma_wait3A_1932 : memref<!tpu.dma_semaphore, #tpu.memory_space<semaphore_mem>>) src(%dma_wait3A_1938 : memref<8192xf32, #tpu.memory_space<vmem>>) dst(%dma_wait3A_1935 : memref<8192xf32, #tpu.memory_space<hbm>>)
      } else {
      }
      %scan3A_1718 = arith.constant 0 : i32
      %scan3A_1719 = arith.constant 0 : i32
      %scan3A_1720 = arith.constant 64 : i32
      %scan3A_1721 = arith.addi %scan3A_1719, %scan3A_1720 : i32
      %scan3A_1722 = arith.constant 1 : i32
      scf.for %scan3A_1905 = %scan3A_1719 to %scan3A_1721 step %scan3A_1722  : i32 {
        %mul3A_1906 = arith.constant 16 : i32
        %mul3A_1907 = arith.muli %scan3A_1905, %mul3A_1906 : i32
        %add3A_1908 = vector.broadcast %mul3A_1907 : i32 to vector<16xi32>
        %add3A_1909 = arith.addi %iota3A, %add3A_1908 : vector<16xi32>
        %jit3A_1910 = arith.constant 8 : i32
        %div3A_1911 = arith.divsi %scan3A_1905, %jit3A_1910 : i32
        %sign3A_1912 = arith.constant 0 : i32
        %sign3A_1913 = arith.cmpi sgt, %scan3A_1905, %sign3A_1912 : i32
        %sign3A_1914 = arith.extui %sign3A_1913 : i1 to i32
        %sign3A_1915 = arith.constant 0 : i32
        %sign3A_1916 = arith.cmpi slt, %scan3A_1905, %sign3A_1915 : i32
        %sign3A_1917 = arith.extui %sign3A_1916 : i1 to i32
        %sign3A_1918 = arith.subi %sign3A_1914, %sign3A_1917 : i32
        %sign3A_1919 = arith.constant 0 : i32
        %sign3A_1920 = arith.cmpi sgt, %jit3A_1910, %sign3A_1919 : i32
        %sign3A_1921 = arith.extui %sign3A_1920 : i1 to i32
        %sign3A_1922 = arith.constant 0 : i32
        %sign3A_1923 = arith.cmpi slt, %jit3A_1910, %sign3A_1922 : i32
        %sign3A_1924 = arith.extui %sign3A_1923 : i1 to i32
        %sign3A_1925 = arith.subi %sign3A_1921, %sign3A_1924 : i32
        %ne3A_1926 = arith.cmpi ne, %sign3A_1918, %sign3A_1925 : i32
        %rem3A_1927 = arith.remsi %scan3A_1905, %jit3A_1910 : i32
        %ne3A_1928 = arith.constant 0 : i32
        %ne3A_1929 = arith.cmpi ne, %rem3A_1927, %ne3A_1928 : i32
        %and3A_1930 = arith.andi %ne3A_1926, %ne3A_1929 : i1
        %sub3A_1931 = arith.constant 1 : i32
        %sub3A_1932 = arith.subi %div3A_1911, %sub3A_1931 : i32
        %select_n3A_1933 = arith.select %and3A_1930, %sub3A_1932, %div3A_1911 : i32
        %mul3A_1934 = arith.constant 1024 : i32
        %mul3A_1935 = arith.muli %select_n3A_1933, %mul3A_1934 : i32
        %jit3A_1936 = arith.constant 8 : i32
        %div3A_1937 = arith.divsi %scan3A_1905, %jit3A_1936 : i32
        %sign3A_1938 = arith.constant 0 : i32
        %sign3A_1939 = arith.cmpi sgt, %scan3A_1905, %sign3A_1938 : i32
        %sign3A_1940 = arith.extui %sign3A_1939 : i1 to i32
        %sign3A_1941 = arith.constant 0 : i32
        %sign3A_1942 = arith.cmpi slt, %scan3A_1905, %sign3A_1941 : i32
        %sign3A_1943 = arith.extui %sign3A_1942 : i1 to i32
        %sign3A_1944 = arith.subi %sign3A_1940, %sign3A_1943 : i32
        %sign3A_1945 = arith.constant 0 : i32
        %sign3A_1946 = arith.cmpi sgt, %jit3A_1936, %sign3A_1945 : i32
        %sign3A_1947 = arith.extui %sign3A_1946 : i1 to i32
        %sign3A_1948 = arith.constant 0 : i32
        %sign3A_1949 = arith.cmpi slt, %jit3A_1936, %sign3A_1948 : i32
        %sign3A_1950 = arith.extui %sign3A_1949 : i1 to i32
        %sign3A_1951 = arith.subi %sign3A_1947, %sign3A_1950 : i32
        %ne3A_1952 = arith.cmpi ne, %sign3A_1944, %sign3A_1951 : i32
        %rem3A_1953 = arith.remsi %scan3A_1905, %jit3A_1936 : i32
        %ne3A_1954 = arith.constant 0 : i32
        %ne3A_1955 = arith.cmpi ne, %rem3A_1953, %ne3A_1954 : i32
        %and3A_1956 = arith.andi %ne3A_1952, %ne3A_1955 : i1
        %sub3A_1957 = arith.constant 1 : i32
        %sub3A_1958 = arith.subi %div3A_1937, %sub3A_1957 : i32
        %select_n3A_1959 = arith.select %and3A_1956, %sub3A_1958, %div3A_1937 : i32
        %mul3A_1960 = arith.constant 8 : i32
        %mul3A_1961 = arith.muli %select_n3A_1959, %mul3A_1960 : i32
        %sub3A_1962 = arith.subi %scan3A_1905, %mul3A_1961 : i32
        %mul3A_1963 = arith.constant 16 : i32
        %mul3A_1964 = arith.muli %sub3A_1962, %mul3A_1963 : i32
        %add3A_1965 = arith.addi %mul3A_1935, %mul3A_1964 : i32
        %gather3A = arith.constant 0 : i32
        %gather3A_1966 = arith.constant 0 : i32
        %gather3A_1967 = arith.constant 0 : i32
        %gather3A_1968 = tpu.memref_slice %arg6[%gather3A, %gather3A_1966, %gather3A_1967] : memref<2x1024x32xf32, #tpu.memory_space<vmem>> -> memref<1x1024x32xf32, #tpu.memory_space<vmem>>
        %gather3A_1969 = tpu.memref_squeeze %gather3A_1968 : memref<1x1024x32xf32, #tpu.memory_space<vmem>> -> memref<1024x32xf32, #tpu.memory_space<vmem>>
        %gather3A_1970 = tpu.vector_load_idx %gather3A_1969[%add3A_1909, %add3A_115] : memref<1024x32xf32, #tpu.memory_space<vmem>>[vector<16xi32>, vector<16xi32>], vector<16xf32>,
        %gather3A_1971 = arith.constant 0 : i32
        %gather3A_1972 = arith.constant 0 : i32
        %gather3A_1973 = arith.constant 0 : i32
        %gather3A_1974 = tpu.memref_slice %arg6[%gather3A_1971, %gather3A_1972, %gather3A_1973] : memref<2x1024x32xf32, #tpu.memory_space<vmem>> -> memref<1x1024x32xf32, #tpu.memory_space<vmem>>
        %gather3A_1975 = tpu.memref_squeeze %gather3A_1974 : memref<1x1024x32xf32, #tpu.memory_space<vmem>> -> memref<1024x32xf32, #tpu.memory_space<vmem>>
        %gather3A_1976 = tpu.vector_load_idx %gather3A_1975[%add3A_1909, %add3A_207] : memref<1024x32xf32, #tpu.memory_space<vmem>>[vector<16xi32>, vector<16xi32>], vector<16xf32>,
        %gather3A_1977 = arith.constant 0 : i32
        %gather3A_1978 = arith.constant 0 : i32
        %gather3A_1979 = arith.constant 0 : i32
        %gather3A_1980 = tpu.memref_slice %arg6[%gather3A_1977, %gather3A_1978, %gather3A_1979] : memref<2x1024x32xf32, #tpu.memory_space<vmem>> -> memref<1x1024x32xf32, #tpu.memory_space<vmem>>
        %gather3A_1981 = tpu.memref_squeeze %gather3A_1980 : memref<1x1024x32xf32, #tpu.memory_space<vmem>> -> memref<1024x32xf32, #tpu.memory_space<vmem>>
        %gather3A_1982 = tpu.vector_load_idx %gather3A_1981[%add3A_1909, %add3A_299] : memref<1024x32xf32, #tpu.memory_space<vmem>>[vector<16xi32>, vector<16xi32>], vector<16xf32>,
        %gather3A_1983 = arith.constant 0 : i32
        %gather3A_1984 = arith.constant 0 : i32
        %gather3A_1985 = arith.constant 0 : i32
        %gather3A_1986 = tpu.memref_slice %arg6[%gather3A_1983, %gather3A_1984, %gather3A_1985] : memref<2x1024x32xf32, #tpu.memory_space<vmem>> -> memref<1x1024x32xf32, #tpu.memory_space<vmem>>
        %gather3A_1987 = tpu.memref_squeeze %gather3A_1986 : memref<1x1024x32xf32, #tpu.memory_space<vmem>> -> memref<1024x32xf32, #tpu.memory_space<vmem>>
        %gather3A_1988 = tpu.vector_load_idx %gather3A_1987[%add3A_1909, %add3A_391] : memref<1024x32xf32, #tpu.memory_space<vmem>>[vector<16xi32>, vector<16xi32>], vector<16xf32>,
        %gather3A_1989 = arith.constant 0 : i32
        %gather3A_1990 = arith.constant 0 : i32
        %gather3A_1991 = arith.constant 0 : i32
        %gather3A_1992 = tpu.memref_slice %arg6[%gather3A_1989, %gather3A_1990, %gather3A_1991] : memref<2x1024x32xf32, #tpu.memory_space<vmem>> -> memref<1x1024x32xf32, #tpu.memory_space<vmem>>
        %gather3A_1993 = tpu.memref_squeeze %gather3A_1992 : memref<1x1024x32xf32, #tpu.memory_space<vmem>> -> memref<1024x32xf32, #tpu.memory_space<vmem>>
        %gather3A_1994 = tpu.vector_load_idx %gather3A_1993[%add3A_1909, %add3A_483] : memref<1024x32xf32, #tpu.memory_space<vmem>>[vector<16xi32>, vector<16xi32>], vector<16xf32>,
        %gather3A_1995 = arith.constant 0 : i32
        %gather3A_1996 = arith.constant 0 : i32
        %gather3A_1997 = arith.constant 0 : i32
        %gather3A_1998 = tpu.memref_slice %arg6[%gather3A_1995, %gather3A_1996, %gather3A_1997] : memref<2x1024x32xf32, #tpu.memory_space<vmem>> -> memref<1x1024x32xf32, #tpu.memory_space<vmem>>
        %gather3A_1999 = tpu.memref_squeeze %gather3A_1998 : memref<1x1024x32xf32, #tpu.memory_space<vmem>> -> memref<1024x32xf32, #tpu.memory_space<vmem>>
        %gather3A_2000 = tpu.vector_load_idx %gather3A_1999[%add3A_1909, %add3A_575] : memref<1024x32xf32, #tpu.memory_space<vmem>>[vector<16xi32>, vector<16xi32>], vector<16xf32>,
        %gather3A_2001 = arith.constant 0 : i32
        %gather3A_2002 = arith.constant 0 : i32
        %gather3A_2003 = arith.constant 0 : i32
        %gather3A_2004 = tpu.memref_slice %arg6[%gather3A_2001, %gather3A_2002, %gather3A_2003] : memref<2x1024x32xf32, #tpu.memory_space<vmem>> -> memref<1x1024x32xf32, #tpu.memory_space<vmem>>
        %gather3A_2005 = tpu.memref_squeeze %gather3A_2004 : memref<1x1024x32xf32, #tpu.memory_space<vmem>> -> memref<1024x32xf32, #tpu.memory_space<vmem>>
        %gather3A_2006 = tpu.vector_load_idx %gather3A_2005[%add3A_1909, %add3A_667] : memref<1024x32xf32, #tpu.memory_space<vmem>>[vector<16xi32>, vector<16xi32>], vector<16xf32>,
        %gather3A_2007 = arith.constant 0 : i32
        %gather3A_2008 = arith.constant 0 : i32
        %gather3A_2009 = arith.constant 0 : i32
        %gather3A_2010 = tpu.memref_slice %arg6[%gather3A_2007, %gather3A_2008, %gather3A_2009] : memref<2x1024x32xf32, #tpu.memory_space<vmem>> -> memref<1x1024x32xf32, #tpu.memory_space<vmem>>
        %gather3A_2011 = tpu.memref_squeeze %gather3A_2010 : memref<1x1024x32xf32, #tpu.memory_space<vmem>> -> memref<1024x32xf32, #tpu.memory_space<vmem>>
        %gather3A_2012 = tpu.vector_load_idx %gather3A_2011[%add3A_1909, %add3A_759] : memref<1024x32xf32, #tpu.memory_space<vmem>>[vector<16xi32>, vector<16xi32>], vector<16xf32>,
        %add3A_2013 = vector.broadcast %add3A_1965 : i32 to vector<16xi32>
        %add3A_2014 = arith.addi %add3A_109, %add3A_2013 : vector<16xi32>
        %scatter3A = arith.constant 1 : i32
        %scatter3A_2015 = arith.constant 0 : i32
        %scatter3A_2016 = tpu.memref_slice %arg7[%scatter3A, %scatter3A_2015] : memref<2x16384xf32, #tpu.memory_space<vmem>> -> memref<1x16384xf32, #tpu.memory_space<vmem>>
        %scatter3A_2017 = tpu.memref_squeeze %scatter3A_2016 : memref<1x16384xf32, #tpu.memory_space<vmem>> -> memref<16384xf32, #tpu.memory_space<vmem>>
        tpu.vector_store_idx %scatter3A_2017[%add3A_2014], %gather3A_1970 : memref<16384xf32, #tpu.memory_space<vmem>>[vector<16xi32>], vector<16xf32>,
        %add3A_2018 = vector.broadcast %add3A_1965 : i32 to vector<16xi32>
        %add3A_2019 = arith.addi %add3A_201, %add3A_2018 : vector<16xi32>
        %scatter3A_2020 = arith.constant 1 : i32
        %scatter3A_2021 = arith.constant 0 : i32
        %scatter3A_2022 = tpu.memref_slice %arg7[%scatter3A_2020, %scatter3A_2021] : memref<2x16384xf32, #tpu.memory_space<vmem>> -> memref<1x16384xf32, #tpu.memory_space<vmem>>
        %scatter3A_2023 = tpu.memref_squeeze %scatter3A_2022 : memref<1x16384xf32, #tpu.memory_space<vmem>> -> memref<16384xf32, #tpu.memory_space<vmem>>
        tpu.vector_store_idx %scatter3A_2023[%add3A_2019], %gather3A_1976 : memref<16384xf32, #tpu.memory_space<vmem>>[vector<16xi32>], vector<16xf32>,
        %add3A_2024 = vector.broadcast %add3A_1965 : i32 to vector<16xi32>
        %add3A_2025 = arith.addi %add3A_293, %add3A_2024 : vector<16xi32>
        %scatter3A_2026 = arith.constant 1 : i32
        %scatter3A_2027 = arith.constant 0 : i32
        %scatter3A_2028 = tpu.memref_slice %arg7[%scatter3A_2026, %scatter3A_2027] : memref<2x16384xf32, #tpu.memory_space<vmem>> -> memref<1x16384xf32, #tpu.memory_space<vmem>>
        %scatter3A_2029 = tpu.memref_squeeze %scatter3A_2028 : memref<1x16384xf32, #tpu.memory_space<vmem>> -> memref<16384xf32, #tpu.memory_space<vmem>>
        tpu.vector_store_idx %scatter3A_2029[%add3A_2025], %gather3A_1982 : memref<16384xf32, #tpu.memory_space<vmem>>[vector<16xi32>], vector<16xf32>,
        %add3A_2030 = vector.broadcast %add3A_1965 : i32 to vector<16xi32>
        %add3A_2031 = arith.addi %add3A_385, %add3A_2030 : vector<16xi32>
        %scatter3A_2032 = arith.constant 1 : i32
        %scatter3A_2033 = arith.constant 0 : i32
        %scatter3A_2034 = tpu.memref_slice %arg7[%scatter3A_2032, %scatter3A_2033] : memref<2x16384xf32, #tpu.memory_space<vmem>> -> memref<1x16384xf32, #tpu.memory_space<vmem>>
        %scatter3A_2035 = tpu.memref_squeeze %scatter3A_2034 : memref<1x16384xf32, #tpu.memory_space<vmem>> -> memref<16384xf32, #tpu.memory_space<vmem>>
        tpu.vector_store_idx %scatter3A_2035[%add3A_2031], %gather3A_1988 : memref<16384xf32, #tpu.memory_space<vmem>>[vector<16xi32>], vector<16xf32>,
        %add3A_2036 = vector.broadcast %add3A_1965 : i32 to vector<16xi32>
        %add3A_2037 = arith.addi %add3A_477, %add3A_2036 : vector<16xi32>
        %scatter3A_2038 = arith.constant 1 : i32
        %scatter3A_2039 = arith.constant 0 : i32
        %scatter3A_2040 = tpu.memref_slice %arg7[%scatter3A_2038, %scatter3A_2039] : memref<2x16384xf32, #tpu.memory_space<vmem>> -> memref<1x16384xf32, #tpu.memory_space<vmem>>
        %scatter3A_2041 = tpu.memref_squeeze %scatter3A_2040 : memref<1x16384xf32, #tpu.memory_space<vmem>> -> memref<16384xf32, #tpu.memory_space<vmem>>
        tpu.vector_store_idx %scatter3A_2041[%add3A_2037], %gather3A_1994 : memref<16384xf32, #tpu.memory_space<vmem>>[vector<16xi32>], vector<16xf32>,
        %add3A_2042 = vector.broadcast %add3A_1965 : i32 to vector<16xi32>
        %add3A_2043 = arith.addi %add3A_569, %add3A_2042 : vector<16xi32>
        %scatter3A_2044 = arith.constant 1 : i32
        %scatter3A_2045 = arith.constant 0 : i32
        %scatter3A_2046 = tpu.memref_slice %arg7[%scatter3A_2044, %scatter3A_2045] : memref<2x16384xf32, #tpu.memory_space<vmem>> -> memref<1x16384xf32, #tpu.memory_space<vmem>>
        %scatter3A_2047 = tpu.memref_squeeze %scatter3A_2046 : memref<1x16384xf32, #tpu.memory_space<vmem>> -> memref<16384xf32, #tpu.memory_space<vmem>>
        tpu.vector_store_idx %scatter3A_2047[%add3A_2043], %gather3A_2000 : memref<16384xf32, #tpu.memory_space<vmem>>[vector<16xi32>], vector<16xf32>,
        %add3A_2048 = vector.broadcast %add3A_1965 : i32 to vector<16xi32>
        %add3A_2049 = arith.addi %add3A_661, %add3A_2048 : vector<16xi32>
        %scatter3A_2050 = arith.constant 1 : i32
        %scatter3A_2051 = arith.constant 0 : i32
        %scatter3A_2052 = tpu.memref_slice %arg7[%scatter3A_2050, %scatter3A_2051] : memref<2x16384xf32, #tpu.memory_space<vmem>> -> memref<1x16384xf32, #tpu.memory_space<vmem>>
        %scatter3A_2053 = tpu.memref_squeeze %scatter3A_2052 : memref<1x16384xf32, #tpu.memory_space<vmem>> -> memref<16384xf32, #tpu.memory_space<vmem>>
        tpu.vector_store_idx %scatter3A_2053[%add3A_2049], %gather3A_2006 : memref<16384xf32, #tpu.memory_space<vmem>>[vector<16xi32>], vector<16xf32>,
        %add3A_2054 = vector.broadcast %add3A_1965 : i32 to vector<16xi32>
        %add3A_2055 = arith.addi %add3A_753, %add3A_2054 : vector<16xi32>
        %scatter3A_2056 = arith.constant 1 : i32
        %scatter3A_2057 = arith.constant 0 : i32
        %scatter3A_2058 = tpu.memref_slice %arg7[%scatter3A_2056, %scatter3A_2057] : memref<2x16384xf32, #tpu.memory_space<vmem>> -> memref<1x16384xf32, #tpu.memory_space<vmem>>
        %scatter3A_2059 = tpu.memref_squeeze %scatter3A_2058 : memref<1x16384xf32, #tpu.memory_space<vmem>> -> memref<16384xf32, #tpu.memory_space<vmem>>
        tpu.vector_store_idx %scatter3A_2059[%add3A_2055], %gather3A_2012 : memref<16384xf32, #tpu.memory_space<vmem>>[vector<16xi32>], vector<16xf32>,
        %gather3A_2060 = arith.constant 0 : i32
        %gather3A_2061 = arith.constant 0 : i32
        %gather3A_2062 = arith.constant 0 : i32
        %gather3A_2063 = tpu.memref_slice %arg6[%gather3A_2060, %gather3A_2061, %gather3A_2062] : memref<2x1024x32xf32, #tpu.memory_space<vmem>> -> memref<1x1024x32xf32, #tpu.memory_space<vmem>>
        %gather3A_2064 = tpu.memref_squeeze %gather3A_2063 : memref<1x1024x32xf32, #tpu.memory_space<vmem>> -> memref<1024x32xf32, #tpu.memory_space<vmem>>
        %gather3A_2065 = tpu.vector_load_idx %gather3A_2064[%add3A_1909, %add3A_851] : memref<1024x32xf32, #tpu.memory_space<vmem>>[vector<16xi32>, vector<16xi32>], vector<16xf32>,
        %gather3A_2066 = arith.constant 0 : i32
        %gather3A_2067 = arith.constant 0 : i32
        %gather3A_2068 = arith.constant 0 : i32
        %gather3A_2069 = tpu.memref_slice %arg6[%gather3A_2066, %gather3A_2067, %gather3A_2068] : memref<2x1024x32xf32, #tpu.memory_space<vmem>> -> memref<1x1024x32xf32, #tpu.memory_space<vmem>>
        %gather3A_2070 = tpu.memref_squeeze %gather3A_2069 : memref<1x1024x32xf32, #tpu.memory_space<vmem>> -> memref<1024x32xf32, #tpu.memory_space<vmem>>
        %gather3A_2071 = tpu.vector_load_idx %gather3A_2070[%add3A_1909, %add3A_943] : memref<1024x32xf32, #tpu.memory_space<vmem>>[vector<16xi32>, vector<16xi32>], vector<16xf32>,
        %gather3A_2072 = arith.constant 0 : i32
        %gather3A_2073 = arith.constant 0 : i32
        %gather3A_2074 = arith.constant 0 : i32
        %gather3A_2075 = tpu.memref_slice %arg6[%gather3A_2072, %gather3A_2073, %gather3A_2074] : memref<2x1024x32xf32, #tpu.memory_space<vmem>> -> memref<1x1024x32xf32, #tpu.memory_space<vmem>>
        %gather3A_2076 = tpu.memref_squeeze %gather3A_2075 : memref<1x1024x32xf32, #tpu.memory_space<vmem>> -> memref<1024x32xf32, #tpu.memory_space<vmem>>
        %gather3A_2077 = tpu.vector_load_idx %gather3A_2076[%add3A_1909, %add3A_1035] : memref<1024x32xf32, #tpu.memory_space<vmem>>[vector<16xi32>, vector<16xi32>], vector<16xf32>,
        %gather3A_2078 = arith.constant 0 : i32
        %gather3A_2079 = arith.constant 0 : i32
        %gather3A_2080 = arith.constant 0 : i32
        %gather3A_2081 = tpu.memref_slice %arg6[%gather3A_2078, %gather3A_2079, %gather3A_2080] : memref<2x1024x32xf32, #tpu.memory_space<vmem>> -> memref<1x1024x32xf32, #tpu.memory_space<vmem>>
        %gather3A_2082 = tpu.memref_squeeze %gather3A_2081 : memref<1x1024x32xf32, #tpu.memory_space<vmem>> -> memref<1024x32xf32, #tpu.memory_space<vmem>>
        %gather3A_2083 = tpu.vector_load_idx %gather3A_2082[%add3A_1909, %add3A_1127] : memref<1024x32xf32, #tpu.memory_space<vmem>>[vector<16xi32>, vector<16xi32>], vector<16xf32>,
        %gather3A_2084 = arith.constant 0 : i32
        %gather3A_2085 = arith.constant 0 : i32
        %gather3A_2086 = arith.constant 0 : i32
        %gather3A_2087 = tpu.memref_slice %arg6[%gather3A_2084, %gather3A_2085, %gather3A_2086] : memref<2x1024x32xf32, #tpu.memory_space<vmem>> -> memref<1x1024x32xf32, #tpu.memory_space<vmem>>
        %gather3A_2088 = tpu.memref_squeeze %gather3A_2087 : memref<1x1024x32xf32, #tpu.memory_space<vmem>> -> memref<1024x32xf32, #tpu.memory_space<vmem>>
        %gather3A_2089 = tpu.vector_load_idx %gather3A_2088[%add3A_1909, %add3A_1219] : memref<1024x32xf32, #tpu.memory_space<vmem>>[vector<16xi32>, vector<16xi32>], vector<16xf32>,
        %gather3A_2090 = arith.constant 0 : i32
        %gather3A_2091 = arith.constant 0 : i32
        %gather3A_2092 = arith.constant 0 : i32
        %gather3A_2093 = tpu.memref_slice %arg6[%gather3A_2090, %gather3A_2091, %gather3A_2092] : memref<2x1024x32xf32, #tpu.memory_space<vmem>> -> memref<1x1024x32xf32, #tpu.memory_space<vmem>>
        %gather3A_2094 = tpu.memref_squeeze %gather3A_2093 : memref<1x1024x32xf32, #tpu.memory_space<vmem>> -> memref<1024x32xf32, #tpu.memory_space<vmem>>
        %gather3A_2095 = tpu.vector_load_idx %gather3A_2094[%add3A_1909, %add3A_1311] : memref<1024x32xf32, #tpu.memory_space<vmem>>[vector<16xi32>, vector<16xi32>], vector<16xf32>,
        %gather3A_2096 = arith.constant 0 : i32
        %gather3A_2097 = arith.constant 0 : i32
        %gather3A_2098 = arith.constant 0 : i32
        %gather3A_2099 = tpu.memref_slice %arg6[%gather3A_2096, %gather3A_2097, %gather3A_2098] : memref<2x1024x32xf32, #tpu.memory_space<vmem>> -> memref<1x1024x32xf32, #tpu.memory_space<vmem>>
        %gather3A_2100 = tpu.memref_squeeze %gather3A_2099 : memref<1x1024x32xf32, #tpu.memory_space<vmem>> -> memref<1024x32xf32, #tpu.memory_space<vmem>>
        %gather3A_2101 = tpu.vector_load_idx %gather3A_2100[%add3A_1909, %add3A_1403] : memref<1024x32xf32, #tpu.memory_space<vmem>>[vector<16xi32>, vector<16xi32>], vector<16xf32>,
        %gather3A_2102 = arith.constant 0 : i32
        %gather3A_2103 = arith.constant 0 : i32
        %gather3A_2104 = arith.constant 0 : i32
        %gather3A_2105 = tpu.memref_slice %arg6[%gather3A_2102, %gather3A_2103, %gather3A_2104] : memref<2x1024x32xf32, #tpu.memory_space<vmem>> -> memref<1x1024x32xf32, #tpu.memory_space<vmem>>
        %gather3A_2106 = tpu.memref_squeeze %gather3A_2105 : memref<1x1024x32xf32, #tpu.memory_space<vmem>> -> memref<1024x32xf32, #tpu.memory_space<vmem>>
        %gather3A_2107 = tpu.vector_load_idx %gather3A_2106[%add3A_1909, %add3A_1495] : memref<1024x32xf32, #tpu.memory_space<vmem>>[vector<16xi32>, vector<16xi32>], vector<16xf32>,
        %add3A_2108 = vector.broadcast %add3A_1965 : i32 to vector<16xi32>
        %add3A_2109 = arith.addi %add3A_845, %add3A_2108 : vector<16xi32>
        %scatter3A_2110 = arith.constant 1 : i32
        %scatter3A_2111 = arith.constant 0 : i32
        %scatter3A_2112 = tpu.memref_slice %arg7[%scatter3A_2110, %scatter3A_2111] : memref<2x16384xf32, #tpu.memory_space<vmem>> -> memref<1x16384xf32, #tpu.memory_space<vmem>>
        %scatter3A_2113 = tpu.memref_squeeze %scatter3A_2112 : memref<1x16384xf32, #tpu.memory_space<vmem>> -> memref<16384xf32, #tpu.memory_space<vmem>>
        tpu.vector_store_idx %scatter3A_2113[%add3A_2109], %gather3A_2065 : memref<16384xf32, #tpu.memory_space<vmem>>[vector<16xi32>], vector<16xf32>,
        %add3A_2114 = vector.broadcast %add3A_1965 : i32 to vector<16xi32>
        %add3A_2115 = arith.addi %add3A_937, %add3A_2114 : vector<16xi32>
        %scatter3A_2116 = arith.constant 1 : i32
        %scatter3A_2117 = arith.constant 0 : i32
        %scatter3A_2118 = tpu.memref_slice %arg7[%scatter3A_2116, %scatter3A_2117] : memref<2x16384xf32, #tpu.memory_space<vmem>> -> memref<1x16384xf32, #tpu.memory_space<vmem>>
        %scatter3A_2119 = tpu.memref_squeeze %scatter3A_2118 : memref<1x16384xf32, #tpu.memory_space<vmem>> -> memref<16384xf32, #tpu.memory_space<vmem>>
        tpu.vector_store_idx %scatter3A_2119[%add3A_2115], %gather3A_2071 : memref<16384xf32, #tpu.memory_space<vmem>>[vector<16xi32>], vector<16xf32>,
        %add3A_2120 = vector.broadcast %add3A_1965 : i32 to vector<16xi32>
        %add3A_2121 = arith.addi %add3A_1029, %add3A_2120 : vector<16xi32>
        %scatter3A_2122 = arith.constant 1 : i32
        %scatter3A_2123 = arith.constant 0 : i32
        %scatter3A_2124 = tpu.memref_slice %arg7[%scatter3A_2122, %scatter3A_2123] : memref<2x16384xf32, #tpu.memory_space<vmem>> -> memref<1x16384xf32, #tpu.memory_space<vmem>>
        %scatter3A_2125 = tpu.memref_squeeze %scatter3A_2124 : memref<1x16384xf32, #tpu.memory_space<vmem>> -> memref<16384xf32, #tpu.memory_space<vmem>>
        tpu.vector_store_idx %scatter3A_2125[%add3A_2121], %gather3A_2077 : memref<16384xf32, #tpu.memory_space<vmem>>[vector<16xi32>], vector<16xf32>,
        %add3A_2126 = vector.broadcast %add3A_1965 : i32 to vector<16xi32>
        %add3A_2127 = arith.addi %add3A_1121, %add3A_2126 : vector<16xi32>
        %scatter3A_2128 = arith.constant 1 : i32
        %scatter3A_2129 = arith.constant 0 : i32
        %scatter3A_2130 = tpu.memref_slice %arg7[%scatter3A_2128, %scatter3A_2129] : memref<2x16384xf32, #tpu.memory_space<vmem>> -> memref<1x16384xf32, #tpu.memory_space<vmem>>
        %scatter3A_2131 = tpu.memref_squeeze %scatter3A_2130 : memref<1x16384xf32, #tpu.memory_space<vmem>> -> memref<16384xf32, #tpu.memory_space<vmem>>
        tpu.vector_store_idx %scatter3A_2131[%add3A_2127], %gather3A_2083 : memref<16384xf32, #tpu.memory_space<vmem>>[vector<16xi32>], vector<16xf32>,
        %add3A_2132 = vector.broadcast %add3A_1965 : i32 to vector<16xi32>
        %add3A_2133 = arith.addi %add3A_1213, %add3A_2132 : vector<16xi32>
        %scatter3A_2134 = arith.constant 1 : i32
        %scatter3A_2135 = arith.constant 0 : i32
        %scatter3A_2136 = tpu.memref_slice %arg7[%scatter3A_2134, %scatter3A_2135] : memref<2x16384xf32, #tpu.memory_space<vmem>> -> memref<1x16384xf32, #tpu.memory_space<vmem>>
        %scatter3A_2137 = tpu.memref_squeeze %scatter3A_2136 : memref<1x16384xf32, #tpu.memory_space<vmem>> -> memref<16384xf32, #tpu.memory_space<vmem>>
        tpu.vector_store_idx %scatter3A_2137[%add3A_2133], %gather3A_2089 : memref<16384xf32, #tpu.memory_space<vmem>>[vector<16xi32>], vector<16xf32>,
        %add3A_2138 = vector.broadcast %add3A_1965 : i32 to vector<16xi32>
        %add3A_2139 = arith.addi %add3A_1305, %add3A_2138 : vector<16xi32>
        %scatter3A_2140 = arith.constant 1 : i32
        %scatter3A_2141 = arith.constant 0 : i32
        %scatter3A_2142 = tpu.memref_slice %arg7[%scatter3A_2140, %scatter3A_2141] : memref<2x16384xf32, #tpu.memory_space<vmem>> -> memref<1x16384xf32, #tpu.memory_space<vmem>>
        %scatter3A_2143 = tpu.memref_squeeze %scatter3A_2142 : memref<1x16384xf32, #tpu.memory_space<vmem>> -> memref<16384xf32, #tpu.memory_space<vmem>>
        tpu.vector_store_idx %scatter3A_2143[%add3A_2139], %gather3A_2095 : memref<16384xf32, #tpu.memory_space<vmem>>[vector<16xi32>], vector<16xf32>,
        %add3A_2144 = vector.broadcast %add3A_1965 : i32 to vector<16xi32>
        %add3A_2145 = arith.addi %add3A_1397, %add3A_2144 : vector<16xi32>
        %scatter3A_2146 = arith.constant 1 : i32
        %scatter3A_2147 = arith.constant 0 : i32
        %scatter3A_2148 = tpu.memref_slice %arg7[%scatter3A_2146, %scatter3A_2147] : memref<2x16384xf32, #tpu.memory_space<vmem>> -> memref<1x16384xf32, #tpu.memory_space<vmem>>
        %scatter3A_2149 = tpu.memref_squeeze %scatter3A_2148 : memref<1x16384xf32, #tpu.memory_space<vmem>> -> memref<16384xf32, #tpu.memory_space<vmem>>
        tpu.vector_store_idx %scatter3A_2149[%add3A_2145], %gather3A_2101 : memref<16384xf32, #tpu.memory_space<vmem>>[vector<16xi32>], vector<16xf32>,
        %add3A_2150 = vector.broadcast %add3A_1965 : i32 to vector<16xi32>
        %add3A_2151 = arith.addi %add3A_1489, %add3A_2150 : vector<16xi32>
        %scatter3A_2152 = arith.constant 1 : i32
        %scatter3A_2153 = arith.constant 0 : i32
        %scatter3A_2154 = tpu.memref_slice %arg7[%scatter3A_2152, %scatter3A_2153] : memref<2x16384xf32, #tpu.memory_space<vmem>> -> memref<1x16384xf32, #tpu.memory_space<vmem>>
        %scatter3A_2155 = tpu.memref_squeeze %scatter3A_2154 : memref<1x16384xf32, #tpu.memory_space<vmem>> -> memref<16384xf32, #tpu.memory_space<vmem>>
        tpu.vector_store_idx %scatter3A_2155[%add3A_2151], %gather3A_2107 : memref<16384xf32, #tpu.memory_space<vmem>>[vector<16xi32>], vector<16xf32>,
      }
      %scan3A_1723 = arith.constant 64 : i32
      %add3A_1724 = arith.addi %mul3A_23, %add3A_1633 : i32
      %mul3A_1725 = arith.constant 8 : i32
      %mul3A_1726 = arith.muli %mul3A_25, %mul3A_1725 : i32
      %mul3A_1727 = arith.constant 128 : i32
      %mul3A_1728 = arith.muli %mul3A_1726, %mul3A_1727 : i32
      %add3A_1729 = arith.constant 262144 : i32
      %add3A_1730 = arith.addi %add3A_1729, %mul3A_1728 : i32
      %dma_start3A_1731 = arith.constant 1 : i32
      %dma_start3A_1732 = arith.constant 1 : i32
      %dma_start3A_1733 = arith.constant 0 : i32
      %dma_start3A_1734 = tpu.memref_slice %arg7[%dma_start3A_1731, %dma_start3A_1733] : memref<2x16384xf32, #tpu.memory_space<vmem>> -> memref<1x8192xf32, #tpu.memory_space<vmem>>
      %dma_start3A_1735 = tpu.memref_squeeze %dma_start3A_1734 : memref<1x8192xf32, #tpu.memory_space<vmem>> -> memref<8192xf32, #tpu.memory_space<vmem>>
      %dma_start3A_1736 = tpu.memref_slice %arg4[%add3A_1724, %add3A_1730] : memref<200x524288xf32, #tpu.memory_space<hbm>> -> memref<1x8192xf32, #tpu.memory_space<hbm>>
      %dma_start3A_1737 = tpu.memref_squeeze %dma_start3A_1736 : memref<1x8192xf32, #tpu.memory_space<hbm>> -> memref<8192xf32, #tpu.memory_space<hbm>>
      %dma_start3A_1738 = tpu.memref_slice %arg10[%dma_start3A_1732] : memref<2x!tpu.dma_semaphore, #tpu.memory_space<semaphore_mem>> -> memref<1x!tpu.dma_semaphore, #tpu.memory_space<semaphore_mem>>
      %dma_start3A_1739 = tpu.memref_squeeze %dma_start3A_1738 : memref<1x!tpu.dma_semaphore, #tpu.memory_space<semaphore_mem>> -> memref<!tpu.dma_semaphore, #tpu.memory_space<semaphore_mem>>
      %dma_start3A_1740 = tpu.memref_slice %arg4[%add3A_1724, %add3A_1730] : memref<200x524288xf32, #tpu.memory_space<hbm>> -> memref<1x8192xf32, #tpu.memory_space<hbm>>
      %dma_start3A_1741 = tpu.memref_squeeze %dma_start3A_1740 : memref<1x8192xf32, #tpu.memory_space<hbm>> -> memref<8192xf32, #tpu.memory_space<hbm>>
      %dma_start3A_1742 = arith.constant 0 : i32
      %dma_start3A_1743 = tpu.memref_slice %arg7[%dma_start3A_1731, %dma_start3A_1742] : memref<2x16384xf32, #tpu.memory_space<vmem>> -> memref<1x8192xf32, #tpu.memory_space<vmem>>
      %dma_start3A_1744 = tpu.memref_squeeze %dma_start3A_1743 : memref<1x8192xf32, #tpu.memory_space<vmem>> -> memref<8192xf32, #tpu.memory_space<vmem>>
      tpu.enqueue_dma source(%dma_start3A_1744 : memref<8192xf32, #tpu.memory_space<vmem>>) target(%dma_start3A_1741 : memref<8192xf32, #tpu.memory_space<hbm>>) target_semaphore(%dma_start3A_1739 : memref<!tpu.dma_semaphore, #tpu.memory_space<semaphore_mem>>)
      %add3A_1745 = arith.addi %mul3A_23, %add3A_1633 : i32
      %mul3A_1746 = arith.constant 8 : i32
      %mul3A_1747 = arith.muli %mul3A_25, %mul3A_1746 : i32
      %mul3A_1748 = arith.constant 128 : i32
      %mul3A_1749 = arith.muli %mul3A_1747, %mul3A_1748 : i32
      %add3A_1750 = arith.constant 393216 : i32
      %add3A_1751 = arith.addi %add3A_1750, %mul3A_1749 : i32
      %dma_start3A_1752 = arith.constant 1 : i32
      %dma_start3A_1753 = arith.constant 1 : i32
      %dma_start3A_1754 = arith.constant 8192 : i32
      %dma_start3A_1755 = tpu.memref_slice %arg7[%dma_start3A_1752, %dma_start3A_1754] : memref<2x16384xf32, #tpu.memory_space<vmem>> -> memref<1x8192xf32, #tpu.memory_space<vmem>>
      %dma_start3A_1756 = tpu.memref_squeeze %dma_start3A_1755 : memref<1x8192xf32, #tpu.memory_space<vmem>> -> memref<8192xf32, #tpu.memory_space<vmem>>
      %dma_start3A_1757 = tpu.memref_slice %arg4[%add3A_1745, %add3A_1751] : memref<200x524288xf32, #tpu.memory_space<hbm>> -> memref<1x8192xf32, #tpu.memory_space<hbm>>
      %dma_start3A_1758 = tpu.memref_squeeze %dma_start3A_1757 : memref<1x8192xf32, #tpu.memory_space<hbm>> -> memref<8192xf32, #tpu.memory_space<hbm>>
      %dma_start3A_1759 = tpu.memref_slice %arg10[%dma_start3A_1753] : memref<2x!tpu.dma_semaphore, #tpu.memory_space<semaphore_mem>> -> memref<1x!tpu.dma_semaphore, #tpu.memory_space<semaphore_mem>>
      %dma_start3A_1760 = tpu.memref_squeeze %dma_start3A_1759 : memref<1x!tpu.dma_semaphore, #tpu.memory_space<semaphore_mem>> -> memref<!tpu.dma_semaphore, #tpu.memory_space<semaphore_mem>>
      %dma_start3A_1761 = tpu.memref_slice %arg4[%add3A_1745, %add3A_1751] : memref<200x524288xf32, #tpu.memory_space<hbm>> -> memref<1x8192xf32, #tpu.memory_space<hbm>>
      %dma_start3A_1762 = tpu.memref_squeeze %dma_start3A_1761 : memref<1x8192xf32, #tpu.memory_space<hbm>> -> memref<8192xf32, #tpu.memory_space<hbm>>
      %dma_start3A_1763 = arith.constant 8192 : i32
      %dma_start3A_1764 = tpu.memref_slice %arg7[%dma_start3A_1752, %dma_start3A_1763] : memref<2x16384xf32, #tpu.memory_space<vmem>> -> memref<1x8192xf32, #tpu.memory_space<vmem>>
      %dma_start3A_1765 = tpu.memref_squeeze %dma_start3A_1764 : memref<1x8192xf32, #tpu.memory_space<vmem>> -> memref<8192xf32, #tpu.memory_space<vmem>>
      tpu.enqueue_dma source(%dma_start3A_1765 : memref<8192xf32, #tpu.memory_space<vmem>>) target(%dma_start3A_1762 : memref<8192xf32, #tpu.memory_space<hbm>>) target_semaphore(%dma_start3A_1760 : memref<!tpu.dma_semaphore, #tpu.memory_space<semaphore_mem>>)
      %mul3A_1766 = arith.constant 2 : i32
      %mul3A_1767 = arith.muli %mul3A_1766, %scan3A_1629 : i32
      %add3A_1768 = arith.constant 1 : i32
      %add3A_1769 = arith.addi %mul3A_1767, %add3A_1768 : i32
      %add3A_1770 = arith.constant 1 : i32
      %add3A_1771 = arith.addi %add3A_1769, %add3A_1770 : i32
      %lt3A_1772 = arith.constant 100 : i32
      %lt3A_1773 = arith.cmpi slt, %add3A_1771, %lt3A_1772 : i32
      %convert_element_type3A_1774 = arith.extui %lt3A_1773 : i1 to i32
      %cond3A_1775 = arith.constant 0 : i32
      %cond3A_1776 = arith.cmpi ne, %convert_element_type3A_1774, %cond3A_1775 : i32
      scf.if %cond3A_1776 {
        %dma_wait3A_1905 = arith.constant 0 : i32
        %dma_wait3A_1906 = arith.constant 0 : i32
        %dma_wait3A_1907 = arith.constant 0 : i32
        %dma_wait3A_1908 = arith.constant 0 : i32
        %dma_wait3A_1909 = tpu.memref_slice %arg5[%dma_wait3A_1906, %dma_wait3A_1908] : memref<2x1024xi32, #tpu.memory_space<vmem>> -> memref<1x1024xi32, #tpu.memory_space<vmem>>
        %dma_wait3A_1910 = tpu.memref_squeeze %dma_wait3A_1909 : memref<1x1024xi32, #tpu.memory_space<vmem>> -> memref<1024xi32, #tpu.memory_space<vmem>>
        %dma_wait3A_1911 = tpu.memref_slice %arg2[%dma_wait3A_1905, %mul3A_21] : memref<200x16384xi32, #tpu.memory_space<hbm>> -> memref<1x1024xi32, #tpu.memory_space<hbm>>
        %dma_wait3A_1912 = tpu.memref_squeeze %dma_wait3A_1911 : memref<1x1024xi32, #tpu.memory_space<hbm>> -> memref<1024xi32, #tpu.memory_space<hbm>>
        %dma_wait3A_1913 = tpu.memref_slice %arg8[%dma_wait3A_1907] : memref<2x!tpu.dma_semaphore, #tpu.memory_space<semaphore_mem>> -> memref<1x!tpu.dma_semaphore, #tpu.memory_space<semaphore_mem>>
        %dma_wait3A_1914 = tpu.memref_squeeze %dma_wait3A_1913 : memref<1x!tpu.dma_semaphore, #tpu.memory_space<semaphore_mem>> -> memref<!tpu.dma_semaphore, #tpu.memory_space<semaphore_mem>>
        %dma_wait3A_1915 = arith.constant 0 : i32
        %dma_wait3A_1916 = tpu.memref_slice %arg5[%dma_wait3A_1906, %dma_wait3A_1915] : memref<2x1024xi32, #tpu.memory_space<vmem>> -> memref<1x1024xi32, #tpu.memory_space<vmem>>
        %dma_wait3A_1917 = tpu.memref_squeeze %dma_wait3A_1916 : memref<1x1024xi32, #tpu.memory_space<vmem>> -> memref<1024xi32, #tpu.memory_space<vmem>>
        %dma_wait3A_1918 = tpu.memref_slice %arg2[%dma_wait3A_1905, %mul3A_21] : memref<200x16384xi32, #tpu.memory_space<hbm>> -> memref<1x1024xi32, #tpu.memory_space<hbm>>
        %dma_wait3A_1919 = tpu.memref_squeeze %dma_wait3A_1918 : memref<1x1024xi32, #tpu.memory_space<hbm>> -> memref<1024xi32, #tpu.memory_space<hbm>>
        tpu.wait_dma2 semaphore(%dma_wait3A_1914 : memref<!tpu.dma_semaphore, #tpu.memory_space<semaphore_mem>>) src(%dma_wait3A_1919 : memref<1024xi32, #tpu.memory_space<hbm>>) dst(%dma_wait3A_1917 : memref<1024xi32, #tpu.memory_space<vmem>>)
        %dma_start3A_1920 = arith.constant 0 : i32
        %dma_start3A_1921 = arith.constant 0 : i32
        %dma_start3A_1922 = arith.constant 0 : i32
        %dma_start3A_1923 = arith.constant 0 : i32
        %dma_start3A_1924 = arith.constant 0 : i32
        %dma_start3A_1925 = tpu.memref_slice %arg6[%dma_start3A_1921, %dma_start3A_1923, %dma_start3A_1924] : memref<2x1024x32xf32, #tpu.memory_space<vmem>> -> memref<1x1024x32xf32, #tpu.memory_space<vmem>>
        %dma_start3A_1926 = tpu.memref_squeeze %dma_start3A_1925 : memref<1x1024x32xf32, #tpu.memory_space<vmem>> -> memref<1024x32xf32, #tpu.memory_space<vmem>>
        %dma_start3A_1927 = arith.constant 0 : i32
        %dma_start3A_1928 = tpu.memref_slice %arg5[%dma_start3A_1920, %dma_start3A_1927] : memref<2x1024xi32, #tpu.memory_space<vmem>> -> memref<1x1024xi32, #tpu.memory_space<vmem>>
        %dma_start3A_1929 = tpu.memref_squeeze %dma_start3A_1928 : memref<1x1024xi32, #tpu.memory_space<vmem>> -> memref<1024xi32, #tpu.memory_space<vmem>>
        %dma_start3A_1930 = arith.constant 0 : i32
        %dma_start3A_1931 = arith.constant 0 : i32
        %dma_start3A_1932 = tpu.memref_slice %arg3[%dma_start3A_1930, %dma_start3A_1931] : memref<1000000x32xf32, #tpu.memory_space<hbm>> -> memref<1000000x32xf32, #tpu.memory_space<hbm>>
        %dma_start3A_1933 = tpu.memref_slice %arg9[%dma_start3A_1922] : memref<2x!tpu.dma_semaphore, #tpu.memory_space<semaphore_mem>> -> memref<1x!tpu.dma_semaphore, #tpu.memory_space<semaphore_mem>>
        %dma_start3A_1934 = tpu.memref_squeeze %dma_start3A_1933 : memref<1x!tpu.dma_semaphore, #tpu.memory_space<semaphore_mem>> -> memref<!tpu.dma_semaphore, #tpu.memory_space<semaphore_mem>>
        tpu.enqueue_indirect_dma source(%dma_start3A_1932 : memref<1000000x32xf32, #tpu.memory_space<hbm>>) target(%dma_start3A_1926 : memref<1024x32xf32, #tpu.memory_space<vmem>>) offsets(%dma_start3A_1929 : memref<1024xi32, #tpu.memory_space<vmem>>) semaphore(%dma_start3A_1934 : memref<!tpu.dma_semaphore, #tpu.memory_space<semaphore_mem>>)
      } else {
      }
      %dma_wait3A_1777 = arith.constant 1 : i32
      %dma_wait3A_1778 = arith.constant 1 : i32
      %dma_wait3A_1779 = arith.constant 1 : i32
      %dma_wait3A_1780 = arith.constant 0 : i32
      %dma_wait3A_1781 = arith.constant 0 : i32
      %dma_wait3A_1782 = tpu.memref_slice %arg6[%dma_wait3A_1778, %dma_wait3A_1780, %dma_wait3A_1781] : memref<2x1024x32xf32, #tpu.memory_space<vmem>> -> memref<1x1024x32xf32, #tpu.memory_space<vmem>>
      %dma_wait3A_1783 = tpu.memref_squeeze %dma_wait3A_1782 : memref<1x1024x32xf32, #tpu.memory_space<vmem>> -> memref<1024x32xf32, #tpu.memory_space<vmem>>
      %dma_wait3A_1784 = arith.constant 0 : i32
      %dma_wait3A_1785 = tpu.memref_slice %arg5[%dma_wait3A_1777, %dma_wait3A_1784] : memref<2x1024xi32, #tpu.memory_space<vmem>> -> memref<1x1024xi32, #tpu.memory_space<vmem>>
      %dma_wait3A_1786 = tpu.memref_squeeze %dma_wait3A_1785 : memref<1x1024xi32, #tpu.memory_space<vmem>> -> memref<1024xi32, #tpu.memory_space<vmem>>
      %dma_wait3A_1787 = arith.constant 0 : i32
      %dma_wait3A_1788 = arith.constant 0 : i32
      %dma_wait3A_1789 = tpu.memref_slice %arg3[%dma_wait3A_1787, %dma_wait3A_1788] : memref<1000000x32xf32, #tpu.memory_space<hbm>> -> memref<1000000x32xf32, #tpu.memory_space<hbm>>
      %dma_wait3A_1790 = tpu.memref_slice %arg9[%dma_wait3A_1779] : memref<2x!tpu.dma_semaphore, #tpu.memory_space<semaphore_mem>> -> memref<1x!tpu.dma_semaphore, #tpu.memory_space<semaphore_mem>>
      %dma_wait3A_1791 = tpu.memref_squeeze %dma_wait3A_1790 : memref<1x!tpu.dma_semaphore, #tpu.memory_space<semaphore_mem>> -> memref<!tpu.dma_semaphore, #tpu.memory_space<semaphore_mem>>
      tpu.wait_indirect_dma semaphore(%dma_wait3A_1791 : memref<!tpu.dma_semaphore, #tpu.memory_space<semaphore_mem>>) src(%dma_wait3A_1789 : memref<1000000x32xf32, #tpu.memory_space<hbm>>) dst(%dma_wait3A_1783 : memref<1024x32xf32, #tpu.memory_space<vmem>>)
      %add3A_1792 = arith.constant 2 : i32
      %add3A_1793 = arith.addi %add3A_1769, %add3A_1792 : i32
      %lt3A_1794 = arith.constant 100 : i32
      %lt3A_1795 = arith.cmpi slt, %add3A_1793, %lt3A_1794 : i32
      %convert_element_type3A_1796 = arith.extui %lt3A_1795 : i1 to i32
      %cond3A_1797 = arith.constant 0 : i32
      %cond3A_1798 = arith.cmpi ne, %convert_element_type3A_1796, %cond3A_1797 : i32
      scf.if %cond3A_1798 {
        %add3A_1905 = arith.constant 2 : i32
        %add3A_1906 = arith.addi %add3A_1769, %add3A_1905 : i32
        %add3A_1907 = arith.addi %mul3A_23, %add3A_1906 : i32
        %dma_start3A_1908 = arith.constant 1 : i32
        %dma_start3A_1909 = arith.constant 1 : i32
        %dma_start3A_1910 = arith.constant 0 : i32
        %dma_start3A_1911 = tpu.memref_slice %arg5[%dma_start3A_1908, %dma_start3A_1910] : memref<2x1024xi32, #tpu.memory_space<vmem>> -> memref<1x1024xi32, #tpu.memory_space<vmem>>
        %dma_start3A_1912 = tpu.memref_squeeze %dma_start3A_1911 : memref<1x1024xi32, #tpu.memory_space<vmem>> -> memref<1024xi32, #tpu.memory_space<vmem>>
        %dma_start3A_1913 = tpu.memref_slice %arg2[%add3A_1907, %mul3A_21] : memref<200x16384xi32, #tpu.memory_space<hbm>> -> memref<1x1024xi32, #tpu.memory_space<hbm>>
        %dma_start3A_1914 = tpu.memref_squeeze %dma_start3A_1913 : memref<1x1024xi32, #tpu.memory_space<hbm>> -> memref<1024xi32, #tpu.memory_space<hbm>>
        %dma_start3A_1915 = tpu.memref_slice %arg8[%dma_start3A_1909] : memref<2x!tpu.dma_semaphore, #tpu.memory_space<semaphore_mem>> -> memref<1x!tpu.dma_semaphore, #tpu.memory_space<semaphore_mem>>
        %dma_start3A_1916 = tpu.memref_squeeze %dma_start3A_1915 : memref<1x!tpu.dma_semaphore, #tpu.memory_space<semaphore_mem>> -> memref<!tpu.dma_semaphore, #tpu.memory_space<semaphore_mem>>
        %dma_start3A_1917 = arith.constant 0 : i32
        %dma_start3A_1918 = tpu.memref_slice %arg5[%dma_start3A_1908, %dma_start3A_1917] : memref<2x1024xi32, #tpu.memory_space<vmem>> -> memref<1x1024xi32, #tpu.memory_space<vmem>>
        %dma_start3A_1919 = tpu.memref_squeeze %dma_start3A_1918 : memref<1x1024xi32, #tpu.memory_space<vmem>> -> memref<1024xi32, #tpu.memory_space<vmem>>
        %dma_start3A_1920 = tpu.memref_slice %arg2[%add3A_1907, %mul3A_21] : memref<200x16384xi32, #tpu.memory_space<hbm>> -> memref<1x1024xi32, #tpu.memory_space<hbm>>
        %dma_start3A_1921 = tpu.memref_squeeze %dma_start3A_1920 : memref<1x1024xi32, #tpu.memory_space<hbm>> -> memref<1024xi32, #tpu.memory_space<hbm>>
        tpu.enqueue_dma source(%dma_start3A_1921 : memref<1024xi32, #tpu.memory_space<hbm>>) target(%dma_start3A_1919 : memref<1024xi32, #tpu.memory_space<vmem>>) target_semaphore(%dma_start3A_1916 : memref<!tpu.dma_semaphore, #tpu.memory_space<semaphore_mem>>)
      } else {
      }
      %ge3A_1799 = arith.constant 1 : i32
      %ge3A_1800 = arith.cmpi sge, %add3A_1769, %ge3A_1799 : i32
      %convert_element_type3A_1801 = arith.extui %ge3A_1800 : i1 to i32
      %cond3A_1802 = arith.constant 0 : i32
      %cond3A_1803 = arith.cmpi ne, %convert_element_type3A_1801, %cond3A_1802 : i32
      scf.if %cond3A_1803 {
        %dma_wait3A_1905 = arith.constant 0 : i32
        %dma_wait3A_1906 = arith.constant 0 : i32
        %dma_wait3A_1907 = arith.constant 0 : i32
        %dma_wait3A_1908 = arith.constant 0 : i32
        %dma_wait3A_1909 = tpu.memref_slice %arg7[%dma_wait3A_1905, %dma_wait3A_1908] : memref<2x16384xf32, #tpu.memory_space<vmem>> -> memref<1x8192xf32, #tpu.memory_space<vmem>>
        %dma_wait3A_1910 = tpu.memref_squeeze %dma_wait3A_1909 : memref<1x8192xf32, #tpu.memory_space<vmem>> -> memref<8192xf32, #tpu.memory_space<vmem>>
        %dma_wait3A_1911 = arith.constant 0 : i32
        %dma_wait3A_1912 = tpu.memref_slice %arg4[%dma_wait3A_1906, %dma_wait3A_1911] : memref<200x524288xf32, #tpu.memory_space<hbm>> -> memref<1x8192xf32, #tpu.memory_space<hbm>>
        %dma_wait3A_1913 = tpu.memref_squeeze %dma_wait3A_1912 : memref<1x8192xf32, #tpu.memory_space<hbm>> -> memref<8192xf32, #tpu.memory_space<hbm>>
        %dma_wait3A_1914 = tpu.memref_slice %arg10[%dma_wait3A_1907] : memref<2x!tpu.dma_semaphore, #tpu.memory_space<semaphore_mem>> -> memref<1x!tpu.dma_semaphore, #tpu.memory_space<semaphore_mem>>
        %dma_wait3A_1915 = tpu.memref_squeeze %dma_wait3A_1914 : memref<1x!tpu.dma_semaphore, #tpu.memory_space<semaphore_mem>> -> memref<!tpu.dma_semaphore, #tpu.memory_space<semaphore_mem>>
        %dma_wait3A_1916 = arith.constant 0 : i32
        %dma_wait3A_1917 = tpu.memref_slice %arg4[%dma_wait3A_1906, %dma_wait3A_1916] : memref<200x524288xf32, #tpu.memory_space<hbm>> -> memref<1x8192xf32, #tpu.memory_space<hbm>>
        %dma_wait3A_1918 = tpu.memref_squeeze %dma_wait3A_1917 : memref<1x8192xf32, #tpu.memory_space<hbm>> -> memref<8192xf32, #tpu.memory_space<hbm>>
        %dma_wait3A_1919 = arith.constant 0 : i32
        %dma_wait3A_1920 = tpu.memref_slice %arg7[%dma_wait3A_1905, %dma_wait3A_1919] : memref<2x16384xf32, #tpu.memory_space<vmem>> -> memref<1x8192xf32, #tpu.memory_space<vmem>>
        %dma_wait3A_1921 = tpu.memref_squeeze %dma_wait3A_1920 : memref<1x8192xf32, #tpu.memory_space<vmem>> -> memref<8192xf32, #tpu.memory_space<vmem>>
        tpu.wait_dma2 semaphore(%dma_wait3A_1915 : memref<!tpu.dma_semaphore, #tpu.memory_space<semaphore_mem>>) src(%dma_wait3A_1921 : memref<8192xf32, #tpu.memory_space<vmem>>) dst(%dma_wait3A_1918 : memref<8192xf32, #tpu.memory_space<hbm>>)
        %dma_wait3A_1922 = arith.constant 0 : i32
        %dma_wait3A_1923 = arith.constant 0 : i32
        %dma_wait3A_1924 = arith.constant 0 : i32
        %dma_wait3A_1925 = arith.constant 8192 : i32
        %dma_wait3A_1926 = tpu.memref_slice %arg7[%dma_wait3A_1922, %dma_wait3A_1925] : memref<2x16384xf32, #tpu.memory_space<vmem>> -> memref<1x8192xf32, #tpu.memory_space<vmem>>
        %dma_wait3A_1927 = tpu.memref_squeeze %dma_wait3A_1926 : memref<1x8192xf32, #tpu.memory_space<vmem>> -> memref<8192xf32, #tpu.memory_space<vmem>>
        %dma_wait3A_1928 = arith.constant 131072 : i32
        %dma_wait3A_1929 = tpu.memref_slice %arg4[%dma_wait3A_1923, %dma_wait3A_1928] : memref<200x524288xf32, #tpu.memory_space<hbm>> -> memref<1x8192xf32, #tpu.memory_space<hbm>>
        %dma_wait3A_1930 = tpu.memref_squeeze %dma_wait3A_1929 : memref<1x8192xf32, #tpu.memory_space<hbm>> -> memref<8192xf32, #tpu.memory_space<hbm>>
        %dma_wait3A_1931 = tpu.memref_slice %arg10[%dma_wait3A_1924] : memref<2x!tpu.dma_semaphore, #tpu.memory_space<semaphore_mem>> -> memref<1x!tpu.dma_semaphore, #tpu.memory_space<semaphore_mem>>
        %dma_wait3A_1932 = tpu.memref_squeeze %dma_wait3A_1931 : memref<1x!tpu.dma_semaphore, #tpu.memory_space<semaphore_mem>> -> memref<!tpu.dma_semaphore, #tpu.memory_space<semaphore_mem>>
        %dma_wait3A_1933 = arith.constant 131072 : i32
        %dma_wait3A_1934 = tpu.memref_slice %arg4[%dma_wait3A_1923, %dma_wait3A_1933] : memref<200x524288xf32, #tpu.memory_space<hbm>> -> memref<1x8192xf32, #tpu.memory_space<hbm>>
        %dma_wait3A_1935 = tpu.memref_squeeze %dma_wait3A_1934 : memref<1x8192xf32, #tpu.memory_space<hbm>> -> memref<8192xf32, #tpu.memory_space<hbm>>
        %dma_wait3A_1936 = arith.constant 8192 : i32
        %dma_wait3A_1937 = tpu.memref_slice %arg7[%dma_wait3A_1922, %dma_wait3A_1936] : memref<2x16384xf32, #tpu.memory_space<vmem>> -> memref<1x8192xf32, #tpu.memory_space<vmem>>
        %dma_wait3A_1938 = tpu.memref_squeeze %dma_wait3A_1937 : memref<1x8192xf32, #tpu.memory_space<vmem>> -> memref<8192xf32, #tpu.memory_space<vmem>>
        tpu.wait_dma2 semaphore(%dma_wait3A_1932 : memref<!tpu.dma_semaphore, #tpu.memory_space<semaphore_mem>>) src(%dma_wait3A_1938 : memref<8192xf32, #tpu.memory_space<vmem>>) dst(%dma_wait3A_1935 : memref<8192xf32, #tpu.memory_space<hbm>>)
      } else {
      }
      %scan3A_1804 = arith.constant 0 : i32
      %scan3A_1805 = arith.constant 0 : i32
      %scan3A_1806 = arith.constant 64 : i32
      %scan3A_1807 = arith.addi %scan3A_1805, %scan3A_1806 : i32
      %scan3A_1808 = arith.constant 1 : i32
      scf.for %scan3A_1905 = %scan3A_1805 to %scan3A_1807 step %scan3A_1808  : i32 {
        %mul3A_1906 = arith.constant 16 : i32
        %mul3A_1907 = arith.muli %scan3A_1905, %mul3A_1906 : i32
        %add3A_1908 = vector.broadcast %mul3A_1907 : i32 to vector<16xi32>
        %add3A_1909 = arith.addi %iota3A, %add3A_1908 : vector<16xi32>
        %jit3A_1910 = arith.constant 8 : i32
        %div3A_1911 = arith.divsi %scan3A_1905, %jit3A_1910 : i32
        %sign3A_1912 = arith.constant 0 : i32
        %sign3A_1913 = arith.cmpi sgt, %scan3A_1905, %sign3A_1912 : i32
        %sign3A_1914 = arith.extui %sign3A_1913 : i1 to i32
        %sign3A_1915 = arith.constant 0 : i32
        %sign3A_1916 = arith.cmpi slt, %scan3A_1905, %sign3A_1915 : i32
        %sign3A_1917 = arith.extui %sign3A_1916 : i1 to i32
        %sign3A_1918 = arith.subi %sign3A_1914, %sign3A_1917 : i32
        %sign3A_1919 = arith.constant 0 : i32
        %sign3A_1920 = arith.cmpi sgt, %jit3A_1910, %sign3A_1919 : i32
        %sign3A_1921 = arith.extui %sign3A_1920 : i1 to i32
        %sign3A_1922 = arith.constant 0 : i32
        %sign3A_1923 = arith.cmpi slt, %jit3A_1910, %sign3A_1922 : i32
        %sign3A_1924 = arith.extui %sign3A_1923 : i1 to i32
        %sign3A_1925 = arith.subi %sign3A_1921, %sign3A_1924 : i32
        %ne3A_1926 = arith.cmpi ne, %sign3A_1918, %sign3A_1925 : i32
        %rem3A_1927 = arith.remsi %scan3A_1905, %jit3A_1910 : i32
        %ne3A_1928 = arith.constant 0 : i32
        %ne3A_1929 = arith.cmpi ne, %rem3A_1927, %ne3A_1928 : i32
        %and3A_1930 = arith.andi %ne3A_1926, %ne3A_1929 : i1
        %sub3A_1931 = arith.constant 1 : i32
        %sub3A_1932 = arith.subi %div3A_1911, %sub3A_1931 : i32
        %select_n3A_1933 = arith.select %and3A_1930, %sub3A_1932, %div3A_1911 : i32
        %mul3A_1934 = arith.constant 1024 : i32
        %mul3A_1935 = arith.muli %select_n3A_1933, %mul3A_1934 : i32
        %jit3A_1936 = arith.constant 8 : i32
        %div3A_1937 = arith.divsi %scan3A_1905, %jit3A_1936 : i32
        %sign3A_1938 = arith.constant 0 : i32
        %sign3A_1939 = arith.cmpi sgt, %scan3A_1905, %sign3A_1938 : i32
        %sign3A_1940 = arith.extui %sign3A_1939 : i1 to i32
        %sign3A_1941 = arith.constant 0 : i32
        %sign3A_1942 = arith.cmpi slt, %scan3A_1905, %sign3A_1941 : i32
        %sign3A_1943 = arith.extui %sign3A_1942 : i1 to i32
        %sign3A_1944 = arith.subi %sign3A_1940, %sign3A_1943 : i32
        %sign3A_1945 = arith.constant 0 : i32
        %sign3A_1946 = arith.cmpi sgt, %jit3A_1936, %sign3A_1945 : i32
        %sign3A_1947 = arith.extui %sign3A_1946 : i1 to i32
        %sign3A_1948 = arith.constant 0 : i32
        %sign3A_1949 = arith.cmpi slt, %jit3A_1936, %sign3A_1948 : i32
        %sign3A_1950 = arith.extui %sign3A_1949 : i1 to i32
        %sign3A_1951 = arith.subi %sign3A_1947, %sign3A_1950 : i32
        %ne3A_1952 = arith.cmpi ne, %sign3A_1944, %sign3A_1951 : i32
        %rem3A_1953 = arith.remsi %scan3A_1905, %jit3A_1936 : i32
        %ne3A_1954 = arith.constant 0 : i32
        %ne3A_1955 = arith.cmpi ne, %rem3A_1953, %ne3A_1954 : i32
        %and3A_1956 = arith.andi %ne3A_1952, %ne3A_1955 : i1
        %sub3A_1957 = arith.constant 1 : i32
        %sub3A_1958 = arith.subi %div3A_1937, %sub3A_1957 : i32
        %select_n3A_1959 = arith.select %and3A_1956, %sub3A_1958, %div3A_1937 : i32
        %mul3A_1960 = arith.constant 8 : i32
        %mul3A_1961 = arith.muli %select_n3A_1959, %mul3A_1960 : i32
        %sub3A_1962 = arith.subi %scan3A_1905, %mul3A_1961 : i32
        %mul3A_1963 = arith.constant 16 : i32
        %mul3A_1964 = arith.muli %sub3A_1962, %mul3A_1963 : i32
        %add3A_1965 = arith.addi %mul3A_1935, %mul3A_1964 : i32
        %gather3A = arith.constant 1 : i32
        %gather3A_1966 = arith.constant 0 : i32
        %gather3A_1967 = arith.constant 0 : i32
        %gather3A_1968 = tpu.memref_slice %arg6[%gather3A, %gather3A_1966, %gather3A_1967] : memref<2x1024x32xf32, #tpu.memory_space<vmem>> -> memref<1x1024x32xf32, #tpu.memory_space<vmem>>
        %gather3A_1969 = tpu.memref_squeeze %gather3A_1968 : memref<1x1024x32xf32, #tpu.memory_space<vmem>> -> memref<1024x32xf32, #tpu.memory_space<vmem>>
        %gather3A_1970 = tpu.vector_load_idx %gather3A_1969[%add3A_1909, %add3A_112] : memref<1024x32xf32, #tpu.memory_space<vmem>>[vector<16xi32>, vector<16xi32>], vector<16xf32>,
        %gather3A_1971 = arith.constant 1 : i32
        %gather3A_1972 = arith.constant 0 : i32
        %gather3A_1973 = arith.constant 0 : i32
        %gather3A_1974 = tpu.memref_slice %arg6[%gather3A_1971, %gather3A_1972, %gather3A_1973] : memref<2x1024x32xf32, #tpu.memory_space<vmem>> -> memref<1x1024x32xf32, #tpu.memory_space<vmem>>
        %gather3A_1975 = tpu.memref_squeeze %gather3A_1974 : memref<1x1024x32xf32, #tpu.memory_space<vmem>> -> memref<1024x32xf32, #tpu.memory_space<vmem>>
        %gather3A_1976 = tpu.vector_load_idx %gather3A_1975[%add3A_1909, %add3A_204] : memref<1024x32xf32, #tpu.memory_space<vmem>>[vector<16xi32>, vector<16xi32>], vector<16xf32>,
        %gather3A_1977 = arith.constant 1 : i32
        %gather3A_1978 = arith.constant 0 : i32
        %gather3A_1979 = arith.constant 0 : i32
        %gather3A_1980 = tpu.memref_slice %arg6[%gather3A_1977, %gather3A_1978, %gather3A_1979] : memref<2x1024x32xf32, #tpu.memory_space<vmem>> -> memref<1x1024x32xf32, #tpu.memory_space<vmem>>
        %gather3A_1981 = tpu.memref_squeeze %gather3A_1980 : memref<1x1024x32xf32, #tpu.memory_space<vmem>> -> memref<1024x32xf32, #tpu.memory_space<vmem>>
        %gather3A_1982 = tpu.vector_load_idx %gather3A_1981[%add3A_1909, %add3A_296] : memref<1024x32xf32, #tpu.memory_space<vmem>>[vector<16xi32>, vector<16xi32>], vector<16xf32>,
        %gather3A_1983 = arith.constant 1 : i32
        %gather3A_1984 = arith.constant 0 : i32
        %gather3A_1985 = arith.constant 0 : i32
        %gather3A_1986 = tpu.memref_slice %arg6[%gather3A_1983, %gather3A_1984, %gather3A_1985] : memref<2x1024x32xf32, #tpu.memory_space<vmem>> -> memref<1x1024x32xf32, #tpu.memory_space<vmem>>
        %gather3A_1987 = tpu.memref_squeeze %gather3A_1986 : memref<1x1024x32xf32, #tpu.memory_space<vmem>> -> memref<1024x32xf32, #tpu.memory_space<vmem>>
        %gather3A_1988 = tpu.vector_load_idx %gather3A_1987[%add3A_1909, %add3A_388] : memref<1024x32xf32, #tpu.memory_space<vmem>>[vector<16xi32>, vector<16xi32>], vector<16xf32>,
        %gather3A_1989 = arith.constant 1 : i32
        %gather3A_1990 = arith.constant 0 : i32
        %gather3A_1991 = arith.constant 0 : i32
        %gather3A_1992 = tpu.memref_slice %arg6[%gather3A_1989, %gather3A_1990, %gather3A_1991] : memref<2x1024x32xf32, #tpu.memory_space<vmem>> -> memref<1x1024x32xf32, #tpu.memory_space<vmem>>
        %gather3A_1993 = tpu.memref_squeeze %gather3A_1992 : memref<1x1024x32xf32, #tpu.memory_space<vmem>> -> memref<1024x32xf32, #tpu.memory_space<vmem>>
        %gather3A_1994 = tpu.vector_load_idx %gather3A_1993[%add3A_1909, %add3A_480] : memref<1024x32xf32, #tpu.memory_space<vmem>>[vector<16xi32>, vector<16xi32>], vector<16xf32>,
        %gather3A_1995 = arith.constant 1 : i32
        %gather3A_1996 = arith.constant 0 : i32
        %gather3A_1997 = arith.constant 0 : i32
        %gather3A_1998 = tpu.memref_slice %arg6[%gather3A_1995, %gather3A_1996, %gather3A_1997] : memref<2x1024x32xf32, #tpu.memory_space<vmem>> -> memref<1x1024x32xf32, #tpu.memory_space<vmem>>
        %gather3A_1999 = tpu.memref_squeeze %gather3A_1998 : memref<1x1024x32xf32, #tpu.memory_space<vmem>> -> memref<1024x32xf32, #tpu.memory_space<vmem>>
        %gather3A_2000 = tpu.vector_load_idx %gather3A_1999[%add3A_1909, %add3A_572] : memref<1024x32xf32, #tpu.memory_space<vmem>>[vector<16xi32>, vector<16xi32>], vector<16xf32>,
        %gather3A_2001 = arith.constant 1 : i32
        %gather3A_2002 = arith.constant 0 : i32
        %gather3A_2003 = arith.constant 0 : i32
        %gather3A_2004 = tpu.memref_slice %arg6[%gather3A_2001, %gather3A_2002, %gather3A_2003] : memref<2x1024x32xf32, #tpu.memory_space<vmem>> -> memref<1x1024x32xf32, #tpu.memory_space<vmem>>
        %gather3A_2005 = tpu.memref_squeeze %gather3A_2004 : memref<1x1024x32xf32, #tpu.memory_space<vmem>> -> memref<1024x32xf32, #tpu.memory_space<vmem>>
        %gather3A_2006 = tpu.vector_load_idx %gather3A_2005[%add3A_1909, %add3A_664] : memref<1024x32xf32, #tpu.memory_space<vmem>>[vector<16xi32>, vector<16xi32>], vector<16xf32>,
        %gather3A_2007 = arith.constant 1 : i32
        %gather3A_2008 = arith.constant 0 : i32
        %gather3A_2009 = arith.constant 0 : i32
        %gather3A_2010 = tpu.memref_slice %arg6[%gather3A_2007, %gather3A_2008, %gather3A_2009] : memref<2x1024x32xf32, #tpu.memory_space<vmem>> -> memref<1x1024x32xf32, #tpu.memory_space<vmem>>
        %gather3A_2011 = tpu.memref_squeeze %gather3A_2010 : memref<1x1024x32xf32, #tpu.memory_space<vmem>> -> memref<1024x32xf32, #tpu.memory_space<vmem>>
        %gather3A_2012 = tpu.vector_load_idx %gather3A_2011[%add3A_1909, %add3A_756] : memref<1024x32xf32, #tpu.memory_space<vmem>>[vector<16xi32>, vector<16xi32>], vector<16xf32>,
        %add3A_2013 = vector.broadcast %add3A_1965 : i32 to vector<16xi32>
        %add3A_2014 = arith.addi %add3A_109, %add3A_2013 : vector<16xi32>
        %scatter3A = arith.constant 0 : i32
        %scatter3A_2015 = arith.constant 0 : i32
        %scatter3A_2016 = tpu.memref_slice %arg7[%scatter3A, %scatter3A_2015] : memref<2x16384xf32, #tpu.memory_space<vmem>> -> memref<1x16384xf32, #tpu.memory_space<vmem>>
        %scatter3A_2017 = tpu.memref_squeeze %scatter3A_2016 : memref<1x16384xf32, #tpu.memory_space<vmem>> -> memref<16384xf32, #tpu.memory_space<vmem>>
        tpu.vector_store_idx %scatter3A_2017[%add3A_2014], %gather3A_1970 : memref<16384xf32, #tpu.memory_space<vmem>>[vector<16xi32>], vector<16xf32>,
        %add3A_2018 = vector.broadcast %add3A_1965 : i32 to vector<16xi32>
        %add3A_2019 = arith.addi %add3A_201, %add3A_2018 : vector<16xi32>
        %scatter3A_2020 = arith.constant 0 : i32
        %scatter3A_2021 = arith.constant 0 : i32
        %scatter3A_2022 = tpu.memref_slice %arg7[%scatter3A_2020, %scatter3A_2021] : memref<2x16384xf32, #tpu.memory_space<vmem>> -> memref<1x16384xf32, #tpu.memory_space<vmem>>
        %scatter3A_2023 = tpu.memref_squeeze %scatter3A_2022 : memref<1x16384xf32, #tpu.memory_space<vmem>> -> memref<16384xf32, #tpu.memory_space<vmem>>
        tpu.vector_store_idx %scatter3A_2023[%add3A_2019], %gather3A_1976 : memref<16384xf32, #tpu.memory_space<vmem>>[vector<16xi32>], vector<16xf32>,
        %add3A_2024 = vector.broadcast %add3A_1965 : i32 to vector<16xi32>
        %add3A_2025 = arith.addi %add3A_293, %add3A_2024 : vector<16xi32>
        %scatter3A_2026 = arith.constant 0 : i32
        %scatter3A_2027 = arith.constant 0 : i32
        %scatter3A_2028 = tpu.memref_slice %arg7[%scatter3A_2026, %scatter3A_2027] : memref<2x16384xf32, #tpu.memory_space<vmem>> -> memref<1x16384xf32, #tpu.memory_space<vmem>>
        %scatter3A_2029 = tpu.memref_squeeze %scatter3A_2028 : memref<1x16384xf32, #tpu.memory_space<vmem>> -> memref<16384xf32, #tpu.memory_space<vmem>>
        tpu.vector_store_idx %scatter3A_2029[%add3A_2025], %gather3A_1982 : memref<16384xf32, #tpu.memory_space<vmem>>[vector<16xi32>], vector<16xf32>,
        %add3A_2030 = vector.broadcast %add3A_1965 : i32 to vector<16xi32>
        %add3A_2031 = arith.addi %add3A_385, %add3A_2030 : vector<16xi32>
        %scatter3A_2032 = arith.constant 0 : i32
        %scatter3A_2033 = arith.constant 0 : i32
        %scatter3A_2034 = tpu.memref_slice %arg7[%scatter3A_2032, %scatter3A_2033] : memref<2x16384xf32, #tpu.memory_space<vmem>> -> memref<1x16384xf32, #tpu.memory_space<vmem>>
        %scatter3A_2035 = tpu.memref_squeeze %scatter3A_2034 : memref<1x16384xf32, #tpu.memory_space<vmem>> -> memref<16384xf32, #tpu.memory_space<vmem>>
        tpu.vector_store_idx %scatter3A_2035[%add3A_2031], %gather3A_1988 : memref<16384xf32, #tpu.memory_space<vmem>>[vector<16xi32>], vector<16xf32>,
        %add3A_2036 = vector.broadcast %add3A_1965 : i32 to vector<16xi32>
        %add3A_2037 = arith.addi %add3A_477, %add3A_2036 : vector<16xi32>
        %scatter3A_2038 = arith.constant 0 : i32
        %scatter3A_2039 = arith.constant 0 : i32
        %scatter3A_2040 = tpu.memref_slice %arg7[%scatter3A_2038, %scatter3A_2039] : memref<2x16384xf32, #tpu.memory_space<vmem>> -> memref<1x16384xf32, #tpu.memory_space<vmem>>
        %scatter3A_2041 = tpu.memref_squeeze %scatter3A_2040 : memref<1x16384xf32, #tpu.memory_space<vmem>> -> memref<16384xf32, #tpu.memory_space<vmem>>
        tpu.vector_store_idx %scatter3A_2041[%add3A_2037], %gather3A_1994 : memref<16384xf32, #tpu.memory_space<vmem>>[vector<16xi32>], vector<16xf32>,
        %add3A_2042 = vector.broadcast %add3A_1965 : i32 to vector<16xi32>
        %add3A_2043 = arith.addi %add3A_569, %add3A_2042 : vector<16xi32>
        %scatter3A_2044 = arith.constant 0 : i32
        %scatter3A_2045 = arith.constant 0 : i32
        %scatter3A_2046 = tpu.memref_slice %arg7[%scatter3A_2044, %scatter3A_2045] : memref<2x16384xf32, #tpu.memory_space<vmem>> -> memref<1x16384xf32, #tpu.memory_space<vmem>>
        %scatter3A_2047 = tpu.memref_squeeze %scatter3A_2046 : memref<1x16384xf32, #tpu.memory_space<vmem>> -> memref<16384xf32, #tpu.memory_space<vmem>>
        tpu.vector_store_idx %scatter3A_2047[%add3A_2043], %gather3A_2000 : memref<16384xf32, #tpu.memory_space<vmem>>[vector<16xi32>], vector<16xf32>,
        %add3A_2048 = vector.broadcast %add3A_1965 : i32 to vector<16xi32>
        %add3A_2049 = arith.addi %add3A_661, %add3A_2048 : vector<16xi32>
        %scatter3A_2050 = arith.constant 0 : i32
        %scatter3A_2051 = arith.constant 0 : i32
        %scatter3A_2052 = tpu.memref_slice %arg7[%scatter3A_2050, %scatter3A_2051] : memref<2x16384xf32, #tpu.memory_space<vmem>> -> memref<1x16384xf32, #tpu.memory_space<vmem>>
        %scatter3A_2053 = tpu.memref_squeeze %scatter3A_2052 : memref<1x16384xf32, #tpu.memory_space<vmem>> -> memref<16384xf32, #tpu.memory_space<vmem>>
        tpu.vector_store_idx %scatter3A_2053[%add3A_2049], %gather3A_2006 : memref<16384xf32, #tpu.memory_space<vmem>>[vector<16xi32>], vector<16xf32>,
        %add3A_2054 = vector.broadcast %add3A_1965 : i32 to vector<16xi32>
        %add3A_2055 = arith.addi %add3A_753, %add3A_2054 : vector<16xi32>
        %scatter3A_2056 = arith.constant 0 : i32
        %scatter3A_2057 = arith.constant 0 : i32
        %scatter3A_2058 = tpu.memref_slice %arg7[%scatter3A_2056, %scatter3A_2057] : memref<2x16384xf32, #tpu.memory_space<vmem>> -> memref<1x16384xf32, #tpu.memory_space<vmem>>
        %scatter3A_2059 = tpu.memref_squeeze %scatter3A_2058 : memref<1x16384xf32, #tpu.memory_space<vmem>> -> memref<16384xf32, #tpu.memory_space<vmem>>
        tpu.vector_store_idx %scatter3A_2059[%add3A_2055], %gather3A_2012 : memref<16384xf32, #tpu.memory_space<vmem>>[vector<16xi32>], vector<16xf32>,
        %gather3A_2060 = arith.constant 1 : i32
        %gather3A_2061 = arith.constant 0 : i32
        %gather3A_2062 = arith.constant 0 : i32
        %gather3A_2063 = tpu.memref_slice %arg6[%gather3A_2060, %gather3A_2061, %gather3A_2062] : memref<2x1024x32xf32, #tpu.memory_space<vmem>> -> memref<1x1024x32xf32, #tpu.memory_space<vmem>>
        %gather3A_2064 = tpu.memref_squeeze %gather3A_2063 : memref<1x1024x32xf32, #tpu.memory_space<vmem>> -> memref<1024x32xf32, #tpu.memory_space<vmem>>
        %gather3A_2065 = tpu.vector_load_idx %gather3A_2064[%add3A_1909, %add3A_848] : memref<1024x32xf32, #tpu.memory_space<vmem>>[vector<16xi32>, vector<16xi32>], vector<16xf32>,
        %gather3A_2066 = arith.constant 1 : i32
        %gather3A_2067 = arith.constant 0 : i32
        %gather3A_2068 = arith.constant 0 : i32
        %gather3A_2069 = tpu.memref_slice %arg6[%gather3A_2066, %gather3A_2067, %gather3A_2068] : memref<2x1024x32xf32, #tpu.memory_space<vmem>> -> memref<1x1024x32xf32, #tpu.memory_space<vmem>>
        %gather3A_2070 = tpu.memref_squeeze %gather3A_2069 : memref<1x1024x32xf32, #tpu.memory_space<vmem>> -> memref<1024x32xf32, #tpu.memory_space<vmem>>
        %gather3A_2071 = tpu.vector_load_idx %gather3A_2070[%add3A_1909, %add3A_940] : memref<1024x32xf32, #tpu.memory_space<vmem>>[vector<16xi32>, vector<16xi32>], vector<16xf32>,
        %gather3A_2072 = arith.constant 1 : i32
        %gather3A_2073 = arith.constant 0 : i32
        %gather3A_2074 = arith.constant 0 : i32
        %gather3A_2075 = tpu.memref_slice %arg6[%gather3A_2072, %gather3A_2073, %gather3A_2074] : memref<2x1024x32xf32, #tpu.memory_space<vmem>> -> memref<1x1024x32xf32, #tpu.memory_space<vmem>>
        %gather3A_2076 = tpu.memref_squeeze %gather3A_2075 : memref<1x1024x32xf32, #tpu.memory_space<vmem>> -> memref<1024x32xf32, #tpu.memory_space<vmem>>
        %gather3A_2077 = tpu.vector_load_idx %gather3A_2076[%add3A_1909, %add3A_1032] : memref<1024x32xf32, #tpu.memory_space<vmem>>[vector<16xi32>, vector<16xi32>], vector<16xf32>,
        %gather3A_2078 = arith.constant 1 : i32
        %gather3A_2079 = arith.constant 0 : i32
        %gather3A_2080 = arith.constant 0 : i32
        %gather3A_2081 = tpu.memref_slice %arg6[%gather3A_2078, %gather3A_2079, %gather3A_2080] : memref<2x1024x32xf32, #tpu.memory_space<vmem>> -> memref<1x1024x32xf32, #tpu.memory_space<vmem>>
        %gather3A_2082 = tpu.memref_squeeze %gather3A_2081 : memref<1x1024x32xf32, #tpu.memory_space<vmem>> -> memref<1024x32xf32, #tpu.memory_space<vmem>>
        %gather3A_2083 = tpu.vector_load_idx %gather3A_2082[%add3A_1909, %add3A_1124] : memref<1024x32xf32, #tpu.memory_space<vmem>>[vector<16xi32>, vector<16xi32>], vector<16xf32>,
        %gather3A_2084 = arith.constant 1 : i32
        %gather3A_2085 = arith.constant 0 : i32
        %gather3A_2086 = arith.constant 0 : i32
        %gather3A_2087 = tpu.memref_slice %arg6[%gather3A_2084, %gather3A_2085, %gather3A_2086] : memref<2x1024x32xf32, #tpu.memory_space<vmem>> -> memref<1x1024x32xf32, #tpu.memory_space<vmem>>
        %gather3A_2088 = tpu.memref_squeeze %gather3A_2087 : memref<1x1024x32xf32, #tpu.memory_space<vmem>> -> memref<1024x32xf32, #tpu.memory_space<vmem>>
        %gather3A_2089 = tpu.vector_load_idx %gather3A_2088[%add3A_1909, %add3A_1216] : memref<1024x32xf32, #tpu.memory_space<vmem>>[vector<16xi32>, vector<16xi32>], vector<16xf32>,
        %gather3A_2090 = arith.constant 1 : i32
        %gather3A_2091 = arith.constant 0 : i32
        %gather3A_2092 = arith.constant 0 : i32
        %gather3A_2093 = tpu.memref_slice %arg6[%gather3A_2090, %gather3A_2091, %gather3A_2092] : memref<2x1024x32xf32, #tpu.memory_space<vmem>> -> memref<1x1024x32xf32, #tpu.memory_space<vmem>>
        %gather3A_2094 = tpu.memref_squeeze %gather3A_2093 : memref<1x1024x32xf32, #tpu.memory_space<vmem>> -> memref<1024x32xf32, #tpu.memory_space<vmem>>
        %gather3A_2095 = tpu.vector_load_idx %gather3A_2094[%add3A_1909, %add3A_1308] : memref<1024x32xf32, #tpu.memory_space<vmem>>[vector<16xi32>, vector<16xi32>], vector<16xf32>,
        %gather3A_2096 = arith.constant 1 : i32
        %gather3A_2097 = arith.constant 0 : i32
        %gather3A_2098 = arith.constant 0 : i32
        %gather3A_2099 = tpu.memref_slice %arg6[%gather3A_2096, %gather3A_2097, %gather3A_2098] : memref<2x1024x32xf32, #tpu.memory_space<vmem>> -> memref<1x1024x32xf32, #tpu.memory_space<vmem>>
        %gather3A_2100 = tpu.memref_squeeze %gather3A_2099 : memref<1x1024x32xf32, #tpu.memory_space<vmem>> -> memref<1024x32xf32, #tpu.memory_space<vmem>>
        %gather3A_2101 = tpu.vector_load_idx %gather3A_2100[%add3A_1909, %add3A_1400] : memref<1024x32xf32, #tpu.memory_space<vmem>>[vector<16xi32>, vector<16xi32>], vector<16xf32>,
        %gather3A_2102 = arith.constant 1 : i32
        %gather3A_2103 = arith.constant 0 : i32
        %gather3A_2104 = arith.constant 0 : i32
        %gather3A_2105 = tpu.memref_slice %arg6[%gather3A_2102, %gather3A_2103, %gather3A_2104] : memref<2x1024x32xf32, #tpu.memory_space<vmem>> -> memref<1x1024x32xf32, #tpu.memory_space<vmem>>
        %gather3A_2106 = tpu.memref_squeeze %gather3A_2105 : memref<1x1024x32xf32, #tpu.memory_space<vmem>> -> memref<1024x32xf32, #tpu.memory_space<vmem>>
        %gather3A_2107 = tpu.vector_load_idx %gather3A_2106[%add3A_1909, %add3A_1492] : memref<1024x32xf32, #tpu.memory_space<vmem>>[vector<16xi32>, vector<16xi32>], vector<16xf32>,
        %add3A_2108 = vector.broadcast %add3A_1965 : i32 to vector<16xi32>
        %add3A_2109 = arith.addi %add3A_845, %add3A_2108 : vector<16xi32>
        %scatter3A_2110 = arith.constant 0 : i32
        %scatter3A_2111 = arith.constant 0 : i32
        %scatter3A_2112 = tpu.memref_slice %arg7[%scatter3A_2110, %scatter3A_2111] : memref<2x16384xf32, #tpu.memory_space<vmem>> -> memref<1x16384xf32, #tpu.memory_space<vmem>>
        %scatter3A_2113 = tpu.memref_squeeze %scatter3A_2112 : memref<1x16384xf32, #tpu.memory_space<vmem>> -> memref<16384xf32, #tpu.memory_space<vmem>>
        tpu.vector_store_idx %scatter3A_2113[%add3A_2109], %gather3A_2065 : memref<16384xf32, #tpu.memory_space<vmem>>[vector<16xi32>], vector<16xf32>,
        %add3A_2114 = vector.broadcast %add3A_1965 : i32 to vector<16xi32>
        %add3A_2115 = arith.addi %add3A_937, %add3A_2114 : vector<16xi32>
        %scatter3A_2116 = arith.constant 0 : i32
        %scatter3A_2117 = arith.constant 0 : i32
        %scatter3A_2118 = tpu.memref_slice %arg7[%scatter3A_2116, %scatter3A_2117] : memref<2x16384xf32, #tpu.memory_space<vmem>> -> memref<1x16384xf32, #tpu.memory_space<vmem>>
        %scatter3A_2119 = tpu.memref_squeeze %scatter3A_2118 : memref<1x16384xf32, #tpu.memory_space<vmem>> -> memref<16384xf32, #tpu.memory_space<vmem>>
        tpu.vector_store_idx %scatter3A_2119[%add3A_2115], %gather3A_2071 : memref<16384xf32, #tpu.memory_space<vmem>>[vector<16xi32>], vector<16xf32>,
        %add3A_2120 = vector.broadcast %add3A_1965 : i32 to vector<16xi32>
        %add3A_2121 = arith.addi %add3A_1029, %add3A_2120 : vector<16xi32>
        %scatter3A_2122 = arith.constant 0 : i32
        %scatter3A_2123 = arith.constant 0 : i32
        %scatter3A_2124 = tpu.memref_slice %arg7[%scatter3A_2122, %scatter3A_2123] : memref<2x16384xf32, #tpu.memory_space<vmem>> -> memref<1x16384xf32, #tpu.memory_space<vmem>>
        %scatter3A_2125 = tpu.memref_squeeze %scatter3A_2124 : memref<1x16384xf32, #tpu.memory_space<vmem>> -> memref<16384xf32, #tpu.memory_space<vmem>>
        tpu.vector_store_idx %scatter3A_2125[%add3A_2121], %gather3A_2077 : memref<16384xf32, #tpu.memory_space<vmem>>[vector<16xi32>], vector<16xf32>,
        %add3A_2126 = vector.broadcast %add3A_1965 : i32 to vector<16xi32>
        %add3A_2127 = arith.addi %add3A_1121, %add3A_2126 : vector<16xi32>
        %scatter3A_2128 = arith.constant 0 : i32
        %scatter3A_2129 = arith.constant 0 : i32
        %scatter3A_2130 = tpu.memref_slice %arg7[%scatter3A_2128, %scatter3A_2129] : memref<2x16384xf32, #tpu.memory_space<vmem>> -> memref<1x16384xf32, #tpu.memory_space<vmem>>
        %scatter3A_2131 = tpu.memref_squeeze %scatter3A_2130 : memref<1x16384xf32, #tpu.memory_space<vmem>> -> memref<16384xf32, #tpu.memory_space<vmem>>
        tpu.vector_store_idx %scatter3A_2131[%add3A_2127], %gather3A_2083 : memref<16384xf32, #tpu.memory_space<vmem>>[vector<16xi32>], vector<16xf32>,
        %add3A_2132 = vector.broadcast %add3A_1965 : i32 to vector<16xi32>
        %add3A_2133 = arith.addi %add3A_1213, %add3A_2132 : vector<16xi32>
        %scatter3A_2134 = arith.constant 0 : i32
        %scatter3A_2135 = arith.constant 0 : i32
        %scatter3A_2136 = tpu.memref_slice %arg7[%scatter3A_2134, %scatter3A_2135] : memref<2x16384xf32, #tpu.memory_space<vmem>> -> memref<1x16384xf32, #tpu.memory_space<vmem>>
        %scatter3A_2137 = tpu.memref_squeeze %scatter3A_2136 : memref<1x16384xf32, #tpu.memory_space<vmem>> -> memref<16384xf32, #tpu.memory_space<vmem>>
        tpu.vector_store_idx %scatter3A_2137[%add3A_2133], %gather3A_2089 : memref<16384xf32, #tpu.memory_space<vmem>>[vector<16xi32>], vector<16xf32>,
        %add3A_2138 = vector.broadcast %add3A_1965 : i32 to vector<16xi32>
        %add3A_2139 = arith.addi %add3A_1305, %add3A_2138 : vector<16xi32>
        %scatter3A_2140 = arith.constant 0 : i32
        %scatter3A_2141 = arith.constant 0 : i32
        %scatter3A_2142 = tpu.memref_slice %arg7[%scatter3A_2140, %scatter3A_2141] : memref<2x16384xf32, #tpu.memory_space<vmem>> -> memref<1x16384xf32, #tpu.memory_space<vmem>>
        %scatter3A_2143 = tpu.memref_squeeze %scatter3A_2142 : memref<1x16384xf32, #tpu.memory_space<vmem>> -> memref<16384xf32, #tpu.memory_space<vmem>>
        tpu.vector_store_idx %scatter3A_2143[%add3A_2139], %gather3A_2095 : memref<16384xf32, #tpu.memory_space<vmem>>[vector<16xi32>], vector<16xf32>,
        %add3A_2144 = vector.broadcast %add3A_1965 : i32 to vector<16xi32>
        %add3A_2145 = arith.addi %add3A_1397, %add3A_2144 : vector<16xi32>
        %scatter3A_2146 = arith.constant 0 : i32
        %scatter3A_2147 = arith.constant 0 : i32
        %scatter3A_2148 = tpu.memref_slice %arg7[%scatter3A_2146, %scatter3A_2147] : memref<2x16384xf32, #tpu.memory_space<vmem>> -> memref<1x16384xf32, #tpu.memory_space<vmem>>
        %scatter3A_2149 = tpu.memref_squeeze %scatter3A_2148 : memref<1x16384xf32, #tpu.memory_space<vmem>> -> memref<16384xf32, #tpu.memory_space<vmem>>
        tpu.vector_store_idx %scatter3A_2149[%add3A_2145], %gather3A_2101 : memref<16384xf32, #tpu.memory_space<vmem>>[vector<16xi32>], vector<16xf32>,
        %add3A_2150 = vector.broadcast %add3A_1965 : i32 to vector<16xi32>
        %add3A_2151 = arith.addi %add3A_1489, %add3A_2150 : vector<16xi32>
        %scatter3A_2152 = arith.constant 0 : i32
        %scatter3A_2153 = arith.constant 0 : i32
        %scatter3A_2154 = tpu.memref_slice %arg7[%scatter3A_2152, %scatter3A_2153] : memref<2x16384xf32, #tpu.memory_space<vmem>> -> memref<1x16384xf32, #tpu.memory_space<vmem>>
        %scatter3A_2155 = tpu.memref_squeeze %scatter3A_2154 : memref<1x16384xf32, #tpu.memory_space<vmem>> -> memref<16384xf32, #tpu.memory_space<vmem>>
        tpu.vector_store_idx %scatter3A_2155[%add3A_2151], %gather3A_2107 : memref<16384xf32, #tpu.memory_space<vmem>>[vector<16xi32>], vector<16xf32>,
      }
      %scan3A_1809 = arith.constant 64 : i32
      %add3A_1810 = arith.addi %mul3A_23, %add3A_1769 : i32
      %mul3A_1811 = arith.constant 8 : i32
      %mul3A_1812 = arith.muli %mul3A_25, %mul3A_1811 : i32
      %mul3A_1813 = arith.constant 128 : i32
      %mul3A_1814 = arith.muli %mul3A_1812, %mul3A_1813 : i32
      %add3A_1815 = arith.constant 0 : i32
      %add3A_1816 = arith.addi %add3A_1815, %mul3A_1814 : i32
      %dma_start3A_1817 = arith.constant 0 : i32
      %dma_start3A_1818 = arith.constant 0 : i32
      %dma_start3A_1819 = arith.constant 0 : i32
      %dma_start3A_1820 = tpu.memref_slice %arg7[%dma_start3A_1817, %dma_start3A_1819] : memref<2x16384xf32, #tpu.memory_space<vmem>> -> memref<1x8192xf32, #tpu.memory_space<vmem>>
      %dma_start3A_1821 = tpu.memref_squeeze %dma_start3A_1820 : memref<1x8192xf32, #tpu.memory_space<vmem>> -> memref<8192xf32, #tpu.memory_space<vmem>>
      %dma_start3A_1822 = tpu.memref_slice %arg4[%add3A_1810, %add3A_1816] : memref<200x524288xf32, #tpu.memory_space<hbm>> -> memref<1x8192xf32, #tpu.memory_space<hbm>>
      %dma_start3A_1823 = tpu.memref_squeeze %dma_start3A_1822 : memref<1x8192xf32, #tpu.memory_space<hbm>> -> memref<8192xf32, #tpu.memory_space<hbm>>
      %dma_start3A_1824 = tpu.memref_slice %arg10[%dma_start3A_1818] : memref<2x!tpu.dma_semaphore, #tpu.memory_space<semaphore_mem>> -> memref<1x!tpu.dma_semaphore, #tpu.memory_space<semaphore_mem>>
      %dma_start3A_1825 = tpu.memref_squeeze %dma_start3A_1824 : memref<1x!tpu.dma_semaphore, #tpu.memory_space<semaphore_mem>> -> memref<!tpu.dma_semaphore, #tpu.memory_space<semaphore_mem>>
      %dma_start3A_1826 = tpu.memref_slice %arg4[%add3A_1810, %add3A_1816] : memref<200x524288xf32, #tpu.memory_space<hbm>> -> memref<1x8192xf32, #tpu.memory_space<hbm>>
      %dma_start3A_1827 = tpu.memref_squeeze %dma_start3A_1826 : memref<1x8192xf32, #tpu.memory_space<hbm>> -> memref<8192xf32, #tpu.memory_space<hbm>>
      %dma_start3A_1828 = arith.constant 0 : i32
      %dma_start3A_1829 = tpu.memref_slice %arg7[%dma_start3A_1817, %dma_start3A_1828] : memref<2x16384xf32, #tpu.memory_space<vmem>> -> memref<1x8192xf32, #tpu.memory_space<vmem>>
      %dma_start3A_1830 = tpu.memref_squeeze %dma_start3A_1829 : memref<1x8192xf32, #tpu.memory_space<vmem>> -> memref<8192xf32, #tpu.memory_space<vmem>>
      tpu.enqueue_dma source(%dma_start3A_1830 : memref<8192xf32, #tpu.memory_space<vmem>>) target(%dma_start3A_1827 : memref<8192xf32, #tpu.memory_space<hbm>>) target_semaphore(%dma_start3A_1825 : memref<!tpu.dma_semaphore, #tpu.memory_space<semaphore_mem>>)
      %add3A_1831 = arith.addi %mul3A_23, %add3A_1769 : i32
      %mul3A_1832 = arith.constant 8 : i32
      %mul3A_1833 = arith.muli %mul3A_25, %mul3A_1832 : i32
      %mul3A_1834 = arith.constant 128 : i32
      %mul3A_1835 = arith.muli %mul3A_1833, %mul3A_1834 : i32
      %add3A_1836 = arith.constant 131072 : i32
      %add3A_1837 = arith.addi %add3A_1836, %mul3A_1835 : i32
      %dma_start3A_1838 = arith.constant 0 : i32
      %dma_start3A_1839 = arith.constant 0 : i32
      %dma_start3A_1840 = arith.constant 8192 : i32
      %dma_start3A_1841 = tpu.memref_slice %arg7[%dma_start3A_1838, %dma_start3A_1840] : memref<2x16384xf32, #tpu.memory_space<vmem>> -> memref<1x8192xf32, #tpu.memory_space<vmem>>
      %dma_start3A_1842 = tpu.memref_squeeze %dma_start3A_1841 : memref<1x8192xf32, #tpu.memory_space<vmem>> -> memref<8192xf32, #tpu.memory_space<vmem>>
      %dma_start3A_1843 = tpu.memref_slice %arg4[%add3A_1831, %add3A_1837] : memref<200x524288xf32, #tpu.memory_space<hbm>> -> memref<1x8192xf32, #tpu.memory_space<hbm>>
      %dma_start3A_1844 = tpu.memref_squeeze %dma_start3A_1843 : memref<1x8192xf32, #tpu.memory_space<hbm>> -> memref<8192xf32, #tpu.memory_space<hbm>>
      %dma_start3A_1845 = tpu.memref_slice %arg10[%dma_start3A_1839] : memref<2x!tpu.dma_semaphore, #tpu.memory_space<semaphore_mem>> -> memref<1x!tpu.dma_semaphore, #tpu.memory_space<semaphore_mem>>
      %dma_start3A_1846 = tpu.memref_squeeze %dma_start3A_1845 : memref<1x!tpu.dma_semaphore, #tpu.memory_space<semaphore_mem>> -> memref<!tpu.dma_semaphore, #tpu.memory_space<semaphore_mem>>
      %dma_start3A_1847 = tpu.memref_slice %arg4[%add3A_1831, %add3A_1837] : memref<200x524288xf32, #tpu.memory_space<hbm>> -> memref<1x8192xf32, #tpu.memory_space<hbm>>
      %dma_start3A_1848 = tpu.memref_squeeze %dma_start3A_1847 : memref<1x8192xf32, #tpu.memory_space<hbm>> -> memref<8192xf32, #tpu.memory_space<hbm>>
      %dma_start3A_1849 = arith.constant 8192 : i32
      %dma_start3A_1850 = tpu.memref_slice %arg7[%dma_start3A_1838, %dma_start3A_1849] : memref<2x16384xf32, #tpu.memory_space<vmem>> -> memref<1x8192xf32, #tpu.memory_space<vmem>>
      %dma_start3A_1851 = tpu.memref_squeeze %dma_start3A_1850 : memref<1x8192xf32, #tpu.memory_space<vmem>> -> memref<8192xf32, #tpu.memory_space<vmem>>
      tpu.enqueue_dma source(%dma_start3A_1851 : memref<8192xf32, #tpu.memory_space<vmem>>) target(%dma_start3A_1848 : memref<8192xf32, #tpu.memory_space<hbm>>) target_semaphore(%dma_start3A_1846 : memref<!tpu.dma_semaphore, #tpu.memory_space<semaphore_mem>>)
      %ge3A_1852 = arith.constant 1 : i32
      %ge3A_1853 = arith.cmpi sge, %add3A_1769, %ge3A_1852 : i32
      %convert_element_type3A_1854 = arith.extui %ge3A_1853 : i1 to i32
      %cond3A_1855 = arith.constant 0 : i32
      %cond3A_1856 = arith.cmpi ne, %convert_element_type3A_1854, %cond3A_1855 : i32
      scf.if %cond3A_1856 {
        %dma_wait3A_1905 = arith.constant 1 : i32
        %dma_wait3A_1906 = arith.constant 0 : i32
        %dma_wait3A_1907 = arith.constant 1 : i32
        %dma_wait3A_1908 = arith.constant 0 : i32
        %dma_wait3A_1909 = tpu.memref_slice %arg7[%dma_wait3A_1905, %dma_wait3A_1908] : memref<2x16384xf32, #tpu.memory_space<vmem>> -> memref<1x8192xf32, #tpu.memory_space<vmem>>
        %dma_wait3A_1910 = tpu.memref_squeeze %dma_wait3A_1909 : memref<1x8192xf32, #tpu.memory_space<vmem>> -> memref<8192xf32, #tpu.memory_space<vmem>>
        %dma_wait3A_1911 = arith.constant 0 : i32
        %dma_wait3A_1912 = tpu.memref_slice %arg4[%dma_wait3A_1906, %dma_wait3A_1911] : memref<200x524288xf32, #tpu.memory_space<hbm>> -> memref<1x8192xf32, #tpu.memory_space<hbm>>
        %dma_wait3A_1913 = tpu.memref_squeeze %dma_wait3A_1912 : memref<1x8192xf32, #tpu.memory_space<hbm>> -> memref<8192xf32, #tpu.memory_space<hbm>>
        %dma_wait3A_1914 = tpu.memref_slice %arg10[%dma_wait3A_1907] : memref<2x!tpu.dma_semaphore, #tpu.memory_space<semaphore_mem>> -> memref<1x!tpu.dma_semaphore, #tpu.memory_space<semaphore_mem>>
        %dma_wait3A_1915 = tpu.memref_squeeze %dma_wait3A_1914 : memref<1x!tpu.dma_semaphore, #tpu.memory_space<semaphore_mem>> -> memref<!tpu.dma_semaphore, #tpu.memory_space<semaphore_mem>>
        %dma_wait3A_1916 = arith.constant 0 : i32
        %dma_wait3A_1917 = tpu.memref_slice %arg4[%dma_wait3A_1906, %dma_wait3A_1916] : memref<200x524288xf32, #tpu.memory_space<hbm>> -> memref<1x8192xf32, #tpu.memory_space<hbm>>
        %dma_wait3A_1918 = tpu.memref_squeeze %dma_wait3A_1917 : memref<1x8192xf32, #tpu.memory_space<hbm>> -> memref<8192xf32, #tpu.memory_space<hbm>>
        %dma_wait3A_1919 = arith.constant 0 : i32
        %dma_wait3A_1920 = tpu.memref_slice %arg7[%dma_wait3A_1905, %dma_wait3A_1919] : memref<2x16384xf32, #tpu.memory_space<vmem>> -> memref<1x8192xf32, #tpu.memory_space<vmem>>
        %dma_wait3A_1921 = tpu.memref_squeeze %dma_wait3A_1920 : memref<1x8192xf32, #tpu.memory_space<vmem>> -> memref<8192xf32, #tpu.memory_space<vmem>>
        tpu.wait_dma2 semaphore(%dma_wait3A_1915 : memref<!tpu.dma_semaphore, #tpu.memory_space<semaphore_mem>>) src(%dma_wait3A_1921 : memref<8192xf32, #tpu.memory_space<vmem>>) dst(%dma_wait3A_1918 : memref<8192xf32, #tpu.memory_space<hbm>>)
        %dma_wait3A_1922 = arith.constant 1 : i32
        %dma_wait3A_1923 = arith.constant 0 : i32
        %dma_wait3A_1924 = arith.constant 1 : i32
        %dma_wait3A_1925 = arith.constant 8192 : i32
        %dma_wait3A_1926 = tpu.memref_slice %arg7[%dma_wait3A_1922, %dma_wait3A_1925] : memref<2x16384xf32, #tpu.memory_space<vmem>> -> memref<1x8192xf32, #tpu.memory_space<vmem>>
        %dma_wait3A_1927 = tpu.memref_squeeze %dma_wait3A_1926 : memref<1x8192xf32, #tpu.memory_space<vmem>> -> memref<8192xf32, #tpu.memory_space<vmem>>
        %dma_wait3A_1928 = arith.constant 131072 : i32
        %dma_wait3A_1929 = tpu.memref_slice %arg4[%dma_wait3A_1923, %dma_wait3A_1928] : memref<200x524288xf32, #tpu.memory_space<hbm>> -> memref<1x8192xf32, #tpu.memory_space<hbm>>
        %dma_wait3A_1930 = tpu.memref_squeeze %dma_wait3A_1929 : memref<1x8192xf32, #tpu.memory_space<hbm>> -> memref<8192xf32, #tpu.memory_space<hbm>>
        %dma_wait3A_1931 = tpu.memref_slice %arg10[%dma_wait3A_1924] : memref<2x!tpu.dma_semaphore, #tpu.memory_space<semaphore_mem>> -> memref<1x!tpu.dma_semaphore, #tpu.memory_space<semaphore_mem>>
        %dma_wait3A_1932 = tpu.memref_squeeze %dma_wait3A_1931 : memref<1x!tpu.dma_semaphore, #tpu.memory_space<semaphore_mem>> -> memref<!tpu.dma_semaphore, #tpu.memory_space<semaphore_mem>>
        %dma_wait3A_1933 = arith.constant 131072 : i32
        %dma_wait3A_1934 = tpu.memref_slice %arg4[%dma_wait3A_1923, %dma_wait3A_1933] : memref<200x524288xf32, #tpu.memory_space<hbm>> -> memref<1x8192xf32, #tpu.memory_space<hbm>>
        %dma_wait3A_1935 = tpu.memref_squeeze %dma_wait3A_1934 : memref<1x8192xf32, #tpu.memory_space<hbm>> -> memref<8192xf32, #tpu.memory_space<hbm>>
        %dma_wait3A_1936 = arith.constant 8192 : i32
        %dma_wait3A_1937 = tpu.memref_slice %arg7[%dma_wait3A_1922, %dma_wait3A_1936] : memref<2x16384xf32, #tpu.memory_space<vmem>> -> memref<1x8192xf32, #tpu.memory_space<vmem>>
        %dma_wait3A_1938 = tpu.memref_squeeze %dma_wait3A_1937 : memref<1x8192xf32, #tpu.memory_space<vmem>> -> memref<8192xf32, #tpu.memory_space<vmem>>
        tpu.wait_dma2 semaphore(%dma_wait3A_1932 : memref<!tpu.dma_semaphore, #tpu.memory_space<semaphore_mem>>) src(%dma_wait3A_1938 : memref<8192xf32, #tpu.memory_space<vmem>>) dst(%dma_wait3A_1935 : memref<8192xf32, #tpu.memory_space<hbm>>)
      } else {
      }
      %scan3A_1857 = arith.constant 0 : i32
      %scan3A_1858 = arith.constant 0 : i32
      %scan3A_1859 = arith.constant 64 : i32
      %scan3A_1860 = arith.addi %scan3A_1858, %scan3A_1859 : i32
      %scan3A_1861 = arith.constant 1 : i32
      scf.for %scan3A_1905 = %scan3A_1858 to %scan3A_1860 step %scan3A_1861  : i32 {
        %mul3A_1906 = arith.constant 16 : i32
        %mul3A_1907 = arith.muli %scan3A_1905, %mul3A_1906 : i32
        %add3A_1908 = vector.broadcast %mul3A_1907 : i32 to vector<16xi32>
        %add3A_1909 = arith.addi %iota3A, %add3A_1908 : vector<16xi32>
        %jit3A_1910 = arith.constant 8 : i32
        %div3A_1911 = arith.divsi %scan3A_1905, %jit3A_1910 : i32
        %sign3A_1912 = arith.constant 0 : i32
        %sign3A_1913 = arith.cmpi sgt, %scan3A_1905, %sign3A_1912 : i32
        %sign3A_1914 = arith.extui %sign3A_1913 : i1 to i32
        %sign3A_1915 = arith.constant 0 : i32
        %sign3A_1916 = arith.cmpi slt, %scan3A_1905, %sign3A_1915 : i32
        %sign3A_1917 = arith.extui %sign3A_1916 : i1 to i32
        %sign3A_1918 = arith.subi %sign3A_1914, %sign3A_1917 : i32
        %sign3A_1919 = arith.constant 0 : i32
        %sign3A_1920 = arith.cmpi sgt, %jit3A_1910, %sign3A_1919 : i32
        %sign3A_1921 = arith.extui %sign3A_1920 : i1 to i32
        %sign3A_1922 = arith.constant 0 : i32
        %sign3A_1923 = arith.cmpi slt, %jit3A_1910, %sign3A_1922 : i32
        %sign3A_1924 = arith.extui %sign3A_1923 : i1 to i32
        %sign3A_1925 = arith.subi %sign3A_1921, %sign3A_1924 : i32
        %ne3A_1926 = arith.cmpi ne, %sign3A_1918, %sign3A_1925 : i32
        %rem3A_1927 = arith.remsi %scan3A_1905, %jit3A_1910 : i32
        %ne3A_1928 = arith.constant 0 : i32
        %ne3A_1929 = arith.cmpi ne, %rem3A_1927, %ne3A_1928 : i32
        %and3A_1930 = arith.andi %ne3A_1926, %ne3A_1929 : i1
        %sub3A_1931 = arith.constant 1 : i32
        %sub3A_1932 = arith.subi %div3A_1911, %sub3A_1931 : i32
        %select_n3A_1933 = arith.select %and3A_1930, %sub3A_1932, %div3A_1911 : i32
        %mul3A_1934 = arith.constant 1024 : i32
        %mul3A_1935 = arith.muli %select_n3A_1933, %mul3A_1934 : i32
        %jit3A_1936 = arith.constant 8 : i32
        %div3A_1937 = arith.divsi %scan3A_1905, %jit3A_1936 : i32
        %sign3A_1938 = arith.constant 0 : i32
        %sign3A_1939 = arith.cmpi sgt, %scan3A_1905, %sign3A_1938 : i32
        %sign3A_1940 = arith.extui %sign3A_1939 : i1 to i32
        %sign3A_1941 = arith.constant 0 : i32
        %sign3A_1942 = arith.cmpi slt, %scan3A_1905, %sign3A_1941 : i32
        %sign3A_1943 = arith.extui %sign3A_1942 : i1 to i32
        %sign3A_1944 = arith.subi %sign3A_1940, %sign3A_1943 : i32
        %sign3A_1945 = arith.constant 0 : i32
        %sign3A_1946 = arith.cmpi sgt, %jit3A_1936, %sign3A_1945 : i32
        %sign3A_1947 = arith.extui %sign3A_1946 : i1 to i32
        %sign3A_1948 = arith.constant 0 : i32
        %sign3A_1949 = arith.cmpi slt, %jit3A_1936, %sign3A_1948 : i32
        %sign3A_1950 = arith.extui %sign3A_1949 : i1 to i32
        %sign3A_1951 = arith.subi %sign3A_1947, %sign3A_1950 : i32
        %ne3A_1952 = arith.cmpi ne, %sign3A_1944, %sign3A_1951 : i32
        %rem3A_1953 = arith.remsi %scan3A_1905, %jit3A_1936 : i32
        %ne3A_1954 = arith.constant 0 : i32
        %ne3A_1955 = arith.cmpi ne, %rem3A_1953, %ne3A_1954 : i32
        %and3A_1956 = arith.andi %ne3A_1952, %ne3A_1955 : i1
        %sub3A_1957 = arith.constant 1 : i32
        %sub3A_1958 = arith.subi %div3A_1937, %sub3A_1957 : i32
        %select_n3A_1959 = arith.select %and3A_1956, %sub3A_1958, %div3A_1937 : i32
        %mul3A_1960 = arith.constant 8 : i32
        %mul3A_1961 = arith.muli %select_n3A_1959, %mul3A_1960 : i32
        %sub3A_1962 = arith.subi %scan3A_1905, %mul3A_1961 : i32
        %mul3A_1963 = arith.constant 16 : i32
        %mul3A_1964 = arith.muli %sub3A_1962, %mul3A_1963 : i32
        %add3A_1965 = arith.addi %mul3A_1935, %mul3A_1964 : i32
        %gather3A = arith.constant 1 : i32
        %gather3A_1966 = arith.constant 0 : i32
        %gather3A_1967 = arith.constant 0 : i32
        %gather3A_1968 = tpu.memref_slice %arg6[%gather3A, %gather3A_1966, %gather3A_1967] : memref<2x1024x32xf32, #tpu.memory_space<vmem>> -> memref<1x1024x32xf32, #tpu.memory_space<vmem>>
        %gather3A_1969 = tpu.memref_squeeze %gather3A_1968 : memref<1x1024x32xf32, #tpu.memory_space<vmem>> -> memref<1024x32xf32, #tpu.memory_space<vmem>>
        %gather3A_1970 = tpu.vector_load_idx %gather3A_1969[%add3A_1909, %add3A_115] : memref<1024x32xf32, #tpu.memory_space<vmem>>[vector<16xi32>, vector<16xi32>], vector<16xf32>,
        %gather3A_1971 = arith.constant 1 : i32
        %gather3A_1972 = arith.constant 0 : i32
        %gather3A_1973 = arith.constant 0 : i32
        %gather3A_1974 = tpu.memref_slice %arg6[%gather3A_1971, %gather3A_1972, %gather3A_1973] : memref<2x1024x32xf32, #tpu.memory_space<vmem>> -> memref<1x1024x32xf32, #tpu.memory_space<vmem>>
        %gather3A_1975 = tpu.memref_squeeze %gather3A_1974 : memref<1x1024x32xf32, #tpu.memory_space<vmem>> -> memref<1024x32xf32, #tpu.memory_space<vmem>>
        %gather3A_1976 = tpu.vector_load_idx %gather3A_1975[%add3A_1909, %add3A_207] : memref<1024x32xf32, #tpu.memory_space<vmem>>[vector<16xi32>, vector<16xi32>], vector<16xf32>,
        %gather3A_1977 = arith.constant 1 : i32
        %gather3A_1978 = arith.constant 0 : i32
        %gather3A_1979 = arith.constant 0 : i32
        %gather3A_1980 = tpu.memref_slice %arg6[%gather3A_1977, %gather3A_1978, %gather3A_1979] : memref<2x1024x32xf32, #tpu.memory_space<vmem>> -> memref<1x1024x32xf32, #tpu.memory_space<vmem>>
        %gather3A_1981 = tpu.memref_squeeze %gather3A_1980 : memref<1x1024x32xf32, #tpu.memory_space<vmem>> -> memref<1024x32xf32, #tpu.memory_space<vmem>>
        %gather3A_1982 = tpu.vector_load_idx %gather3A_1981[%add3A_1909, %add3A_299] : memref<1024x32xf32, #tpu.memory_space<vmem>>[vector<16xi32>, vector<16xi32>], vector<16xf32>,
        %gather3A_1983 = arith.constant 1 : i32
        %gather3A_1984 = arith.constant 0 : i32
        %gather3A_1985 = arith.constant 0 : i32
        %gather3A_1986 = tpu.memref_slice %arg6[%gather3A_1983, %gather3A_1984, %gather3A_1985] : memref<2x1024x32xf32, #tpu.memory_space<vmem>> -> memref<1x1024x32xf32, #tpu.memory_space<vmem>>
        %gather3A_1987 = tpu.memref_squeeze %gather3A_1986 : memref<1x1024x32xf32, #tpu.memory_space<vmem>> -> memref<1024x32xf32, #tpu.memory_space<vmem>>
        %gather3A_1988 = tpu.vector_load_idx %gather3A_1987[%add3A_1909, %add3A_391] : memref<1024x32xf32, #tpu.memory_space<vmem>>[vector<16xi32>, vector<16xi32>], vector<16xf32>,
        %gather3A_1989 = arith.constant 1 : i32
        %gather3A_1990 = arith.constant 0 : i32
        %gather3A_1991 = arith.constant 0 : i32
        %gather3A_1992 = tpu.memref_slice %arg6[%gather3A_1989, %gather3A_1990, %gather3A_1991] : memref<2x1024x32xf32, #tpu.memory_space<vmem>> -> memref<1x1024x32xf32, #tpu.memory_space<vmem>>
        %gather3A_1993 = tpu.memref_squeeze %gather3A_1992 : memref<1x1024x32xf32, #tpu.memory_space<vmem>> -> memref<1024x32xf32, #tpu.memory_space<vmem>>
        %gather3A_1994 = tpu.vector_load_idx %gather3A_1993[%add3A_1909, %add3A_483] : memref<1024x32xf32, #tpu.memory_space<vmem>>[vector<16xi32>, vector<16xi32>], vector<16xf32>,
        %gather3A_1995 = arith.constant 1 : i32
        %gather3A_1996 = arith.constant 0 : i32
        %gather3A_1997 = arith.constant 0 : i32
        %gather3A_1998 = tpu.memref_slice %arg6[%gather3A_1995, %gather3A_1996, %gather3A_1997] : memref<2x1024x32xf32, #tpu.memory_space<vmem>> -> memref<1x1024x32xf32, #tpu.memory_space<vmem>>
        %gather3A_1999 = tpu.memref_squeeze %gather3A_1998 : memref<1x1024x32xf32, #tpu.memory_space<vmem>> -> memref<1024x32xf32, #tpu.memory_space<vmem>>
        %gather3A_2000 = tpu.vector_load_idx %gather3A_1999[%add3A_1909, %add3A_575] : memref<1024x32xf32, #tpu.memory_space<vmem>>[vector<16xi32>, vector<16xi32>], vector<16xf32>,
        %gather3A_2001 = arith.constant 1 : i32
        %gather3A_2002 = arith.constant 0 : i32
        %gather3A_2003 = arith.constant 0 : i32
        %gather3A_2004 = tpu.memref_slice %arg6[%gather3A_2001, %gather3A_2002, %gather3A_2003] : memref<2x1024x32xf32, #tpu.memory_space<vmem>> -> memref<1x1024x32xf32, #tpu.memory_space<vmem>>
        %gather3A_2005 = tpu.memref_squeeze %gather3A_2004 : memref<1x1024x32xf32, #tpu.memory_space<vmem>> -> memref<1024x32xf32, #tpu.memory_space<vmem>>
        %gather3A_2006 = tpu.vector_load_idx %gather3A_2005[%add3A_1909, %add3A_667] : memref<1024x32xf32, #tpu.memory_space<vmem>>[vector<16xi32>, vector<16xi32>], vector<16xf32>,
        %gather3A_2007 = arith.constant 1 : i32
        %gather3A_2008 = arith.constant 0 : i32
        %gather3A_2009 = arith.constant 0 : i32
        %gather3A_2010 = tpu.memref_slice %arg6[%gather3A_2007, %gather3A_2008, %gather3A_2009] : memref<2x1024x32xf32, #tpu.memory_space<vmem>> -> memref<1x1024x32xf32, #tpu.memory_space<vmem>>
        %gather3A_2011 = tpu.memref_squeeze %gather3A_2010 : memref<1x1024x32xf32, #tpu.memory_space<vmem>> -> memref<1024x32xf32, #tpu.memory_space<vmem>>
        %gather3A_2012 = tpu.vector_load_idx %gather3A_2011[%add3A_1909, %add3A_759] : memref<1024x32xf32, #tpu.memory_space<vmem>>[vector<16xi32>, vector<16xi32>], vector<16xf32>,
        %add3A_2013 = vector.broadcast %add3A_1965 : i32 to vector<16xi32>
        %add3A_2014 = arith.addi %add3A_109, %add3A_2013 : vector<16xi32>
        %scatter3A = arith.constant 1 : i32
        %scatter3A_2015 = arith.constant 0 : i32
        %scatter3A_2016 = tpu.memref_slice %arg7[%scatter3A, %scatter3A_2015] : memref<2x16384xf32, #tpu.memory_space<vmem>> -> memref<1x16384xf32, #tpu.memory_space<vmem>>
        %scatter3A_2017 = tpu.memref_squeeze %scatter3A_2016 : memref<1x16384xf32, #tpu.memory_space<vmem>> -> memref<16384xf32, #tpu.memory_space<vmem>>
        tpu.vector_store_idx %scatter3A_2017[%add3A_2014], %gather3A_1970 : memref<16384xf32, #tpu.memory_space<vmem>>[vector<16xi32>], vector<16xf32>,
        %add3A_2018 = vector.broadcast %add3A_1965 : i32 to vector<16xi32>
        %add3A_2019 = arith.addi %add3A_201, %add3A_2018 : vector<16xi32>
        %scatter3A_2020 = arith.constant 1 : i32
        %scatter3A_2021 = arith.constant 0 : i32
        %scatter3A_2022 = tpu.memref_slice %arg7[%scatter3A_2020, %scatter3A_2021] : memref<2x16384xf32, #tpu.memory_space<vmem>> -> memref<1x16384xf32, #tpu.memory_space<vmem>>
        %scatter3A_2023 = tpu.memref_squeeze %scatter3A_2022 : memref<1x16384xf32, #tpu.memory_space<vmem>> -> memref<16384xf32, #tpu.memory_space<vmem>>
        tpu.vector_store_idx %scatter3A_2023[%add3A_2019], %gather3A_1976 : memref<16384xf32, #tpu.memory_space<vmem>>[vector<16xi32>], vector<16xf32>,
        %add3A_2024 = vector.broadcast %add3A_1965 : i32 to vector<16xi32>
        %add3A_2025 = arith.addi %add3A_293, %add3A_2024 : vector<16xi32>
        %scatter3A_2026 = arith.constant 1 : i32
        %scatter3A_2027 = arith.constant 0 : i32
        %scatter3A_2028 = tpu.memref_slice %arg7[%scatter3A_2026, %scatter3A_2027] : memref<2x16384xf32, #tpu.memory_space<vmem>> -> memref<1x16384xf32, #tpu.memory_space<vmem>>
        %scatter3A_2029 = tpu.memref_squeeze %scatter3A_2028 : memref<1x16384xf32, #tpu.memory_space<vmem>> -> memref<16384xf32, #tpu.memory_space<vmem>>
        tpu.vector_store_idx %scatter3A_2029[%add3A_2025], %gather3A_1982 : memref<16384xf32, #tpu.memory_space<vmem>>[vector<16xi32>], vector<16xf32>,
        %add3A_2030 = vector.broadcast %add3A_1965 : i32 to vector<16xi32>
        %add3A_2031 = arith.addi %add3A_385, %add3A_2030 : vector<16xi32>
        %scatter3A_2032 = arith.constant 1 : i32
        %scatter3A_2033 = arith.constant 0 : i32
        %scatter3A_2034 = tpu.memref_slice %arg7[%scatter3A_2032, %scatter3A_2033] : memref<2x16384xf32, #tpu.memory_space<vmem>> -> memref<1x16384xf32, #tpu.memory_space<vmem>>
        %scatter3A_2035 = tpu.memref_squeeze %scatter3A_2034 : memref<1x16384xf32, #tpu.memory_space<vmem>> -> memref<16384xf32, #tpu.memory_space<vmem>>
        tpu.vector_store_idx %scatter3A_2035[%add3A_2031], %gather3A_1988 : memref<16384xf32, #tpu.memory_space<vmem>>[vector<16xi32>], vector<16xf32>,
        %add3A_2036 = vector.broadcast %add3A_1965 : i32 to vector<16xi32>
        %add3A_2037 = arith.addi %add3A_477, %add3A_2036 : vector<16xi32>
        %scatter3A_2038 = arith.constant 1 : i32
        %scatter3A_2039 = arith.constant 0 : i32
        %scatter3A_2040 = tpu.memref_slice %arg7[%scatter3A_2038, %scatter3A_2039] : memref<2x16384xf32, #tpu.memory_space<vmem>> -> memref<1x16384xf32, #tpu.memory_space<vmem>>
        %scatter3A_2041 = tpu.memref_squeeze %scatter3A_2040 : memref<1x16384xf32, #tpu.memory_space<vmem>> -> memref<16384xf32, #tpu.memory_space<vmem>>
        tpu.vector_store_idx %scatter3A_2041[%add3A_2037], %gather3A_1994 : memref<16384xf32, #tpu.memory_space<vmem>>[vector<16xi32>], vector<16xf32>,
        %add3A_2042 = vector.broadcast %add3A_1965 : i32 to vector<16xi32>
        %add3A_2043 = arith.addi %add3A_569, %add3A_2042 : vector<16xi32>
        %scatter3A_2044 = arith.constant 1 : i32
        %scatter3A_2045 = arith.constant 0 : i32
        %scatter3A_2046 = tpu.memref_slice %arg7[%scatter3A_2044, %scatter3A_2045] : memref<2x16384xf32, #tpu.memory_space<vmem>> -> memref<1x16384xf32, #tpu.memory_space<vmem>>
        %scatter3A_2047 = tpu.memref_squeeze %scatter3A_2046 : memref<1x16384xf32, #tpu.memory_space<vmem>> -> memref<16384xf32, #tpu.memory_space<vmem>>
        tpu.vector_store_idx %scatter3A_2047[%add3A_2043], %gather3A_2000 : memref<16384xf32, #tpu.memory_space<vmem>>[vector<16xi32>], vector<16xf32>,
        %add3A_2048 = vector.broadcast %add3A_1965 : i32 to vector<16xi32>
        %add3A_2049 = arith.addi %add3A_661, %add3A_2048 : vector<16xi32>
        %scatter3A_2050 = arith.constant 1 : i32
        %scatter3A_2051 = arith.constant 0 : i32
        %scatter3A_2052 = tpu.memref_slice %arg7[%scatter3A_2050, %scatter3A_2051] : memref<2x16384xf32, #tpu.memory_space<vmem>> -> memref<1x16384xf32, #tpu.memory_space<vmem>>
        %scatter3A_2053 = tpu.memref_squeeze %scatter3A_2052 : memref<1x16384xf32, #tpu.memory_space<vmem>> -> memref<16384xf32, #tpu.memory_space<vmem>>
        tpu.vector_store_idx %scatter3A_2053[%add3A_2049], %gather3A_2006 : memref<16384xf32, #tpu.memory_space<vmem>>[vector<16xi32>], vector<16xf32>,
        %add3A_2054 = vector.broadcast %add3A_1965 : i32 to vector<16xi32>
        %add3A_2055 = arith.addi %add3A_753, %add3A_2054 : vector<16xi32>
        %scatter3A_2056 = arith.constant 1 : i32
        %scatter3A_2057 = arith.constant 0 : i32
        %scatter3A_2058 = tpu.memref_slice %arg7[%scatter3A_2056, %scatter3A_2057] : memref<2x16384xf32, #tpu.memory_space<vmem>> -> memref<1x16384xf32, #tpu.memory_space<vmem>>
        %scatter3A_2059 = tpu.memref_squeeze %scatter3A_2058 : memref<1x16384xf32, #tpu.memory_space<vmem>> -> memref<16384xf32, #tpu.memory_space<vmem>>
        tpu.vector_store_idx %scatter3A_2059[%add3A_2055], %gather3A_2012 : memref<16384xf32, #tpu.memory_space<vmem>>[vector<16xi32>], vector<16xf32>,
        %gather3A_2060 = arith.constant 1 : i32
        %gather3A_2061 = arith.constant 0 : i32
        %gather3A_2062 = arith.constant 0 : i32
        %gather3A_2063 = tpu.memref_slice %arg6[%gather3A_2060, %gather3A_2061, %gather3A_2062] : memref<2x1024x32xf32, #tpu.memory_space<vmem>> -> memref<1x1024x32xf32, #tpu.memory_space<vmem>>
        %gather3A_2064 = tpu.memref_squeeze %gather3A_2063 : memref<1x1024x32xf32, #tpu.memory_space<vmem>> -> memref<1024x32xf32, #tpu.memory_space<vmem>>
        %gather3A_2065 = tpu.vector_load_idx %gather3A_2064[%add3A_1909, %add3A_851] : memref<1024x32xf32, #tpu.memory_space<vmem>>[vector<16xi32>, vector<16xi32>], vector<16xf32>,
        %gather3A_2066 = arith.constant 1 : i32
        %gather3A_2067 = arith.constant 0 : i32
        %gather3A_2068 = arith.constant 0 : i32
        %gather3A_2069 = tpu.memref_slice %arg6[%gather3A_2066, %gather3A_2067, %gather3A_2068] : memref<2x1024x32xf32, #tpu.memory_space<vmem>> -> memref<1x1024x32xf32, #tpu.memory_space<vmem>>
        %gather3A_2070 = tpu.memref_squeeze %gather3A_2069 : memref<1x1024x32xf32, #tpu.memory_space<vmem>> -> memref<1024x32xf32, #tpu.memory_space<vmem>>
        %gather3A_2071 = tpu.vector_load_idx %gather3A_2070[%add3A_1909, %add3A_943] : memref<1024x32xf32, #tpu.memory_space<vmem>>[vector<16xi32>, vector<16xi32>], vector<16xf32>,
        %gather3A_2072 = arith.constant 1 : i32
        %gather3A_2073 = arith.constant 0 : i32
        %gather3A_2074 = arith.constant 0 : i32
        %gather3A_2075 = tpu.memref_slice %arg6[%gather3A_2072, %gather3A_2073, %gather3A_2074] : memref<2x1024x32xf32, #tpu.memory_space<vmem>> -> memref<1x1024x32xf32, #tpu.memory_space<vmem>>
        %gather3A_2076 = tpu.memref_squeeze %gather3A_2075 : memref<1x1024x32xf32, #tpu.memory_space<vmem>> -> memref<1024x32xf32, #tpu.memory_space<vmem>>
        %gather3A_2077 = tpu.vector_load_idx %gather3A_2076[%add3A_1909, %add3A_1035] : memref<1024x32xf32, #tpu.memory_space<vmem>>[vector<16xi32>, vector<16xi32>], vector<16xf32>,
        %gather3A_2078 = arith.constant 1 : i32
        %gather3A_2079 = arith.constant 0 : i32
        %gather3A_2080 = arith.constant 0 : i32
        %gather3A_2081 = tpu.memref_slice %arg6[%gather3A_2078, %gather3A_2079, %gather3A_2080] : memref<2x1024x32xf32, #tpu.memory_space<vmem>> -> memref<1x1024x32xf32, #tpu.memory_space<vmem>>
        %gather3A_2082 = tpu.memref_squeeze %gather3A_2081 : memref<1x1024x32xf32, #tpu.memory_space<vmem>> -> memref<1024x32xf32, #tpu.memory_space<vmem>>
        %gather3A_2083 = tpu.vector_load_idx %gather3A_2082[%add3A_1909, %add3A_1127] : memref<1024x32xf32, #tpu.memory_space<vmem>>[vector<16xi32>, vector<16xi32>], vector<16xf32>,
        %gather3A_2084 = arith.constant 1 : i32
        %gather3A_2085 = arith.constant 0 : i32
        %gather3A_2086 = arith.constant 0 : i32
        %gather3A_2087 = tpu.memref_slice %arg6[%gather3A_2084, %gather3A_2085, %gather3A_2086] : memref<2x1024x32xf32, #tpu.memory_space<vmem>> -> memref<1x1024x32xf32, #tpu.memory_space<vmem>>
        %gather3A_2088 = tpu.memref_squeeze %gather3A_2087 : memref<1x1024x32xf32, #tpu.memory_space<vmem>> -> memref<1024x32xf32, #tpu.memory_space<vmem>>
        %gather3A_2089 = tpu.vector_load_idx %gather3A_2088[%add3A_1909, %add3A_1219] : memref<1024x32xf32, #tpu.memory_space<vmem>>[vector<16xi32>, vector<16xi32>], vector<16xf32>,
        %gather3A_2090 = arith.constant 1 : i32
        %gather3A_2091 = arith.constant 0 : i32
        %gather3A_2092 = arith.constant 0 : i32
        %gather3A_2093 = tpu.memref_slice %arg6[%gather3A_2090, %gather3A_2091, %gather3A_2092] : memref<2x1024x32xf32, #tpu.memory_space<vmem>> -> memref<1x1024x32xf32, #tpu.memory_space<vmem>>
        %gather3A_2094 = tpu.memref_squeeze %gather3A_2093 : memref<1x1024x32xf32, #tpu.memory_space<vmem>> -> memref<1024x32xf32, #tpu.memory_space<vmem>>
        %gather3A_2095 = tpu.vector_load_idx %gather3A_2094[%add3A_1909, %add3A_1311] : memref<1024x32xf32, #tpu.memory_space<vmem>>[vector<16xi32>, vector<16xi32>], vector<16xf32>,
        %gather3A_2096 = arith.constant 1 : i32
        %gather3A_2097 = arith.constant 0 : i32
        %gather3A_2098 = arith.constant 0 : i32
        %gather3A_2099 = tpu.memref_slice %arg6[%gather3A_2096, %gather3A_2097, %gather3A_2098] : memref<2x1024x32xf32, #tpu.memory_space<vmem>> -> memref<1x1024x32xf32, #tpu.memory_space<vmem>>
        %gather3A_2100 = tpu.memref_squeeze %gather3A_2099 : memref<1x1024x32xf32, #tpu.memory_space<vmem>> -> memref<1024x32xf32, #tpu.memory_space<vmem>>
        %gather3A_2101 = tpu.vector_load_idx %gather3A_2100[%add3A_1909, %add3A_1403] : memref<1024x32xf32, #tpu.memory_space<vmem>>[vector<16xi32>, vector<16xi32>], vector<16xf32>,
        %gather3A_2102 = arith.constant 1 : i32
        %gather3A_2103 = arith.constant 0 : i32
        %gather3A_2104 = arith.constant 0 : i32
        %gather3A_2105 = tpu.memref_slice %arg6[%gather3A_2102, %gather3A_2103, %gather3A_2104] : memref<2x1024x32xf32, #tpu.memory_space<vmem>> -> memref<1x1024x32xf32, #tpu.memory_space<vmem>>
        %gather3A_2106 = tpu.memref_squeeze %gather3A_2105 : memref<1x1024x32xf32, #tpu.memory_space<vmem>> -> memref<1024x32xf32, #tpu.memory_space<vmem>>
        %gather3A_2107 = tpu.vector_load_idx %gather3A_2106[%add3A_1909, %add3A_1495] : memref<1024x32xf32, #tpu.memory_space<vmem>>[vector<16xi32>, vector<16xi32>], vector<16xf32>,
        %add3A_2108 = vector.broadcast %add3A_1965 : i32 to vector<16xi32>
        %add3A_2109 = arith.addi %add3A_845, %add3A_2108 : vector<16xi32>
        %scatter3A_2110 = arith.constant 1 : i32
        %scatter3A_2111 = arith.constant 0 : i32
        %scatter3A_2112 = tpu.memref_slice %arg7[%scatter3A_2110, %scatter3A_2111] : memref<2x16384xf32, #tpu.memory_space<vmem>> -> memref<1x16384xf32, #tpu.memory_space<vmem>>
        %scatter3A_2113 = tpu.memref_squeeze %scatter3A_2112 : memref<1x16384xf32, #tpu.memory_space<vmem>> -> memref<16384xf32, #tpu.memory_space<vmem>>
        tpu.vector_store_idx %scatter3A_2113[%add3A_2109], %gather3A_2065 : memref<16384xf32, #tpu.memory_space<vmem>>[vector<16xi32>], vector<16xf32>,
        %add3A_2114 = vector.broadcast %add3A_1965 : i32 to vector<16xi32>
        %add3A_2115 = arith.addi %add3A_937, %add3A_2114 : vector<16xi32>
        %scatter3A_2116 = arith.constant 1 : i32
        %scatter3A_2117 = arith.constant 0 : i32
        %scatter3A_2118 = tpu.memref_slice %arg7[%scatter3A_2116, %scatter3A_2117] : memref<2x16384xf32, #tpu.memory_space<vmem>> -> memref<1x16384xf32, #tpu.memory_space<vmem>>
        %scatter3A_2119 = tpu.memref_squeeze %scatter3A_2118 : memref<1x16384xf32, #tpu.memory_space<vmem>> -> memref<16384xf32, #tpu.memory_space<vmem>>
        tpu.vector_store_idx %scatter3A_2119[%add3A_2115], %gather3A_2071 : memref<16384xf32, #tpu.memory_space<vmem>>[vector<16xi32>], vector<16xf32>,
        %add3A_2120 = vector.broadcast %add3A_1965 : i32 to vector<16xi32>
        %add3A_2121 = arith.addi %add3A_1029, %add3A_2120 : vector<16xi32>
        %scatter3A_2122 = arith.constant 1 : i32
        %scatter3A_2123 = arith.constant 0 : i32
        %scatter3A_2124 = tpu.memref_slice %arg7[%scatter3A_2122, %scatter3A_2123] : memref<2x16384xf32, #tpu.memory_space<vmem>> -> memref<1x16384xf32, #tpu.memory_space<vmem>>
        %scatter3A_2125 = tpu.memref_squeeze %scatter3A_2124 : memref<1x16384xf32, #tpu.memory_space<vmem>> -> memref<16384xf32, #tpu.memory_space<vmem>>
        tpu.vector_store_idx %scatter3A_2125[%add3A_2121], %gather3A_2077 : memref<16384xf32, #tpu.memory_space<vmem>>[vector<16xi32>], vector<16xf32>,
        %add3A_2126 = vector.broadcast %add3A_1965 : i32 to vector<16xi32>
        %add3A_2127 = arith.addi %add3A_1121, %add3A_2126 : vector<16xi32>
        %scatter3A_2128 = arith.constant 1 : i32
        %scatter3A_2129 = arith.constant 0 : i32
        %scatter3A_2130 = tpu.memref_slice %arg7[%scatter3A_2128, %scatter3A_2129] : memref<2x16384xf32, #tpu.memory_space<vmem>> -> memref<1x16384xf32, #tpu.memory_space<vmem>>
        %scatter3A_2131 = tpu.memref_squeeze %scatter3A_2130 : memref<1x16384xf32, #tpu.memory_space<vmem>> -> memref<16384xf32, #tpu.memory_space<vmem>>
        tpu.vector_store_idx %scatter3A_2131[%add3A_2127], %gather3A_2083 : memref<16384xf32, #tpu.memory_space<vmem>>[vector<16xi32>], vector<16xf32>,
        %add3A_2132 = vector.broadcast %add3A_1965 : i32 to vector<16xi32>
        %add3A_2133 = arith.addi %add3A_1213, %add3A_2132 : vector<16xi32>
        %scatter3A_2134 = arith.constant 1 : i32
        %scatter3A_2135 = arith.constant 0 : i32
        %scatter3A_2136 = tpu.memref_slice %arg7[%scatter3A_2134, %scatter3A_2135] : memref<2x16384xf32, #tpu.memory_space<vmem>> -> memref<1x16384xf32, #tpu.memory_space<vmem>>
        %scatter3A_2137 = tpu.memref_squeeze %scatter3A_2136 : memref<1x16384xf32, #tpu.memory_space<vmem>> -> memref<16384xf32, #tpu.memory_space<vmem>>
        tpu.vector_store_idx %scatter3A_2137[%add3A_2133], %gather3A_2089 : memref<16384xf32, #tpu.memory_space<vmem>>[vector<16xi32>], vector<16xf32>,
        %add3A_2138 = vector.broadcast %add3A_1965 : i32 to vector<16xi32>
        %add3A_2139 = arith.addi %add3A_1305, %add3A_2138 : vector<16xi32>
        %scatter3A_2140 = arith.constant 1 : i32
        %scatter3A_2141 = arith.constant 0 : i32
        %scatter3A_2142 = tpu.memref_slice %arg7[%scatter3A_2140, %scatter3A_2141] : memref<2x16384xf32, #tpu.memory_space<vmem>> -> memref<1x16384xf32, #tpu.memory_space<vmem>>
        %scatter3A_2143 = tpu.memref_squeeze %scatter3A_2142 : memref<1x16384xf32, #tpu.memory_space<vmem>> -> memref<16384xf32, #tpu.memory_space<vmem>>
        tpu.vector_store_idx %scatter3A_2143[%add3A_2139], %gather3A_2095 : memref<16384xf32, #tpu.memory_space<vmem>>[vector<16xi32>], vector<16xf32>,
        %add3A_2144 = vector.broadcast %add3A_1965 : i32 to vector<16xi32>
        %add3A_2145 = arith.addi %add3A_1397, %add3A_2144 : vector<16xi32>
        %scatter3A_2146 = arith.constant 1 : i32
        %scatter3A_2147 = arith.constant 0 : i32
        %scatter3A_2148 = tpu.memref_slice %arg7[%scatter3A_2146, %scatter3A_2147] : memref<2x16384xf32, #tpu.memory_space<vmem>> -> memref<1x16384xf32, #tpu.memory_space<vmem>>
        %scatter3A_2149 = tpu.memref_squeeze %scatter3A_2148 : memref<1x16384xf32, #tpu.memory_space<vmem>> -> memref<16384xf32, #tpu.memory_space<vmem>>
        tpu.vector_store_idx %scatter3A_2149[%add3A_2145], %gather3A_2101 : memref<16384xf32, #tpu.memory_space<vmem>>[vector<16xi32>], vector<16xf32>,
        %add3A_2150 = vector.broadcast %add3A_1965 : i32 to vector<16xi32>
        %add3A_2151 = arith.addi %add3A_1489, %add3A_2150 : vector<16xi32>
        %scatter3A_2152 = arith.constant 1 : i32
        %scatter3A_2153 = arith.constant 0 : i32
        %scatter3A_2154 = tpu.memref_slice %arg7[%scatter3A_2152, %scatter3A_2153] : memref<2x16384xf32, #tpu.memory_space<vmem>> -> memref<1x16384xf32, #tpu.memory_space<vmem>>
        %scatter3A_2155 = tpu.memref_squeeze %scatter3A_2154 : memref<1x16384xf32, #tpu.memory_space<vmem>> -> memref<16384xf32, #tpu.memory_space<vmem>>
        tpu.vector_store_idx %scatter3A_2155[%add3A_2151], %gather3A_2107 : memref<16384xf32, #tpu.memory_space<vmem>>[vector<16xi32>], vector<16xf32>,
      }
      %scan3A_1862 = arith.constant 64 : i32
      %add3A_1863 = arith.addi %mul3A_23, %add3A_1769 : i32
      %mul3A_1864 = arith.constant 8 : i32
      %mul3A_1865 = arith.muli %mul3A_25, %mul3A_1864 : i32
      %mul3A_1866 = arith.constant 128 : i32
      %mul3A_1867 = arith.muli %mul3A_1865, %mul3A_1866 : i32
      %add3A_1868 = arith.constant 262144 : i32
      %add3A_1869 = arith.addi %add3A_1868, %mul3A_1867 : i32
      %dma_start3A_1870 = arith.constant 1 : i32
      %dma_start3A_1871 = arith.constant 1 : i32
      %dma_start3A_1872 = arith.constant 0 : i32
      %dma_start3A_1873 = tpu.memref_slice %arg7[%dma_start3A_1870, %dma_start3A_1872] : memref<2x16384xf32, #tpu.memory_space<vmem>> -> memref<1x8192xf32, #tpu.memory_space<vmem>>
      %dma_start3A_1874 = tpu.memref_squeeze %dma_start3A_1873 : memref<1x8192xf32, #tpu.memory_space<vmem>> -> memref<8192xf32, #tpu.memory_space<vmem>>
      %dma_start3A_1875 = tpu.memref_slice %arg4[%add3A_1863, %add3A_1869] : memref<200x524288xf32, #tpu.memory_space<hbm>> -> memref<1x8192xf32, #tpu.memory_space<hbm>>
      %dma_start3A_1876 = tpu.memref_squeeze %dma_start3A_1875 : memref<1x8192xf32, #tpu.memory_space<hbm>> -> memref<8192xf32, #tpu.memory_space<hbm>>
      %dma_start3A_1877 = tpu.memref_slice %arg10[%dma_start3A_1871] : memref<2x!tpu.dma_semaphore, #tpu.memory_space<semaphore_mem>> -> memref<1x!tpu.dma_semaphore, #tpu.memory_space<semaphore_mem>>
      %dma_start3A_1878 = tpu.memref_squeeze %dma_start3A_1877 : memref<1x!tpu.dma_semaphore, #tpu.memory_space<semaphore_mem>> -> memref<!tpu.dma_semaphore, #tpu.memory_space<semaphore_mem>>
      %dma_start3A_1879 = tpu.memref_slice %arg4[%add3A_1863, %add3A_1869] : memref<200x524288xf32, #tpu.memory_space<hbm>> -> memref<1x8192xf32, #tpu.memory_space<hbm>>
      %dma_start3A_1880 = tpu.memref_squeeze %dma_start3A_1879 : memref<1x8192xf32, #tpu.memory_space<hbm>> -> memref<8192xf32, #tpu.memory_space<hbm>>
      %dma_start3A_1881 = arith.constant 0 : i32
      %dma_start3A_1882 = tpu.memref_slice %arg7[%dma_start3A_1870, %dma_start3A_1881] : memref<2x16384xf32, #tpu.memory_space<vmem>> -> memref<1x8192xf32, #tpu.memory_space<vmem>>
      %dma_start3A_1883 = tpu.memref_squeeze %dma_start3A_1882 : memref<1x8192xf32, #tpu.memory_space<vmem>> -> memref<8192xf32, #tpu.memory_space<vmem>>
      tpu.enqueue_dma source(%dma_start3A_1883 : memref<8192xf32, #tpu.memory_space<vmem>>) target(%dma_start3A_1880 : memref<8192xf32, #tpu.memory_space<hbm>>) target_semaphore(%dma_start3A_1878 : memref<!tpu.dma_semaphore, #tpu.memory_space<semaphore_mem>>)
      %add3A_1884 = arith.addi %mul3A_23, %add3A_1769 : i32
      %mul3A_1885 = arith.constant 8 : i32
      %mul3A_1886 = arith.muli %mul3A_25, %mul3A_1885 : i32
      %mul3A_1887 = arith.constant 128 : i32
      %mul3A_1888 = arith.muli %mul3A_1886, %mul3A_1887 : i32
      %add3A_1889 = arith.constant 393216 : i32
      %add3A_1890 = arith.addi %add3A_1889, %mul3A_1888 : i32
      %dma_start3A_1891 = arith.constant 1 : i32
      %dma_start3A_1892 = arith.constant 1 : i32
      %dma_start3A_1893 = arith.constant 8192 : i32
      %dma_start3A_1894 = tpu.memref_slice %arg7[%dma_start3A_1891, %dma_start3A_1893] : memref<2x16384xf32, #tpu.memory_space<vmem>> -> memref<1x8192xf32, #tpu.memory_space<vmem>>
      %dma_start3A_1895 = tpu.memref_squeeze %dma_start3A_1894 : memref<1x8192xf32, #tpu.memory_space<vmem>> -> memref<8192xf32, #tpu.memory_space<vmem>>
      %dma_start3A_1896 = tpu.memref_slice %arg4[%add3A_1884, %add3A_1890] : memref<200x524288xf32, #tpu.memory_space<hbm>> -> memref<1x8192xf32, #tpu.memory_space<hbm>>
      %dma_start3A_1897 = tpu.memref_squeeze %dma_start3A_1896 : memref<1x8192xf32, #tpu.memory_space<hbm>> -> memref<8192xf32, #tpu.memory_space<hbm>>
      %dma_start3A_1898 = tpu.memref_slice %arg10[%dma_start3A_1892] : memref<2x!tpu.dma_semaphore, #tpu.memory_space<semaphore_mem>> -> memref<1x!tpu.dma_semaphore, #tpu.memory_space<semaphore_mem>>
      %dma_start3A_1899 = tpu.memref_squeeze %dma_start3A_1898 : memref<1x!tpu.dma_semaphore, #tpu.memory_space<semaphore_mem>> -> memref<!tpu.dma_semaphore, #tpu.memory_space<semaphore_mem>>
      %dma_start3A_1900 = tpu.memref_slice %arg4[%add3A_1884, %add3A_1890] : memref<200x524288xf32, #tpu.memory_space<hbm>> -> memref<1x8192xf32, #tpu.memory_space<hbm>>
      %dma_start3A_1901 = tpu.memref_squeeze %dma_start3A_1900 : memref<1x8192xf32, #tpu.memory_space<hbm>> -> memref<8192xf32, #tpu.memory_space<hbm>>
      %dma_start3A_1902 = arith.constant 8192 : i32
      %dma_start3A_1903 = tpu.memref_slice %arg7[%dma_start3A_1891, %dma_start3A_1902] : memref<2x16384xf32, #tpu.memory_space<vmem>> -> memref<1x8192xf32, #tpu.memory_space<vmem>>
      %dma_start3A_1904 = tpu.memref_squeeze %dma_start3A_1903 : memref<1x8192xf32, #tpu.memory_space<vmem>> -> memref<8192xf32, #tpu.memory_space<vmem>>
      tpu.enqueue_dma source(%dma_start3A_1904 : memref<8192xf32, #tpu.memory_space<vmem>>) target(%dma_start3A_1901 : memref<8192xf32, #tpu.memory_space<hbm>>) target_semaphore(%dma_start3A_1899 : memref<!tpu.dma_semaphore, #tpu.memory_space<semaphore_mem>>)
    }
    %scan3A_1560 = arith.constant 50 : i32
    %dma_wait3A_1561 = arith.constant 0 : i32
    %dma_wait3A_1562 = arith.constant 0 : i32
    %dma_wait3A_1563 = arith.constant 0 : i32
    %dma_wait3A_1564 = arith.constant 0 : i32
    %dma_wait3A_1565 = tpu.memref_slice %arg7[%dma_wait3A_1561, %dma_wait3A_1564] : memref<2x16384xf32, #tpu.memory_space<vmem>> -> memref<1x8192xf32, #tpu.memory_space<vmem>>
    %dma_wait3A_1566 = tpu.memref_squeeze %dma_wait3A_1565 : memref<1x8192xf32, #tpu.memory_space<vmem>> -> memref<8192xf32, #tpu.memory_space<vmem>>
    %dma_wait3A_1567 = arith.constant 0 : i32
    %dma_wait3A_1568 = tpu.memref_slice %arg4[%dma_wait3A_1562, %dma_wait3A_1567] : memref<200x524288xf32, #tpu.memory_space<hbm>> -> memref<1x8192xf32, #tpu.memory_space<hbm>>
    %dma_wait3A_1569 = tpu.memref_squeeze %dma_wait3A_1568 : memref<1x8192xf32, #tpu.memory_space<hbm>> -> memref<8192xf32, #tpu.memory_space<hbm>>
    %dma_wait3A_1570 = tpu.memref_slice %arg10[%dma_wait3A_1563] : memref<2x!tpu.dma_semaphore, #tpu.memory_space<semaphore_mem>> -> memref<1x!tpu.dma_semaphore, #tpu.memory_space<semaphore_mem>>
    %dma_wait3A_1571 = tpu.memref_squeeze %dma_wait3A_1570 : memref<1x!tpu.dma_semaphore, #tpu.memory_space<semaphore_mem>> -> memref<!tpu.dma_semaphore, #tpu.memory_space<semaphore_mem>>
    %dma_wait3A_1572 = arith.constant 0 : i32
    %dma_wait3A_1573 = tpu.memref_slice %arg4[%dma_wait3A_1562, %dma_wait3A_1572] : memref<200x524288xf32, #tpu.memory_space<hbm>> -> memref<1x8192xf32, #tpu.memory_space<hbm>>
    %dma_wait3A_1574 = tpu.memref_squeeze %dma_wait3A_1573 : memref<1x8192xf32, #tpu.memory_space<hbm>> -> memref<8192xf32, #tpu.memory_space<hbm>>
    %dma_wait3A_1575 = arith.constant 0 : i32
    %dma_wait3A_1576 = tpu.memref_slice %arg7[%dma_wait3A_1561, %dma_wait3A_1575] : memref<2x16384xf32, #tpu.memory_space<vmem>> -> memref<1x8192xf32, #tpu.memory_space<vmem>>
    %dma_wait3A_1577 = tpu.memref_squeeze %dma_wait3A_1576 : memref<1x8192xf32, #tpu.memory_space<vmem>> -> memref<8192xf32, #tpu.memory_space<vmem>>
    tpu.wait_dma2 semaphore(%dma_wait3A_1571 : memref<!tpu.dma_semaphore, #tpu.memory_space<semaphore_mem>>) src(%dma_wait3A_1577 : memref<8192xf32, #tpu.memory_space<vmem>>) dst(%dma_wait3A_1574 : memref<8192xf32, #tpu.memory_space<hbm>>)
    %dma_wait3A_1578 = arith.constant 0 : i32
    %dma_wait3A_1579 = arith.constant 0 : i32
    %dma_wait3A_1580 = arith.constant 0 : i32
    %dma_wait3A_1581 = arith.constant 8192 : i32
    %dma_wait3A_1582 = tpu.memref_slice %arg7[%dma_wait3A_1578, %dma_wait3A_1581] : memref<2x16384xf32, #tpu.memory_space<vmem>> -> memref<1x8192xf32, #tpu.memory_space<vmem>>
    %dma_wait3A_1583 = tpu.memref_squeeze %dma_wait3A_1582 : memref<1x8192xf32, #tpu.memory_space<vmem>> -> memref<8192xf32, #tpu.memory_space<vmem>>
    %dma_wait3A_1584 = arith.constant 131072 : i32
    %dma_wait3A_1585 = tpu.memref_slice %arg4[%dma_wait3A_1579, %dma_wait3A_1584] : memref<200x524288xf32, #tpu.memory_space<hbm>> -> memref<1x8192xf32, #tpu.memory_space<hbm>>
    %dma_wait3A_1586 = tpu.memref_squeeze %dma_wait3A_1585 : memref<1x8192xf32, #tpu.memory_space<hbm>> -> memref<8192xf32, #tpu.memory_space<hbm>>
    %dma_wait3A_1587 = tpu.memref_slice %arg10[%dma_wait3A_1580] : memref<2x!tpu.dma_semaphore, #tpu.memory_space<semaphore_mem>> -> memref<1x!tpu.dma_semaphore, #tpu.memory_space<semaphore_mem>>
    %dma_wait3A_1588 = tpu.memref_squeeze %dma_wait3A_1587 : memref<1x!tpu.dma_semaphore, #tpu.memory_space<semaphore_mem>> -> memref<!tpu.dma_semaphore, #tpu.memory_space<semaphore_mem>>
    %dma_wait3A_1589 = arith.constant 131072 : i32
    %dma_wait3A_1590 = tpu.memref_slice %arg4[%dma_wait3A_1579, %dma_wait3A_1589] : memref<200x524288xf32, #tpu.memory_space<hbm>> -> memref<1x8192xf32, #tpu.memory_space<hbm>>
    %dma_wait3A_1591 = tpu.memref_squeeze %dma_wait3A_1590 : memref<1x8192xf32, #tpu.memory_space<hbm>> -> memref<8192xf32, #tpu.memory_space<hbm>>
    %dma_wait3A_1592 = arith.constant 8192 : i32
    %dma_wait3A_1593 = tpu.memref_slice %arg7[%dma_wait3A_1578, %dma_wait3A_1592] : memref<2x16384xf32, #tpu.memory_space<vmem>> -> memref<1x8192xf32, #tpu.memory_space<vmem>>
    %dma_wait3A_1594 = tpu.memref_squeeze %dma_wait3A_1593 : memref<1x8192xf32, #tpu.memory_space<vmem>> -> memref<8192xf32, #tpu.memory_space<vmem>>
    tpu.wait_dma2 semaphore(%dma_wait3A_1588 : memref<!tpu.dma_semaphore, #tpu.memory_space<semaphore_mem>>) src(%dma_wait3A_1594 : memref<8192xf32, #tpu.memory_space<vmem>>) dst(%dma_wait3A_1591 : memref<8192xf32, #tpu.memory_space<hbm>>)
    %dma_wait3A_1595 = arith.constant 1 : i32
    %dma_wait3A_1596 = arith.constant 0 : i32
    %dma_wait3A_1597 = arith.constant 1 : i32
    %dma_wait3A_1598 = arith.constant 0 : i32
    %dma_wait3A_1599 = tpu.memref_slice %arg7[%dma_wait3A_1595, %dma_wait3A_1598] : memref<2x16384xf32, #tpu.memory_space<vmem>> -> memref<1x8192xf32, #tpu.memory_space<vmem>>
    %dma_wait3A_1600 = tpu.memref_squeeze %dma_wait3A_1599 : memref<1x8192xf32, #tpu.memory_space<vmem>> -> memref<8192xf32, #tpu.memory_space<vmem>>
    %dma_wait3A_1601 = arith.constant 0 : i32
    %dma_wait3A_1602 = tpu.memref_slice %arg4[%dma_wait3A_1596, %dma_wait3A_1601] : memref<200x524288xf32, #tpu.memory_space<hbm>> -> memref<1x8192xf32, #tpu.memory_space<hbm>>
    %dma_wait3A_1603 = tpu.memref_squeeze %dma_wait3A_1602 : memref<1x8192xf32, #tpu.memory_space<hbm>> -> memref<8192xf32, #tpu.memory_space<hbm>>
    %dma_wait3A_1604 = tpu.memref_slice %arg10[%dma_wait3A_1597] : memref<2x!tpu.dma_semaphore, #tpu.memory_space<semaphore_mem>> -> memref<1x!tpu.dma_semaphore, #tpu.memory_space<semaphore_mem>>
    %dma_wait3A_1605 = tpu.memref_squeeze %dma_wait3A_1604 : memref<1x!tpu.dma_semaphore, #tpu.memory_space<semaphore_mem>> -> memref<!tpu.dma_semaphore, #tpu.memory_space<semaphore_mem>>
    %dma_wait3A_1606 = arith.constant 0 : i32
    %dma_wait3A_1607 = tpu.memref_slice %arg4[%dma_wait3A_1596, %dma_wait3A_1606] : memref<200x524288xf32, #tpu.memory_space<hbm>> -> memref<1x8192xf32, #tpu.memory_space<hbm>>
    %dma_wait3A_1608 = tpu.memref_squeeze %dma_wait3A_1607 : memref<1x8192xf32, #tpu.memory_space<hbm>> -> memref<8192xf32, #tpu.memory_space<hbm>>
    %dma_wait3A_1609 = arith.constant 0 : i32
    %dma_wait3A_1610 = tpu.memref_slice %arg7[%dma_wait3A_1595, %dma_wait3A_1609] : memref<2x16384xf32, #tpu.memory_space<vmem>> -> memref<1x8192xf32, #tpu.memory_space<vmem>>
    %dma_wait3A_1611 = tpu.memref_squeeze %dma_wait3A_1610 : memref<1x8192xf32, #tpu.memory_space<vmem>> -> memref<8192xf32, #tpu.memory_space<vmem>>
    tpu.wait_dma2 semaphore(%dma_wait3A_1605 : memref<!tpu.dma_semaphore, #tpu.memory_space<semaphore_mem>>) src(%dma_wait3A_1611 : memref<8192xf32, #tpu.memory_space<vmem>>) dst(%dma_wait3A_1608 : memref<8192xf32, #tpu.memory_space<hbm>>)
    %dma_wait3A_1612 = arith.constant 1 : i32
    %dma_wait3A_1613 = arith.constant 0 : i32
    %dma_wait3A_1614 = arith.constant 1 : i32
    %dma_wait3A_1615 = arith.constant 8192 : i32
    %dma_wait3A_1616 = tpu.memref_slice %arg7[%dma_wait3A_1612, %dma_wait3A_1615] : memref<2x16384xf32, #tpu.memory_space<vmem>> -> memref<1x8192xf32, #tpu.memory_space<vmem>>
    %dma_wait3A_1617 = tpu.memref_squeeze %dma_wait3A_1616 : memref<1x8192xf32, #tpu.memory_space<vmem>> -> memref<8192xf32, #tpu.memory_space<vmem>>
    %dma_wait3A_1618 = arith.constant 131072 : i32
    %dma_wait3A_1619 = tpu.memref_slice %arg4[%dma_wait3A_1613, %dma_wait3A_1618] : memref<200x524288xf32, #tpu.memory_space<hbm>> -> memref<1x8192xf32, #tpu.memory_space<hbm>>
    %dma_wait3A_1620 = tpu.memref_squeeze %dma_wait3A_1619 : memref<1x8192xf32, #tpu.memory_space<hbm>> -> memref<8192xf32, #tpu.memory_space<hbm>>
    %dma_wait3A_1621 = tpu.memref_slice %arg10[%dma_wait3A_1614] : memref<2x!tpu.dma_semaphore, #tpu.memory_space<semaphore_mem>> -> memref<1x!tpu.dma_semaphore, #tpu.memory_space<semaphore_mem>>
    %dma_wait3A_1622 = tpu.memref_squeeze %dma_wait3A_1621 : memref<1x!tpu.dma_semaphore, #tpu.memory_space<semaphore_mem>> -> memref<!tpu.dma_semaphore, #tpu.memory_space<semaphore_mem>>
    %dma_wait3A_1623 = arith.constant 131072 : i32
    %dma_wait3A_1624 = tpu.memref_slice %arg4[%dma_wait3A_1613, %dma_wait3A_1623] : memref<200x524288xf32, #tpu.memory_space<hbm>> -> memref<1x8192xf32, #tpu.memory_space<hbm>>
    %dma_wait3A_1625 = tpu.memref_squeeze %dma_wait3A_1624 : memref<1x8192xf32, #tpu.memory_space<hbm>> -> memref<8192xf32, #tpu.memory_space<hbm>>
    %dma_wait3A_1626 = arith.constant 8192 : i32
    %dma_wait3A_1627 = tpu.memref_slice %arg7[%dma_wait3A_1612, %dma_wait3A_1626] : memref<2x16384xf32, #tpu.memory_space<vmem>> -> memref<1x8192xf32, #tpu.memory_space<vmem>>
    %dma_wait3A_1628 = tpu.memref_squeeze %dma_wait3A_1627 : memref<1x8192xf32, #tpu.memory_space<vmem>> -> memref<8192xf32, #tpu.memory_space<vmem>>
    tpu.wait_dma2 semaphore(%dma_wait3A_1622 : memref<!tpu.dma_semaphore, #tpu.memory_space<semaphore_mem>>) src(%dma_wait3A_1628 : memref<8192xf32, #tpu.memory_space<vmem>>) dst(%dma_wait3A_1625 : memref<8192xf32, #tpu.memory_space<hbm>>)
    return
  }
}

</mosaic_0001>

<sc_bundles>
// kernel: _emb_lookup.3.cloned.1.call-start
scs
__scs_entry_jumppad:
0x0: {  	(pc) =	sbr.rel $0x88, $3  }
0x1: {  	(tag) =	ssettag $0x0;
	lr =	simm.s32 $0x1  }
0x2: {  	[smem:$0x3F9F] =	sst lr;
	_ =	strace $0xD0000000  }
0x3: {  	_ = 	snop  }
0x4: {  	_ = 	snop  }
0x5: {  	_ = 	snop  }
0x6: {  	_ = 	snop  }
0x7: {  	_ = 	snop  }
__scs_overlays_trampoline_lowered:
0x8: {  	[smem:$0x3FAE] =	sst s0  }
0x9: {  	[smem:$0x3FAF] =	sst s1  }
0xa: {  	[smem:$0x3FB0] =	sst s2  }
0xb: {  	[smem:$0x3FB1] =	sst s3  }
0xc: {  	[smem:$0x3FB2] =	sst s4  }
0xd: {  	[smem:$0x3FB3] =	sst s5  }
0xe: {  	[smem:$0x3FB4] =	sst s6  }
0xf: {  	[smem:$0x3FB5] =	sst s7  }
0x10: {  	[smem:$0x3FB6] =	sst s8  }
0x11: {  	[smem:$0x3FB7] =	sst s9;
	s0 =	simm.s32 @!p0 $0x0  }
0x12: {  	s1 =	sld [smem:$0x3F9D];
	s0 =	simm.s32 @p0 $0x1  }
0x13: {  	[smem:$0x3FB8] =	sst s0;
	s0 =	simm.s32 @!p1 $0x0  }
0x14: {  	s2 =	sld [smem:$0x3F9C];
	s0 =	simm.s32 @p1 $0x1  }
0x15: {  	[smem:$0x3FB9] =	sst s0;
	s0 =	simm.s32 @!p2 $0x0  }
0x16: {  	s3 =	sld [smem:$0x3FDB];
	s0 =	simm.s32 @p2 $0x1  }
0x17: {  	s4 =	simm.s32 $0x1BF5;
	[smem:$0x3FBB] =	sst s0  }
0x18: {  	s0 =	sld [smem:$0x3F9E];
	_ =	swait.ge [sflag:s4], $0x0  }
0x19: {  	s7 =	sld [smem:$0x3F9F]  }
0x1a: {  	s8 =	sadd.s32 $0xFFFFE003, lr  }
0x1b: {  	s9 =	sadd.s32 $0xFFFFFEF7, lr;
	s5 =	simm.s32 $0xFFFFFFFF;
	p2 =	slt.u32 s8, $0xFFFFF086  }
0x1c: {  	p1 =	slt.u32 s9, $0xF7A;
	s5 =	simm.s32 @!p2 $0x0  }
0x1d: {  	s5 =	simm.s32 @p1 $0x1;
	p0 =	seq.s32 s7, s2  }
0x1e: {  	s7 =	smul.u32 @!p0 $0xF7A, s2;
	p2 =	seq.s32 @!p0 s5, $0x0  }
0x1f: {  	s9 =	smul.u32 $0xF7A, s1;
	s8 =	simm.s32 @!p0 $0x1BF5;
	p2 =	por !p2, p0  }
0x20: {  	[sflag:s8] =	ssyncset.s32 @!p0 $0xFFFFF086;
	s6 =	sadd.s32 @!p0 s3, s7;
	s7 =	simm.s32 @!p0 $0x108  }
0x21: {  	s3 =	sadd.s32 s3, s9;
	s6 =	sadd.s32 @!p0 $0x88, s6;
	s7 =	simm.s32 @p2 $0x1082  }
0x22: {  	[simem:s7], [sflag:s8] =	dma.local @!p0 [hbm:s6], $0xF7A  }
0x23: {  	s9 =	sor.u32 $0xD0000000, s2;
	s6 =	simm.s32 $0x108;
	_ =	swait.ge @!p0 [sflag:s8], $0x0  }
0x24: {  	s3 =	sadd.s32 $0x88, s3;
	s6 =	simm.s32 @!p1 $0x1082;
	[sflag:s4] =	ssyncset.s32 $0xFFFFF086  }
0x25: {  	[simem:s6], [sflag:s4] =	dma.local [hbm:s3], $0xF7A  }
0x26: {  	[smem:$0x3F9F] =	sst s1;
	(tag) =	ssettag s2;
	_ =	strace s9  }
0x27: {  	s1 =	sld [smem:$0x3FAF]  }
0x28: {  	s2 =	sld [smem:$0x3FB0]  }
0x29: {  	s4 =	sld [smem:$0x3FB2]  }
0x2a: {  	p0 =	seq.s32 s5, $0x0;
	s5 =	sld [smem:$0x3FB3]  }
0x2b: {  	s6 =	sld [smem:$0x3FB4]  }
0x2c: {  	s7 =	sld [smem:$0x3FB5]  }
0x2d: {  	s3 =	simm.s32 $0x108;
	s8 =	sld [smem:$0x3FB6]  }
0x2e: {  	s3 =	simm.s32 @!p0 $0x1082;
	s9 =	sld [smem:$0x3FB7]  }
0x2f: {  	lr =	sadd.s32 s0, s3;
	s0 =	sld [smem:$0x3FAE]  }
0x30: {  	s3 =	sld [smem:$0x3FB1]  }
0x31: {  	[smem:$0x3FBA] =	sst s10  }
0x32: {  	s10 =	sld [smem:$0x3FB8];
	_ =	sdelay $0x3  }
0x33: {  	p0 =	seq.s32 s10, $0x1;
	s10 =	sld [smem:$0x3FBA];
	_ =	sdelay $0x3  }
0x34: {  	[smem:$0x3FBA] =	sst s10  }
0x35: {  	s10 =	sld [smem:$0x3FB9];
	_ =	sdelay $0x3  }
0x36: {  	p1 =	seq.s32 s10, $0x1;
	s10 =	sld [smem:$0x3FBA];
	_ =	sdelay $0x3  }
0x37: {  	[smem:$0x3FBA] =	sst s10  }
0x38: {  	s10 =	sld [smem:$0x3FBB]  }
0x39: {  	_ = 	snop;
	(pc) =	sbr.ind lr, $3  }
0x3a: {  	_ = 	snop  }
0x3b: {  	_ = 	snop  }
0x3c: {  	p2 =	seq.s32 s10, $0x1;
	s10 =	sld [smem:$0x3FBA]  }
0x3d: {  	_ =	shalt  }
0x3e: {  	_ =	shalt  }
0x3f: {  	_ =	shalt  }
0x40: {  	_ =	shalt  }
0x41: {  	_ =	shalt  }
0x42: {  	_ =	shalt  }
0x43: {  	_ =	shalt  }
0x44: {  	_ =	shalt  }
0x45: {  	_ =	shalt  }
0x46: {  	_ =	shalt  }
0x47: {  	_ =	shalt  }
0x48: {  	_ =	shalt  }
0x49: {  	_ =	shalt  }
0x4a: {  	_ =	shalt  }
0x4b: {  	_ =	shalt  }
0x4c: {  	_ =	shalt  }
0x4d: {  	_ =	shalt  }
0x4e: {  	_ =	shalt  }
0x4f: {  	_ =	shalt  }
0x50: {  	_ =	shalt  }
0x51: {  	_ =	shalt  }
0x52: {  	_ =	shalt  }
0x53: {  	_ =	shalt  }
0x54: {  	_ =	shalt  }
0x55: {  	_ =	shalt  }
0x56: {  	_ =	shalt  }
0x57: {  	_ =	shalt  }
0x58: {  	_ =	shalt  }
0x59: {  	_ =	shalt  }
0x5a: {  	_ =	shalt  }
0x5b: {  	_ =	shalt  }
0x5c: {  	_ =	shalt  }
0x5d: {  	_ =	shalt  }
0x5e: {  	_ =	shalt  }
0x5f: {  	_ =	shalt  }
0x60: {  	_ =	shalt  }
0x61: {  	_ =	shalt  }
0x62: {  	_ =	shalt  }
0x63: {  	_ =	shalt  }
0x64: {  	_ =	shalt  }
0x65: {  	_ =	shalt  }
0x66: {  	_ =	shalt  }
0x67: {  	_ =	shalt  }
0x68: {  	_ =	shalt  }
0x69: {  	_ =	shalt  }
0x6a: {  	_ =	shalt  }
0x6b: {  	_ =	shalt  }
0x6c: {  	_ =	shalt  }
0x6d: {  	_ =	shalt  }
0x6e: {  	_ =	shalt  }
0x6f: {  	_ =	shalt  }
0x70: {  	_ =	shalt  }
0x71: {  	_ =	shalt  }
0x72: {  	_ =	shalt  }
0x73: {  	_ =	shalt  }
0x74: {  	_ =	shalt  }
0x75: {  	_ =	shalt  }
0x76: {  	_ =	shalt  }
0x77: {  	_ =	shalt  }
0x78: {  	_ =	shalt  }
0x79: {  	_ =	shalt  }
0x7a: {  	_ =	shalt  }
0x7b: {  	_ =	shalt  }
0x7c: {  	_ =	shalt  }
0x7d: {  	_ =	shalt  }
0x7e: {  	_ =	shalt  }
0x7f: {  	_ =	shalt  }
0x80: {  	_ =	shalt  }
0x81: {  	_ =	shalt  }
0x82: {  	_ =	shalt  }
0x83: {  	_ =	shalt  }
0x84: {  	_ =	shalt  }
0x85: {  	_ =	shalt  }
0x86: {  	_ =	shalt  }
0x87: {  	_ =	shalt  }
.Lfunc_end0:
.L_simem_size_0:
called_computation_lowered:
.L_overlay_start_0:
0x88: {  	s2 =	sld [smem:$0x3FD9]  }
0x89: {  	s3 =	sld [smem:$0x3FFE];
	_ =	sdelay $0x1  }
0x8a: {  	s1 =	srdreg.scid  }
0x8b: {  	s0 =	sand.u32 $0x1, s1  }
0x8c: {  	s17 =	sshll.u32 s0, $0xA;
	s2 =	sadd.s32 s3, s2  }
0x8d: {  	s2 =	sadd.s32 s2, s17  }
0x8e: {  	[smem:$0x3FC6] =	sst s2  }
0x8f: {  	_ = 	snop  }
0x90: {  	s2 =	sld [smem:$0x3FD0];
	(tm) =	ssettm $0x1  }
0x91: {  	s18 =	sld [smem:$0x3FFB];
	_ =	sdelay $0x3  }
0x92: {  	_ =	strace s18  }
0x93: {  	s3 =	sld [smem:$0x3FFC];
	_ =	sdelay $0x3  }
0x94: {  	_ =	strace s3  }
0x95: {  	s3 =	sld [smem:$0x3FFD];
	_ =	sdelay $0x3  }
0x96: {  	_ =	strace s3  }
0x97: {  	_ =	strace $0x8FFFFFFF  }
0x98: {  	s19 =	sld [smem:$0x3FDB];
	_ =	sdelay $0x1  }
0x99: {  	s4 =	simm.s32 $_scs_section_size  }
0x9a: {  	s5 =	simm.s32 $_size__tile_overlayer_lowered;
	s6 =	simm.s32 $_tile_overlayer_lowered  }
0x9b: {  	s22 =	simm.s32 $0x1BFF;
	s21 =	sshll.u32 s6, $0x1;
	s3 =	sadd.s32 s4, s19  }
0x9c: {  	s7 =	simm.s32 $0x0;
	s20 =	sshll.u32 s5, $0x1;
	s5 =	sadd.s32 s21, s3  }
0x9d: {  	[timem:s7], [sflag:s22] =	dma.local [hbm:s5], s20  }
0x9e: {  	_ =	swait.ge [sflag:s22], s20  }
0x9f: {  	s4 =	ssub.s32 $0x0, s20;
	[sflag:s22] =	ssyncset.done $0x0  }
0xa0: {  	[sflag:s22] =	ssyncadd.s32 s4;
	_ =	sdelay $0x1  }
0xa1: {  	s23 =	simm.s32 $0x1B8B  }
0xa2: {  	_ =	swait.ge [sflag:s23], $0x1  }
0xa3: {  	[sflag:s23] =	ssyncset.done $0x0  }
0xa4: {  	s25 =	simm.s32 $0x1B8E;
	s24 =	sld [smem:$0x3FFE];
	[sflag:s23] =	ssyncadd.s32 $0xFFFFFFFF  }
0xa5: {  	s26 =	simm.s32 $execute0_lowered;
	[smem:$0x3FD2] =	sst s25  }
0xa6: {  	s5 =	sshll.u32 s26, $0x1;
	_ =	strace $0x80000046;
	[dreg:$0x1] =	wrdreg $0xFFFFFFFF  }
0xa7: {  	s28 =	simm.s32 $_size_execute0_lowered;
	s3 =	sadd.s32 s3, s5;
	[dreg:$0x0] =	wrdreg $0x0  }
0xa8: {  	s5 =	sshll.u32 s28, $0x1;
	[dreg:$0x2] =	wrdreg s3  }
0xa9: {  	[dreg:$0x3] =	wrdreg s5  }
0xaa: {  	[dreg:$0x4] =	wrdreg $0xC0  }
0xab: {  	_ =	task [dreg:s7], $0x5FFFF  }
0xac: {  	[dreg:$0x1] =	wrdreg $0xFFFFFFFF  }
0xad: {  	[dreg:$0x0] =	wrdreg $0x60  }
0xae: {  	[dreg:$0x2] =	wrdreg s24  }
0xaf: {  	[dreg:$0x3] =	wrdreg s2  }
0xb0: {  	[dreg:$0x4] =	wrdreg $0x9  }
0xb1: {  	_ =	task.clear_ibuf [dreg:s7], $0x5FFFF;
	_ =	strace $0x90000046  }
0xb2: {  	s29 =	simm.s32 $0x9;
	_ =	strace $0x80000048  }
0xb3: {  	_ =	swait.ge [sflag:s29], $0x1  }
0xb4: {  	[sflag:s29] =	ssyncadd.s32 $0xFFFFFFFF  }
0xb5: {  	_ =	strace $0x90000048  }
0xb6: {  	_ =	sfence  }
0xb7: {  	s30 =	sld [smem:$0x0];
	_ =	sdelay $0x2  }
0xb8: {  	s31 =	sshll.u32 s1, $0xD;
	s1 =	sshrl.u32 s1, $0x2  }
0xb9: {  	s3 =	sand.u32 $0x4000, s31;
	s1 =	sadd.s32 s1, s30  }
0xba: {  	s0 =	sor.u32 s3, s0;
	s1 =	sshll.u32 s1, $0x11  }
0xbb: {  	s0 =	sor.u32 s1, s0  }
0xbc: {  	s0 =	sadd.s32 $0x8F2B, s0  }
0xbd: {  	[sflag:s0] =	ssyncadd.remote.s32 $0x1  }
0xbe: {  	_ =	sfence.sel $0xFFFF  }
0xbf: {  	[dreg:$0x0] =	wrdreg $0xFFFFFFFF;
	(pc) =	sbr.abs _section_cstart, $3  }
0xc0: {  	[dreg:$0x1] =	wrdreg $0xFFFFFFFF  }
0xc1: {  	_ =	task.clear_ibuf [dreg:s7], $0x2FFFF;
	_ =	strace $0x9FFFFFFF  }
0xc2: {  	(tm) =	ssettm $0x7FFFFFFF  }
0xc3: {  	_ =	shalt  }
tec
execute0_lowered:
.L_overlay_start_1:
0x0: {  	(tag) =	ssettag $0x1  }
0x1: {  	v0 =	vimm.s32 $0xFEDCBA9;
	v1 =	vimm.s32 $0x87654321;
	v43 =	vlaneseq.u32  }
0x2: {  	v58 =	vimm.s32 $0x10FEDCBA;
	v59 =	vimm.s32 $0x98765432;
	v6 =	vimm.s32 $0x210FEDCB  }
0x3: {  	v7 =	vimm.s32 $0xA9876543;
	v13 =	vimm.s32 $0x3210FEDC;
	v9 =	vimm.s32 $0x43210FED  }
0x4: {  	v10 =	vimm.s32 $0xCBA98765;
	v14 =	vimm.s32 $0x543210FE;
	v15 =	vimm.s32 $0x6543210F  }
0x5: {  	v16 =	vimm.s32 $0x238F;
	vm11 =	vcmask $0x300;
	vm12 =	vcmask $0x704  }
0x6: {  	vm13 =	vcmask $0xB08;
	vm14 =	vcmask $0xF0C;
	vm8 =	vcmask $0x1310  }
0x7: {  	vm9 =	vcmask $0x1714;
	vm10 =	vcmask $0x1B18;
	vm7 =	vcmask $0x1F1C  }
0x8: {  	vm6 =	vcmask $0x2320;
	vm5 =	vcmask $0x2724;
	vm4 =	vcmask $0x2B28  }
0x9: {  	vm3 =	vcmask $0x2F2C;
	vm2 =	vcmask $0x3330;
	vm0 =	vcmask $0x3734  }
0xa: {  	vm1 =	vcmask $0x3B38;
	v18 =	vimm.s32 $0x10F;
	v20 =	vimm.s32 $0x18F  }
0xb: {  	v32 =	vimm.s32 $0x20F;
	v35 =	vimm.s32 $0x30F;
	v47 =	vimm.s32 $0xFEDCBA98  }
0xc: {  	v51 =	vimm.s32 $0x38F;
	v53 =	vimm.s32 $0x200F;
	v0 =	vunpack.c.l.s4.s8 v0  }
0xd: {  	v1 =	vunpack.c.l.s4.s8 v1;
	v4 =	vunpack.c.l.s4.s8 v58;
	v5 =	vunpack.c.l.s4.s8 v59  }
0xe: {  	v60 =	vmul.u32 $0x20, v43;
	v8 =	vunpack.c.l.s4.s8 v6;
	v7 =	vunpack.c.l.s4.s8 v7  }
0xf: {  	v9 =	vunpack.c.l.s4.s8 v9;
	v10 =	vunpack.c.l.s4.s8 v10;
	v52 =	vsel vm11, $0x2000, v51  }
0x10: {  	v55 =	vsel vm11, $0x2080, v53;
	v0 =	vunpack.c.0.s8.s32 v0;
	v2 =	vunpack.c.0.s8.s32 v1  }
0x11: {  	v4 =	vunpack.c.0.s8.s32 v4;
	v61 =	vunpack.c.0.s8.s32 v5;
	v62 =	vunpack.c.0.s8.s32 v8  }
0x12: {  	v63 =	vunpack.c.0.s8.s32 v7;
	v7 =	vunpack.c.l.s4.s8 v13;
	v8 =	vimm.s32 $0xBA987654  }
0x13: {  	v22 =	vunpack.c.0.s8.s32 v9;
	v24 =	vunpack.c.0.s8.s32 v10;
	v3 =	vcombine.low v2, v0  }
0x14: {  	v8 =	vunpack.c.l.s4.s8 v8;
	v11 =	vcombine.low v61, v4;
	v12 =	vcombine.low v63, v62  }
0x15: {  	v23 =	vunpack.c.0.s8.s32 v7;
	v7 =	vunpack.c.l.s4.s8 v14;
	v10 =	vcombine.low v24, v22  }
0x16: {  	v14 =	vsel vm11, $0x280, v32;
	v0 =	vcombine.low v0, v2;
	v2 =	vsel vm12, $0x2081, v52  }
0x17: {  	v4 =	vcombine.low v4, v61;
	v57 =	vcombine.low v22, v24;
	v26 =	vunpack.c.0.s8.s32 v8  }
0x18: {  	v8 =	vimm.s32 $0xDCBA9876;
	v54 =	vsel vm13, $0x2102, v2;
	v2 =	vsel vm12, $0x2101, v55  }
0x19: {  	v38 =	vand.u32 $0xF, v3;
	v39 =	vand.u32 $0xF, v11;
	v8 =	vunpack.c.l.s4.s8 v8  }
0x1a: {  	v40 =	vand.u32 $0xF, v12;
	v25 =	vunpack.c.0.s8.s32 v7;
	v7 =	vunpack.c.l.s4.s8 v15  }
0x1b: {  	v37 =	vand.u32 $0xF, v10;
	v10 =	vimm.s32 $0x8F;
	v12 =	vsel vm11, $0x200, v20  }
0x1c: {  	v15 =	vimm.s32 $0x28F;
	v3 =	vcombine.low v62, v63;
	v2 =	vsel vm13, $0x2182, v2  }
0x1d: {  	v53 =	vand.u32 $0xF, v57;
	v62 =	vimm.s32 $0x208F;
	v63 =	vimm.s32 $0x210F  }
0x1e: {  	v20 =	vimm.s32 $0x101F1E1D;
	v9 =	vcombine.low v26, v23;
	v12 =	vsel vm12, $0x281, v12  }
0x1f: {  	v2 =	vsel vm14, $0x2203, v2;
	v56 =	vcombine.low v23, v26;
	v5 =	vsel vm11, $0x2100, v62  }
0x20: {  	v6 =	vsel vm11, $0x2180, v63;
	v22 =	vunpack.c.0.s8.s32 v20;
	v23 =	vimm.s32 $0x14131211  }
0x21: {  	v63 =	vimm.s32 $0x11101F1E;
	v27 =	vunpack.c.0.s8.s32 v8;
	v8 =	vimm.s32 $0xEDCBA987  }
0x22: {  	v28 =	vunpack.c.0.s8.s32 v7;
	v7 =	vsel vm11, $0x0, v16;
	v12 =	vsel vm13, $0x302, v12  }
0x23: {  	v51 =	vand.u32 $0xF, v3;
	v2 =	vsel vm8, $0x2284, v2;
	v42 =	vand.u32 $0xF, v9  }
0x24: {  	v8 =	vunpack.c.l.s4.s8 v8;
	v7 =	vsel vm12, $0x81, v7;
	v9 =	vcombine.low v27, v25  }
0x25: {  	v12 =	vsel vm14, $0x383, v12;
	v2 =	vsel vm9, $0x2305, v2;
	v52 =	vand.u32 $0xF, v56  }
0x26: {  	v7 =	vsel vm13, $0x102, v7;
	v44 =	vand.u32 $0xF, v9;
	v9 =	vimm.s32 $0xF  }
0x27: {  	v12 =	vsel vm8, $0x2004, v12;
	v2 =	vsel vm10, $0x2386, v2;
	v9 =	vsel vm11, $0x80, v9  }
0x28: {  	v58 =	vcombine.low v25, v27;
	v29 =	vunpack.c.0.s8.s32 v8;
	v9 =	vsel vm12, $0x101, v9  }
0x29: {  	v7 =	vsel vm14, $0x183, v7;
	v12 =	vsel vm9, $0x2085, v12;
	v9 =	vsel vm13, $0x182, v9  }
0x2a: {  	v2 =	vsel vm7, $0x7, v2;
	v7 =	vsel vm8, $0x204, v7;
	v9 =	vsel vm14, $0x203, v9  }
0x2b: {  	v12 =	vsel vm10, $0x2106, v12;
	v2 =	vsel vm6, $0x88, v2;
	v9 =	vsel vm8, $0x284, v9  }
0x2c: {  	v8 =	vcombine.low v29, v28;
	v7 =	vsel vm9, $0x285, v7;
	v9 =	vsel vm9, $0x305, v9  }
0x2d: {  	v12 =	vsel vm7, $0x2187, v12;
	v2 =	vsel vm5, $0x109, v2;
	v9 =	vsel vm10, $0x386, v9  }
0x2e: {  	v59 =	vcombine.low v28, v29;
	v29 =	vand.u32 $0xF, v58;
	v9 =	vsel vm7, $0x2007, v9  }
0x2f: {  	v7 =	vsel vm10, $0x306, v7;
	v13 =	vsel vm6, $0x2208, v12;
	v9 =	vsel vm6, $0x2088, v9  }
0x30: {  	v2 =	vsel vm4, $0x18A, v2;
	v45 =	vand.u32 $0xF, v8;
	v8 =	vsel vm5, $0x2109, v9  }
0x31: {  	v7 =	vsel vm7, $0x387, v7;
	v2 =	vsel vm3, $0x20B, v2;
	v8 =	vsel vm4, $0x218A, v8  }
0x32: {  	v7 =	vsel vm6, $0x2008, v7;
	v17 =	vsel vm3, $0x220B, v8;
	v8 =	vsel vm11, $0x100, v10  }
0x33: {  	v27 =	vmovc v60;
	v60 =	vsel vm2, $0x28C, v2;
	v2 =	vsel vm12, $0x2201, v6;
	v8 =	vsel vm12, $0x181, v8  }
0x34: {  	v7 =	vsel vm5, $0x2089, v7;
	v2 =	vsel vm13, $0x2282, v2;
	v8 =	vsel vm13, $0x202, v8  }
0x35: {  	v2 =	vsel vm14, $0x2303, v2;
	v19 =	vsel vm14, $0x283, v8;
	v8 =	vsel vm11, $0x180, v18  }
0x36: {  	v7 =	vsel vm4, $0x210A, v7;
	v2 =	vsel vm8, $0x2384, v2;
	v8 =	vsel vm12, $0x201, v8  }
0x37: {  	v7 =	vsel vm3, $0x218B, v7;
	v2 =	vsel vm9, $0x5, v2;
	v8 =	vsel vm13, $0x282, v8  }
0x38: {  	v7 =	vsel vm2, $0x220C, v7;
	v2 =	vsel vm10, $0x86, v2;
	v8 =	vsel vm14, $0x303, v8  }
0x39: {  	v7 =	vsel vm0, $0x228D, v7;
	v2 =	vsel vm7, $0x107, v2;
	v8 =	vsel vm8, $0x384, v8  }
0x3a: {  	v9 =	vsel vm1, $0x230E, v7;
	v2 =	vsel vm6, $0x188, v2;
	v8 =	vsel vm9, $0x2005, v8  }
0x3b: {  	v2 =	vsel vm5, $0x209, v2;
	v7 =	vsel vm2, $0x228C, v17;
	v8 =	vsel vm10, $0x2086, v8  }
0x3c: {  	v17 =	vimm.s32 $0x76543210;
	v2 =	vsel vm4, $0x28A, v2;
	v8 =	vsel vm7, $0x2107, v8  }
0x3d: {  	v7 =	vsel vm0, $0x230D, v7;
	v2 =	vsel vm3, $0x30B, v2;
	v8 =	vsel vm6, $0x2188, v8  }
0x3e: {  	v30 =	vsel vm1, $0x238E, v7;
	v18 =	vunpack.c.l.s4.s8 v47;
	v8 =	vsel vm5, $0x2209, v8  }
0x3f: {  	v2 =	vsel vm2, $0x38C, v2;
	v7 =	vsel vm8, $0x304, v19;
	v8 =	vsel vm4, $0x228A, v8  }
0x40: {  	v19 =	vunpack.c.l.s4.s8 v17;
	v21 =	vsel vm3, $0x230B, v8;
	v8 =	vsel vm5, $0x2289, v13  }
0x41: {  	v2 =	vsel vm0, $0x200D, v2;
	v7 =	vsel vm9, $0x385, v7;
	v8 =	vsel vm4, $0x230A, v8  }
0x42: {  	v17 =	vimm.s32 $0x230F;
	v7 =	vsel vm10, $0x2006, v7;
	v8 =	vsel vm3, $0x238B, v8  }
0x43: {  	v7 =	vsel vm7, $0x2087, v7;
	v33 =	vsel vm2, $0xC, v8;
	v8 =	vsel vm12, $0x301, v14  }
0x44: {  	v57 =	vsel vm1, $0x208E, v2;
	v7 =	vsel vm6, $0x2108, v7;
	v8 =	vsel vm13, $0x382, v8  }
0x45: {  	v7 =	vsel vm5, $0x2189, v7;
	v34 =	vsel vm14, $0x2003, v8;
	v8 =	vsel vm11, $0x300, v15  }
0x46: {  	v50 =	vunpack.c.0.s8.s32 v19;
	v7 =	vsel vm4, $0x220A, v7;
	v8 =	vsel vm12, $0x381, v8  }
0x47: {  	v7 =	vsel vm3, $0x228B, v7;
	v15 =	vsel vm11, $0x380, v35;
	v8 =	vsel vm13, $0x2002, v8  }
0x48: {  	v7 =	vsel vm2, $0x230C, v7;
	v15 =	vsel vm12, $0x2001, v15;
	v8 =	vsel vm14, $0x2083, v8  }
0x49: {  	v7 =	vsel vm0, $0x238D, v7;
	v15 =	vsel vm13, $0x2082, v15;
	v8 =	vsel vm8, $0x2104, v8  }
0x4a: {  	v31 =	vsel vm1, $0xE, v7;
	v15 =	vsel vm14, $0x2103, v15;
	v8 =	vsel vm9, $0x2185, v8  }
0x4b: {  	v7 =	vsel vm2, $0x238C, v21;
	v15 =	vsel vm8, $0x2184, v15;
	v8 =	vsel vm10, $0x2206, v8  }
0x4c: {  	v7 =	vsel vm0, $0xD, v7;
	v15 =	vsel vm9, $0x2205, v15;
	v8 =	vsel vm7, $0x2287, v8  }
0x4d: {  	v32 =	vsel vm1, $0x8E, v7;
	v15 =	vsel vm10, $0x2286, v15;
	v8 =	vsel vm6, $0x2308, v8  }
0x4e: {  	v7 =	vsel vm0, $0x8D, v33;
	v15 =	vsel vm7, $0x2307, v15;
	v8 =	vsel vm5, $0x2389, v8  }
0x4f: {  	v41 =	vsel vm1, $0x10E, v7;
	v16 =	vsel vm6, $0x2388, v15;
	v8 =	vsel vm4, $0xA, v8  }
0x50: {  	v7 =	vsel vm8, $0x2084, v34;
	v36 =	vsel vm3, $0x8B, v8;
	v8 =	vsel vm5, $0x9, v16  }
0x51: {  	v19 =	vimm.s32 $0x1C1B1A19;
	v7 =	vsel vm9, $0x2105, v7;
	v8 =	vsel vm4, $0x8A, v8  }
0x52: {  	v13 =	vimm.s32 $0x220F;
	v7 =	vsel vm10, $0x2186, v7;
	v8 =	vsel vm3, $0x10B, v8  }
0x53: {  	v21 =	vunpack.c.0.s8.s32 v19;
	v7 =	vsel vm7, $0x2207, v7;
	v8 =	vsel vm2, $0x18C, v8  }
0x54: {  	v14 =	vimm.s32 $0x228F;
	v7 =	vsel vm6, $0x2288, v7;
	v48 =	vsel vm0, $0x20D, v8  }
0x55: {  	v11 =	vsel vm1, $0x28E, v48;
	v48 =	vand.u32 $0xF, v0;
	v0 =	vsel vm14, $0x2183, v54  }
0x56: {  	v33 =	vimm.s32 $0x18171615;
	v7 =	vsel vm5, $0x2309, v7;
	v0 =	vsel vm8, $0x2204, v0  }
0x57: {  	v35 =	vunpack.c.0.s8.s32 v23;
	v7 =	vsel vm4, $0x238A, v7;
	v0 =	vsel vm9, $0x2285, v0  }
0x58: {  	v34 =	vimm.s32 $0x1D1C1B1A;
	v7 =	vsel vm3, $0xB, v7;
	v0 =	vsel vm10, $0x2306, v0  }
0x59: {  	v15 =	vsel vm11, $0x2280, v13;
	v7 =	vsel vm2, $0x8C, v7;
	v0 =	vsel vm7, $0x2387, v0  }
0x5a: {  	v13 =	vimm.s32 $0x19181716;
	v7 =	vsel vm0, $0x10D, v7;
	v0 =	vsel vm6, $0x8, v0  }
0x5b: {  	v46 =	vsel vm1, $0x18E, v7;
	v16 =	vsel vm11, $0x2300, v14;
	v0 =	vsel vm5, $0x89, v0  }
0x5c: {  	v14 =	vor.u32 $0x10, v43;
	v7 =	vsel vm2, $0x10C, v36;
	v0 =	vsel vm4, $0x10A, v0  }
0x5d: {  	s0 =	rddreg [dreg:$0x0];
	s2 =	simm.s32 $0x0;
	v2 =	vsel vm12, $0x2381, v16;
	v36 =	vunpack.c.0.s8.s32 v33;
	v0 =	vsel vm3, $0x18B, v0  }
0x5e: {  	[smem:$0x7FF] =	sst s2;
	v7 =	vsel vm0, $0x18D, v7;
	v2 =	vsel vm13, $0x2, v2;
	v0 =	vsel vm2, $0x20C, v0  }
0x5f: {  	s1 =	rddreg [dreg:$0x1];
	_ =	strace $0x80000047;
	[tilespmem:$0x1FE90] =	vst v38;
	v49 =	vsel vm1, $0x20E, v7;
	v7 =	vimm.s32 $0x218F;
	v0 =	vsel vm0, $0x28D, v0  }
0x60: {  	[tilespmem:$0x1FEA0] =	vst v39;
	v2 =	vsel vm14, $0x83, v2;
	v61 =	vsel vm1, $0x30E, v0;
	v0 =	vsel vm0, $0x30D, v60  }
0x61: {  	[tilespmem:$0x1FEB0] =	vst v40;
	v3 =	vsel vm11, $0x2200, v7;
	v55 =	vsel vm1, $0x38E, v0;
	v0 =	vsel vm12, $0x2181, v5  }
0x62: {  	[tilespmem:$0x1FED0] =	vst v37;
	v8 =	vunpack.c.0.s8.s32 v18;
	v3 =	vsel vm12, $0x2281, v3;
	v0 =	vsel vm13, $0x2202, v0  }
0x63: {  	[tilespmem:$0x1FF50] =	vst v53;
	v2 =	vsel vm8, $0x104, v2;
	v3 =	vsel vm13, $0x2302, v3;
	v0 =	vsel vm14, $0x2283, v0  }
0x64: {  	[tilespmem:$0x1FD40] =	vst v22;
	v54 =	vand.u32 $0xF, v59;
	v3 =	vsel vm14, $0x2383, v3;
	v0 =	vsel vm8, $0x2304, v0  }
0x65: {  	[tilespmem:$0x1FF30] =	vst v51;
	v2 =	vsel vm9, $0x185, v2;
	v3 =	vsel vm8, $0x4, v3;
	v0 =	vsel vm9, $0x2385, v0  }
0x66: {  	[tilespmem:$0x1FEC0] =	vst v42;
	v8 =	vand.u32 $0xF, v8;
	v3 =	vsel vm9, $0x85, v3;
	v0 =	vsel vm10, $0x6, v0  }
0x67: {  	[tilespmem:$0x1FF40] =	vst v52;
	v2 =	vsel vm10, $0x206, v2;
	v3 =	vsel vm10, $0x106, v3;
	v0 =	vsel vm7, $0x87, v0  }
0x68: {  	[tilespmem:$0x1FEE0] =	vst v44;
	v47 =	vcombine.low v8, v50;
	v3 =	vsel vm7, $0x187, v3;
	v0 =	vsel vm6, $0x108, v0  }
0x69: {  	[tilespmem:$0x1FF60] =	vst v29;
	v50 =	vand.u32 $0xF, v4;
	v3 =	vsel vm6, $0x208, v3;
	v0 =	vsel vm5, $0x189, v0  }
0x6a: {  	[tilespmem:$0x1FEF0] =	vst v45;
	v2 =	vsel vm7, $0x287, v2;
	v3 =	vsel vm5, $0x289, v3;
	v0 =	vsel vm4, $0x20A, v0  }
0x6b: {  	[tilespmem:$0x1FFA0] =	vst v57;
	v8 =	vunpack.c.0.s8.s32 v34;
	v3 =	vsel vm4, $0x30A, v3;
	v0 =	vsel vm3, $0x28B, v0  }
0x6c: {  	[tilespmem:$0x1FD30] =	vst v21;
	v4 =	vunpack.c.0.s8.s32 v13;
	v3 =	vsel vm3, $0x38B, v3;
	v0 =	vsel vm2, $0x30C, v0  }
0x6d: {  	[tilespmem:$0x1FD50] =	vst v35;
	v2 =	vsel vm6, $0x308, v2;
	v12 =	vsel vm2, $0x200C, v3;
	v0 =	vsel vm0, $0x38D, v0  }
0x6e: {  	[tilespmem:$0x1FD20] =	vst v14;
	v3 =	vsel vm11, $0x2380, v17;
	v56 =	vsel vm1, $0x200E, v0;
	v0 =	vsel vm0, $0x208D, v12  }
0x6f: {  	[tilespmem:$0x1FD60] =	vst v36;
	v3 =	vsel vm12, $0x1, v3;
	v58 =	vsel vm1, $0x210E, v0;
	v0 =	vsel vm12, $0x2301, v15  }
0x70: {  	[tilespmem:$0x1FF10] =	vst v48;
	v2 =	vsel vm5, $0x389, v2;
	v3 =	vsel vm13, $0x82, v3;
	v0 =	vsel vm13, $0x2382, v0  }
0x71: {  	[tilespmem:$0x1FF70] =	vst v54;
	v2 =	vsel vm4, $0x200A, v2;
	v3 =	vsel vm14, $0x103, v3;
	v0 =	vsel vm14, $0x3, v0  }
0x72: {  	[tilespmem:$0x1FF20] =	vst v50;
	v2 =	vsel vm3, $0x208B, v2;
	v3 =	vsel vm8, $0x184, v3;
	v0 =	vsel vm8, $0x84, v0  }
0x73: {  	[tilespmem:$0x1FD70] =	vst v8;
	v2 =	vsel vm2, $0x210C, v2;
	v3 =	vsel vm9, $0x205, v3;
	v0 =	vsel vm9, $0x105, v0  }
0x74: {  	[tilespmem:$0x1FDA0] =	vst v4;
	v2 =	vsel vm0, $0x218D, v2;
	v3 =	vsel vm10, $0x286, v3;
	v0 =	vsel vm10, $0x186, v0  }
0x75: {  	[tilespmem:$0x1FF00] =	vst v47;
	v60 =	vsel vm1, $0x220E, v2;
	v3 =	vsel vm7, $0x307, v3;
	v0 =	vsel vm7, $0x207, v0  }
0x76: {  	v2 =	vunpack.c.0.s8.s32 v63;
	[tilespmem:$0x1FFD0] =	vst v60;
	v3 =	vsel vm6, $0x388, v3;
	v0 =	vsel vm6, $0x288, v0  }
0x77: {  	[tilespmem:$0x1FFF0] =	vst v61;
	v3 =	vsel vm5, $0x2009, v3;
	v0 =	vsel vm5, $0x309, v0  }
0x78: {  	[tilespmem:$0x1FD80] =	vst v2;
	v3 =	vsel vm4, $0x208A, v3;
	v0 =	vsel vm4, $0x38A, v0  }
0x79: {  	[tilespmem:$0x1FF90] =	vst v55;
	v3 =	vsel vm3, $0x210B, v3;
	v12 =	vimm.s32 $0x15141312;
	v0 =	vsel vm3, $0x200B, v0  }
0x7a: {  	v18 =	vsel vm2, $0x218C, v3;
	v3 =	vunpack.c.0.s8.s32 v12;
	[tilespmem:$0x1FF80] =	vst v56;
	v0 =	vsel vm2, $0x208C, v0  }
0x7b: {  	[tilespmem:$0x1FFC0] =	vst v58;
	v0 =	vsel vm0, $0x210D, v0  }
0x7c: {  	[tilespmem:$0x1FD90] =	vst v3;
	v59 =	vsel vm1, $0x218E, v0;
	v0 =	vsel vm0, $0x220D, v18;
	vm0 =	vcmask $0x1F10  }
0x7d: {  	v15 =	vsel vm0, v22, v21;
	[tilespmem:$0x1FFB0] =	vst v59  }
0x7e: {  	s3 =	srdreg.scid;
	s6 =	stileid.u32;
	s18 =	simm.s32 $0x400;
	v16 =	vsel vm0, v36, v35;
	[tilespmem:$0x1FDB0] =	vst v15  }
0x7f: {  	s20 =	simm.s32 $0x800;
	s21 =	simm.s32 $0x8800;
	s22 =	simm.s32 $0x2;
	v2 =	vsel vm0, v2, v8;
	[tilespmem:$0x1FDC0] =	vst v16  }
0x80: {  	s23 =	simm.s32 $0x10800;
	s24 =	simm.s32 $0x12800;
	s25 =	simm.s32 $0x3;
	v62 =	vsel vm1, $0x228E, v0;
	v3 =	vsel vm0, v4, v3;
	v0 =	vcombine.low v16, v15;
	[tilespmem:$0x1FDE0] =	vst v2  }
0x81: {  	s28 =	simm.s32 $0x16800;
	s29 =	simm.s32 $0x5;
	s30 =	simm.s32 $0x6;
	v18 =	vimm.s32 $0x1E1D1C1B;
	[tilespmem:$0x1FDF0] =	vst v3  }
0x82: {  	s3 =	sand.u32 $0x1, s3;
	s5 =	sshll.u32 s6, $0x1;
	s7 =	sshrl.u32 s6, $0x3;
	v20 =	vimm.s32 $0x16151413;
	[tilespmem:$0x1FDD0] =	vst v0;
	v0 =	vunpack.c.0.s8.s32 v18  }
0x83: {  	s4 =	sadd.s32 $0x400, s0;
	s5 =	sor.u32 s3, s5;
	s8 =	smul.u32 $0x190000, s7;
	v19 =	vimm.s32 $0x1211101F;
	v21 =	vunpack.c.0.s8.s32 v20;
	[tilespmem:$0x1FFE0] =	vst v62  }
0x84: {  	s6 =	sshll.u32 s7, $0x4;
	s3 =	ssub.s32 $0x2, s3;
	s7 =	smul.u32 $0x64, s7;
	v33 =	vimm.s32 $0x13121110;
	[tilespmem:$0x1FE10] =	vst v0;
	v0 =	vunpack.c.0.s8.s32 v19  }
0x85: {  	s9 =	ssub.s32 s5, s6;
	s5 =	sadd.s32 $0x64400, s0;
	s26 =	sshrl.u32 s3, $0x1;
	v22 =	vimm.s32 $0x1A191817;
	v36 =	vunpack.c.0.s8.s32 v33;
	[tilespmem:$0x1FE30] =	vst v21  }
0x86: {  	s6 =	sshll.u32 s9, $0xA;
	s0 =	ssub.s32 s3, s26;
	s9 =	sshll.u32 s9, $0xD;
	[tilespmem:$0x1FE20] =	vst v0;
	v0 =	vunpack.c.0.s8.s32 v22  }
0x87: {  	s11 =	sor.u32 $0x2, s7;
	s15 =	sor.u32 $0x3, s7;
	s16 =	sor.u32 $0x1, s7;
	v23 =	vimm.s32 $0x1F1E1D1C;
	v17 =	vcombine.low v3, v2;
	[tilespmem:$0x1FE60] =	vst v36  }
0x88: {  	s26 =	simm.s32 $0x14800;
	s31 =	sadd.s32 s8, s6;
	s12 =	sadd.s32 $0x20000, s9;
	v35 =	vimm.s32 $0x1B1A1918;
	[tilespmem:$0x1FE40] =	vst v0;
	v0 =	vunpack.c.0.s8.s32 v23  }
0x89: {  	s0 =	smax.u32 s0, $0x1;
	s8 =	sshrl.u32 s31, $0x3;
	s3 =	sadd.s32 $0x4000, s31;
	v34 =	vimm.s32 $0x17161514;
	v63 =	vunpack.c.0.s8.s32 v35;
	[tilespmem:$0x1FE00] =	vst v17  }
0x8a: {  	[dreg:$0x5] =	wrdreg s0;
	s8 =	sadd.s32 s4, s8;
	s3 =	sshrl.u32 s3, $0x3;
	[tilespmem:$0x1FE50] =	vst v0;
	v0 =	vunpack.c.0.s8.s32 v34  }
0x8b: {  	s13 =	sadd.s32 $0x40000, s9;
	[dreg:$0x3] =	wrdreg s8;
	s3 =	sadd.s32 s4, s3;
	[tilespmem:$0x1FE80] =	vst v63  }
0x8c: {  	s14 =	sadd.s32 $0x60000, s9;
	[dreg:$0x4] =	wrdreg s3;
	s3 =	simm.s32 $0x0;
	v26 =	vmov v9;
	v10 =	vand.u32 $0x7, v43;
	v28 =	vmov v11;
	[tilespmem:$0x1FE70] =	vst v0  }
.LBB2_1:
0x8d: {  	[dreg:$0x6] =	wrdreg s3  }
0x8e: {  	s0 =	rddreg [dreg:$0x3]  }
0x8f: {  	[tilespmem:s2], [sflag:$0x1] =	stream.linear.gather [hbm4b:s0+s2], $0x400, $0x38;
	[tilespmem:$0x18800] =	vst v63  }
0x90: {  	s19 =	rddreg [dreg:$0x4];
	s31 =	simm.s32 $0x1  }
0x91: {  	[tilespmem:s18], [sflag:$0x2] =	stream.linear.gather [hbm4b:s19+s2], $0x400, $0x38;
	[tilespmem:$0x18800] =	vst v63  }
0x92: {  	_ =	swait.ge [sflag:s31], $0x400  }
0x93: {  	[sflag:s31] =	ssyncset.done $0x0  }
0x94: {  	s0 =	simm.s32 $0x0;
	[sflag:s31] =	ssyncadd.s32 $0xFFFFFC00  }
0x95: {  	[tilespmem:s20], [sflag:$0x3] =	stream.indirect.gather [hbm4b:s1+s18], $0x20, s2, s18, $0xb8;
	[tilespmem:$0x18800] =	vst v63  }
.LBB2_2:
0x96: {  	_ =	swait.ge [sflag:s22], $0x400;
	p0 =	seq.s32 s0, $0x31  }
0x97: {  	s3 =	sshll.u32 s0, $0x1;
	[sflag:s22] =	ssyncset.done $0x0;
	p1 =	seq.s32 @!p0 s0, $0x0  }
0x98: {  	s8 =	sadd.s32 @!p0 s3, s11;
	[sflag:s22] =	ssyncadd.s32 $0xFFFFFC00;
	p1 =	por p0, !p1  }
0x99: {  	[tilespmem:s21], [sflag:$0x4] =	stream.indirect.gather [hbm4b:s1+s18], $0x20, s18, s18, $0xb8;
	[tilespmem:$0x18800] =	vst v63  }
.Ltmp0:
0x9a: {  	s8 =	sshll.u32 @!p0 s8, $0xE;
	(pc) =	sbr.rel @!p1 .LBB2_3-.Ltmp0, $4  }
0x9b: {  	s8 =	sadd.s32 @!p0 s6, s8;
	_ =	swait.ge [sflag:s25], $0x8000  }
0x9c: {  	s8 =	sshrl.u32 @!p0 s8, $0x3;
	[sflag:s25] =	ssyncset.done $0x0  }
0x9d: {  	s10 =	simm.s32 @!p0 $0x0;
	s8 =	sadd.s32 @!p0 s4, s8;
	[sflag:s25] =	ssyncadd.s32 $0xFFFF8000  }
0x9e: {  	[tilespmem:s10], [sflag:$0x1] =	stream.linear.gather @!p0 [hbm4b:s8+s10], $0x400, $0x38;
	[tilespmem:$0x18800] =	vst v63  }
0x9f: {  	_ =	swait.ge [sflag:s29], $0x2000  }
.Ltmp1:
0xa0: {  	[sflag:s29] =	ssyncset.done $0x0;
	(pc) =	sbr.rel .LBB2_5-.Ltmp1, $4  }
0xa1: {  	[sflag:s29] =	ssyncadd.s32 $0xFFFFE000  }
0xa2: {  	_ =	swait.ge [sflag:s29], $0x2000  }
0xa3: {  	[sflag:s29] =	ssyncset.done $0x0  }
0xa4: {  	p0 =	por $0x0, $0x0;
	[sflag:s29] =	ssyncadd.s32 $0xFFFFE000  }
.LBB2_3:
0xa5: {  	p0 =	por @!p0 $0x1, $0x1  }
.LBB2_5:
0xa6: {  	s8 =	simm.s32 $0x0  }
0xa7: {  	v0 =	vmov s8  }
0xa8: {  	v0 =	vshll.u32 v0, $0x5  }
0xa9: {  	v0 =	vor.u32 v27, v0  }
0xaa: {  	v2 =	vor.u32 v43, v0  }
0xab: {  	s31 =	simm.s32 $0x0;
	v3 =	vor.u32 v38, v0  }
0xac: {  	s8 =	smul.u32 $0x380, s31;
	v4 =	vor.u32 v39, v0  }
0xad: {  	v5 =	vor.u32 v40, v0  }
0xae: {  	s8 =	sadd.s32 $0x0, s8;
	v6 =	vor.u32 v42, v0  }
0xaf: {  	v7 =	vor.u32 v44, v0;
	v8 =	vor.u32 v37, v0;
	v18 =	vadd.s32 s8, v26;
	v2 =	vld.idx.msk [tilespmem:v2+s20+$0x0], $0xffff  }
0xb0: {  	v19 =	vor.u32 v45, v0;
	v20 =	vadd.s32 s8, v30;
	v18 =	vand.u32 $0xFFFFFFF8, v18;
	v3 =	vld.idx.msk [tilespmem:v3+s20+$0x0], $0xffff  }
0xb1: {  	v21 =	vadd.s32 s8, v31;
	v20 =	vand.u32 $0xFFFFFFF8, v20;
	v18 =	vor.u32 v10, v18;
	v4 =	vld.idx.msk [tilespmem:v4+s20+$0x0], $0xffff  }
0xb2: {  	v22 =	vadd.s32 s8, v32;
	v21 =	vand.u32 $0xFFFFFFF8, v21;
	v20 =	vor.u32 v10, v20;
	v5 =	vld.idx.msk [tilespmem:v5+s20+$0x0], $0xffff  }
0xb3: {  	v23 =	vadd.s32 s8, v41;
	v22 =	vand.u32 $0xFFFFFFF8, v22;
	v21 =	vor.u32 v10, v21;
	v6 =	vld.idx.msk [tilespmem:v6+s20+$0x0], $0xffff  }
0xb4: {  	v24 =	vadd.s32 s8, v46;
	v23 =	vand.u32 $0xFFFFFFF8, v23;
	v22 =	vor.u32 v10, v22;
	v7 =	vld.idx.msk [tilespmem:v7+s20+$0x0], $0xffff  }
0xb5: {  	v25 =	vadd.s32 s8, v49;
	v24 =	vand.u32 $0xFFFFFFF8, v24;
	v23 =	vor.u32 v10, v23;
	v8 =	vld.idx.msk [tilespmem:v8+s20+$0x0], $0xffff  }
0xb6: {  	v33 =	vadd.s32 s8, v28;
	v25 =	vand.u32 $0xFFFFFFF8, v25;
	v19 =	vld.idx.msk [tilespmem:v19+s20+$0x0], $0xffff;
	[tilespmem:v18+s23+$0x0] =	vst.idx.msk $0xffff, v2;
	v2 =	vor.u32 v10, v24  }
0xb7: {  	v18 =	vand.u32 $0xFFFFFFF8, v33;
	[tilespmem:v20+s23+$0x0] =	vst.idx.msk $0xffff, v3;
	v3 =	vor.u32 v10, v25  }
0xb8: {  	[tilespmem:v21+s23+$0x0] =	vst.idx.msk $0xffff, v4;
	v4 =	vor.u32 v10, v18  }
0xb9: {  	[tilespmem:v22+s23+$0x0] =	vst.idx.msk $0xffff, v5;
	v5 =	vor.u32 v50, v0  }
0xba: {  	[tilespmem:v23+s23+$0x0] =	vst.idx.msk $0xffff, v6;
	v6 =	vor.u32 v48, v0  }
0xbb: {  	v18 =	vor.u32 v47, v0;
	[tilespmem:v2+s23+$0x0] =	vst.idx.msk $0xffff, v8  }
0xbc: {  	v2 =	vor.u32 v51, v0;
	[tilespmem:v3+s23+$0x0] =	vst.idx.msk $0xffff, v7  }
0xbd: {  	v20 =	vadd.s32 s8, v57;
	[tilespmem:v4+s23+$0x0] =	vst.idx.msk $0xffff, v19;
	v4 =	vor.u32 v52, v0  }
0xbe: {  	v3 =	vadd.s32 s8, v61;
	v7 =	vadd.s32 s8, v55;
	v21 =	vld.idx.msk [tilespmem:v5+s20+$0x0], $0xffff;
	v5 =	vor.u32 v53, v0  }
0xbf: {  	v3 =	vand.u32 $0xFFFFFFF8, v3;
	v7 =	vand.u32 $0xFFFFFFF8, v7;
	v19 =	vld.idx.msk [tilespmem:v6+s20+$0x0], $0xffff;
	v6 =	vor.u32 v54, v0  }
0xc0: {  	v8 =	vld.idx.msk [tilespmem:v18+s20+$0x0], $0xffff;
	v18 =	vadd.s32 s8, v56;
	v22 =	vor.u32 v10, v3;
	v0 =	vor.u32 v29, v0  }
0xc1: {  	v23 =	vor.u32 v10, v7;
	v7 =	vadd.s32 s8, v58;
	v3 =	vld.idx.msk [tilespmem:v2+s20+$0x0], $0xffff;
	v2 =	vand.u32 $0xFFFFFFF8, v18  }
0xc2: {  	v18 =	vand.u32 $0xFFFFFFF8, v20;
	v20 =	vadd.s32 s8, v59;
	v24 =	vor.u32 v10, v2;
	v4 =	vld.idx.msk [tilespmem:v4+s20+$0x0], $0xffff  }
0xc3: {  	v7 =	vand.u32 $0xFFFFFFF8, v7;
	v34 =	vand.u32 $0xFFFFFFF8, v20;
	v20 =	vor.u32 v10, v18;
	v5 =	vld.idx.msk [tilespmem:v5+s20+$0x0], $0xffff  }
0xc4: {  	v63 =	vadd.s32 s8, v62;
	v25 =	vadd.s32 s8, v60;
	s8 =	simm.s32 $0x10;
	v18 =	vor.u32 v10, v7;
	v2 =	vld.idx.msk [tilespmem:v6+s20+$0x0], $0xffff  }
0xc5: {  	v25 =	vand.u32 $0xFFFFFFF8, v25;
	v6 =	vld.idx.msk [tilespmem:v0+s20+$0x0], $0xffff;
	v0 =	vmov s8;
	[tilespmem:v22+s23+$0x0] =	vst.idx.msk $0xffff, v8;
	v8 =	vor.u32 v10, v34  }
0xc6: {  	v33 =	vand.u32 $0xFFFFFFF8, v63;
	v7 =	vor.u32 v10, v25;
	v0 =	vshll.u32 v0, $0x5;
	[tilespmem:v23+s23+$0x0] =	vst.idx.msk $0xffff, v19  }
0xc7: {  	s10 =	simm.s32 $0x1;
	s17 =	simm.s32 $0x2;
	v19 =	vor.u32 v10, v33;
	v0 =	vor.u32 v27, v0;
	[tilespmem:v24+s23+$0x0] =	vst.idx.msk $0xffff, v21  }
.LBB2_6:
0xc8: {  	p1 =	sne.s32 s17, $0x3F;
	v21 =	vor.u32 v43, v0;
	[tilespmem:v20+s23+$0x0] =	vst.idx.msk $0xffff, v3;
	s19 =	smov.u32 s17;
	s17 =	sadd.s32 $0x1, s17  }
0xc9: {  	v3 =	vor.u32 v38, v0;
	[tilespmem:v18+s23+$0x0] =	vst.idx.msk $0xffff, v4  }
0xca: {  	s31 =	sshrl.u32 s10, $0x3;
	v4 =	vor.u32 v39, v0;
	s10 =	smov.u32 s19;
	[tilespmem:v8+s23+$0x0] =	vst.idx.msk $0xffff, v5  }
0xcb: {  	s19 =	smul.u32 $0x380, s31;
	v5 =	vor.u32 v40, v0;
	[tilespmem:v7+s23+$0x0] =	vst.idx.msk $0xffff, v6  }
0xcc: {  	v6 =	vor.u32 v42, v0;
	[tilespmem:v19+s23+$0x0] =	vst.idx.msk $0xffff, v2  }
0xcd: {  	v8 =	vor.u32 v45, v0;
	s19 =	sadd.s32 s19, s8;
	v7 =	vor.u32 v44, v0;
	v2 =	vld.idx.msk [tilespmem:v21+s20+$0x0], $0xffff  }
0xce: {  	v18 =	vor.u32 v37, v0;
	v19 =	vadd.s32 s19, v26;
	v20 =	vadd.s32 s19, v30;
	v3 =	vld.idx.msk [tilespmem:v3+s20+$0x0], $0xffff  }
0xcf: {  	v19 =	vand.u32 $0xFFFFFFF8, v19;
	v20 =	vand.u32 $0xFFFFFFF8, v20;
	v21 =	vadd.s32 s19, v31;
	v4 =	vld.idx.msk [tilespmem:v4+s20+$0x0], $0xffff  }
0xd0: {  	v22 =	vadd.s32 s19, v32;
	v19 =	vor.u32 v10, v19;
	v21 =	vand.u32 $0xFFFFFFF8, v21;
	v5 =	vld.idx.msk [tilespmem:v5+s20+$0x0], $0xffff  }
0xd1: {  	v23 =	vadd.s32 s19, v41;
	v22 =	vand.u32 $0xFFFFFFF8, v22;
	v20 =	vor.u32 v10, v20;
	v6 =	vld.idx.msk [tilespmem:v6+s20+$0x0], $0xffff  }
0xd2: {  	v24 =	vadd.s32 s19, v46;
	v23 =	vand.u32 $0xFFFFFFF8, v23;
	v21 =	vor.u32 v10, v21;
	v7 =	vld.idx.msk [tilespmem:v7+s20+$0x0], $0xffff  }
0xd3: {  	v25 =	vadd.s32 s19, v49;
	v24 =	vand.u32 $0xFFFFFFF8, v24;
	v22 =	vor.u32 v10, v22;
	v18 =	vld.idx.msk [tilespmem:v18+s20+$0x0], $0xffff  }
0xd4: {  	v33 =	vadd.s32 s19, v28;
	v25 =	vand.u32 $0xFFFFFFF8, v25;
	v23 =	vor.u32 v10, v23;
	v8 =	vld.idx.msk [tilespmem:v8+s20+$0x0], $0xffff  }
0xd5: {  	[tilespmem:v19+s23+$0x0] =	vst.idx.msk $0xffff, v2;
	v2 =	vor.u32 v10, v24;
	v19 =	vand.u32 $0xFFFFFFF8, v33;
	v24 =	vadd.s32 s19, v61  }
0xd6: {  	[tilespmem:v20+s23+$0x0] =	vst.idx.msk $0xffff, v3;
	v3 =	vor.u32 v10, v25;
	v20 =	vand.u32 $0xFFFFFFF8, v24;
	v24 =	vadd.s32 s19, v55  }
0xd7: {  	[tilespmem:v21+s23+$0x0] =	vst.idx.msk $0xffff, v4;
	v4 =	vor.u32 v10, v19;
	v19 =	vand.u32 $0xFFFFFFF8, v24;
	v21 =	vadd.s32 s19, v56  }
0xd8: {  	[tilespmem:v22+s23+$0x0] =	vst.idx.msk $0xffff, v5;
	v5 =	vor.u32 v50, v0;
	v21 =	vand.u32 $0xFFFFFFF8, v21;
	v22 =	vadd.s32 s19, v57  }
0xd9: {  	[tilespmem:v23+s23+$0x0] =	vst.idx.msk $0xffff, v6;
	v6 =	vor.u32 v47, v0;
	v23 =	vor.u32 v48, v0;
	v22 =	vand.u32 $0xFFFFFFF8, v22  }
0xda: {  	v24 =	vadd.s32 s19, v60;
	[tilespmem:v2+s23+$0x0] =	vst.idx.msk $0xffff, v18;
	v2 =	vadd.s32 s19, v58;
	v18 =	vadd.s32 s19, v59  }
0xdb: {  	[tilespmem:v3+s23+$0x0] =	vst.idx.msk $0xffff, v7;
	v3 =	vor.u32 v51, v0;
	v7 =	vand.u32 $0xFFFFFFF8, v2;
	v25 =	vand.u32 $0xFFFFFFF8, v18  }
0xdc: {  	v24 =	vand.u32 $0xFFFFFFF8, v24;
	v2 =	vor.u32 v52, v0;
	[tilespmem:v4+s23+$0x0] =	vst.idx.msk $0xffff, v8;
	v4 =	vadd.s32 s19, v62  }
0xdd: {  	v33 =	vld.idx.msk [tilespmem:v5+s20+$0x0], $0xffff;
	v5 =	vor.u32 v53, v0;
	v34 =	vand.u32 $0xFFFFFFF8, v4  }
0xde: {  	v8 =	vor.u32 v54, v0;
	v23 =	vld.idx.msk [tilespmem:v23+s20+$0x0], $0xffff  }
0xdf: {  	v36 =	vor.u32 v10, v20;
	v0 =	vor.u32 v29, v0;
	v35 =	vld.idx.msk [tilespmem:v6+s20+$0x0], $0xffff  }
0xe0: {  	v19 =	vor.u32 v10, v19;
	v3 =	vld.idx.msk [tilespmem:v3+s20+$0x0], $0xffff  }
0xe1: {  	v21 =	vor.u32 v10, v21;
	v4 =	vld.idx.msk [tilespmem:v2+s20+$0x0], $0xffff  }
0xe2: {  	v20 =	vor.u32 v10, v22;
	v5 =	vld.idx.msk [tilespmem:v5+s20+$0x0], $0xffff  }
.Ltmp2:
0xe3: {  	v18 =	vor.u32 v10, v7;
	v2 =	vld.idx.msk [tilespmem:v8+s20+$0x0], $0xffff;
	(pc) =	sbr.rel @p1 .LBB2_6-.Ltmp2, $4  }
0xe4: {  	s8 =	sadd.s32 $0x10, s8;
	v8 =	vor.u32 v10, v25;
	v6 =	vld.idx.msk [tilespmem:v0+s20+$0x0], $0xffff  }
0xe5: {  	v7 =	vor.u32 v10, v24;
	v0 =	vmov s8;
	[tilespmem:v36+s23+$0x0] =	vst.idx.msk $0xffff, v35  }
0xe6: {  	v0 =	vshll.u32 v0, $0x5;
	[tilespmem:v19+s23+$0x0] =	vst.idx.msk $0xffff, v23;
	v19 =	vor.u32 v10, v34  }
0xe7: {  	v0 =	vor.u32 v27, v0;
	[tilespmem:v21+s23+$0x0] =	vst.idx.msk $0xffff, v33  }
0xe8: {  	_ =	sdelay $0x3  }
0xe9: {  	v21 =	vor.u32 v43, v0;
	[tilespmem:v20+s23+$0x0] =	vst.idx.msk $0xffff, v3  }
0xea: {  	v3 =	vor.u32 v38, v0;
	s10 =	sshrl.u32 s10, $0x3;
	[tilespmem:v18+s23+$0x0] =	vst.idx.msk $0xffff, v4  }
0xeb: {  	v4 =	vor.u32 v39, v0;
	s10 =	smul.u32 $0x380, s10;
	[tilespmem:v8+s23+$0x0] =	vst.idx.msk $0xffff, v5  }
0xec: {  	v5 =	vor.u32 v40, v0;
	[tilespmem:v7+s23+$0x0] =	vst.idx.msk $0xffff, v6  }
0xed: {  	v8 =	vor.u32 v37, v0;
	s8 =	sadd.s32 s10, s8;
	[tilespmem:v19+s23+$0x0] =	vst.idx.msk $0xffff, v2  }
0xee: {  	v6 =	vor.u32 v42, v0;
	v7 =	vor.u32 v44, v0;
	v18 =	vadd.s32 s8, v26;
	v2 =	vld.idx.msk [tilespmem:v21+s20+$0x0], $0xffff  }
0xef: {  	v19 =	vor.u32 v45, v0;
	v20 =	vadd.s32 s8, v30;
	v3 =	vld.idx.msk [tilespmem:v3+s20+$0x0], $0xffff;
	v18 =	vand.u32 $0xFFFFFFF8, v18  }
0xf0: {  	v20 =	vand.u32 $0xFFFFFFF8, v20;
	v21 =	vadd.s32 s8, v31;
	v4 =	vld.idx.msk [tilespmem:v4+s20+$0x0], $0xffff;
	v18 =	vor.u32 v10, v18  }
0xf1: {  	v22 =	vadd.s32 s8, v32;
	v21 =	vand.u32 $0xFFFFFFF8, v21;
	v20 =	vor.u32 v10, v20;
	v5 =	vld.idx.msk [tilespmem:v5+s20+$0x0], $0xffff  }
0xf2: {  	v23 =	vadd.s32 s8, v41;
	v22 =	vand.u32 $0xFFFFFFF8, v22;
	v21 =	vor.u32 v10, v21;
	v8 =	vld.idx.msk [tilespmem:v8+s20+$0x0], $0xffff  }
0xf3: {  	v24 =	vadd.s32 s8, v46;
	v23 =	vand.u32 $0xFFFFFFF8, v23;
	v22 =	vor.u32 v10, v22;
	v6 =	vld.idx.msk [tilespmem:v6+s20+$0x0], $0xffff  }
0xf4: {  	v25 =	vadd.s32 s8, v49;
	v24 =	vand.u32 $0xFFFFFFF8, v24;
	v23 =	vor.u32 v10, v23;
	v7 =	vld.idx.msk [tilespmem:v7+s20+$0x0], $0xffff  }
0xf5: {  	v33 =	vadd.s32 s8, v28;
	v25 =	vand.u32 $0xFFFFFFF8, v25;
	v19 =	vld.idx.msk [tilespmem:v19+s20+$0x0], $0xffff;
	[tilespmem:v18+s23+$0x0] =	vst.idx.msk $0xffff, v2;
	v2 =	vor.u32 v10, v24  }
0xf6: {  	v18 =	vand.u32 $0xFFFFFFF8, v33;
	[tilespmem:v20+s23+$0x0] =	vst.idx.msk $0xffff, v3;
	v3 =	vor.u32 v10, v25  }
0xf7: {  	[tilespmem:v21+s23+$0x0] =	vst.idx.msk $0xffff, v4;
	v4 =	vor.u32 v10, v18  }
0xf8: {  	[tilespmem:v22+s23+$0x0] =	vst.idx.msk $0xffff, v5;
	v5 =	vor.u32 v50, v0  }
0xf9: {  	v21 =	vor.u32 v47, v0;
	[tilespmem:v23+s23+$0x0] =	vst.idx.msk $0xffff, v6  }
0xfa: {  	v6 =	vor.u32 v48, v0;
	[tilespmem:v2+s23+$0x0] =	vst.idx.msk $0xffff, v8  }
0xfb: {  	v23 =	vor.u32 v54, v0;
	[tilespmem:v3+s23+$0x0] =	vst.idx.msk $0xffff, v7  }
0xfc: {  	v3 =	vor.u32 v51, v0;
	[tilespmem:v4+s23+$0x0] =	vst.idx.msk $0xffff, v19  }
0xfd: {  	v20 =	vadd.s32 s8, v55;
	v18 =	vadd.s32 s8, v61;
	v4 =	vor.u32 v52, v0;
	v5 =	vld.idx.msk [tilespmem:v5+s20+$0x0], $0xffff  }
0xfe: {  	v2 =	vand.u32 $0xFFFFFFF8, v18;
	v8 =	vand.u32 $0xFFFFFFF8, v20;
	v19 =	vor.u32 v53, v0;
	v21 =	vld.idx.msk [tilespmem:v21+s20+$0x0], $0xffff  }
0xff: {  	v7 =	vadd.s32 s8, v56;
	v2 =	vor.u32 v10, v2;
	v0 =	vor.u32 v29, v0;
	v6 =	vld.idx.msk [tilespmem:v6+s20+$0x0], $0xffff  }
0x100: {  	v18 =	vadd.s32 s8, v57;
	v8 =	vor.u32 v10, v8;
	v7 =	vand.u32 $0xFFFFFFF8, v7;
	v23 =	vld.idx.msk [tilespmem:v23+s20+$0x0], $0xffff  }
0x101: {  	v18 =	vand.u32 $0xFFFFFFF8, v18;
	v7 =	vor.u32 v10, v7;
	v3 =	vld.idx.msk [tilespmem:v3+s20+$0x0], $0xffff  }
0x102: {  	s31 =	simm.s32 $0x0;
	v20 =	vadd.s32 s8, v58;
	v18 =	vor.u32 v10, v18;
	v4 =	vld.idx.msk [tilespmem:v4+s20+$0x0], $0xffff  }
0x103: {  	s17 =	smul.u32 $0x380, s31;
	v20 =	vand.u32 $0xFFFFFFF8, v20;
	v19 =	vld.idx.msk [tilespmem:v19+s20+$0x0], $0xffff  }
0x104: {  	v22 =	vadd.s32 s8, v59;
	v20 =	vor.u32 v10, v20;
	v0 =	vld.idx.msk [tilespmem:v0+s20+$0x0], $0xffff;
	[tilespmem:v2+s23+$0x0] =	vst.idx.msk $0xffff, v21  }
0x105: {  	s10 =	sadd.s32 $0x0, s17;
	v22 =	vand.u32 $0xFFFFFFF8, v22;
	[tilespmem:v8+s23+$0x0] =	vst.idx.msk $0xffff, v6  }
0x106: {  	v24 =	vadd.s32 s8, v60;
	v22 =	vor.u32 v10, v22;
	[tilespmem:v7+s23+$0x0] =	vst.idx.msk $0xffff, v5;
	v5 =	vadd.s32 s10, v46  }
0x107: {  	v24 =	vand.u32 $0xFFFFFFF8, v24;
	[tilespmem:v18+s23+$0x0] =	vst.idx.msk $0xffff, v3;
	v1 =	vand.u32 $0xFFFFFFF8, v5  }
0x108: {  	v24 =	vor.u32 v10, v24;
	v5 =	vadd.s32 s10, v28;
	[tilespmem:$0x1FC70] =	vst v1  }
0x109: {  	v3 =	vadd.s32 s10, v49;
	[tilespmem:v20+s23+$0x0] =	vst.idx.msk $0xffff, v4;
	v1 =	vand.u32 $0xFFFFFFF8, v5  }
0x10a: {  	v25 =	vadd.s32 s8, v62;
	v20 =	vand.u32 $0xFFFFFFF8, v3;
	v3 =	vadd.s32 s10, v61;
	[tilespmem:$0x1FC80] =	vst v1  }
0x10b: {  	v25 =	vand.u32 $0xFFFFFFF8, v25;
	[tilespmem:v22+s23+$0x0] =	vst.idx.msk $0xffff, v19;
	v1 =	vand.u32 $0xFFFFFFF8, v3  }
0x10c: {  	v25 =	vor.u32 v10, v25;
	v5 =	vadd.s32 s10, v56;
	v3 =	vadd.s32 s10, v55;
	[tilespmem:$0x1FD10] =	vst v1  }
0x10d: {  	[tilespmem:v24+s23+$0x0] =	vst.idx.msk $0xffff, v0;
	v0 =	vand.u32 $0xFFFFFFF8, v3;
	v1 =	vand.u32 $0xFFFFFFF8, v5;
	v3 =	vadd.s32 s10, v57  }
0x10e: {  	[tilespmem:$0x1FD00] =	vst v1;
	v45 =	vor.u32 v10, v0;
	v0 =	vand.u32 $0xFFFFFFF8, v3;
	v3 =	vadd.s32 s10, v60;
	v1 =	vld [tilespmem:$0x1FD30]  }
0x10f: {  	v22 =	vand.u32 $0xFFFFFFF8, v3;
	v3 =	vld [tilespmem:$0x1FD60]  }
0x110: {  	s19 =	sadd.s32 s7, s3;
	v9 =	vld [tilespmem:$0x1FE30]  }
0x111: {  	v11 =	vld [tilespmem:$0x1FE40];
	s8 =	sshll.u32 s19, $0x13  }
0x112: {  	v13 =	vld [tilespmem:$0x1FE60];
	s17 =	sadd.s32 s9, s8  }
0x113: {  	v14 =	vld [tilespmem:$0x1FE70];
	s17 =	sshrl.u32 s17, $0x3;
	[tilespmem:v25+s23+$0x0] =	vst.idx.msk $0xffff, v23  }
0x114: {  	v34 =	vadd.s32 s10, v31;
	s31 =	sadd.s32 s12, s8;
	s17 =	sadd.s32 s5, s17;
	[tilespmem:$0x1FCD0] =	vst v0;
	v0 =	vadd.s32 s10, v58;
	v12 =	vsel vm0, v1, v3;
	v1 =	vld [tilespmem:$0x1FD70]  }
0x115: {  	v54 =	vadd.s32 s10, v26;
	v2 =	vadd.s32 s10, v30;
	[hbm4b:s17+s2] =	stream.linear.scatter [tilespmem:s23], [sflag:$0x5], $0x2000, $0x38;
	v0 =	vand.u32 $0xFFFFFFF8, v0;
	v3 =	vld [tilespmem:$0x1FDA0]  }
0x116: {  	v15 =	vld [tilespmem:$0x1FE80];
	v6 =	vadd.s32 s10, v32;
	v8 =	vadd.s32 s10, v41;
	s17 =	sshrl.u32 s31, $0x3;
	[tilespmem:$0x1FCE0] =	vst v0;
	v0 =	vadd.s32 s10, v59  }
0x117: {  	v7 =	vand.u32 $0xFFFFFFF8, v6;
	v6 =	vld [tilespmem:$0x1FE20];
	v19 =	vand.u32 $0xFFFFFFF8, v0;
	v0 =	vadd.s32 s10, v62;
	s10 =	sadd.s32 s5, s17;
	s17 =	simm.s32 @!p0 $0x6  }
0x118: {  	v4 =	vld [tilespmem:$0x1FE50];
	[hbm4b:s10+s2] =	stream.linear.scatter [tilespmem:s24], [sflag:$0x5], $0x2000, $0x38  }
0x119: {  	v5 =	vld [tilespmem:$0x1FE10];
	_ =	swait.ge @!p0 [sflag:s17], $0x2000  }
0x11a: {  	v44 =	vsel vm0, v1, v3;
	v1 =	vld [tilespmem:$0x1FD40]  }
0x11b: {  	v3 =	vld [tilespmem:$0x1FD50];
	_ =	sdelay $0x4  }
0x11c: {  	v33 =	vand.u32 $0xFFFFFFF8, v54;
	v54 =	vsel vm0, v3, v1;
	v1 =	vld [tilespmem:$0x1FDD0]  }
0x11d: {  	s19 =	simm.s32 $0x0  }
0x11e: {  	v23 =	vand.u32 $0xFFFFFFF8, v0;
	v0 =	vmov s19  }
0x11f: {  	v0 =	vshll.u32 v0, $0x5  }
0x120: {  	v25 =	vor.u32 v27, v0;
	v0 =	vld [tilespmem:$0x1FD20]  }
0x121: {  	v16 =	vsel vm0, v13, v4;
	v3 =	vor.u32 v1, v25;
	v1 =	vld [tilespmem:$0x1FE00]  }
0x122: {  	v18 =	vsel vm0, v15, v14;
	[sflag:s17] =	ssyncset.done @!p0 $0x0;
	[tilespmem:$0x1FBB0] =	vst v16  }
0x123: {  	[tilespmem:$0x1FBC0] =	vst v18;
	[sflag:s17] =	ssyncadd.s32 @!p0 $0xFFFFE000  }
0x124: {  	v29 =	vsel vm0, v9, v6;
	v43 =	vsel vm0, v5, v11;
	_ =	swait.ge @!p0 [sflag:s17], $0x2000  }
0x125: {  	v52 =	vsel vm0, v6, v5;
	v6 =	vcombine.low v43, v29;
	v5 =	vld [tilespmem:$0x1FD90]  }
0x126: {  	v50 =	vsel vm0, v11, v9;
	v0 =	vor.u32 v0, v25;
	v24 =	vor.u32 v1, v25;
	v1 =	vld [tilespmem:$0x1FD80]  }
0x127: {  	v21 =	vand.u32 $0xFFFFFFF8, v34;
	v17 =	vcombine.low v16, v18;
	v34 =	vor.u32 v6, v25  }
0x128: {  	s31 =	simm.s32 $0x0;
	v11 =	vcombine.low v50, v52;
	v16 =	vcombine.low v18, v16  }
0x129: {  	v35 =	vor.u32 v10, v33;
	s10 =	smul.u32 $0x380, s31;
	[sflag:s17] =	ssyncset.done @!p0 $0x0  }
0x12a: {  	v33 =	vor.u32 v11, v25;
	v42 =	vor.u32 v16, v25;
	[tilespmem:$0x1FBD0] =	vst v11;
	v11 =	vcombine.low v12, v54;
	[sflag:s17] =	ssyncadd.s32 @!p0 $0xFFFFE000  }
0x12b: {  	v18 =	vmov v56;
	s10 =	sadd.s32 $0x10, s10;
	[tilespmem:$0x1FBF0] =	vst v6;
	v0 =	vld.idx.msk [tilespmem:v0+s20+$0x0], $0xffff;
	v56 =	vsel vm0, v5, v1;
	v1 =	vcombine.low v52, v50  }
0x12c: {  	v40 =	vmov v59;
	[tilespmem:$0x1FC00] =	vst v16;
	v59 =	vld.idx.msk [tilespmem:v34+s20+$0x0], $0xffff;
	v5 =	vadd.s32 s10, v31;
	v6 =	vcombine.low v44, v56  }
0x12d: {  	v48 =	vor.u32 v11, v25;
	v51 =	vand.u32 $0xFFFFFFF8, v5;
	[tilespmem:$0x1FC10] =	vst v1;
	v5 =	vor.u32 v1, v25;
	v1 =	vld [tilespmem:$0x1FDB0]  }
0x12e: {  	v39 =	vmov v57;
	[tilespmem:$0x1FC40] =	vst v6;
	v57 =	vor.u32 v6, v25;
	v6 =	vld [tilespmem:$0x1FDC0]  }
0x12f: {  	[tilespmem:$0x1FC60] =	vst v43;
	v16 =	vcombine.low v29, v43;
	v43 =	vmov v58;
	v58 =	vld.idx.msk [tilespmem:v33+s20+$0x0], $0xffff  }
0x130: {  	v2 =	vand.u32 $0xFFFFFFF8, v2;
	v42 =	vld.idx.msk [tilespmem:v42+s20+$0x0], $0xffff  }
0x131: {  	v2 =	vor.u32 v10, v2;
	v47 =	vld.idx.msk [tilespmem:v3+s20+$0x0], $0xffff  }
0x132: {  	v48 =	vld.idx.msk [tilespmem:v48+s20+$0x0], $0xffff  }
0x133: {  	[tilespmem:$0x1FC50] =	vst v29;
	v29 =	vcombine.low v1, v6;
	v1 =	vld [tilespmem:$0x1FC70]  }
0x134: {  	v24 =	vld.idx.msk [tilespmem:v24+s20+$0x0], $0xffff  }
0x135: {  	v57 =	vld.idx.msk [tilespmem:v57+s20+$0x0], $0xffff;
	[tilespmem:v35+s26+$0x0] =	vst.idx.msk $0xffff, v0  }
0x136: {  	v14 =	vsel vm0, v14, v13;
	[tilespmem:v2+s26+$0x0] =	vst.idx.msk $0xffff, v47;
	v2 =	vsel vm0, v4, v15  }
0x137: {  	v6 =	vcombine.low v2, v14;
	v2 =	vld [tilespmem:$0x1FDF0]  }
0x138: {  	v15 =	vor.u32 v10, v1;
	v1 =	vld [tilespmem:$0x1FDE0];
	_ =	sdelay $0x2  }
0x139: {  	[tilespmem:$0x1FC20] =	vst v17;
	v3 =	vor.u32 v17, v25;
	v17 =	vmov v55  }
0x13a: {  	v21 =	vor.u32 v10, v21;
	v8 =	vand.u32 $0xFFFFFFF8, v8;
	v0 =	vadd.s32 s10, v17  }
0x13b: {  	v7 =	vor.u32 v10, v7;
	v1 =	vcombine.low v1, v2;
	v2 =	vand.u32 $0xFFFFFFF8, v0;
	v0 =	vld [tilespmem:$0x1FC80]  }
0x13c: {  	v8 =	vor.u32 v10, v8;
	_ =	sdelay $0x1  }
0x13d: {  	[tilespmem:$0x1FC30] =	vst v11  }
0x13e: {  	v4 =	vor.u32 v10, v20;
	[tilespmem:v21+s26+$0x0] =	vst.idx.msk $0xffff, v24  }
0x13f: {  	v38 =	vadd.s32 s10, v46;
	[tilespmem:v7+s26+$0x0] =	vst.idx.msk $0xffff, v58;
	v20 =	vor.u32 v10, v0  }
0x140: {  	v34 =	vand.u32 $0xFFFFFFF8, v38;
	v38 =	vadd.s32 s10, v28;
	v24 =	vor.u32 v6, v25;
	[tilespmem:v8+s26+$0x0] =	vst.idx.msk $0xffff, v42  }
0x141: {  	v11 =	vmov v62;
	v62 =	vand.u32 $0xFFFFFFF8, v38;
	[tilespmem:$0x1FCA0] =	vst v1;
	v38 =	vor.u32 v1, v25;
	v1 =	vld [tilespmem:$0x1FCD0]  }
0x142: {  	[tilespmem:v15+s26+$0x0] =	vst.idx.msk $0xffff, v48  }
0x143: {  	[tilespmem:v4+s26+$0x0] =	vst.idx.msk $0xffff, v57  }
0x144: {  	[tilespmem:v20+s26+$0x0] =	vst.idx.msk $0xffff, v59  }
0x145: {  	v47 =	vld.idx.msk [tilespmem:v24+s20+$0x0], $0xffff  }
0x146: {  	v24 =	vor.u32 v10, v1;
	v1 =	vld [tilespmem:$0x1FCE0]  }
0x147: {  	v36 =	vadd.s32 s10, v26  }
0x148: {  	v63 =	vadd.s32 s10, v30;
	v36 =	vand.u32 $0xFFFFFFF8, v36  }
0x149: {  	v53 =	vor.u32 v10, v36;
	v36 =	vand.u32 $0xFFFFFFF8, v63;
	v37 =	vcombine.low v54, v12  }
0x14a: {  	[tilespmem:$0x1FBE0] =	vst v12;
	v12 =	vadd.s32 s10, v32;
	v55 =	vadd.s32 s10, v41;
	v8 =	vadd.s32 s10, v11  }
0x14b: {  	v59 =	vand.u32 $0xFFFFFFF8, v8;
	v8 =	vor.u32 v10, v23;
	v23 =	vor.u32 v10, v1;
	v1 =	vld [tilespmem:$0x1FD00]  }
0x14c: {  	v63 =	vand.u32 $0xFFFFFFF8, v12;
	v33 =	vand.u32 $0xFFFFFFF8, v55;
	v55 =	vadd.s32 s10, v49  }
0x14d: {  	v9 =	vmovc v60;
	v60 =	vand.u32 $0xFFFFFFF8, v55;
	v55 =	vadd.s32 s10, v61;
	v12 =	vcombine.low v56, v44  }
0x14e: {  	v61 =	vadd.s32 s10, v18;
	v55 =	vand.u32 $0xFFFFFFF8, v55  }
0x14f: {  	v18 =	vor.u32 v29, v25;
	v21 =	vor.u32 v12, v25;
	[tilespmem:$0x1FC90] =	vst v6;
	v6 =	vor.u32 v16, v25  }
0x150: {  	v7 =	vadd.s32 s10, v9;
	v48 =	vor.u32 v37, v25;
	v25 =	vor.u32 v10, v1;
	v1 =	vld [tilespmem:$0x1FD10]  }
0x151: {  	v0 =	vand.u32 $0xFFFFFFF8, v61;
	v61 =	vor.u32 v10, v2;
	v2 =	vadd.s32 s10, v39  }
0x152: {  	v4 =	vadd.s32 s10, v40;
	v58 =	vand.u32 $0xFFFFFFF8, v2;
	v2 =	vadd.s32 s10, v43;
	s10 =	simm.s32 $0x10  }
0x153: {  	[tilespmem:$0x1FCF0] =	vst v37;
	v20 =	vor.u32 v10, v19;
	v19 =	vor.u32 v10, v22;
	v22 =	vmov s10;
	v42 =	vld.idx.msk [tilespmem:v38+s20+$0x0], $0xffff  }
0x154: {  	[tilespmem:$0x1FCB0] =	vst v16;
	v7 =	vand.u32 $0xFFFFFFF8, v7;
	v4 =	vand.u32 $0xFFFFFFF8, v4;
	v43 =	vshll.u32 v22, $0x5;
	v22 =	vld.idx.msk [tilespmem:v6+s20+$0x0], $0xffff  }
0x155: {  	s17 =	simm.s32 $0x2;
	[tilespmem:$0x1FCC0] =	vst v12;
	v2 =	vand.u32 $0xFFFFFFF8, v2;
	v35 =	vld.idx.msk [tilespmem:v18+s20+$0x0], $0xffff;
	v6 =	vor.u32 v27, v43;
	v57 =	vor.u32 v10, v1  }
.LBB2_8:
0x156: {  	_ = 	snop  }
0x157: {  	v9 =	vld [tilespmem:$0x1FDD0]  }
0x158: {  	v21 =	vld.idx.msk [tilespmem:v21+s20+$0x0], $0xffff  }
0x159: {  	v40 =	vld.idx.msk [tilespmem:v3+s20+$0x0], $0xffff  }
0x15a: {  	v48 =	vld.idx.msk [tilespmem:v48+s20+$0x0], $0xffff  }
0x15b: {  	v17 =	vld [tilespmem:$0x1FC50]  }
0x15c: {  	v37 =	vor.u32 v9, v6;
	v9 =	vld.idx.msk [tilespmem:v5+s20+$0x0], $0xffff;
	[tilespmem:v57+s26+$0x0] =	vst.idx.msk $0xffff, v47  }
0x15d: {  	[tilespmem:v45+s26+$0x0] =	vst.idx.msk $0xffff, v35;
	v45 =	vld [tilespmem:$0x1FC60];
	_ =	sdelay $0x2  }
0x15e: {  	v5 =	vld [tilespmem:$0x1FE00];
	[tilespmem:v25+s26+$0x0] =	vst.idx.msk $0xffff, v42  }
0x15f: {  	v1 =	vld [tilespmem:$0x1FD20];
	[tilespmem:v24+s26+$0x0] =	vst.idx.msk $0xffff, v9  }
0x160: {  	s19 =	sshrl.u32 s17, $0x3;
	v25 =	vcombine.low v45, v17;
	[tilespmem:v23+s26+$0x0] =	vst.idx.msk $0xffff, v40;
	v23 =	vcombine.low v17, v45;
	v17 =	vld [tilespmem:$0x1FFF0]  }
0x161: {  	v13 =	vld [tilespmem:$0x1FBE0];
	s19 =	smul.u32 $0x380, s19  }
0x162: {  	s10 =	sadd.s32 $0x10, s10  }
0x163: {  	s19 =	sadd.s32 s19, s10;
	v11 =	vor.u32 v5, v6;
	[tilespmem:v20+s26+$0x0] =	vst.idx.msk $0xffff, v48  }
0x164: {  	v38 =	vcombine.low v50, v52;
	v12 =	vld [tilespmem:$0x1FBC0];
	v16 =	vadd.s32 s19, v31;
	[tilespmem:v19+s26+$0x0] =	vst.idx.msk $0xffff, v21;
	v21 =	vadd.s32 s19, v49  }
0x165: {  	v1 =	vor.u32 v1, v6;
	v5 =	vld [tilespmem:$0x1FBB0];
	[tilespmem:v8+s26+$0x0] =	vst.idx.msk $0xffff, v22;
	v22 =	vand.u32 $0xFFFFFFF8, v21;
	v21 =	vadd.s32 s19, v17  }
0x166: {  	v18 =	vcombine.low v54, v13;
	v13 =	vcombine.low v13, v54;
	v17 =	vand.u32 $0xFFFFFFF8, v21;
	v21 =	vld [tilespmem:$0x1FF80]  }
0x167: {  	v43 =	vcombine.low v44, v56;
	v47 =	vmovc v7;
	v7 =	vand.u32 $0xFFFFFFF8, v16;
	v8 =	vadd.s32 s19, v28;
	v35 =	vld.idx.msk [tilespmem:v37+s20+$0x0], $0xffff  }
0x168: {  	v57 =	vadd.s32 s19, v46;
	v13 =	vor.u32 v13, v6;
	v37 =	vand.u32 $0xFFFFFFF8, v8;
	v8 =	vld.idx.msk [tilespmem:v11+s20+$0x0], $0xffff  }
0x169: {  	v24 =	vor.u32 v43, v6;
	v20 =	vadd.s32 s19, v41;
	v25 =	vor.u32 v25, v6;
	v11 =	vld [tilespmem:$0x1FF90]  }
0x16a: {  	v19 =	vand.u32 $0xFFFFFFF8, v20;
	v20 =	vand.u32 $0xFFFFFFF8, v57;
	v57 =	vor.u32 v10, v51;
	v51 =	vmovc v7;
	v7 =	vld [tilespmem:$0x1FFC0]  }
0x16b: {  	v38 =	vor.u32 v38, v6;
	v5 =	vcombine.low v12, v5;
	v1 =	vld.idx.msk [tilespmem:v1+s20+$0x0], $0xffff;
	v21 =	vadd.s32 s19, v21  }
0x16c: {  	v42 =	vand.u32 $0xFFFFFFF8, v21;
	v21 =	vld [tilespmem:$0x1FCA0]  }
0x16d: {  	v39 =	vor.u32 v29, v6;
	v13 =	vld.idx.msk [tilespmem:v13+s20+$0x0], $0xffff;
	v16 =	vor.u32 v5, v6  }
0x16e: {  	v43 =	vmovc v29;
	v29 =	vmov v27;
	v27 =	vor.u32 v23, v6;
	v23 =	vld.idx.msk [tilespmem:v24+s20+$0x0], $0xffff;
	v11 =	vadd.s32 s19, v11  }
0x16f: {  	v25 =	vld.idx.msk [tilespmem:v25+s20+$0x0], $0xffff;
	v11 =	vand.u32 $0xFFFFFFF8, v11  }
0x170: {  	v36 =	vor.u32 v10, v36;
	v14 =	vadd.s32 s19, v26;
	v45 =	vmovc v61;
	v61 =	vor.u32 v10, v11;
	v11 =	vld.idx.msk [tilespmem:v38+s20+$0x0], $0xffff  }
0x171: {  	v14 =	vand.u32 $0xFFFFFFF8, v14;
	v38 =	vor.u32 v21, v6;
	v21 =	vld [tilespmem:$0x1FFA0]  }
0x172: {  	v3 =	vcombine.low v52, v50;
	v14 =	vor.u32 v10, v14;
	v7 =	vadd.s32 s19, v7;
	v16 =	vld.idx.msk [tilespmem:v16+s20+$0x0], $0xffff  }
0x173: {  	v63 =	vor.u32 v10, v63;
	[tilespmem:v53+s26+$0x0] =	vst.idx.msk $0xffff, v1;
	v53 =	vmov v14;
	v14 =	vand.u32 $0xFFFFFFF8, v7;
	v7 =	vld [tilespmem:$0x1FC90]  }
0x174: {  	v12 =	vcombine.low v56, v44;
	v24 =	vor.u32 v10, v33;
	v5 =	vor.u32 v3, v6;
	v3 =	vld [tilespmem:$0x1FC20]  }
0x175: {  	v1 =	vor.u32 v10, v34;
	[tilespmem:v36+s26+$0x0] =	vst.idx.msk $0xffff, v35;
	v35 =	vor.u32 v10, v60;
	v60 =	vld [tilespmem:$0x1FFD0]  }
0x176: {  	[tilespmem:v57+s26+$0x0] =	vst.idx.msk $0xffff, v8;
	v8 =	vld [tilespmem:$0x1FFE0];
	v48 =	vadd.s32 s19, v21  }
0x177: {  	v21 =	vor.u32 v12, v6;
	v12 =	vand.u32 $0xFFFFFFF8, v48;
	v48 =	vor.u32 v10, v62  }
0x178: {  	v15 =	vadd.s32 s19, v30;
	v40 =	vmov v28;
	v28 =	vor.u32 v7, v6;
	v7 =	vld [tilespmem:$0x1FFB0];
	[tilespmem:v63+s26+$0x0] =	vst.idx.msk $0xffff, v11  }
0x179: {  	v15 =	vand.u32 $0xFFFFFFF8, v15;
	v9 =	vadd.s32 s19, v32;
	v33 =	vmovc v19;
	v19 =	vor.u32 v10, v47;
	[tilespmem:v24+s26+$0x0] =	vst.idx.msk $0xffff, v16  }
0x17a: {  	v9 =	vand.u32 $0xFFFFFFF8, v9;
	v3 =	vor.u32 v3, v6;
	v36 =	vmovc v15;
	v34 =	vadd.s32 s19, v60;
	[tilespmem:v1+s26+$0x0] =	vst.idx.msk $0xffff, v13  }
0x17b: {  	p0 =	sne.s32 s17, $0x3F;
	v24 =	vor.u32 v10, v58;
	v57 =	vadd.s32 s19, v8;
	v8 =	vor.u32 v10, v59;
	[tilespmem:v35+s26+$0x0] =	vst.idx.msk $0xffff, v23  }
.Ltmp3:
0x17c: {  	v63 =	vmovc v9;
	v60 =	vmovc v22;
	v1 =	vmov s10;
	v59 =	vand.u32 $0xFFFFFFF8, v57;
	v23 =	vor.u32 v10, v2;
	[tilespmem:v48+s26+$0x0] =	vst.idx.msk $0xffff, v25;
	(pc) =	sbr.rel @p0 .LBB2_8-.Ltmp3, $4  }
0x17d: {  	v57 =	vor.u32 v10, v55;
	v55 =	vmovc v17;
	v2 =	vmovc v14;
	v1 =	vshll.u32 v1, $0x5;
	v7 =	vadd.s32 s19, v7;
	v47 =	vld.idx.msk [tilespmem:v28+s20+$0x0], $0xffff  }
0x17e: {  	v15 =	vand.u32 $0xFFFFFFF8, v7;
	v7 =	vand.u32 $0xFFFFFFF8, v34;
	v34 =	vmovc v20;
	v25 =	vor.u32 v10, v0;
	v0 =	vmovc v42;
	v42 =	vld.idx.msk [tilespmem:v38+s20+$0x0], $0xffff  }
0x17f: {  	v20 =	vor.u32 v10, v4;
	v62 =	vmovc v37;
	v4 =	vmovc v15;
	v58 =	vmov v12;
	v22 =	vld.idx.msk [tilespmem:v27+s20+$0x0], $0xffff;
	v27 =	vmov v29  }
0x180: {  	s17 =	sadd.s32 $0x1, s17;
	v48 =	vor.u32 v18, v6;
	v28 =	vmovc v40;
	v29 =	vmov v43;
	v35 =	vld.idx.msk [tilespmem:v39+s20+$0x0], $0xffff;
	v6 =	vor.u32 v27, v1  }
0x181: {  	_ =	sdelay $0x3  }
0x182: {  	v1 =	vld.idx.msk [tilespmem:v21+s20+$0x0], $0xffff  }
0x183: {  	v5 =	vld.idx.msk [tilespmem:v5+s20+$0x0], $0xffff  }
0x184: {  	v3 =	vld.idx.msk [tilespmem:v3+s20+$0x0], $0xffff  }
0x185: {  	v9 =	vld.idx.msk [tilespmem:v48+s20+$0x0], $0xffff;
	[tilespmem:v57+s26+$0x0] =	vst.idx.msk $0xffff, v47  }
0x186: {  	v11 =	vld [tilespmem:$0x1FBF0];
	[tilespmem:v45+s26+$0x0] =	vst.idx.msk $0xffff, v35  }
0x187: {  	v12 =	vld [tilespmem:$0x1FC30];
	[tilespmem:v25+s26+$0x0] =	vst.idx.msk $0xffff, v42  }
0x188: {  	v21 =	vld [tilespmem:$0x1FD20];
	[tilespmem:v24+s26+$0x0] =	vst.idx.msk $0xffff, v5  }
0x189: {  	v25 =	vld [tilespmem:$0x1FDD0];
	[tilespmem:v23+s26+$0x0] =	vst.idx.msk $0xffff, v3  }
0x18a: {  	v23 =	vld [tilespmem:$0x1FE00];
	[tilespmem:v20+s26+$0x0] =	vst.idx.msk $0xffff, v9  }
0x18b: {  	v11 =	vor.u32 v11, v6;
	[tilespmem:v19+s26+$0x0] =	vst.idx.msk $0xffff, v1;
	v1 =	vld [tilespmem:$0x1FBD0]  }
0x18c: {  	v13 =	vld [tilespmem:$0x1FC40];
	v12 =	vor.u32 v12, v6  }
0x18d: {  	v9 =	vor.u32 v21, v6;
	[tilespmem:v8+s26+$0x0] =	vst.idx.msk $0xffff, v22;
	v8 =	vld [tilespmem:$0x1FC00]  }
0x18e: {  	v5 =	vor.u32 v25, v6  }
0x18f: {  	v3 =	vor.u32 v23, v6  }
0x190: {  	v11 =	vld.idx.msk [tilespmem:v11+s20+$0x0], $0xffff;
	v1 =	vor.u32 v1, v6  }
0x191: {  	v13 =	vor.u32 v13, v6;
	v12 =	vld.idx.msk [tilespmem:v12+s20+$0x0], $0xffff  }
0x192: {  	v9 =	vld.idx.msk [tilespmem:v9+s20+$0x0], $0xffff;
	v8 =	vor.u32 v8, v6  }
0x193: {  	v14 =	vor.u32 v10, v36;
	v5 =	vld.idx.msk [tilespmem:v5+s20+$0x0], $0xffff  }
0x194: {  	v15 =	vor.u32 v10, v51;
	v3 =	vld.idx.msk [tilespmem:v3+s20+$0x0], $0xffff  }
0x195: {  	v16 =	vor.u32 v10, v63;
	v1 =	vld.idx.msk [tilespmem:v1+s20+$0x0], $0xffff  }
0x196: {  	v13 =	vld.idx.msk [tilespmem:v13+s20+$0x0], $0xffff  }
0x197: {  	v17 =	vor.u32 v10, v33;
	v8 =	vld.idx.msk [tilespmem:v8+s20+$0x0], $0xffff;
	[tilespmem:v53+s26+$0x0] =	vst.idx.msk $0xffff, v9  }
0x198: {  	v38 =	vld [tilespmem:$0x1FCB0];
	v9 =	vor.u32 v10, v34;
	[tilespmem:v14+s26+$0x0] =	vst.idx.msk $0xffff, v5  }
0x199: {  	v54 =	vld [tilespmem:$0x1FCC0];
	[tilespmem:v15+s26+$0x0] =	vst.idx.msk $0xffff, v3  }
0x19a: {  	[tilespmem:v16+s26+$0x0] =	vst.idx.msk $0xffff, v1;
	v1 =	vld [tilespmem:$0x1FC90]  }
0x19b: {  	v5 =	vor.u32 v10, v60  }
0x19c: {  	v3 =	vor.u32 v10, v62;
	[tilespmem:v17+s26+$0x0] =	vst.idx.msk $0xffff, v8;
	v17 =	vld [tilespmem:$0x1FCA0]  }
0x19d: {  	v40 =	vld [tilespmem:$0x1FC10];
	[tilespmem:v9+s26+$0x0] =	vst.idx.msk $0xffff, v12;
	v9 =	vor.u32 v38, v6  }
0x19e: {  	v24 =	vld [tilespmem:$0x1FC20];
	v12 =	vor.u32 v54, v6  }
0x19f: {  	v39 =	vld [tilespmem:$0x1FCF0];
	v1 =	vor.u32 v1, v6  }
0x1a0: {  	[tilespmem:v5+s26+$0x0] =	vst.idx.msk $0xffff, v13;
	v5 =	vor.u32 v29, v6  }
0x1a1: {  	[tilespmem:v3+s26+$0x0] =	vst.idx.msk $0xffff, v11;
	v8 =	vor.u32 v17, v6  }
0x1a2: {  	v3 =	vor.u32 v40, v6;
	v9 =	vld.idx.msk [tilespmem:v9+s20+$0x0], $0xffff  }
0x1a3: {  	v11 =	vor.u32 v24, v6;
	v12 =	vld.idx.msk [tilespmem:v12+s20+$0x0], $0xffff  }
0x1a4: {  	v56 =	vor.u32 v10, v55;
	v6 =	vor.u32 v39, v6;
	v1 =	vld.idx.msk [tilespmem:v1+s20+$0x0], $0xffff  }
0x1a5: {  	v5 =	vld.idx.msk [tilespmem:v5+s20+$0x0], $0xffff  }
0x1a6: {  	v0 =	vor.u32 v10, v0;
	v8 =	vld.idx.msk [tilespmem:v8+s20+$0x0], $0xffff  }
0x1a7: {  	v57 =	vor.u32 v10, v58;
	v3 =	vld.idx.msk [tilespmem:v3+s20+$0x0], $0xffff  }
0x1a8: {  	v2 =	vor.u32 v10, v2;
	v11 =	vld.idx.msk [tilespmem:v11+s20+$0x0], $0xffff  }
0x1a9: {  	v4 =	vor.u32 v10, v4;
	v6 =	vld.idx.msk [tilespmem:v6+s20+$0x0], $0xffff;
	[tilespmem:v56+s26+$0x0] =	vst.idx.msk $0xffff, v1  }
0x1aa: {  	v1 =	vor.u32 v10, v7;
	[tilespmem:v61+s26+$0x0] =	vst.idx.msk $0xffff, v5  }
0x1ab: {  	v5 =	vor.u32 v10, v59;
	[tilespmem:v0+s26+$0x0] =	vst.idx.msk $0xffff, v8  }
0x1ac: {  	[tilespmem:v57+s26+$0x0] =	vst.idx.msk $0xffff, v3  }
0x1ad: {  	[tilespmem:v2+s26+$0x0] =	vst.idx.msk $0xffff, v11  }
0x1ae: {  	s10 =	sadd.s32 s13, s8;
	[tilespmem:v4+s26+$0x0] =	vst.idx.msk $0xffff, v6  }
0x1af: {  	s17 =	sadd.s32 s14, s8;
	s10 =	sshrl.u32 s10, $0x3;
	[tilespmem:v1+s26+$0x0] =	vst.idx.msk $0xffff, v12  }
0x1b0: {  	s8 =	sshrl.u32 s17, $0x3;
	s10 =	sadd.s32 s5, s10;
	[tilespmem:v5+s26+$0x0] =	vst.idx.msk $0xffff, v9  }
0x1b1: {  	[hbm4b:s10+s2] =	stream.linear.scatter [tilespmem:s26], [sflag:$0x6], $0x2000, $0x38;
	[tilespmem:$0x18800] =	vst v63  }
0x1b2: {  	p0 =	sne.s32 s0, $0x31;
	s8 =	sadd.s32 s5, s8  }
0x1b3: {  	[hbm4b:s8+s2] =	stream.linear.scatter [tilespmem:s28], [sflag:$0x6], $0x2000, $0x38;
	[tilespmem:$0x18800] =	vst v63  }
0x1b4: {  	s8 =	simm.s32 @p0 $0x1  }
0x1b5: {  	_ =	swait.ge @p0 [sflag:s8], $0x400  }
0x1b6: {  	s17 =	simm.s32 @p0 $0x800;
	[sflag:s8] =	ssyncset.done @p0 $0x0  }
0x1b7: {  	s10 =	simm.s32 @p0 $0x0;
	[sflag:s8] =	ssyncadd.s32 @p0 $0xFFFFFC00;
	s8 =	simm.s32 @p0 $0x400  }
0x1b8: {  	[tilespmem:s17], [sflag:$0x3] =	stream.indirect.gather @p0 [hbm4b:s1+s8], $0x20, s10, s8, $0xb8;
	[tilespmem:$0x18800] =	vst v63  }
0x1b9: {  	s17 =	sadd.s32 @p0 s3, s15  }
0x1ba: {  	s19 =	simm.s32 @p0 $0x4;
	s17 =	sshll.u32 @p0 s17, $0xE  }
0x1bb: {  	_ =	swait.ge @p0 [sflag:s19], $0x8000;
	s17 =	sadd.s32 @p0 s6, s17  }
0x1bc: {  	[sflag:s19] =	ssyncset.done @p0 $0x0;
	s17 =	sshrl.u32 @p0 s17, $0x3  }
0x1bd: {  	[sflag:s19] =	ssyncadd.s32 @p0 $0xFFFF8000;
	s17 =	sadd.s32 @p0 s4, s17  }
0x1be: {  	[tilespmem:s8], [sflag:$0x2] =	stream.linear.gather @p0 [hbm4b:s17+s10], $0x400, $0x38;
	[tilespmem:$0x18800] =	vst v63  }
0x1bf: {  	s8 =	simm.s32 @!p0 $0x4  }
0x1c0: {  	_ =	swait.ge @!p0 [sflag:s8], $0x8000  }
0x1c1: {  	[sflag:s8] =	ssyncset.done @!p0 $0x0  }
0x1c2: {  	[sflag:s8] =	ssyncadd.s32 @!p0 $0xFFFF8000  }
0x1c3: {  	_ =	swait.ge [sflag:s29], $0x2000  }
0x1c4: {  	[sflag:s29] =	ssyncset.done $0x0  }
0x1c5: {  	[sflag:s29] =	ssyncadd.s32 $0xFFFFE000  }
0x1c6: {  	v33 =	vld [tilespmem:$0x1FE90];
	_ =	swait.ge [sflag:s29], $0x2000  }
0x1c7: {  	v35 =	vld [tilespmem:$0x1FEA0]  }
0x1c8: {  	v36 =	vld [tilespmem:$0x1FEB0]  }
0x1c9: {  	v42 =	vld [tilespmem:$0x1FEC0]  }
0x1ca: {  	v44 =	vld [tilespmem:$0x1FEE0]  }
0x1cb: {  	v37 =	vld [tilespmem:$0x1FED0]  }
0x1cc: {  	s19 =	simm.s32 $0x0;
	v45 =	vld [tilespmem:$0x1FEF0]  }
0x1cd: {  	v0 =	vmov s19;
	v50 =	vld [tilespmem:$0x1FF20]  }
0x1ce: {  	s31 =	simm.s32 $0x0;
	v0 =	vshll.u32 v0, $0x5;
	v48 =	vld [tilespmem:$0x1FF10]  }
0x1cf: {  	v34 =	vlaneseq.u32;
	v0 =	vor.u32 v27, v0;
	s8 =	smul.u32 $0x380, s31;
	v47 =	vld [tilespmem:$0x1FF00]  }
0x1d0: {  	v1 =	vor.u32 v34, v0;
	v51 =	vld [tilespmem:$0x1FF30]  }
0x1d1: {  	s8 =	sadd.s32 $0x0, s8;
	v52 =	vld [tilespmem:$0x1FF40];
	v2 =	vor.u32 v33, v0  }
0x1d2: {  	v61 =	vadd.s32 s8, v46;
	v53 =	vld [tilespmem:$0x1FF50];
	v3 =	vor.u32 v35, v0  }
0x1d3: {  	v15 =	vand.u32 $0xFFFFFFF8, v61;
	[sflag:s29] =	ssyncset.done $0x0;
	v61 =	vld [tilespmem:$0x1FFF0];
	v4 =	vor.u32 v36, v0  }
0x1d4: {  	v54 =	vld [tilespmem:$0x1FF70];
	[sflag:s29] =	ssyncadd.s32 $0xFFFFE000;
	v5 =	vor.u32 v42, v0  }
0x1d5: {  	v8 =	vadd.s32 s8, v26;
	v11 =	vadd.s32 s8, v30;
	v1 =	vld.idx.msk [tilespmem:v1+s21+$0x0], $0xffff;
	v6 =	vor.u32 v44, v0  }
0x1d6: {  	v58 =	vadd.s32 s8, v31;
	v8 =	vand.u32 $0xFFFFFFF8, v8;
	v7 =	vor.u32 v37, v0;
	v2 =	vld.idx.msk [tilespmem:v2+s21+$0x0], $0xffff  }
0x1d7: {  	v11 =	vand.u32 $0xFFFFFFF8, v11;
	v8 =	vor.u32 v10, v8;
	v9 =	vor.u32 v45, v0;
	v3 =	vld.idx.msk [tilespmem:v3+s21+$0x0], $0xffff  }
0x1d8: {  	v59 =	vadd.s32 s8, v32;
	v12 =	vand.u32 $0xFFFFFFF8, v58;
	v11 =	vor.u32 v10, v11;
	v4 =	vld.idx.msk [tilespmem:v4+s21+$0x0], $0xffff  }
0x1d9: {  	v60 =	vadd.s32 s8, v41;
	v13 =	vand.u32 $0xFFFFFFF8, v59;
	v12 =	vor.u32 v10, v12;
	v5 =	vld.idx.msk [tilespmem:v5+s21+$0x0], $0xffff  }
0x1da: {  	v14 =	vand.u32 $0xFFFFFFF8, v60;
	v13 =	vor.u32 v10, v13;
	v6 =	vld.idx.msk [tilespmem:v6+s21+$0x0], $0xffff  }
0x1db: {  	v16 =	vadd.s32 s8, v49;
	v14 =	vor.u32 v10, v14;
	v7 =	vld.idx.msk [tilespmem:v7+s21+$0x0], $0xffff  }
0x1dc: {  	v15 =	vor.u32 v10, v15;
	v9 =	vld.idx.msk [tilespmem:v9+s21+$0x0], $0xffff;
	[tilespmem:v8+s23+$0x0] =	vst.idx.msk $0xffff, v1;
	v1 =	vand.u32 $0xFFFFFFF8, v16;
	v8 =	vadd.s32 s8, v28  }
0x1dd: {  	v55 =	vld [tilespmem:$0x1FF90];
	v8 =	vand.u32 $0xFFFFFFF8, v8;
	v1 =	vor.u32 v10, v1;
	[tilespmem:v11+s23+$0x0] =	vst.idx.msk $0xffff, v2  }
0x1de: {  	v29 =	vld [tilespmem:$0x1FF60];
	v2 =	vor.u32 v10, v8;
	[tilespmem:v12+s23+$0x0] =	vst.idx.msk $0xffff, v3  }
0x1df: {  	v56 =	vld [tilespmem:$0x1FF80];
	v3 =	vor.u32 v50, v0;
	[tilespmem:v13+s23+$0x0] =	vst.idx.msk $0xffff, v4  }
0x1e0: {  	v57 =	vld [tilespmem:$0x1FFA0];
	v4 =	vor.u32 v48, v0;
	[tilespmem:v14+s23+$0x0] =	vst.idx.msk $0xffff, v5  }
0x1e1: {  	v58 =	vld [tilespmem:$0x1FFC0];
	v5 =	vor.u32 v47, v0;
	[tilespmem:v15+s23+$0x0] =	vst.idx.msk $0xffff, v7  }
0x1e2: {  	v59 =	vld [tilespmem:$0x1FFB0];
	[tilespmem:v1+s23+$0x0] =	vst.idx.msk $0xffff, v6;
	v1 =	vor.u32 v51, v0  }
0x1e3: {  	v60 =	vld [tilespmem:$0x1FFD0];
	[tilespmem:v2+s23+$0x0] =	vst.idx.msk $0xffff, v9  }
0x1e4: {  	v2 =	vor.u32 v52, v0;
	v7 =	vld.idx.msk [tilespmem:v3+s21+$0x0], $0xffff  }
0x1e5: {  	v62 =	vadd.s32 s8, v56;
	v6 =	vadd.s32 s8, v61;
	v3 =	vor.u32 v53, v0;
	v8 =	vld.idx.msk [tilespmem:v4+s21+$0x0], $0xffff  }
0x1e6: {  	v9 =	vor.u32 v54, v0;
	v4 =	vand.u32 $0xFFFFFFF8, v6;
	v6 =	vadd.s32 s8, v55;
	v11 =	vld.idx.msk [tilespmem:v5+s21+$0x0], $0xffff  }
0x1e7: {  	v0 =	vor.u32 v29, v0;
	v6 =	vand.u32 $0xFFFFFFF8, v6;
	v13 =	vor.u32 v10, v4;
	v5 =	vld.idx.msk [tilespmem:v1+s21+$0x0], $0xffff  }
0x1e8: {  	v12 =	vor.u32 v10, v6;
	v1 =	vand.u32 $0xFFFFFFF8, v62;
	v62 =	vld [tilespmem:$0x1FFE0]  }
0x1e9: {  	v4 =	vld.idx.msk [tilespmem:v2+s21+$0x0], $0xffff;
	v1 =	vor.u32 v10, v1  }
0x1ea: {  	v2 =	vadd.s32 s8, v57;
	v3 =	vld.idx.msk [tilespmem:v3+s21+$0x0], $0xffff  }
0x1eb: {  	v63 =	vadd.s32 s8, v60;
	v6 =	vadd.s32 s8, v58;
	v14 =	vand.u32 $0xFFFFFFF8, v2;
	v2 =	vld.idx.msk [tilespmem:v9+s21+$0x0], $0xffff  }
0x1ec: {  	v16 =	vand.u32 $0xFFFFFFF8, v6;
	v9 =	vadd.s32 s8, v59;
	v6 =	vld.idx.msk [tilespmem:v0+s21+$0x0], $0xffff;
	[tilespmem:v13+s23+$0x0] =	vst.idx.msk $0xffff, v11;
	v20 =	vor.u32 v10, v14  }
0x1ed: {  	v19 =	vor.u32 v10, v16;
	v0 =	vand.u32 $0xFFFFFFF8, v9;
	[tilespmem:v12+s23+$0x0] =	vst.idx.msk $0xffff, v8;
	v11 =	vadd.s32 s8, v62;
	s8 =	simm.s32 $0x10  }
0x1ee: {  	v9 =	vand.u32 $0xFFFFFFF8, v63;
	v8 =	vmov s8;
	[tilespmem:v1+s23+$0x0] =	vst.idx.msk $0xffff, v7;
	v7 =	vor.u32 v10, v0  }
0x1ef: {  	v11 =	vand.u32 $0xFFFFFFF8, v11;
	v0 =	vshll.u32 v8, $0x5;
	v8 =	vor.u32 v10, v9  }
0x1f0: {  	v22 =	vmovc v25;
	v25 =	vmov v17;
	s10 =	simm.s32 $0x1;
	s17 =	simm.s32 $0x2;
	v18 =	vor.u32 v10, v11;
	v0 =	vor.u32 v27, v0  }
.LBB2_10:
0x1f1: {  	p0 =	sne.s32 s17, $0x3F;
	v1 =	vor.u32 v34, v0;
	[tilespmem:v20+s23+$0x0] =	vst.idx.msk $0xffff, v5;
	s19 =	smov.u32 s17;
	s17 =	sadd.s32 $0x1, s17  }
0x1f2: {  	v5 =	vor.u32 v33, v0;
	[tilespmem:v19+s23+$0x0] =	vst.idx.msk $0xffff, v4  }
0x1f3: {  	s31 =	sshrl.u32 s10, $0x3;
	v4 =	vor.u32 v35, v0;
	s10 =	smov.u32 s19;
	[tilespmem:v7+s23+$0x0] =	vst.idx.msk $0xffff, v3  }
0x1f4: {  	s19 =	smul.u32 $0x380, s31;
	v3 =	vor.u32 v36, v0;
	[tilespmem:v8+s23+$0x0] =	vst.idx.msk $0xffff, v6  }
0x1f5: {  	v6 =	vor.u32 v42, v0;
	[tilespmem:v18+s23+$0x0] =	vst.idx.msk $0xffff, v2  }
0x1f6: {  	v7 =	vor.u32 v45, v0;
	s19 =	sadd.s32 s19, s8;
	v2 =	vor.u32 v44, v0;
	v1 =	vld.idx.msk [tilespmem:v1+s21+$0x0], $0xffff  }
0x1f7: {  	v8 =	vor.u32 v37, v0;
	v9 =	vadd.s32 s19, v26;
	v11 =	vadd.s32 s19, v30;
	v5 =	vld.idx.msk [tilespmem:v5+s21+$0x0], $0xffff  }
0x1f8: {  	v12 =	vadd.s32 s19, v31;
	v9 =	vand.u32 $0xFFFFFFF8, v9;
	v11 =	vand.u32 $0xFFFFFFF8, v11;
	v4 =	vld.idx.msk [tilespmem:v4+s21+$0x0], $0xffff  }
0x1f9: {  	v13 =	vadd.s32 s19, v32;
	v12 =	vand.u32 $0xFFFFFFF8, v12;
	v9 =	vor.u32 v10, v9;
	v3 =	vld.idx.msk [tilespmem:v3+s21+$0x0], $0xffff  }
0x1fa: {  	v14 =	vadd.s32 s19, v41;
	v13 =	vand.u32 $0xFFFFFFF8, v13;
	v11 =	vor.u32 v10, v11;
	v6 =	vld.idx.msk [tilespmem:v6+s21+$0x0], $0xffff  }
0x1fb: {  	v15 =	vadd.s32 s19, v46;
	v14 =	vand.u32 $0xFFFFFFF8, v14;
	v12 =	vor.u32 v10, v12;
	v2 =	vld.idx.msk [tilespmem:v2+s21+$0x0], $0xffff  }
0x1fc: {  	v16 =	vadd.s32 s19, v49;
	v15 =	vand.u32 $0xFFFFFFF8, v15;
	v13 =	vor.u32 v10, v13;
	v8 =	vld.idx.msk [tilespmem:v8+s21+$0x0], $0xffff  }
0x1fd: {  	v17 =	vadd.s32 s19, v28;
	v16 =	vand.u32 $0xFFFFFFF8, v16;
	v14 =	vor.u32 v10, v14;
	v7 =	vld.idx.msk [tilespmem:v7+s21+$0x0], $0xffff  }
0x1fe: {  	[tilespmem:v9+s23+$0x0] =	vst.idx.msk $0xffff, v1;
	v1 =	vor.u32 v10, v15;
	v9 =	vand.u32 $0xFFFFFFF8, v17;
	v15 =	vadd.s32 s19, v61  }
0x1ff: {  	[tilespmem:v11+s23+$0x0] =	vst.idx.msk $0xffff, v5;
	v5 =	vor.u32 v10, v16;
	v11 =	vand.u32 $0xFFFFFFF8, v15;
	v15 =	vadd.s32 s19, v55  }
0x200: {  	[tilespmem:v12+s23+$0x0] =	vst.idx.msk $0xffff, v4;
	v4 =	vor.u32 v10, v9;
	v9 =	vand.u32 $0xFFFFFFF8, v15;
	v12 =	vadd.s32 s19, v56  }
0x201: {  	[tilespmem:v13+s23+$0x0] =	vst.idx.msk $0xffff, v3;
	v3 =	vor.u32 v50, v0;
	v12 =	vand.u32 $0xFFFFFFF8, v12;
	v13 =	vadd.s32 s19, v57  }
0x202: {  	[tilespmem:v14+s23+$0x0] =	vst.idx.msk $0xffff, v6;
	v6 =	vor.u32 v47, v0;
	v14 =	vor.u32 v48, v0;
	v13 =	vand.u32 $0xFFFFFFF8, v13  }
0x203: {  	v15 =	vadd.s32 s19, v60;
	[tilespmem:v1+s23+$0x0] =	vst.idx.msk $0xffff, v8;
	v1 =	vadd.s32 s19, v58;
	v8 =	vadd.s32 s19, v59  }
0x204: {  	[tilespmem:v5+s23+$0x0] =	vst.idx.msk $0xffff, v2;
	v2 =	vor.u32 v51, v0;
	v1 =	vand.u32 $0xFFFFFFF8, v1;
	v8 =	vand.u32 $0xFFFFFFF8, v8  }
0x205: {  	v15 =	vand.u32 $0xFFFFFFF8, v15;
	v5 =	vadd.s32 s19, v62;
	[tilespmem:v4+s23+$0x0] =	vst.idx.msk $0xffff, v7;
	v4 =	vor.u32 v52, v0  }
0x206: {  	v17 =	vand.u32 $0xFFFFFFF8, v5;
	v16 =	vld.idx.msk [tilespmem:v3+s21+$0x0], $0xffff;
	v3 =	vor.u32 v53, v0  }
0x207: {  	v7 =	vor.u32 v54, v0;
	v14 =	vld.idx.msk [tilespmem:v14+s21+$0x0], $0xffff  }
0x208: {  	v11 =	vor.u32 v10, v11;
	v0 =	vor.u32 v29, v0;
	v18 =	vld.idx.msk [tilespmem:v6+s21+$0x0], $0xffff  }
0x209: {  	v9 =	vor.u32 v10, v9;
	v5 =	vld.idx.msk [tilespmem:v2+s21+$0x0], $0xffff  }
0x20a: {  	v12 =	vor.u32 v10, v12;
	v4 =	vld.idx.msk [tilespmem:v4+s21+$0x0], $0xffff  }
0x20b: {  	v20 =	vor.u32 v10, v13;
	v3 =	vld.idx.msk [tilespmem:v3+s21+$0x0], $0xffff  }
.Ltmp4:
0x20c: {  	v19 =	vor.u32 v10, v1;
	v2 =	vld.idx.msk [tilespmem:v7+s21+$0x0], $0xffff;
	(pc) =	sbr.rel @p0 .LBB2_10-.Ltmp4, $4  }
0x20d: {  	s8 =	sadd.s32 $0x10, s8;
	v7 =	vor.u32 v10, v8;
	v6 =	vld.idx.msk [tilespmem:v0+s21+$0x0], $0xffff  }
0x20e: {  	v8 =	vor.u32 v10, v15;
	v0 =	vmov s8;
	[tilespmem:v11+s23+$0x0] =	vst.idx.msk $0xffff, v18  }
0x20f: {  	v0 =	vshll.u32 v0, $0x5;
	v18 =	vor.u32 v10, v17;
	[tilespmem:v9+s23+$0x0] =	vst.idx.msk $0xffff, v14  }
0x210: {  	v0 =	vor.u32 v27, v0;
	[tilespmem:v12+s23+$0x0] =	vst.idx.msk $0xffff, v16  }
0x211: {  	_ =	sdelay $0x3  }
0x212: {  	v1 =	vor.u32 v34, v0;
	[tilespmem:v20+s23+$0x0] =	vst.idx.msk $0xffff, v5  }
0x213: {  	v5 =	vor.u32 v33, v0;
	s10 =	sshrl.u32 s10, $0x3;
	[tilespmem:v19+s23+$0x0] =	vst.idx.msk $0xffff, v4  }
0x214: {  	v9 =	vor.u32 v45, v0;
	s10 =	smul.u32 $0x380, s10;
	[tilespmem:v7+s23+$0x0] =	vst.idx.msk $0xffff, v3  }
0x215: {  	v4 =	vor.u32 v35, v0;
	[tilespmem:v8+s23+$0x0] =	vst.idx.msk $0xffff, v6  }
0x216: {  	v3 =	vor.u32 v36, v0;
	s8 =	sadd.s32 s10, s8;
	[tilespmem:v18+s23+$0x0] =	vst.idx.msk $0xffff, v2  }
0x217: {  	v7 =	vor.u32 v37, v0;
	v6 =	vor.u32 v42, v0;
	v8 =	vadd.s32 s8, v26;
	v1 =	vld.idx.msk [tilespmem:v1+s21+$0x0], $0xffff  }
0x218: {  	v2 =	vor.u32 v44, v0;
	v11 =	vadd.s32 s8, v30;
	v5 =	vld.idx.msk [tilespmem:v5+s21+$0x0], $0xffff;
	v8 =	vand.u32 $0xFFFFFFF8, v8  }
0x219: {  	v12 =	vadd.s32 s8, v31;
	v11 =	vand.u32 $0xFFFFFFF8, v11;
	v9 =	vld.idx.msk [tilespmem:v9+s21+$0x0], $0xffff;
	v8 =	vor.u32 v10, v8  }
0x21a: {  	v13 =	vadd.s32 s8, v32;
	v12 =	vand.u32 $0xFFFFFFF8, v12;
	v4 =	vld.idx.msk [tilespmem:v4+s21+$0x0], $0xffff;
	v11 =	vor.u32 v10, v11  }
0x21b: {  	v14 =	vadd.s32 s8, v41;
	v13 =	vand.u32 $0xFFFFFFF8, v13;
	v12 =	vor.u32 v10, v12;
	v3 =	vld.idx.msk [tilespmem:v3+s21+$0x0], $0xffff  }
0x21c: {  	v15 =	vadd.s32 s8, v46;
	v14 =	vand.u32 $0xFFFFFFF8, v14;
	v13 =	vor.u32 v10, v13;
	v7 =	vld.idx.msk [tilespmem:v7+s21+$0x0], $0xffff  }
0x21d: {  	v16 =	vadd.s32 s8, v49;
	v15 =	vand.u32 $0xFFFFFFF8, v15;
	v14 =	vor.u32 v10, v14;
	v6 =	vld.idx.msk [tilespmem:v6+s21+$0x0], $0xffff  }
0x21e: {  	v16 =	vand.u32 $0xFFFFFFF8, v16;
	v2 =	vld.idx.msk [tilespmem:v2+s21+$0x0], $0xffff;
	[tilespmem:v8+s23+$0x0] =	vst.idx.msk $0xffff, v1;
	v1 =	vadd.s32 s8, v28;
	v8 =	vor.u32 v10, v15  }
0x21f: {  	v1 =	vand.u32 $0xFFFFFFF8, v1;
	[tilespmem:v11+s23+$0x0] =	vst.idx.msk $0xffff, v5;
	v5 =	vor.u32 v10, v16  }
0x220: {  	[tilespmem:v12+s23+$0x0] =	vst.idx.msk $0xffff, v4;
	v1 =	vor.u32 v10, v1  }
0x221: {  	[tilespmem:v13+s23+$0x0] =	vst.idx.msk $0xffff, v3;
	v3 =	vor.u32 v50, v0  }
0x222: {  	v4 =	vor.u32 v48, v0;
	[tilespmem:v14+s23+$0x0] =	vst.idx.msk $0xffff, v6  }
0x223: {  	v6 =	vor.u32 v47, v0;
	[tilespmem:v8+s23+$0x0] =	vst.idx.msk $0xffff, v7  }
0x224: {  	v8 =	vor.u32 v54, v0;
	[tilespmem:v5+s23+$0x0] =	vst.idx.msk $0xffff, v2  }
0x225: {  	v2 =	vor.u32 v51, v0;
	[tilespmem:v1+s23+$0x0] =	vst.idx.msk $0xffff, v9  }
0x226: {  	v11 =	vadd.s32 s8, v56;
	v7 =	vadd.s32 s8, v61;
	v5 =	vor.u32 v53, v0;
	v3 =	vld.idx.msk [tilespmem:v3+s21+$0x0], $0xffff  }
0x227: {  	v7 =	vand.u32 $0xFFFFFFF8, v7;
	v1 =	vor.u32 v52, v0;
	v9 =	vadd.s32 s8, v55;
	v4 =	vld.idx.msk [tilespmem:v4+s21+$0x0], $0xffff  }
0x228: {  	v0 =	vor.u32 v29, v0;
	v7 =	vor.u32 v10, v7;
	v9 =	vand.u32 $0xFFFFFFF8, v9;
	v6 =	vld.idx.msk [tilespmem:v6+s21+$0x0], $0xffff  }
0x229: {  	v34 =	vadd.s32 s8, v57;
	v11 =	vand.u32 $0xFFFFFFF8, v11;
	v9 =	vor.u32 v10, v9;
	v8 =	vld.idx.msk [tilespmem:v8+s21+$0x0], $0xffff  }
0x22a: {  	v35 =	vadd.s32 s8, v58;
	v12 =	vand.u32 $0xFFFFFFF8, v34;
	v11 =	vor.u32 v10, v11;
	v2 =	vld.idx.msk [tilespmem:v2+s21+$0x0], $0xffff  }
0x22b: {  	v36 =	vadd.s32 s8, v59;
	v13 =	vand.u32 $0xFFFFFFF8, v35;
	v12 =	vor.u32 v10, v12;
	v5 =	vld.idx.msk [tilespmem:v5+s21+$0x0], $0xffff  }
0x22c: {  	v15 =	vadd.s32 s8, v60;
	v14 =	vand.u32 $0xFFFFFFF8, v36;
	v13 =	vor.u32 v10, v13;
	v1 =	vld.idx.msk [tilespmem:v1+s21+$0x0], $0xffff  }
0x22d: {  	v15 =	vand.u32 $0xFFFFFFF8, v15;
	v16 =	vadd.s32 s8, v62;
	v14 =	vor.u32 v10, v14;
	v0 =	vld.idx.msk [tilespmem:v0+s21+$0x0], $0xffff;
	[tilespmem:v7+s23+$0x0] =	vst.idx.msk $0xffff, v6  }
0x22e: {  	v6 =	vand.u32 $0xFFFFFFF8, v16;
	v7 =	vor.u32 v10, v15;
	[tilespmem:v9+s23+$0x0] =	vst.idx.msk $0xffff, v4  }
0x22f: {  	v4 =	vor.u32 v10, v6;
	[tilespmem:v11+s23+$0x0] =	vst.idx.msk $0xffff, v3  }
0x230: {  	s3 =	sadd.s32 s3, s16;
	[tilespmem:v12+s23+$0x0] =	vst.idx.msk $0xffff, v2  }
0x231: {  	s3 =	sshll.u32 s3, $0x13;
	[tilespmem:v13+s23+$0x0] =	vst.idx.msk $0xffff, v1  }
0x232: {  	s10 =	sadd.s32 s9, s3;
	[tilespmem:v14+s23+$0x0] =	vst.idx.msk $0xffff, v5  }
0x233: {  	s8 =	sshrl.u32 s10, $0x3;
	[tilespmem:v7+s23+$0x0] =	vst.idx.msk $0xffff, v0  }
0x234: {  	s17 =	simm.s32 $0x0;
	s19 =	sadd.s32 s12, s3;
	s8 =	sadd.s32 s5, s8;
	[tilespmem:v4+s23+$0x0] =	vst.idx.msk $0xffff, v8  }
0x235: {  	[hbm4b:s8+s17] =	stream.linear.scatter [tilespmem:s23], [sflag:$0x5], $0x2000, $0x38;
	[tilespmem:$0x18800] =	vst v63  }
0x236: {  	s8 =	sshrl.u32 s19, $0x3  }
0x237: {  	s8 =	sadd.s32 s5, s8  }
0x238: {  	[hbm4b:s8+s17] =	stream.linear.scatter [tilespmem:s24], [sflag:$0x5], $0x2000, $0x38;
	[tilespmem:$0x18800] =	vst v63  }
0x239: {  	_ =	swait.ge [sflag:s30], $0x2000  }
0x23a: {  	[sflag:s30] =	ssyncset.done $0x0  }
0x23b: {  	[sflag:s30] =	ssyncadd.s32 $0xFFFFE000  }
0x23c: {  	v0 =	vmov s17;
	_ =	swait.ge [sflag:s30], $0x2000  }
0x23d: {  	v0 =	vshll.u32 v0, $0x5;
	v63 =	vld [tilespmem:$0x1FBD0]  }
0x23e: {  	s31 =	simm.s32 $0x0;
	v0 =	vor.u32 v27, v0;
	v17 =	vld [tilespmem:$0x1FC00]  }
0x23f: {  	v1 =	vor.u32 v21, v0;
	s8 =	smul.u32 $0x380, s31;
	v35 =	vld [tilespmem:$0x1FC40]  }
0x240: {  	v2 =	vor.u32 v22, v0;
	v34 =	vld [tilespmem:$0x1FC30]  }
0x241: {  	v3 =	vor.u32 v23, v0;
	s8 =	sadd.s32 $0x0, s8;
	v36 =	vld [tilespmem:$0x1FBF0]  }
0x242: {  	v33 =	vadd.s32 s8, v32;
	[sflag:s30] =	ssyncset.done $0x0;
	v4 =	vor.u32 v63, v0  }
0x243: {  	v13 =	vand.u32 $0xFFFFFFF8, v33;
	v33 =	vld [tilespmem:$0x1FC90];
	[sflag:s30] =	ssyncadd.s32 $0xFFFFE000;
	v5 =	vor.u32 v17, v0  }
0x244: {  	v8 =	vadd.s32 s8, v26;
	v11 =	vadd.s32 s8, v30;
	v1 =	vld.idx.msk [tilespmem:v1+s21+$0x0], $0xffff;
	v6 =	vor.u32 v35, v0  }
0x245: {  	v42 =	vadd.s32 s8, v31;
	v8 =	vand.u32 $0xFFFFFFF8, v8;
	v2 =	vld.idx.msk [tilespmem:v2+s21+$0x0], $0xffff;
	v7 =	vor.u32 v34, v0  }
0x246: {  	v11 =	vand.u32 $0xFFFFFFF8, v11;
	v8 =	vor.u32 v10, v8;
	v3 =	vld.idx.msk [tilespmem:v3+s21+$0x0], $0xffff;
	v9 =	vor.u32 v36, v0  }
0x247: {  	v12 =	vand.u32 $0xFFFFFFF8, v42;
	v11 =	vor.u32 v10, v11;
	v4 =	vld.idx.msk [tilespmem:v4+s21+$0x0], $0xffff  }
0x248: {  	v42 =	vadd.s32 s8, v41;
	v12 =	vor.u32 v10, v12;
	v5 =	vld.idx.msk [tilespmem:v5+s21+$0x0], $0xffff  }
0x249: {  	v15 =	vadd.s32 s8, v46;
	v14 =	vand.u32 $0xFFFFFFF8, v42;
	v13 =	vor.u32 v10, v13;
	v6 =	vld.idx.msk [tilespmem:v6+s21+$0x0], $0xffff  }
0x24a: {  	v16 =	vadd.s32 s8, v49;
	v15 =	vand.u32 $0xFFFFFFF8, v15;
	v14 =	vor.u32 v10, v14;
	v7 =	vld.idx.msk [tilespmem:v7+s21+$0x0], $0xffff  }
0x24b: {  	v15 =	vor.u32 v10, v15;
	v9 =	vld.idx.msk [tilespmem:v9+s21+$0x0], $0xffff;
	[tilespmem:v8+s26+$0x0] =	vst.idx.msk $0xffff, v1;
	v1 =	vand.u32 $0xFFFFFFF8, v16;
	v8 =	vadd.s32 s8, v28  }
0x24c: {  	v8 =	vand.u32 $0xFFFFFFF8, v8;
	[tilespmem:v11+s26+$0x0] =	vst.idx.msk $0xffff, v2;
	v1 =	vor.u32 v10, v1  }
0x24d: {  	[tilespmem:v12+s26+$0x0] =	vst.idx.msk $0xffff, v3;
	v2 =	vor.u32 v10, v8  }
0x24e: {  	v3 =	vor.u32 v25, v0;
	[tilespmem:v13+s26+$0x0] =	vst.idx.msk $0xffff, v4  }
0x24f: {  	v4 =	vor.u32 v43, v0;
	[tilespmem:v14+s26+$0x0] =	vst.idx.msk $0xffff, v5  }
0x250: {  	v42 =	vld [tilespmem:$0x1FCC0];
	v5 =	vor.u32 v33, v0;
	[tilespmem:v15+s26+$0x0] =	vst.idx.msk $0xffff, v7  }
0x251: {  	[tilespmem:v1+s26+$0x0] =	vst.idx.msk $0xffff, v6;
	v1 =	vor.u32 v40, v0  }
0x252: {  	[tilespmem:v2+s26+$0x0] =	vst.idx.msk $0xffff, v9;
	v2 =	vor.u32 v24, v0  }
0x253: {  	v7 =	vld.idx.msk [tilespmem:v3+s21+$0x0], $0xffff;
	v3 =	vor.u32 v39, v0  }
0x254: {  	v6 =	vadd.s32 s8, v61;
	v9 =	vor.u32 v38, v0;
	v8 =	vld.idx.msk [tilespmem:v4+s21+$0x0], $0xffff  }
0x255: {  	v4 =	vand.u32 $0xFFFFFFF8, v6;
	v6 =	vadd.s32 s8, v55;
	v0 =	vor.u32 v42, v0;
	v11 =	vld.idx.msk [tilespmem:v5+s21+$0x0], $0xffff  }
0x256: {  	v12 =	vadd.s32 s8, v56;
	v6 =	vand.u32 $0xFFFFFFF8, v6;
	v13 =	vor.u32 v10, v4;
	v5 =	vld.idx.msk [tilespmem:v1+s21+$0x0], $0xffff  }
0x257: {  	v1 =	vand.u32 $0xFFFFFFF8, v12;
	v12 =	vor.u32 v10, v6;
	v4 =	vld.idx.msk [tilespmem:v2+s21+$0x0], $0xffff  }
0x258: {  	v2 =	vadd.s32 s8, v57;
	v1 =	vor.u32 v10, v1;
	v3 =	vld.idx.msk [tilespmem:v3+s21+$0x0], $0xffff  }
0x259: {  	v6 =	vadd.s32 s8, v58;
	v14 =	vand.u32 $0xFFFFFFF8, v2;
	v2 =	vld.idx.msk [tilespmem:v9+s21+$0x0], $0xffff  }
0x25a: {  	v15 =	vadd.s32 s8, v60;
	v16 =	vand.u32 $0xFFFFFFF8, v6;
	v9 =	vadd.s32 s8, v59;
	v6 =	vld.idx.msk [tilespmem:v0+s21+$0x0], $0xffff  }
0x25b: {  	v19 =	vor.u32 v10, v16;
	[tilespmem:v13+s26+$0x0] =	vst.idx.msk $0xffff, v11;
	v11 =	vadd.s32 s8, v62;
	s8 =	simm.s32 $0x10;
	v20 =	vor.u32 v10, v14  }
0x25c: {  	v0 =	vand.u32 $0xFFFFFFF8, v9;
	v9 =	vand.u32 $0xFFFFFFF8, v15;
	[tilespmem:v12+s26+$0x0] =	vst.idx.msk $0xffff, v8;
	v8 =	vmov s8  }
0x25d: {  	v11 =	vand.u32 $0xFFFFFFF8, v11;
	[tilespmem:v1+s26+$0x0] =	vst.idx.msk $0xffff, v7;
	v7 =	vor.u32 v10, v0;
	v0 =	vshll.u32 v8, $0x5  }
0x25e: {  	s10 =	simm.s32 $0x1;
	s17 =	simm.s32 $0x2;
	v18 =	vor.u32 v10, v11;
	v8 =	vor.u32 v10, v9;
	v0 =	vor.u32 v27, v0  }
.LBB2_12:
0x25f: {  	_ = 	snop  }
0x260: {  	v1 =	vor.u32 v21, v0;
	[tilespmem:v20+s26+$0x0] =	vst.idx.msk $0xffff, v5  }
0x261: {  	s31 =	sshrl.u32 s10, $0x3;
	v5 =	vor.u32 v22, v0;
	[tilespmem:v19+s26+$0x0] =	vst.idx.msk $0xffff, v4  }
0x262: {  	s31 =	smul.u32 $0x380, s31;
	v4 =	vor.u32 v23, v0;
	[tilespmem:v7+s26+$0x0] =	vst.idx.msk $0xffff, v3  }
0x263: {  	s19 =	smov.u32 s17;
	v3 =	vor.u32 v63, v0;
	[tilespmem:v8+s26+$0x0] =	vst.idx.msk $0xffff, v6  }
0x264: {  	s10 =	smov.u32 s19;
	s19 =	sadd.s32 s31, s8;
	v7 =	vor.u32 v36, v0;
	[tilespmem:v18+s26+$0x0] =	vst.idx.msk $0xffff, v2  }
0x265: {  	v9 =	vadd.s32 s19, v26;
	v11 =	vadd.s32 s19, v30;
	v6 =	vor.u32 v17, v0;
	v1 =	vld.idx.msk [tilespmem:v1+s21+$0x0], $0xffff  }
0x266: {  	v12 =	vadd.s32 s19, v31;
	v8 =	vor.u32 v34, v0;
	v9 =	vand.u32 $0xFFFFFFF8, v9;
	v5 =	vld.idx.msk [tilespmem:v5+s21+$0x0], $0xffff  }
0x267: {  	v11 =	vand.u32 $0xFFFFFFF8, v11;
	v2 =	vor.u32 v35, v0;
	v9 =	vor.u32 v10, v9;
	v4 =	vld.idx.msk [tilespmem:v4+s21+$0x0], $0xffff  }
0x268: {  	v13 =	vadd.s32 s19, v32;
	v12 =	vand.u32 $0xFFFFFFF8, v12;
	v11 =	vor.u32 v10, v11;
	v3 =	vld.idx.msk [tilespmem:v3+s21+$0x0], $0xffff  }
0x269: {  	v14 =	vadd.s32 s19, v41;
	v13 =	vand.u32 $0xFFFFFFF8, v13;
	v12 =	vor.u32 v10, v12;
	v7 =	vld.idx.msk [tilespmem:v7+s21+$0x0], $0xffff  }
0x26a: {  	v15 =	vadd.s32 s19, v46;
	v14 =	vand.u32 $0xFFFFFFF8, v14;
	v13 =	vor.u32 v10, v13;
	v6 =	vld.idx.msk [tilespmem:v6+s21+$0x0], $0xffff  }
0x26b: {  	v16 =	vadd.s32 s19, v49;
	v15 =	vand.u32 $0xFFFFFFF8, v15;
	v14 =	vor.u32 v10, v14;
	v8 =	vld.idx.msk [tilespmem:v8+s21+$0x0], $0xffff  }
0x26c: {  	v16 =	vand.u32 $0xFFFFFFF8, v16;
	v17 =	vadd.s32 s19, v28;
	v2 =	vld.idx.msk [tilespmem:v2+s21+$0x0], $0xffff;
	[tilespmem:v9+s26+$0x0] =	vst.idx.msk $0xffff, v1;
	v1 =	vor.u32 v10, v15  }
0x26d: {  	v9 =	vand.u32 $0xFFFFFFF8, v17;
	[tilespmem:v11+s26+$0x0] =	vst.idx.msk $0xffff, v5;
	v5 =	vor.u32 v10, v16  }
0x26e: {  	[tilespmem:v12+s26+$0x0] =	vst.idx.msk $0xffff, v4;
	v4 =	vor.u32 v10, v9  }
0x26f: {  	[tilespmem:v13+s26+$0x0] =	vst.idx.msk $0xffff, v3;
	v3 =	vor.u32 v25, v0  }
0x270: {  	[tilespmem:v14+s26+$0x0] =	vst.idx.msk $0xffff, v6;
	v14 =	vor.u32 v43, v0  }
0x271: {  	v6 =	vor.u32 v33, v0;
	[tilespmem:v1+s26+$0x0] =	vst.idx.msk $0xffff, v8  }
0x272: {  	[tilespmem:v5+s26+$0x0] =	vst.idx.msk $0xffff, v2;
	v2 =	vor.u32 v40, v0  }
0x273: {  	v15 =	vadd.s32 s19, v61;
	[tilespmem:v4+s26+$0x0] =	vst.idx.msk $0xffff, v7;
	v4 =	vor.u32 v24, v0  }
0x274: {  	v11 =	vand.u32 $0xFFFFFFF8, v15;
	v15 =	vadd.s32 s19, v55;
	v7 =	vor.u32 v38, v0;
	v16 =	vld.idx.msk [tilespmem:v3+s21+$0x0], $0xffff  }
0x275: {  	v9 =	vand.u32 $0xFFFFFFF8, v15;
	v12 =	vadd.s32 s19, v56;
	v3 =	vor.u32 v39, v0;
	v14 =	vld.idx.msk [tilespmem:v14+s21+$0x0], $0xffff  }
0x276: {  	v11 =	vor.u32 v10, v11;
	v5 =	vadd.s32 s19, v62;
	v0 =	vor.u32 v42, v0;
	v18 =	vld.idx.msk [tilespmem:v6+s21+$0x0], $0xffff  }
0x277: {  	v12 =	vand.u32 $0xFFFFFFF8, v12;
	v9 =	vor.u32 v10, v9;
	v17 =	vand.u32 $0xFFFFFFF8, v5;
	v5 =	vld.idx.msk [tilespmem:v2+s21+$0x0], $0xffff  }
0x278: {  	p0 =	sne.s32 s17, $0x3F;
	v15 =	vadd.s32 s19, v60;
	v13 =	vadd.s32 s19, v57;
	v12 =	vor.u32 v10, v12;
	v4 =	vld.idx.msk [tilespmem:v4+s21+$0x0], $0xffff  }
.Ltmp5:
0x279: {  	v15 =	vand.u32 $0xFFFFFFF8, v15;
	v13 =	vand.u32 $0xFFFFFFF8, v13;
	v1 =	vadd.s32 s19, v58;
	v2 =	vld.idx.msk [tilespmem:v7+s21+$0x0], $0xffff;
	(pc) =	sbr.rel @p0 .LBB2_12-.Ltmp5, $4  }
0x27a: {  	s8 =	sadd.s32 $0x10, s8;
	v8 =	vadd.s32 s19, v59;
	v20 =	vor.u32 v10, v13;
	v1 =	vand.u32 $0xFFFFFFF8, v1;
	v3 =	vld.idx.msk [tilespmem:v3+s21+$0x0], $0xffff  }
0x27b: {  	v8 =	vand.u32 $0xFFFFFFF8, v8;
	v19 =	vor.u32 v10, v1;
	v6 =	vld.idx.msk [tilespmem:v0+s21+$0x0], $0xffff;
	v0 =	vmov s8;
	[tilespmem:v11+s26+$0x0] =	vst.idx.msk $0xffff, v18  }
0x27c: {  	v7 =	vor.u32 v10, v8;
	v8 =	vor.u32 v10, v15;
	v0 =	vshll.u32 v0, $0x5;
	[tilespmem:v9+s26+$0x0] =	vst.idx.msk $0xffff, v14  }
0x27d: {  	s17 =	sadd.s32 $0x1, s17;
	v18 =	vor.u32 v10, v17;
	v17 =	vld [tilespmem:$0x1FC00];
	v0 =	vor.u32 v27, v0;
	[tilespmem:v12+s26+$0x0] =	vst.idx.msk $0xffff, v16  }
0x27e: {  	_ =	sdelay $0x3  }
0x27f: {  	v1 =	vor.u32 v21, v0;
	[tilespmem:v20+s26+$0x0] =	vst.idx.msk $0xffff, v5  }
0x280: {  	v16 =	vor.u32 v22, v0;
	s10 =	sshrl.u32 s10, $0x3;
	[tilespmem:v19+s26+$0x0] =	vst.idx.msk $0xffff, v4  }
0x281: {  	v20 =	vor.u32 v23, v0;
	s10 =	smul.u32 $0x380, s10;
	[tilespmem:v7+s26+$0x0] =	vst.idx.msk $0xffff, v3  }
0x282: {  	v21 =	vor.u32 v63, v0;
	[tilespmem:v8+s26+$0x0] =	vst.idx.msk $0xffff, v6  }
0x283: {  	v23 =	vor.u32 v35, v0;
	s8 =	sadd.s32 s10, s8;
	[tilespmem:v18+s26+$0x0] =	vst.idx.msk $0xffff, v2  }
0x284: {  	v35 =	vor.u32 v34, v0;
	v9 =	vor.u32 v36, v0;
	v8 =	vadd.s32 s8, v26;
	v1 =	vld.idx.msk [tilespmem:v1+s21+$0x0], $0xffff  }
0x285: {  	v22 =	vor.u32 v17, v0;
	v11 =	vadd.s32 s8, v30;
	v5 =	vld.idx.msk [tilespmem:v16+s21+$0x0], $0xffff;
	v8 =	vand.u32 $0xFFFFFFF8, v8  }
0x286: {  	v12 =	vadd.s32 s8, v31;
	v4 =	vld.idx.msk [tilespmem:v20+s21+$0x0], $0xffff;
	v11 =	vand.u32 $0xFFFFFFF8, v11;
	v8 =	vor.u32 v10, v8  }
0x287: {  	v13 =	vadd.s32 s8, v32;
	v3 =	vld.idx.msk [tilespmem:v21+s21+$0x0], $0xffff;
	v12 =	vand.u32 $0xFFFFFFF8, v12;
	v11 =	vor.u32 v10, v11  }
0x288: {  	v14 =	vadd.s32 s8, v41;
	v13 =	vand.u32 $0xFFFFFFF8, v13;
	v2 =	vld.idx.msk [tilespmem:v23+s21+$0x0], $0xffff;
	v12 =	vor.u32 v10, v12  }
0x289: {  	v15 =	vadd.s32 s8, v46;
	v14 =	vand.u32 $0xFFFFFFF8, v14;
	v7 =	vld.idx.msk [tilespmem:v35+s21+$0x0], $0xffff;
	v13 =	vor.u32 v10, v13  }
0x28a: {  	v15 =	vand.u32 $0xFFFFFFF8, v15;
	v16 =	vadd.s32 s8, v49;
	v14 =	vor.u32 v10, v14;
	v6 =	vld.idx.msk [tilespmem:v22+s21+$0x0], $0xffff  }
0x28b: {  	v63 =	vadd.s32 s8, v28;
	v9 =	vld.idx.msk [tilespmem:v9+s21+$0x0], $0xffff;
	v16 =	vand.u32 $0xFFFFFFF8, v16;
	v15 =	vor.u32 v10, v15;
	[tilespmem:v8+s26+$0x0] =	vst.idx.msk $0xffff, v1  }
0x28c: {  	v18 =	vor.u32 v10, v16;
	v8 =	vand.u32 $0xFFFFFFF8, v63;
	[tilespmem:v11+s26+$0x0] =	vst.idx.msk $0xffff, v5  }
0x28d: {  	v19 =	vor.u32 v10, v8;
	[tilespmem:v12+s26+$0x0] =	vst.idx.msk $0xffff, v4  }
0x28e: {  	v20 =	vor.u32 v25, v0;
	[tilespmem:v13+s26+$0x0] =	vst.idx.msk $0xffff, v3  }
0x28f: {  	v21 =	vor.u32 v43, v0;
	[tilespmem:v14+s26+$0x0] =	vst.idx.msk $0xffff, v6  }
0x290: {  	v8 =	vor.u32 v33, v0;
	[tilespmem:v15+s26+$0x0] =	vst.idx.msk $0xffff, v7  }
0x291: {  	v22 =	vor.u32 v40, v0;
	[tilespmem:v18+s26+$0x0] =	vst.idx.msk $0xffff, v2  }
0x292: {  	v23 =	vor.u32 v24, v0;
	[tilespmem:v19+s26+$0x0] =	vst.idx.msk $0xffff, v9  }
0x293: {  	v36 =	vor.u32 v42, v0;
	v34 =	vadd.s32 s8, v61;
	v33 =	vor.u32 v39, v0;
	v3 =	vld.idx.msk [tilespmem:v20+s21+$0x0], $0xffff  }
0x294: {  	v35 =	vor.u32 v38, v0;
	v5 =	vand.u32 $0xFFFFFFF8, v34;
	v9 =	vadd.s32 s8, v55;
	v6 =	vld.idx.msk [tilespmem:v21+s21+$0x0], $0xffff  }
0x295: {  	v11 =	vadd.s32 s8, v56;
	v5 =	vor.u32 v10, v5;
	v8 =	vld.idx.msk [tilespmem:v8+s21+$0x0], $0xffff;
	v9 =	vand.u32 $0xFFFFFFF8, v9  }
0x296: {  	v38 =	vadd.s32 s8, v57;
	v11 =	vand.u32 $0xFFFFFFF8, v11;
	v1 =	vld.idx.msk [tilespmem:v22+s21+$0x0], $0xffff;
	v9 =	vor.u32 v10, v9  }
0x297: {  	v39 =	vadd.s32 s8, v58;
	v12 =	vand.u32 $0xFFFFFFF8, v38;
	v11 =	vor.u32 v10, v11;
	v2 =	vld.idx.msk [tilespmem:v23+s21+$0x0], $0xffff  }
0x298: {  	v40 =	vadd.s32 s8, v59;
	v13 =	vand.u32 $0xFFFFFFF8, v39;
	v12 =	vor.u32 v10, v12;
	v4 =	vld.idx.msk [tilespmem:v33+s21+$0x0], $0xffff  }
0x299: {  	v42 =	vadd.s32 s8, v60;
	v14 =	vand.u32 $0xFFFFFFF8, v40;
	v13 =	vor.u32 v10, v13;
	v7 =	vld.idx.msk [tilespmem:v35+s21+$0x0], $0xffff  }
0x29a: {  	v43 =	vadd.s32 s8, v62;
	v15 =	vand.u32 $0xFFFFFFF8, v42;
	v14 =	vor.u32 v10, v14;
	v0 =	vld.idx.msk [tilespmem:v36+s21+$0x0], $0xffff;
	[tilespmem:v5+s26+$0x0] =	vst.idx.msk $0xffff, v8  }
0x29b: {  	v63 =	vand.u32 $0xFFFFFFF8, v43;
	v8 =	vor.u32 v10, v15;
	[tilespmem:v9+s26+$0x0] =	vst.idx.msk $0xffff, v6  }
0x29c: {  	v5 =	vor.u32 v10, v63;
	[tilespmem:v11+s26+$0x0] =	vst.idx.msk $0xffff, v3  }
0x29d: {  	[tilespmem:v12+s26+$0x0] =	vst.idx.msk $0xffff, v1  }
0x29e: {  	s0 =	sadd.s32 $0x1, s0;
	[tilespmem:v13+s26+$0x0] =	vst.idx.msk $0xffff, v2  }
0x29f: {  	s19 =	sadd.s32 s13, s3;
	p0 =	sne.s32 s0, $0x32;
	[tilespmem:v14+s26+$0x0] =	vst.idx.msk $0xffff, v4  }
.Ltmp6:
0x2a0: {  	s31 =	sadd.s32 s14, s3;
	s8 =	sshrl.u32 s19, $0x3;
	[tilespmem:v8+s26+$0x0] =	vst.idx.msk $0xffff, v0;
	(pc) =	sbr.rel @p0 .LBB2_2-.Ltmp6, $4  }
0x2a1: {  	s3 =	sshrl.u32 s31, $0x3;
	v38 =	vld [tilespmem:$0x1FE90];
	s8 =	sadd.s32 s5, s8;
	[tilespmem:v5+s26+$0x0] =	vst.idx.msk $0xffff, v7  }
0x2a2: {  	v39 =	vld [tilespmem:$0x1FEA0];
	[hbm4b:s8+s2] =	stream.linear.scatter [tilespmem:s26], [sflag:$0x6], $0x2000, $0x38  }
0x2a3: {  	s3 =	sadd.s32 s5, s3;
	v40 =	vld [tilespmem:$0x1FEB0]  }
0x2a4: {  	v43 =	vlaneseq.u32;
	v42 =	vld [tilespmem:$0x1FEC0];
	[hbm4b:s3+s2] =	stream.linear.scatter [tilespmem:s28], [sflag:$0x6], $0x2000, $0x38  }
0x2a5: {  	_ =	swait.ge [sflag:s29], $0x2000  }
0x2a6: {  	[sflag:s29] =	ssyncset.done $0x0  }
0x2a7: {  	[sflag:s29] =	ssyncadd.s32 $0xFFFFE000  }
0x2a8: {  	_ =	swait.ge [sflag:s29], $0x2000  }
0x2a9: {  	[sflag:s29] =	ssyncset.done $0x0  }
0x2aa: {  	[sflag:s29] =	ssyncadd.s32 $0xFFFFE000  }
0x2ab: {  	_ =	swait.ge [sflag:s30], $0x2000  }
0x2ac: {  	[sflag:s30] =	ssyncset.done $0x0  }
0x2ad: {  	[sflag:s30] =	ssyncadd.s32 $0xFFFFE000  }
0x2ae: {  	_ =	swait.ge [sflag:s30], $0x2000  }
0x2af: {  	s3 =	rddreg [dreg:$0x6]  }
0x2b0: {  	s0 =	rddreg [dreg:$0x5];
	s3 =	sadd.s32 $0x1, s3  }
0x2b1: {  	p0 =	sne.s32 s3, s0  }
.Ltmp7:
0x2b2: {  	_ = 	snop;
	(pc) =	sbr.rel @p0 .LBB2_1-.Ltmp7, $3  }
0x2b3: {  	_ =	sdelay $0x1  }
0x2b4: {  	[sflag:s30] =	ssyncset.done $0x0  }
0x2b5: {  	[sflag:s30] =	ssyncadd.s32 $0xFFFFE000  }
0x2b6: {  	_ =	sfence.sel $0x180000  }
0x2b7: {  	[bflag:$0x0] =	sbarrier.arrive $0xFFFF  }
0x2b8: {  	_ =	strace $0x90000047  }
0x2b9: {  	s0 =	stileid.u32;
	[bflag:$0x2] =	sbarrier.arrive $0xFFFF  }
0x2ba: {  	p0 =	sne.s32 s0, $0x0;
	s0 =	rddreg [dreg:$0x2]  }
0x2bb: {  	s0 =	sadd.s32 @!p0 $0x100000, s0  }
0x2bc: {  	[sflag:s0] =	ssyncadd.tile.s32 @!p0 $0x1;
	_ =	shalt  }
.Lfunc_end2:
_tile_overlayer_lowered:
.L_overlay_start_2:
0x2bd: {  	(tag) =	ssettag $0x2  }
0x2be: {  	s0 =	rddreg [dreg:$0x0];
	s2 =	stileid.u32  }
0x2bf: {  	s1 =	rddreg [dreg:$0x1];
	p0 =	sne.s32 s2, $0x0  }
0x2c0: {  	s3 =	rddreg [dreg:$0x2];
	[bflag:$0x3] =	sbarrier.arrive $0xFFFF;
	s2 =	simm.s32 @!p0 $0x1C07  }
0x2c1: {  	[timem:s3], [sflag:s2] =	dma.local @!p0 [hbm:s0], s1  }
0x2c2: {  	s0 =	simm.s32 @!p0 $0x7  }
0x2c3: {  	_ =	swait.ge @!p0 [sflag:s0], s1  }
0x2c4: {  	s1 =	ssub.s32 @!p0 $0x0, s1;
	[sflag:s0] =	ssyncset.done @!p0 $0x0  }
0x2c5: {  	[sflag:s0] =	ssyncadd.s32 @!p0 s1  }
0x2c6: {  	[bflag:$0x3] =	sbarrier.arrive $0xFFFF  }
0x2c7: {  	_ =	shalt  }

</sc_bundles>
